<compile_context>
chip_gen: v7x
topology: tpu7x:2x2x1
jax: 0.10.2.dev20260603
libtpu: 0.0.44.dev20260713+nightly
codegen_flags: <defaults>
</compile_context>

<pallas_src>
import jax
import jax.numpy as jnp
from jax import lax
from jax.experimental import pallas as pl
from jax.experimental.pallas import tpu as pltpu
from jax.experimental.pallas import tpu_sc as plsc

N_USERS = 50000
N_NODES = 100000
HALF = 16
LAYERS = 3
N_EDGES = 1600000

N_PAD = 100352
RT = N_PAD // 16
RC = 112
NCH_R = RT // RC

EC = 512
TCH = N_EDGES // EC
CPT = TCH // 16
EXTRA = TCH - CPT * 16


def _rsqrt16(d):
    i = lax.bitcast_convert_type(d, jnp.int32)
    i = jnp.int32(0x5F3759DF) - (i >> 1)
    y = lax.bitcast_convert_type(i, jnp.float32)
    h = -0.5 * d
    for _ in range(3):
        y = y * (1.5 + h * y * y)
    return jnp.where(d > 0.0, y, 0.0)


def _body(row2d, col2d, emb_pair,
          out_pair, y_a, y_b, x1, x2,
          acc, dcis_sp, dris_sp,
          colbuf, rowbuf, gbuf, ones,
          embbuf, aggbuf, ybuf, x1buf, x2buf,
          dcb, drb, sem):
    c = lax.axis_index("c")
    s = lax.axis_index("s")
    rbase = s * RT

    def ione(i, _):
        ones[pl.ds(i * 16, 16)] = jnp.full((16,), 1.0, jnp.float32)
        return 0
    lax.fori_loop(0, 8, ione, 0)

    def izb(i, _):
        aggbuf[i, :] = jnp.zeros((HALF,), jnp.float32)
        return 0
    lax.fori_loop(0, RC, izb, 0)

    def zdc(i, _):
        dcb[pl.ds(i * 16, 16)] = jnp.zeros((16,), jnp.float32)
        return 0
    lax.fori_loop(0, RC // 16, zdc, 0)

    def zdeg(i, _):
        pltpu.sync_copy(dcb, dcis_sp.at[pl.ds(rbase + i * RC, RC)])
        pltpu.sync_copy(dcb, dris_sp.at[pl.ds(rbase + i * RC, RC)])
        return 0
    lax.fori_loop(0, NCH_R, zdeg, 0)
    plsc.subcore_barrier()

    nch = jnp.where(s < EXTRA, CPT + 1, CPT)
    cb = s * CPT + jnp.minimum(s, EXTRA)

    def dgb(i, _):
        g = cb + i
        pltpu.sync_copy(col2d.at[pl.ds(g * 4, 4)], colbuf)
        pltpu.sync_copy(row2d.at[0, pl.ds(g * 4, 4)], rowbuf)
        for j in range(4):
            pltpu.sync_copy(ones, dcis_sp.at[colbuf.at[j]], add=True)
            pltpu.sync_copy(ones, dris_sp.at[rowbuf.at[j]], add=True)
        return 0
    lax.fori_loop(0, nch, dgb, 0)
    plsc.subcore_barrier()

    for dsp in (dcis_sp, dris_sp):
        def inv(i, _):
            rb = rbase + i * RC
            pltpu.sync_copy(dsp.at[pl.ds(rb, RC)], dcb)

            def invc(k, _):
                d = dcb[pl.ds(k * 16, 16)]
                dcb[pl.ds(k * 16, 16)] = _rsqrt16(d)
                return 0
            lax.fori_loop(0, RC // 16, invc, 0)
            pltpu.sync_copy(dcb, dsp.at[pl.ds(rb, RC)])
            return 0
        lax.fori_loop(0, NCH_R, inv, 0)
    plsc.subcore_barrier()

    def y0c(i, _):
        rb = rbase + i * RC
        pltpu.sync_copy(emb_pair.at[c, pl.ds(rb, RC)], embbuf)
        pltpu.sync_copy(dris_sp.at[pl.ds(rb, RC)], drb)

        def rowf(r, _):
            sp = plsc.load_gather(drb, [jnp.zeros((16,), jnp.int32) + r])
            ybuf[r, :] = embbuf[r, :] * sp
            return 0
        lax.fori_loop(0, RC, rowf, 0)
        pltpu.sync_copy(ybuf, y_a.at[pl.ds(c * N_PAD + rb, RC)])
        return 0
    lax.fori_loop(0, NCH_R, y0c, 0)
    plsc.subcore_barrier()

    for l in range(LAYERS):
        ysrc = (y_a, y_b, y_a)[l]
        ydst = (y_b, y_a, None)[l]
        xdst = (x1, x2, None)[l]

        def zc(i, _):
            pltpu.sync_copy(aggbuf, acc.at[pl.ds(rbase + i * RC, RC)])
            return 0
        lax.fori_loop(0, NCH_R, zc, 0)
        plsc.subcore_barrier()

        def sct(i, _):
            g = cb + i
            pltpu.sync_copy(col2d.at[pl.ds(g * 4, 4)], colbuf)
            pltpu.sync_copy(row2d.at[c, pl.ds(g * 4, 4)], rowbuf)
            for j in range(4):
                pltpu.async_copy(ysrc.at[rowbuf.at[j]], gbuf, sem).wait()
                pltpu.sync_copy(gbuf, acc.at[colbuf.at[j]], add=True)
            return 0
        lax.fori_loop(0, nch, sct, 0)
        plsc.subcore_barrier()

        if l < LAYERS - 1:
            def op(i, _):
                rb = rbase + i * RC
                pltpu.sync_copy(acc.at[pl.ds(rb, RC)], aggbuf)
                pltpu.sync_copy(dcis_sp.at[pl.ds(rb, RC)], dcb)
                pltpu.sync_copy(dris_sp.at[pl.ds(rb, RC)], drb)

                def rowf(r, _):
                    idx = jnp.zeros((16,), jnp.int32) + r
                    dc = plsc.load_gather(dcb, [idx])
                    dr = plsc.load_gather(drb, [idx])
                    x = aggbuf[r, :] * dc
                    aggbuf[r, :] = x
                    ybuf[r, :] = x * dr
                    return 0
                lax.fori_loop(0, RC, rowf, 0)
                pltpu.sync_copy(aggbuf, xdst.at[c, pl.ds(rb, RC)])
                pltpu.sync_copy(ybuf, ydst.at[pl.ds(c * N_PAD + rb, RC)])
                return 0
            lax.fori_loop(0, NCH_R, op, 0)
        else:
            def opf(i, _):
                rb = rbase + i * RC
                pltpu.sync_copy(acc.at[pl.ds(rb, RC)], aggbuf)
                pltpu.sync_copy(dcis_sp.at[pl.ds(rb, RC)], dcb)
                pltpu.sync_copy(emb_pair.at[c, pl.ds(rb, RC)], embbuf)
                pltpu.sync_copy(x1.at[c, pl.ds(rb, RC)], x1buf)
                pltpu.sync_copy(x2.at[c, pl.ds(rb, RC)], x2buf)

                def rowf(r, _):
                    idx = jnp.zeros((16,), jnp.int32) + r
                    dc = plsc.load_gather(dcb, [idx])
                    x3 = aggbuf[r, :] * dc
                    m = 0.25 * (embbuf[r, :] + x1buf[r, :] + x2buf[r, :]
                                + x3)
                    aggbuf[r, :] = m
                    return 0
                lax.fori_loop(0, RC, rowf, 0)
                pltpu.sync_copy(aggbuf, out_pair.at[c, pl.ds(rb, RC)])
                return 0
            lax.fori_loop(0, NCH_R, opf, 0)

        plsc.subcore_barrier()

        if l < LAYERS - 1:
            def rz(i, _):
                aggbuf[i, :] = jnp.zeros((HALF,), jnp.float32)
                return 0
            lax.fori_loop(0, RC, rz, 0)


@jax.jit
def _run(row2d, col2d, emb_pair):
    f32 = jnp.float32
    mesh = plsc.VectorSubcoreMesh(core_axis_name="c", subcore_axis_name="s")
    call = pl.kernel(
        _body,
        out_type=[
            jax.ShapeDtypeStruct((2, N_PAD, HALF), f32),
            jax.ShapeDtypeStruct((2 * N_PAD, HALF), f32),
            jax.ShapeDtypeStruct((2 * N_PAD, HALF), f32),
            jax.ShapeDtypeStruct((2, N_PAD, HALF), f32),
            jax.ShapeDtypeStruct((2, N_PAD, HALF), f32),
        ],
        mesh=mesh,
        compiler_params=pltpu.CompilerParams(needs_layout_passes=False,
                                             use_tc_tiling_on_sc=False),
        scratch_types=[
            pltpu.VMEM_SHARED((N_PAD, HALF), f32),
            pltpu.VMEM_SHARED((N_PAD,), f32),
            pltpu.VMEM_SHARED((N_PAD,), f32),
            pltpu.VMEM((4, 128), jnp.int32),
            pltpu.VMEM((4, 128), jnp.int32),
            pltpu.VMEM((128, HALF), f32),
            pltpu.VMEM((128,), f32),
            pltpu.VMEM((RC, HALF), f32),
            pltpu.VMEM((RC, HALF), f32),
            pltpu.VMEM((RC, HALF), f32),
            pltpu.VMEM((RC, HALF), f32),
            pltpu.VMEM((RC, HALF), f32),
            pltpu.VMEM((RC,), f32),
            pltpu.VMEM((RC,), f32),
            pltpu.SemaphoreType.DMA,
        ],
    )
    return call(row2d, col2d, emb_pair)


def kernel(edge_index, emb):
    row = edge_index[0].astype(jnp.int32)
    col = edge_index[1].astype(jnp.int32)
    row2d = jnp.stack([row, row + N_PAD]).reshape(2, N_EDGES // 128, 128)
    col2d = col.reshape(N_EDGES // 128, 128)
    embp = jnp.pad(emb, ((0, N_PAD - N_NODES), (0, 0)))
    emb_pair = jnp.stack([embp[:, :HALF], embp[:, HALF:]])
    out_pair = _run(row2d, col2d, emb_pair)[0]
    full = jnp.concatenate([out_pair[0, :N_NODES], out_pair[1, :N_NODES]],
                           axis=1)
    return full[:N_USERS], full[N_USERS:]

# --- scband reference (transcript-rebuilt; emitter-appended) ---
"""Pipeline reference for scband-light-gcn-33251636805846 (READ-ONLY COPY).

The authoritative reference and input builder live on the scoring server;
editing this copy changes nothing except your own understanding.
"""

import jax, jax.numpy as jnp
import numpy as np

NUM_USERS = 50000
NUM_ITEMS = 50000
N_NODES = NUM_USERS + NUM_ITEMS
EMBED_DIM = 32
NUM_LAYERS = 3
N_EDGES = 1600000


def setup_inputs(seed: int = 0) -> dict:
    key = jax.random.key(seed)
    k_edge, k_emb = jax.random.split(key)
    edge_index = jax.random.randint(k_edge, (2, N_EDGES), 0, N_NODES, dtype=jnp.int64 if jax.config.jax_enable_x64 else jnp.int32)
    # Xavier-uniform init for embedding table [N_NODES, EMBED_DIM]
    limit = float(np.sqrt(6.0 / (N_NODES + EMBED_DIM)))
    emb = jax.random.uniform(k_emb, (N_NODES, EMBED_DIM), dtype=jnp.float32, minval=-limit, maxval=limit)
    return {"edge_index": edge_index, "emb": emb}


def _safe_inv_sqrt(deg):
    safe = jnp.where(deg > 0, deg, 1.0)
    return jnp.where(deg > 0, 1.0 / jnp.sqrt(safe), 0.0)


def _lightgcn_conv(x, row, col):
    n = x.shape[0]
    ones = jnp.ones((row.shape[0],), dtype=x.dtype)
    deg_col = jax.ops.segment_sum(ones, col, num_segments=n)
    deg_row = jax.ops.segment_sum(ones, row, num_segments=n)
    dcis = _safe_inv_sqrt(deg_col)
    dris = _safe_inv_sqrt(deg_row)
    norm = dris[row] * dcis[col]
    msg = norm[:, None] * x[row]  # x_j gathered from source nodes
    out = jax.ops.segment_sum(msg, col, num_segments=n)  # aggr='add' at target
    return out


def reference(edge_index, emb):
    row = edge_index[0]
    col = edge_index[1]
    x = emb
    all_embeddings = [x]
    current_x = x
    for _ in range(NUM_LAYERS):
        current_x = _lightgcn_conv(current_x, row, col)
        all_embeddings.append(current_x)
    final_stack = jnp.stack(all_embeddings, axis=0)
    final_embeddings = jnp.mean(final_stack, axis=0)
    user_embeds = final_embeddings[:NUM_USERS]
    item_embeds = final_embeddings[NUM_USERS:]
    return (user_embeds, item_embeds)

if __name__ == "__main__":
    import jax
    _d = setup_inputs()
    print(jax.jit(kernel)(*tuple(_d.values())))

</pallas_src>

<mosaic_0001>
#map = affine_map<(d0, d1) -> (0, 0, 0)>
#map1 = affine_map<(d0, d1) -> (0, 0)>
module attributes {stable_mosaic.version = 14 : i64} {
  func.func @_body(%arg0: i32, %arg1: i32, %arg2: memref<2x12500x128xi32, #tpu.memory_space<hbm>>, %arg3: memref<12500x128xi32, #tpu.memory_space<hbm>>, %arg4: memref<2x100352x16xf32, #tpu.memory_space<hbm>>, %arg5: memref<2x100352x16xf32, #tpu.memory_space<hbm>>, %arg6: memref<200704x16xf32, #tpu.memory_space<hbm>>, %arg7: memref<200704x16xf32, #tpu.memory_space<hbm>>, %arg8: memref<2x100352x16xf32, #tpu.memory_space<hbm>>, %arg9: memref<2x100352x16xf32, #tpu.memory_space<hbm>>, %arg10: memref<100352x16xf32, #tpu.memory_space<vmem_shared>>, %arg11: memref<100352xf32, #tpu.memory_space<vmem_shared>>, %arg12: memref<100352xf32, #tpu.memory_space<vmem_shared>>, %arg13: memref<4x128xi32, #tpu.memory_space<vmem>>, %arg14: memref<4x128xi32, #tpu.memory_space<vmem>>, %arg15: memref<128x16xf32, #tpu.memory_space<vmem>>, %arg16: memref<128xf32, #tpu.memory_space<vmem>>, %arg17: memref<112x16xf32, #tpu.memory_space<vmem>>, %arg18: memref<112x16xf32, #tpu.memory_space<vmem>>, %arg19: memref<112x16xf32, #tpu.memory_space<vmem>>, %arg20: memref<112x16xf32, #tpu.memory_space<vmem>>, %arg21: memref<112x16xf32, #tpu.memory_space<vmem>>, %arg22: memref<112xf32, #tpu.memory_space<vmem>>, %arg23: memref<112xf32, #tpu.memory_space<vmem>>, %arg24: memref<!tpu.dma_semaphore, #tpu.memory_space<semaphore_mem>>) attributes {dimension_semantics = [#tpu.dimension_semantics<core_parallel>, #tpu.dimension_semantics<subcore_parallel>], iteration_bounds = array<i64: 2, 16>, scalar_prefetch = 0 : i64, scratch_operands = 15 : i64, tpu.core_type = #tpu.core_type<sc_vector_subcore>, window_params = [{transform_indices = #map}, {transform_indices = #map1}, {transform_indices = #map}, {transform_indices = #map}, {transform_indices = #map1}, {transform_indices = #map1}, {transform_indices = #map}, {transform_indices = #map}]} {
    %mul3A = arith.constant 6272 : i32
    %mul3A_0 = arith.muli %arg1, %mul3A : i32
    %scan3A = arith.constant 0 : i32
    %scan3A_1 = arith.constant 0 : i32
    %scan3A_2 = arith.constant 8 : i32
    %scan3A_3 = arith.addi %scan3A_1, %scan3A_2 : i32
    %scan3A_4 = arith.constant 1 : i32
    %scan3A_5 = scf.for %scan3A_169 = %scan3A_1 to %scan3A_3 step %scan3A_4 iter_args(%scan3A_170 = %scan3A) -> (i32)  : i32 {
      %broadcast_in_dim3A = arith.constant 1.000000e+00 : f32
      %broadcast_in_dim3A_171 = vector.broadcast %broadcast_in_dim3A : f32 to vector<16xf32>
      %mul3A_172 = arith.constant 16 : i32
      %mul3A_173 = arith.muli %scan3A_169, %mul3A_172 : i32
      %swap3A = arith.index_cast %mul3A_173 : i32 to index
      %swap3A_174 = tpu.vector_load %arg16[%swap3A] {strides = array<i32>} : memref<128xf32, #tpu.memory_space<vmem>>, vector<16xf32>,
      tpu.vector_store %arg16[%swap3A], %broadcast_in_dim3A_171 {strides = array<i32>} : memref<128xf32, #tpu.memory_space<vmem>>, vector<16xf32>,
      %scan3A_175 = arith.constant 0 : i32
      scf.yield %scan3A_175 : i32
    }
    %scan3A_6 = arith.constant 8 : i32
    %scan3A_7 = arith.constant 0 : i32
    %scan3A_8 = arith.constant 0 : i32
    %scan3A_9 = arith.constant 112 : i32
    %scan3A_10 = arith.addi %scan3A_8, %scan3A_9 : i32
    %scan3A_11 = arith.constant 1 : i32
    %scan3A_12 = scf.for %scan3A_169 = %scan3A_8 to %scan3A_10 step %scan3A_11 iter_args(%scan3A_170 = %scan3A_7) -> (i32)  : i32 {
      %broadcast_in_dim3A = arith.constant 0.000000e+00 : f32
      %broadcast_in_dim3A_171 = vector.broadcast %broadcast_in_dim3A : f32 to vector<16xf32>
      %swap3A = arith.index_cast %scan3A_169 : i32 to index
      %swap3A_172 = arith.constant 0 : index
      %swap3A_173 = tpu.vector_load %arg18[%swap3A, %swap3A_172] {strides = array<i32>} : memref<112x16xf32, #tpu.memory_space<vmem>>, vector<16xf32>,
      tpu.vector_store %arg18[%swap3A, %swap3A_172], %broadcast_in_dim3A_171 {strides = array<i32>} : memref<112x16xf32, #tpu.memory_space<vmem>>, vector<16xf32>,
      %scan3A_174 = arith.constant 0 : i32
      scf.yield %scan3A_174 : i32
    }
    %scan3A_13 = arith.constant 112 : i32
    %scan3A_14 = arith.constant 0 : i32
    %scan3A_15 = arith.constant 0 : i32
    %scan3A_16 = arith.constant 7 : i32
    %scan3A_17 = arith.addi %scan3A_15, %scan3A_16 : i32
    %scan3A_18 = arith.constant 1 : i32
    %scan3A_19 = scf.for %scan3A_169 = %scan3A_15 to %scan3A_17 step %scan3A_18 iter_args(%scan3A_170 = %scan3A_14) -> (i32)  : i32 {
      %broadcast_in_dim3A = arith.constant 0.000000e+00 : f32
      %broadcast_in_dim3A_171 = vector.broadcast %broadcast_in_dim3A : f32 to vector<16xf32>
      %mul3A_172 = arith.constant 16 : i32
      %mul3A_173 = arith.muli %scan3A_169, %mul3A_172 : i32
      %swap3A = arith.index_cast %mul3A_173 : i32 to index
      %swap3A_174 = tpu.vector_load %arg22[%swap3A] {strides = array<i32>} : memref<112xf32, #tpu.memory_space<vmem>>, vector<16xf32>,
      tpu.vector_store %arg22[%swap3A], %broadcast_in_dim3A_171 {strides = array<i32>} : memref<112xf32, #tpu.memory_space<vmem>>, vector<16xf32>,
      %scan3A_175 = arith.constant 0 : i32
      scf.yield %scan3A_175 : i32
    }
    %scan3A_20 = arith.constant 7 : i32
    %scan3A_21 = arith.constant 0 : i32
    %scan3A_22 = arith.constant 0 : i32
    %scan3A_23 = arith.constant 56 : i32
    %scan3A_24 = arith.addi %scan3A_22, %scan3A_23 : i32
    %scan3A_25 = arith.constant 1 : i32
    %scan3A_26 = scf.for %scan3A_169 = %scan3A_22 to %scan3A_24 step %scan3A_25 iter_args(%scan3A_170 = %scan3A_21) -> (i32)  : i32 {
      %mul3A_171 = arith.constant 112 : i32
      %mul3A_172 = arith.muli %scan3A_169, %mul3A_171 : i32
      %add3A_173 = arith.addi %mul3A_0, %mul3A_172 : i32
      "tpu.region"() ({
        %run_scoped3A = tpu.sem_alloc : memref<!tpu.dma_semaphore, #tpu.memory_space<semaphore_mem>>
        %dma_start3A = tpu.memref_slice %arg11[%add3A_173] : memref<100352xf32, #tpu.memory_space<vmem_shared>> -> memref<112xf32, #tpu.memory_space<vmem_shared>>
        %dma_start3A_178 = tpu.memref_slice %arg11[%add3A_173] : memref<100352xf32, #tpu.memory_space<vmem_shared>> -> memref<112xf32, #tpu.memory_space<vmem_shared>>
        tpu.enqueue_dma source(%arg22 : memref<112xf32, #tpu.memory_space<vmem>>) target(%dma_start3A_178 : memref<112xf32, #tpu.memory_space<vmem_shared>>) target_semaphore(%run_scoped3A : memref<!tpu.dma_semaphore, #tpu.memory_space<semaphore_mem>>)
        %dma_wait3A = tpu.memref_slice %arg11[%add3A_173] : memref<100352xf32, #tpu.memory_space<vmem_shared>> -> memref<112xf32, #tpu.memory_space<vmem_shared>>
        %dma_wait3A_179 = tpu.memref_slice %arg11[%add3A_173] : memref<100352xf32, #tpu.memory_space<vmem_shared>> -> memref<112xf32, #tpu.memory_space<vmem_shared>>
        tpu.wait_dma2 semaphore(%run_scoped3A : memref<!tpu.dma_semaphore, #tpu.memory_space<semaphore_mem>>) src(%arg22 : memref<112xf32, #tpu.memory_space<vmem>>) dst(%dma_wait3A_179 : memref<112xf32, #tpu.memory_space<vmem_shared>>)
        tpu.yield
      }) : () -> ()
      %mul3A_174 = arith.constant 112 : i32
      %mul3A_175 = arith.muli %scan3A_169, %mul3A_174 : i32
      %add3A_176 = arith.addi %mul3A_0, %mul3A_175 : i32
      "tpu.region"() ({
        %run_scoped3A = tpu.sem_alloc : memref<!tpu.dma_semaphore, #tpu.memory_space<semaphore_mem>>
        %dma_start3A = tpu.memref_slice %arg12[%add3A_176] : memref<100352xf32, #tpu.memory_space<vmem_shared>> -> memref<112xf32, #tpu.memory_space<vmem_shared>>
        %dma_start3A_178 = tpu.memref_slice %arg12[%add3A_176] : memref<100352xf32, #tpu.memory_space<vmem_shared>> -> memref<112xf32, #tpu.memory_space<vmem_shared>>
        tpu.enqueue_dma source(%arg22 : memref<112xf32, #tpu.memory_space<vmem>>) target(%dma_start3A_178 : memref<112xf32, #tpu.memory_space<vmem_shared>>) target_semaphore(%run_scoped3A : memref<!tpu.dma_semaphore, #tpu.memory_space<semaphore_mem>>)
        %dma_wait3A = tpu.memref_slice %arg12[%add3A_176] : memref<100352xf32, #tpu.memory_space<vmem_shared>> -> memref<112xf32, #tpu.memory_space<vmem_shared>>
        %dma_wait3A_179 = tpu.memref_slice %arg12[%add3A_176] : memref<100352xf32, #tpu.memory_space<vmem_shared>> -> memref<112xf32, #tpu.memory_space<vmem_shared>>
        tpu.wait_dma2 semaphore(%run_scoped3A : memref<!tpu.dma_semaphore, #tpu.memory_space<semaphore_mem>>) src(%arg22 : memref<112xf32, #tpu.memory_space<vmem>>) dst(%dma_wait3A_179 : memref<112xf32, #tpu.memory_space<vmem_shared>>)
        tpu.yield
      }) : () -> ()
      %scan3A_177 = arith.constant 0 : i32
      scf.yield %scan3A_177 : i32
    }
    %scan3A_27 = arith.constant 56 : i32
    %barrier3A = arith.constant 0 : index
    tpu.barrier barrier_id(%barrier3A)
    %lt3A = arith.constant 5 : i32
    %lt3A_28 = arith.cmpi slt, %arg1, %lt3A : i32
    %jit3A = arith.constant 196 : i32
    %jit3A_29 = arith.constant 195 : i32
    %select_n3A = arith.select %lt3A_28, %jit3A, %jit3A_29 : i32
    %mul3A_30 = arith.constant 195 : i32
    %mul3A_31 = arith.muli %arg1, %mul3A_30 : i32
    %min3A = arith.constant 5 : i32
    %min3A_32 = arith.minsi %arg1, %min3A : i32
    %add3A = arith.addi %mul3A_31, %min3A_32 : i32
    %while3A = arith.constant 0 : i32
    %while3A_33 = arith.constant 0 : i32
    %while3A_34 = arith.subi %select_n3A, %while3A : i32
    %while3A_35 = arith.addi %while3A, %while3A_34 : i32
    %while3A_36 = arith.constant 1 : i32
    %while3A_37 = arith.divsi %while3A_34, %while3A_36 : i32
    %while3A_38 = arith.muli %while3A_37, %while3A_36 : i32
    %while3A_39 = arith.addi %while3A, %while3A_38 : i32
    %while3A_40 = arith.constant 1 : i32
    %while3A_41 = scf.for %while3A_169 = %while3A to %while3A_39 step %while3A_40 iter_args(%while3A_170 = %while3A_33) -> (i32)  : i32 {
      %add3A_171 = arith.addi %add3A, %while3A_169 : i32
      %mul3A_172 = arith.constant 4 : i32
      %mul3A_173 = arith.muli %add3A_171, %mul3A_172 : i32
      "tpu.region"() ({
        %run_scoped3A_185 = tpu.sem_alloc : memref<!tpu.dma_semaphore, #tpu.memory_space<semaphore_mem>>
        %dma_start3A = arith.constant 0 : i32
        %dma_start3A_186 = tpu.memref_slice %arg3[%mul3A_173, %dma_start3A] : memref<12500x128xi32, #tpu.memory_space<hbm>> -> memref<4x128xi32, #tpu.memory_space<hbm>>
        %dma_start3A_187 = arith.constant 0 : i32
        %dma_start3A_188 = tpu.memref_slice %arg3[%mul3A_173, %dma_start3A_187] : memref<12500x128xi32, #tpu.memory_space<hbm>> -> memref<4x128xi32, #tpu.memory_space<hbm>>
        tpu.enqueue_dma source(%dma_start3A_188 : memref<4x128xi32, #tpu.memory_space<hbm>>) target(%arg13 : memref<4x128xi32, #tpu.memory_space<vmem>>) target_semaphore(%run_scoped3A_185 : memref<!tpu.dma_semaphore, #tpu.memory_space<semaphore_mem>>)
        %dma_wait3A = arith.constant 0 : i32
        %dma_wait3A_189 = tpu.memref_slice %arg3[%mul3A_173, %dma_wait3A] : memref<12500x128xi32, #tpu.memory_space<hbm>> -> memref<4x128xi32, #tpu.memory_space<hbm>>
        %dma_wait3A_190 = arith.constant 0 : i32
        %dma_wait3A_191 = tpu.memref_slice %arg3[%mul3A_173, %dma_wait3A_190] : memref<12500x128xi32, #tpu.memory_space<hbm>> -> memref<4x128xi32, #tpu.memory_space<hbm>>
        tpu.wait_dma2 semaphore(%run_scoped3A_185 : memref<!tpu.dma_semaphore, #tpu.memory_space<semaphore_mem>>) src(%dma_wait3A_191 : memref<4x128xi32, #tpu.memory_space<hbm>>) dst(%arg13 : memref<4x128xi32, #tpu.memory_space<vmem>>)
        tpu.yield
      }) : () -> ()
      %mul3A_174 = arith.constant 4 : i32
      %mul3A_175 = arith.muli %add3A_171, %mul3A_174 : i32
      %run_scoped3A = arith.constant 0 : i32
      "tpu.region"() ({
        %run_scoped3A_185 = tpu.sem_alloc : memref<!tpu.dma_semaphore, #tpu.memory_space<semaphore_mem>>
        %dma_start3A = arith.constant 0 : i32
        %dma_start3A_186 = tpu.memref_slice %arg2[%run_scoped3A, %mul3A_175, %dma_start3A] : memref<2x12500x128xi32, #tpu.memory_space<hbm>> -> memref<1x4x128xi32, #tpu.memory_space<hbm>>
        %dma_start3A_187 = tpu.memref_squeeze %dma_start3A_186 : memref<1x4x128xi32, #tpu.memory_space<hbm>> -> memref<4x128xi32, #tpu.memory_space<hbm>>
        %dma_start3A_188 = arith.constant 0 : i32
        %dma_start3A_189 = tpu.memref_slice %arg2[%run_scoped3A, %mul3A_175, %dma_start3A_188] : memref<2x12500x128xi32, #tpu.memory_space<hbm>> -> memref<1x4x128xi32, #tpu.memory_space<hbm>>
        %dma_start3A_190 = tpu.memref_squeeze %dma_start3A_189 : memref<1x4x128xi32, #tpu.memory_space<hbm>> -> memref<4x128xi32, #tpu.memory_space<hbm>>
        tpu.enqueue_dma source(%dma_start3A_190 : memref<4x128xi32, #tpu.memory_space<hbm>>) target(%arg14 : memref<4x128xi32, #tpu.memory_space<vmem>>) target_semaphore(%run_scoped3A_185 : memref<!tpu.dma_semaphore, #tpu.memory_space<semaphore_mem>>)
        %dma_wait3A = arith.constant 0 : i32
        %dma_wait3A_191 = tpu.memref_slice %arg2[%run_scoped3A, %mul3A_175, %dma_wait3A] : memref<2x12500x128xi32, #tpu.memory_space<hbm>> -> memref<1x4x128xi32, #tpu.memory_space<hbm>>
        %dma_wait3A_192 = tpu.memref_squeeze %dma_wait3A_191 : memref<1x4x128xi32, #tpu.memory_space<hbm>> -> memref<4x128xi32, #tpu.memory_space<hbm>>
        %dma_wait3A_193 = arith.constant 0 : i32
        %dma_wait3A_194 = tpu.memref_slice %arg2[%run_scoped3A, %mul3A_175, %dma_wait3A_193] : memref<2x12500x128xi32, #tpu.memory_space<hbm>> -> memref<1x4x128xi32, #tpu.memory_space<hbm>>
        %dma_wait3A_195 = tpu.memref_squeeze %dma_wait3A_194 : memref<1x4x128xi32, #tpu.memory_space<hbm>> -> memref<4x128xi32, #tpu.memory_space<hbm>>
        tpu.wait_dma2 semaphore(%run_scoped3A_185 : memref<!tpu.dma_semaphore, #tpu.memory_space<semaphore_mem>>) src(%dma_wait3A_195 : memref<4x128xi32, #tpu.memory_space<hbm>>) dst(%arg14 : memref<4x128xi32, #tpu.memory_space<vmem>>)
        tpu.yield
      }) : () -> ()
      %run_scoped3A_176 = arith.constant 0 : i32
      "tpu.region"() ({
        %run_scoped3A_185 = tpu.sem_alloc : memref<!tpu.dma_semaphore, #tpu.memory_space<semaphore_mem>>
        %dma_start3A = arith.constant 0 : i32
        %dma_start3A_186 = tpu.memref_slice %arg13[%run_scoped3A_176, %dma_start3A] : memref<4x128xi32, #tpu.memory_space<vmem>> -> memref<1x128xi32, #tpu.memory_space<vmem>>
        %dma_start3A_187 = tpu.memref_squeeze %dma_start3A_186 : memref<1x128xi32, #tpu.memory_space<vmem>> -> memref<128xi32, #tpu.memory_space<vmem>>
        %dma_start3A_188 = arith.constant 0 : i32
        %dma_start3A_189 = tpu.memref_slice %arg11[%dma_start3A_188] : memref<100352xf32, #tpu.memory_space<vmem_shared>> -> memref<100352xf32, #tpu.memory_space<vmem_shared>>
        tpu.enqueue_indirect_dma source(%arg16 : memref<128xf32, #tpu.memory_space<vmem>>) target(%dma_start3A_189 : memref<100352xf32, #tpu.memory_space<vmem_shared>>) offsets(%dma_start3A_187 : memref<128xi32, #tpu.memory_space<vmem>>) semaphore(%run_scoped3A_185 : memref<!tpu.dma_semaphore, #tpu.memory_space<semaphore_mem>>) {add = true}
        %dma_wait3A = arith.constant 0 : i32
        %dma_wait3A_190 = tpu.memref_slice %arg13[%run_scoped3A_176, %dma_wait3A] : memref<4x128xi32, #tpu.memory_space<vmem>> -> memref<1x128xi32, #tpu.memory_space<vmem>>
        %dma_wait3A_191 = tpu.memref_squeeze %dma_wait3A_190 : memref<1x128xi32, #tpu.memory_space<vmem>> -> memref<128xi32, #tpu.memory_space<vmem>>
        %dma_wait3A_192 = arith.constant 0 : i32
        %dma_wait3A_193 = tpu.memref_slice %arg11[%dma_wait3A_192] : memref<100352xf32, #tpu.memory_space<vmem_shared>> -> memref<100352xf32, #tpu.memory_space<vmem_shared>>
        tpu.wait_indirect_dma semaphore(%run_scoped3A_185 : memref<!tpu.dma_semaphore, #tpu.memory_space<semaphore_mem>>) src(%arg16 : memref<128xf32, #tpu.memory_space<vmem>>) dst(%dma_wait3A_193 : memref<100352xf32, #tpu.memory_space<vmem_shared>>)
        tpu.yield
      }) : () -> ()
      %run_scoped3A_177 = arith.constant 0 : i32
      "tpu.region"() ({
        %run_scoped3A_185 = tpu.sem_alloc : memref<!tpu.dma_semaphore, #tpu.memory_space<semaphore_mem>>
        %dma_start3A = arith.constant 0 : i32
        %dma_start3A_186 = tpu.memref_slice %arg14[%run_scoped3A_177, %dma_start3A] : memref<4x128xi32, #tpu.memory_space<vmem>> -> memref<1x128xi32, #tpu.memory_space<vmem>>
        %dma_start3A_187 = tpu.memref_squeeze %dma_start3A_186 : memref<1x128xi32, #tpu.memory_space<vmem>> -> memref<128xi32, #tpu.memory_space<vmem>>
        %dma_start3A_188 = arith.constant 0 : i32
        %dma_start3A_189 = tpu.memref_slice %arg12[%dma_start3A_188] : memref<100352xf32, #tpu.memory_space<vmem_shared>> -> memref<100352xf32, #tpu.memory_space<vmem_shared>>
        tpu.enqueue_indirect_dma source(%arg16 : memref<128xf32, #tpu.memory_space<vmem>>) target(%dma_start3A_189 : memref<100352xf32, #tpu.memory_space<vmem_shared>>) offsets(%dma_start3A_187 : memref<128xi32, #tpu.memory_space<vmem>>) semaphore(%run_scoped3A_185 : memref<!tpu.dma_semaphore, #tpu.memory_space<semaphore_mem>>) {add = true}
        %dma_wait3A = arith.constant 0 : i32
        %dma_wait3A_190 = tpu.memref_slice %arg14[%run_scoped3A_177, %dma_wait3A] : memref<4x128xi32, #tpu.memory_space<vmem>> -> memref<1x128xi32, #tpu.memory_space<vmem>>
        %dma_wait3A_191 = tpu.memref_squeeze %dma_wait3A_190 : memref<1x128xi32, #tpu.memory_space<vmem>> -> memref<128xi32, #tpu.memory_space<vmem>>
        %dma_wait3A_192 = arith.constant 0 : i32
        %dma_wait3A_193 = tpu.memref_slice %arg12[%dma_wait3A_192] : memref<100352xf32, #tpu.memory_space<vmem_shared>> -> memref<100352xf32, #tpu.memory_space<vmem_shared>>
        tpu.wait_indirect_dma semaphore(%run_scoped3A_185 : memref<!tpu.dma_semaphore, #tpu.memory_space<semaphore_mem>>) src(%arg16 : memref<128xf32, #tpu.memory_space<vmem>>) dst(%dma_wait3A_193 : memref<100352xf32, #tpu.memory_space<vmem_shared>>)
        tpu.yield
      }) : () -> ()
      %run_scoped3A_178 = arith.constant 1 : i32
      "tpu.region"() ({
        %run_scoped3A_185 = tpu.sem_alloc : memref<!tpu.dma_semaphore, #tpu.memory_space<semaphore_mem>>
        %dma_start3A = arith.constant 0 : i32
        %dma_start3A_186 = tpu.memref_slice %arg13[%run_scoped3A_178, %dma_start3A] : memref<4x128xi32, #tpu.memory_space<vmem>> -> memref<1x128xi32, #tpu.memory_space<vmem>>
        %dma_start3A_187 = tpu.memref_squeeze %dma_start3A_186 : memref<1x128xi32, #tpu.memory_space<vmem>> -> memref<128xi32, #tpu.memory_space<vmem>>
        %dma_start3A_188 = arith.constant 0 : i32
        %dma_start3A_189 = tpu.memref_slice %arg11[%dma_start3A_188] : memref<100352xf32, #tpu.memory_space<vmem_shared>> -> memref<100352xf32, #tpu.memory_space<vmem_shared>>
        tpu.enqueue_indirect_dma source(%arg16 : memref<128xf32, #tpu.memory_space<vmem>>) target(%dma_start3A_189 : memref<100352xf32, #tpu.memory_space<vmem_shared>>) offsets(%dma_start3A_187 : memref<128xi32, #tpu.memory_space<vmem>>) semaphore(%run_scoped3A_185 : memref<!tpu.dma_semaphore, #tpu.memory_space<semaphore_mem>>) {add = true}
        %dma_wait3A = arith.constant 0 : i32
        %dma_wait3A_190 = tpu.memref_slice %arg13[%run_scoped3A_178, %dma_wait3A] : memref<4x128xi32, #tpu.memory_space<vmem>> -> memref<1x128xi32, #tpu.memory_space<vmem>>
        %dma_wait3A_191 = tpu.memref_squeeze %dma_wait3A_190 : memref<1x128xi32, #tpu.memory_space<vmem>> -> memref<128xi32, #tpu.memory_space<vmem>>
        %dma_wait3A_192 = arith.constant 0 : i32
        %dma_wait3A_193 = tpu.memref_slice %arg11[%dma_wait3A_192] : memref<100352xf32, #tpu.memory_space<vmem_shared>> -> memref<100352xf32, #tpu.memory_space<vmem_shared>>
        tpu.wait_indirect_dma semaphore(%run_scoped3A_185 : memref<!tpu.dma_semaphore, #tpu.memory_space<semaphore_mem>>) src(%arg16 : memref<128xf32, #tpu.memory_space<vmem>>) dst(%dma_wait3A_193 : memref<100352xf32, #tpu.memory_space<vmem_shared>>)
        tpu.yield
      }) : () -> ()
      %run_scoped3A_179 = arith.constant 1 : i32
      "tpu.region"() ({
        %run_scoped3A_185 = tpu.sem_alloc : memref<!tpu.dma_semaphore, #tpu.memory_space<semaphore_mem>>
        %dma_start3A = arith.constant 0 : i32
        %dma_start3A_186 = tpu.memref_slice %arg14[%run_scoped3A_179, %dma_start3A] : memref<4x128xi32, #tpu.memory_space<vmem>> -> memref<1x128xi32, #tpu.memory_space<vmem>>
        %dma_start3A_187 = tpu.memref_squeeze %dma_start3A_186 : memref<1x128xi32, #tpu.memory_space<vmem>> -> memref<128xi32, #tpu.memory_space<vmem>>
        %dma_start3A_188 = arith.constant 0 : i32
        %dma_start3A_189 = tpu.memref_slice %arg12[%dma_start3A_188] : memref<100352xf32, #tpu.memory_space<vmem_shared>> -> memref<100352xf32, #tpu.memory_space<vmem_shared>>
        tpu.enqueue_indirect_dma source(%arg16 : memref<128xf32, #tpu.memory_space<vmem>>) target(%dma_start3A_189 : memref<100352xf32, #tpu.memory_space<vmem_shared>>) offsets(%dma_start3A_187 : memref<128xi32, #tpu.memory_space<vmem>>) semaphore(%run_scoped3A_185 : memref<!tpu.dma_semaphore, #tpu.memory_space<semaphore_mem>>) {add = true}
        %dma_wait3A = arith.constant 0 : i32
        %dma_wait3A_190 = tpu.memref_slice %arg14[%run_scoped3A_179, %dma_wait3A] : memref<4x128xi32, #tpu.memory_space<vmem>> -> memref<1x128xi32, #tpu.memory_space<vmem>>
        %dma_wait3A_191 = tpu.memref_squeeze %dma_wait3A_190 : memref<1x128xi32, #tpu.memory_space<vmem>> -> memref<128xi32, #tpu.memory_space<vmem>>
        %dma_wait3A_192 = arith.constant 0 : i32
        %dma_wait3A_193 = tpu.memref_slice %arg12[%dma_wait3A_192] : memref<100352xf32, #tpu.memory_space<vmem_shared>> -> memref<100352xf32, #tpu.memory_space<vmem_shared>>
        tpu.wait_indirect_dma semaphore(%run_scoped3A_185 : memref<!tpu.dma_semaphore, #tpu.memory_space<semaphore_mem>>) src(%arg16 : memref<128xf32, #tpu.memory_space<vmem>>) dst(%dma_wait3A_193 : memref<100352xf32, #tpu.memory_space<vmem_shared>>)
        tpu.yield
      }) : () -> ()
      %run_scoped3A_180 = arith.constant 2 : i32
      "tpu.region"() ({
        %run_scoped3A_185 = tpu.sem_alloc : memref<!tpu.dma_semaphore, #tpu.memory_space<semaphore_mem>>
        %dma_start3A = arith.constant 0 : i32
        %dma_start3A_186 = tpu.memref_slice %arg13[%run_scoped3A_180, %dma_start3A] : memref<4x128xi32, #tpu.memory_space<vmem>> -> memref<1x128xi32, #tpu.memory_space<vmem>>
        %dma_start3A_187 = tpu.memref_squeeze %dma_start3A_186 : memref<1x128xi32, #tpu.memory_space<vmem>> -> memref<128xi32, #tpu.memory_space<vmem>>
        %dma_start3A_188 = arith.constant 0 : i32
        %dma_start3A_189 = tpu.memref_slice %arg11[%dma_start3A_188] : memref<100352xf32, #tpu.memory_space<vmem_shared>> -> memref<100352xf32, #tpu.memory_space<vmem_shared>>
        tpu.enqueue_indirect_dma source(%arg16 : memref<128xf32, #tpu.memory_space<vmem>>) target(%dma_start3A_189 : memref<100352xf32, #tpu.memory_space<vmem_shared>>) offsets(%dma_start3A_187 : memref<128xi32, #tpu.memory_space<vmem>>) semaphore(%run_scoped3A_185 : memref<!tpu.dma_semaphore, #tpu.memory_space<semaphore_mem>>) {add = true}
        %dma_wait3A = arith.constant 0 : i32
        %dma_wait3A_190 = tpu.memref_slice %arg13[%run_scoped3A_180, %dma_wait3A] : memref<4x128xi32, #tpu.memory_space<vmem>> -> memref<1x128xi32, #tpu.memory_space<vmem>>
        %dma_wait3A_191 = tpu.memref_squeeze %dma_wait3A_190 : memref<1x128xi32, #tpu.memory_space<vmem>> -> memref<128xi32, #tpu.memory_space<vmem>>
        %dma_wait3A_192 = arith.constant 0 : i32
        %dma_wait3A_193 = tpu.memref_slice %arg11[%dma_wait3A_192] : memref<100352xf32, #tpu.memory_space<vmem_shared>> -> memref<100352xf32, #tpu.memory_space<vmem_shared>>
        tpu.wait_indirect_dma semaphore(%run_scoped3A_185 : memref<!tpu.dma_semaphore, #tpu.memory_space<semaphore_mem>>) src(%arg16 : memref<128xf32, #tpu.memory_space<vmem>>) dst(%dma_wait3A_193 : memref<100352xf32, #tpu.memory_space<vmem_shared>>)
        tpu.yield
      }) : () -> ()
      %run_scoped3A_181 = arith.constant 2 : i32
      "tpu.region"() ({
        %run_scoped3A_185 = tpu.sem_alloc : memref<!tpu.dma_semaphore, #tpu.memory_space<semaphore_mem>>
        %dma_start3A = arith.constant 0 : i32
        %dma_start3A_186 = tpu.memref_slice %arg14[%run_scoped3A_181, %dma_start3A] : memref<4x128xi32, #tpu.memory_space<vmem>> -> memref<1x128xi32, #tpu.memory_space<vmem>>
        %dma_start3A_187 = tpu.memref_squeeze %dma_start3A_186 : memref<1x128xi32, #tpu.memory_space<vmem>> -> memref<128xi32, #tpu.memory_space<vmem>>
        %dma_start3A_188 = arith.constant 0 : i32
        %dma_start3A_189 = tpu.memref_slice %arg12[%dma_start3A_188] : memref<100352xf32, #tpu.memory_space<vmem_shared>> -> memref<100352xf32, #tpu.memory_space<vmem_shared>>
        tpu.enqueue_indirect_dma source(%arg16 : memref<128xf32, #tpu.memory_space<vmem>>) target(%dma_start3A_189 : memref<100352xf32, #tpu.memory_space<vmem_shared>>) offsets(%dma_start3A_187 : memref<128xi32, #tpu.memory_space<vmem>>) semaphore(%run_scoped3A_185 : memref<!tpu.dma_semaphore, #tpu.memory_space<semaphore_mem>>) {add = true}
        %dma_wait3A = arith.constant 0 : i32
        %dma_wait3A_190 = tpu.memref_slice %arg14[%run_scoped3A_181, %dma_wait3A] : memref<4x128xi32, #tpu.memory_space<vmem>> -> memref<1x128xi32, #tpu.memory_space<vmem>>
        %dma_wait3A_191 = tpu.memref_squeeze %dma_wait3A_190 : memref<1x128xi32, #tpu.memory_space<vmem>> -> memref<128xi32, #tpu.memory_space<vmem>>
        %dma_wait3A_192 = arith.constant 0 : i32
        %dma_wait3A_193 = tpu.memref_slice %arg12[%dma_wait3A_192] : memref<100352xf32, #tpu.memory_space<vmem_shared>> -> memref<100352xf32, #tpu.memory_space<vmem_shared>>
        tpu.wait_indirect_dma semaphore(%run_scoped3A_185 : memref<!tpu.dma_semaphore, #tpu.memory_space<semaphore_mem>>) src(%arg16 : memref<128xf32, #tpu.memory_space<vmem>>) dst(%dma_wait3A_193 : memref<100352xf32, #tpu.memory_space<vmem_shared>>)
        tpu.yield
      }) : () -> ()
      %run_scoped3A_182 = arith.constant 3 : i32
      "tpu.region"() ({
        %run_scoped3A_185 = tpu.sem_alloc : memref<!tpu.dma_semaphore, #tpu.memory_space<semaphore_mem>>
        %dma_start3A = arith.constant 0 : i32
        %dma_start3A_186 = tpu.memref_slice %arg13[%run_scoped3A_182, %dma_start3A] : memref<4x128xi32, #tpu.memory_space<vmem>> -> memref<1x128xi32, #tpu.memory_space<vmem>>
        %dma_start3A_187 = tpu.memref_squeeze %dma_start3A_186 : memref<1x128xi32, #tpu.memory_space<vmem>> -> memref<128xi32, #tpu.memory_space<vmem>>
        %dma_start3A_188 = arith.constant 0 : i32
        %dma_start3A_189 = tpu.memref_slice %arg11[%dma_start3A_188] : memref<100352xf32, #tpu.memory_space<vmem_shared>> -> memref<100352xf32, #tpu.memory_space<vmem_shared>>
        tpu.enqueue_indirect_dma source(%arg16 : memref<128xf32, #tpu.memory_space<vmem>>) target(%dma_start3A_189 : memref<100352xf32, #tpu.memory_space<vmem_shared>>) offsets(%dma_start3A_187 : memref<128xi32, #tpu.memory_space<vmem>>) semaphore(%run_scoped3A_185 : memref<!tpu.dma_semaphore, #tpu.memory_space<semaphore_mem>>) {add = true}
        %dma_wait3A = arith.constant 0 : i32
        %dma_wait3A_190 = tpu.memref_slice %arg13[%run_scoped3A_182, %dma_wait3A] : memref<4x128xi32, #tpu.memory_space<vmem>> -> memref<1x128xi32, #tpu.memory_space<vmem>>
        %dma_wait3A_191 = tpu.memref_squeeze %dma_wait3A_190 : memref<1x128xi32, #tpu.memory_space<vmem>> -> memref<128xi32, #tpu.memory_space<vmem>>
        %dma_wait3A_192 = arith.constant 0 : i32
        %dma_wait3A_193 = tpu.memref_slice %arg11[%dma_wait3A_192] : memref<100352xf32, #tpu.memory_space<vmem_shared>> -> memref<100352xf32, #tpu.memory_space<vmem_shared>>
        tpu.wait_indirect_dma semaphore(%run_scoped3A_185 : memref<!tpu.dma_semaphore, #tpu.memory_space<semaphore_mem>>) src(%arg16 : memref<128xf32, #tpu.memory_space<vmem>>) dst(%dma_wait3A_193 : memref<100352xf32, #tpu.memory_space<vmem_shared>>)
        tpu.yield
      }) : () -> ()
      %run_scoped3A_183 = arith.constant 3 : i32
      "tpu.region"() ({
        %run_scoped3A_185 = tpu.sem_alloc : memref<!tpu.dma_semaphore, #tpu.memory_space<semaphore_mem>>
        %dma_start3A = arith.constant 0 : i32
        %dma_start3A_186 = tpu.memref_slice %arg14[%run_scoped3A_183, %dma_start3A] : memref<4x128xi32, #tpu.memory_space<vmem>> -> memref<1x128xi32, #tpu.memory_space<vmem>>
        %dma_start3A_187 = tpu.memref_squeeze %dma_start3A_186 : memref<1x128xi32, #tpu.memory_space<vmem>> -> memref<128xi32, #tpu.memory_space<vmem>>
        %dma_start3A_188 = arith.constant 0 : i32
        %dma_start3A_189 = tpu.memref_slice %arg12[%dma_start3A_188] : memref<100352xf32, #tpu.memory_space<vmem_shared>> -> memref<100352xf32, #tpu.memory_space<vmem_shared>>
        tpu.enqueue_indirect_dma source(%arg16 : memref<128xf32, #tpu.memory_space<vmem>>) target(%dma_start3A_189 : memref<100352xf32, #tpu.memory_space<vmem_shared>>) offsets(%dma_start3A_187 : memref<128xi32, #tpu.memory_space<vmem>>) semaphore(%run_scoped3A_185 : memref<!tpu.dma_semaphore, #tpu.memory_space<semaphore_mem>>) {add = true}
        %dma_wait3A = arith.constant 0 : i32
        %dma_wait3A_190 = tpu.memref_slice %arg14[%run_scoped3A_183, %dma_wait3A] : memref<4x128xi32, #tpu.memory_space<vmem>> -> memref<1x128xi32, #tpu.memory_space<vmem>>
        %dma_wait3A_191 = tpu.memref_squeeze %dma_wait3A_190 : memref<1x128xi32, #tpu.memory_space<vmem>> -> memref<128xi32, #tpu.memory_space<vmem>>
        %dma_wait3A_192 = arith.constant 0 : i32
        %dma_wait3A_193 = tpu.memref_slice %arg12[%dma_wait3A_192] : memref<100352xf32, #tpu.memory_space<vmem_shared>> -> memref<100352xf32, #tpu.memory_space<vmem_shared>>
        tpu.wait_indirect_dma semaphore(%run_scoped3A_185 : memref<!tpu.dma_semaphore, #tpu.memory_space<semaphore_mem>>) src(%arg16 : memref<128xf32, #tpu.memory_space<vmem>>) dst(%dma_wait3A_193 : memref<100352xf32, #tpu.memory_space<vmem_shared>>)
        tpu.yield
      }) : () -> ()
      %while3A_184 = arith.constant 0 : i32
      scf.yield %while3A_184 : i32
    }
    %while3A_42 = arith.constant 1 : i32
    %while3A_43 = scf.for %while3A_169 = %while3A_39 to %while3A_35 step %while3A_42 iter_args(%while3A_170 = %while3A_41) -> (i32)  : i32 {
      %add3A_171 = arith.addi %add3A, %while3A_169 : i32
      %mul3A_172 = arith.constant 4 : i32
      %mul3A_173 = arith.muli %add3A_171, %mul3A_172 : i32
      "tpu.region"() ({
        %run_scoped3A_185 = tpu.sem_alloc : memref<!tpu.dma_semaphore, #tpu.memory_space<semaphore_mem>>
        %dma_start3A = arith.constant 0 : i32
        %dma_start3A_186 = tpu.memref_slice %arg3[%mul3A_173, %dma_start3A] : memref<12500x128xi32, #tpu.memory_space<hbm>> -> memref<4x128xi32, #tpu.memory_space<hbm>>
        %dma_start3A_187 = arith.constant 0 : i32
        %dma_start3A_188 = tpu.memref_slice %arg3[%mul3A_173, %dma_start3A_187] : memref<12500x128xi32, #tpu.memory_space<hbm>> -> memref<4x128xi32, #tpu.memory_space<hbm>>
        tpu.enqueue_dma source(%dma_start3A_188 : memref<4x128xi32, #tpu.memory_space<hbm>>) target(%arg13 : memref<4x128xi32, #tpu.memory_space<vmem>>) target_semaphore(%run_scoped3A_185 : memref<!tpu.dma_semaphore, #tpu.memory_space<semaphore_mem>>)
        %dma_wait3A = arith.constant 0 : i32
        %dma_wait3A_189 = tpu.memref_slice %arg3[%mul3A_173, %dma_wait3A] : memref<12500x128xi32, #tpu.memory_space<hbm>> -> memref<4x128xi32, #tpu.memory_space<hbm>>
        %dma_wait3A_190 = arith.constant 0 : i32
        %dma_wait3A_191 = tpu.memref_slice %arg3[%mul3A_173, %dma_wait3A_190] : memref<12500x128xi32, #tpu.memory_space<hbm>> -> memref<4x128xi32, #tpu.memory_space<hbm>>
        tpu.wait_dma2 semaphore(%run_scoped3A_185 : memref<!tpu.dma_semaphore, #tpu.memory_space<semaphore_mem>>) src(%dma_wait3A_191 : memref<4x128xi32, #tpu.memory_space<hbm>>) dst(%arg13 : memref<4x128xi32, #tpu.memory_space<vmem>>)
        tpu.yield
      }) : () -> ()
      %mul3A_174 = arith.constant 4 : i32
      %mul3A_175 = arith.muli %add3A_171, %mul3A_174 : i32
      %run_scoped3A = arith.constant 0 : i32
      "tpu.region"() ({
        %run_scoped3A_185 = tpu.sem_alloc : memref<!tpu.dma_semaphore, #tpu.memory_space<semaphore_mem>>
        %dma_start3A = arith.constant 0 : i32
        %dma_start3A_186 = tpu.memref_slice %arg2[%run_scoped3A, %mul3A_175, %dma_start3A] : memref<2x12500x128xi32, #tpu.memory_space<hbm>> -> memref<1x4x128xi32, #tpu.memory_space<hbm>>
        %dma_start3A_187 = tpu.memref_squeeze %dma_start3A_186 : memref<1x4x128xi32, #tpu.memory_space<hbm>> -> memref<4x128xi32, #tpu.memory_space<hbm>>
        %dma_start3A_188 = arith.constant 0 : i32
        %dma_start3A_189 = tpu.memref_slice %arg2[%run_scoped3A, %mul3A_175, %dma_start3A_188] : memref<2x12500x128xi32, #tpu.memory_space<hbm>> -> memref<1x4x128xi32, #tpu.memory_space<hbm>>
        %dma_start3A_190 = tpu.memref_squeeze %dma_start3A_189 : memref<1x4x128xi32, #tpu.memory_space<hbm>> -> memref<4x128xi32, #tpu.memory_space<hbm>>
        tpu.enqueue_dma source(%dma_start3A_190 : memref<4x128xi32, #tpu.memory_space<hbm>>) target(%arg14 : memref<4x128xi32, #tpu.memory_space<vmem>>) target_semaphore(%run_scoped3A_185 : memref<!tpu.dma_semaphore, #tpu.memory_space<semaphore_mem>>)
        %dma_wait3A = arith.constant 0 : i32
        %dma_wait3A_191 = tpu.memref_slice %arg2[%run_scoped3A, %mul3A_175, %dma_wait3A] : memref<2x12500x128xi32, #tpu.memory_space<hbm>> -> memref<1x4x128xi32, #tpu.memory_space<hbm>>
        %dma_wait3A_192 = tpu.memref_squeeze %dma_wait3A_191 : memref<1x4x128xi32, #tpu.memory_space<hbm>> -> memref<4x128xi32, #tpu.memory_space<hbm>>
        %dma_wait3A_193 = arith.constant 0 : i32
        %dma_wait3A_194 = tpu.memref_slice %arg2[%run_scoped3A, %mul3A_175, %dma_wait3A_193] : memref<2x12500x128xi32, #tpu.memory_space<hbm>> -> memref<1x4x128xi32, #tpu.memory_space<hbm>>
        %dma_wait3A_195 = tpu.memref_squeeze %dma_wait3A_194 : memref<1x4x128xi32, #tpu.memory_space<hbm>> -> memref<4x128xi32, #tpu.memory_space<hbm>>
        tpu.wait_dma2 semaphore(%run_scoped3A_185 : memref<!tpu.dma_semaphore, #tpu.memory_space<semaphore_mem>>) src(%dma_wait3A_195 : memref<4x128xi32, #tpu.memory_space<hbm>>) dst(%arg14 : memref<4x128xi32, #tpu.memory_space<vmem>>)
        tpu.yield
      }) : () -> ()
      %run_scoped3A_176 = arith.constant 0 : i32
      "tpu.region"() ({
        %run_scoped3A_185 = tpu.sem_alloc : memref<!tpu.dma_semaphore, #tpu.memory_space<semaphore_mem>>
        %dma_start3A = arith.constant 0 : i32
        %dma_start3A_186 = tpu.memref_slice %arg13[%run_scoped3A_176, %dma_start3A] : memref<4x128xi32, #tpu.memory_space<vmem>> -> memref<1x128xi32, #tpu.memory_space<vmem>>
        %dma_start3A_187 = tpu.memref_squeeze %dma_start3A_186 : memref<1x128xi32, #tpu.memory_space<vmem>> -> memref<128xi32, #tpu.memory_space<vmem>>
        %dma_start3A_188 = arith.constant 0 : i32
        %dma_start3A_189 = tpu.memref_slice %arg11[%dma_start3A_188] : memref<100352xf32, #tpu.memory_space<vmem_shared>> -> memref<100352xf32, #tpu.memory_space<vmem_shared>>
        tpu.enqueue_indirect_dma source(%arg16 : memref<128xf32, #tpu.memory_space<vmem>>) target(%dma_start3A_189 : memref<100352xf32, #tpu.memory_space<vmem_shared>>) offsets(%dma_start3A_187 : memref<128xi32, #tpu.memory_space<vmem>>) semaphore(%run_scoped3A_185 : memref<!tpu.dma_semaphore, #tpu.memory_space<semaphore_mem>>) {add = true}
        %dma_wait3A = arith.constant 0 : i32
        %dma_wait3A_190 = tpu.memref_slice %arg13[%run_scoped3A_176, %dma_wait3A] : memref<4x128xi32, #tpu.memory_space<vmem>> -> memref<1x128xi32, #tpu.memory_space<vmem>>
        %dma_wait3A_191 = tpu.memref_squeeze %dma_wait3A_190 : memref<1x128xi32, #tpu.memory_space<vmem>> -> memref<128xi32, #tpu.memory_space<vmem>>
        %dma_wait3A_192 = arith.constant 0 : i32
        %dma_wait3A_193 = tpu.memref_slice %arg11[%dma_wait3A_192] : memref<100352xf32, #tpu.memory_space<vmem_shared>> -> memref<100352xf32, #tpu.memory_space<vmem_shared>>
        tpu.wait_indirect_dma semaphore(%run_scoped3A_185 : memref<!tpu.dma_semaphore, #tpu.memory_space<semaphore_mem>>) src(%arg16 : memref<128xf32, #tpu.memory_space<vmem>>) dst(%dma_wait3A_193 : memref<100352xf32, #tpu.memory_space<vmem_shared>>)
        tpu.yield
      }) : () -> ()
      %run_scoped3A_177 = arith.constant 0 : i32
      "tpu.region"() ({
        %run_scoped3A_185 = tpu.sem_alloc : memref<!tpu.dma_semaphore, #tpu.memory_space<semaphore_mem>>
        %dma_start3A = arith.constant 0 : i32
        %dma_start3A_186 = tpu.memref_slice %arg14[%run_scoped3A_177, %dma_start3A] : memref<4x128xi32, #tpu.memory_space<vmem>> -> memref<1x128xi32, #tpu.memory_space<vmem>>
        %dma_start3A_187 = tpu.memref_squeeze %dma_start3A_186 : memref<1x128xi32, #tpu.memory_space<vmem>> -> memref<128xi32, #tpu.memory_space<vmem>>
        %dma_start3A_188 = arith.constant 0 : i32
        %dma_start3A_189 = tpu.memref_slice %arg12[%dma_start3A_188] : memref<100352xf32, #tpu.memory_space<vmem_shared>> -> memref<100352xf32, #tpu.memory_space<vmem_shared>>
        tpu.enqueue_indirect_dma source(%arg16 : memref<128xf32, #tpu.memory_space<vmem>>) target(%dma_start3A_189 : memref<100352xf32, #tpu.memory_space<vmem_shared>>) offsets(%dma_start3A_187 : memref<128xi32, #tpu.memory_space<vmem>>) semaphore(%run_scoped3A_185 : memref<!tpu.dma_semaphore, #tpu.memory_space<semaphore_mem>>) {add = true}
        %dma_wait3A = arith.constant 0 : i32
        %dma_wait3A_190 = tpu.memref_slice %arg14[%run_scoped3A_177, %dma_wait3A] : memref<4x128xi32, #tpu.memory_space<vmem>> -> memref<1x128xi32, #tpu.memory_space<vmem>>
        %dma_wait3A_191 = tpu.memref_squeeze %dma_wait3A_190 : memref<1x128xi32, #tpu.memory_space<vmem>> -> memref<128xi32, #tpu.memory_space<vmem>>
        %dma_wait3A_192 = arith.constant 0 : i32
        %dma_wait3A_193 = tpu.memref_slice %arg12[%dma_wait3A_192] : memref<100352xf32, #tpu.memory_space<vmem_shared>> -> memref<100352xf32, #tpu.memory_space<vmem_shared>>
        tpu.wait_indirect_dma semaphore(%run_scoped3A_185 : memref<!tpu.dma_semaphore, #tpu.memory_space<semaphore_mem>>) src(%arg16 : memref<128xf32, #tpu.memory_space<vmem>>) dst(%dma_wait3A_193 : memref<100352xf32, #tpu.memory_space<vmem_shared>>)
        tpu.yield
      }) : () -> ()
      %run_scoped3A_178 = arith.constant 1 : i32
      "tpu.region"() ({
        %run_scoped3A_185 = tpu.sem_alloc : memref<!tpu.dma_semaphore, #tpu.memory_space<semaphore_mem>>
        %dma_start3A = arith.constant 0 : i32
        %dma_start3A_186 = tpu.memref_slice %arg13[%run_scoped3A_178, %dma_start3A] : memref<4x128xi32, #tpu.memory_space<vmem>> -> memref<1x128xi32, #tpu.memory_space<vmem>>
        %dma_start3A_187 = tpu.memref_squeeze %dma_start3A_186 : memref<1x128xi32, #tpu.memory_space<vmem>> -> memref<128xi32, #tpu.memory_space<vmem>>
        %dma_start3A_188 = arith.constant 0 : i32
        %dma_start3A_189 = tpu.memref_slice %arg11[%dma_start3A_188] : memref<100352xf32, #tpu.memory_space<vmem_shared>> -> memref<100352xf32, #tpu.memory_space<vmem_shared>>
        tpu.enqueue_indirect_dma source(%arg16 : memref<128xf32, #tpu.memory_space<vmem>>) target(%dma_start3A_189 : memref<100352xf32, #tpu.memory_space<vmem_shared>>) offsets(%dma_start3A_187 : memref<128xi32, #tpu.memory_space<vmem>>) semaphore(%run_scoped3A_185 : memref<!tpu.dma_semaphore, #tpu.memory_space<semaphore_mem>>) {add = true}
        %dma_wait3A = arith.constant 0 : i32
        %dma_wait3A_190 = tpu.memref_slice %arg13[%run_scoped3A_178, %dma_wait3A] : memref<4x128xi32, #tpu.memory_space<vmem>> -> memref<1x128xi32, #tpu.memory_space<vmem>>
        %dma_wait3A_191 = tpu.memref_squeeze %dma_wait3A_190 : memref<1x128xi32, #tpu.memory_space<vmem>> -> memref<128xi32, #tpu.memory_space<vmem>>
        %dma_wait3A_192 = arith.constant 0 : i32
        %dma_wait3A_193 = tpu.memref_slice %arg11[%dma_wait3A_192] : memref<100352xf32, #tpu.memory_space<vmem_shared>> -> memref<100352xf32, #tpu.memory_space<vmem_shared>>
        tpu.wait_indirect_dma semaphore(%run_scoped3A_185 : memref<!tpu.dma_semaphore, #tpu.memory_space<semaphore_mem>>) src(%arg16 : memref<128xf32, #tpu.memory_space<vmem>>) dst(%dma_wait3A_193 : memref<100352xf32, #tpu.memory_space<vmem_shared>>)
        tpu.yield
      }) : () -> ()
      %run_scoped3A_179 = arith.constant 1 : i32
      "tpu.region"() ({
        %run_scoped3A_185 = tpu.sem_alloc : memref<!tpu.dma_semaphore, #tpu.memory_space<semaphore_mem>>
        %dma_start3A = arith.constant 0 : i32
        %dma_start3A_186 = tpu.memref_slice %arg14[%run_scoped3A_179, %dma_start3A] : memref<4x128xi32, #tpu.memory_space<vmem>> -> memref<1x128xi32, #tpu.memory_space<vmem>>
        %dma_start3A_187 = tpu.memref_squeeze %dma_start3A_186 : memref<1x128xi32, #tpu.memory_space<vmem>> -> memref<128xi32, #tpu.memory_space<vmem>>
        %dma_start3A_188 = arith.constant 0 : i32
        %dma_start3A_189 = tpu.memref_slice %arg12[%dma_start3A_188] : memref<100352xf32, #tpu.memory_space<vmem_shared>> -> memref<100352xf32, #tpu.memory_space<vmem_shared>>
        tpu.enqueue_indirect_dma source(%arg16 : memref<128xf32, #tpu.memory_space<vmem>>) target(%dma_start3A_189 : memref<100352xf32, #tpu.memory_space<vmem_shared>>) offsets(%dma_start3A_187 : memref<128xi32, #tpu.memory_space<vmem>>) semaphore(%run_scoped3A_185 : memref<!tpu.dma_semaphore, #tpu.memory_space<semaphore_mem>>) {add = true}
        %dma_wait3A = arith.constant 0 : i32
        %dma_wait3A_190 = tpu.memref_slice %arg14[%run_scoped3A_179, %dma_wait3A] : memref<4x128xi32, #tpu.memory_space<vmem>> -> memref<1x128xi32, #tpu.memory_space<vmem>>
        %dma_wait3A_191 = tpu.memref_squeeze %dma_wait3A_190 : memref<1x128xi32, #tpu.memory_space<vmem>> -> memref<128xi32, #tpu.memory_space<vmem>>
        %dma_wait3A_192 = arith.constant 0 : i32
        %dma_wait3A_193 = tpu.memref_slice %arg12[%dma_wait3A_192] : memref<100352xf32, #tpu.memory_space<vmem_shared>> -> memref<100352xf32, #tpu.memory_space<vmem_shared>>
        tpu.wait_indirect_dma semaphore(%run_scoped3A_185 : memref<!tpu.dma_semaphore, #tpu.memory_space<semaphore_mem>>) src(%arg16 : memref<128xf32, #tpu.memory_space<vmem>>) dst(%dma_wait3A_193 : memref<100352xf32, #tpu.memory_space<vmem_shared>>)
        tpu.yield
      }) : () -> ()
      %run_scoped3A_180 = arith.constant 2 : i32
      "tpu.region"() ({
        %run_scoped3A_185 = tpu.sem_alloc : memref<!tpu.dma_semaphore, #tpu.memory_space<semaphore_mem>>
        %dma_start3A = arith.constant 0 : i32
        %dma_start3A_186 = tpu.memref_slice %arg13[%run_scoped3A_180, %dma_start3A] : memref<4x128xi32, #tpu.memory_space<vmem>> -> memref<1x128xi32, #tpu.memory_space<vmem>>
        %dma_start3A_187 = tpu.memref_squeeze %dma_start3A_186 : memref<1x128xi32, #tpu.memory_space<vmem>> -> memref<128xi32, #tpu.memory_space<vmem>>
        %dma_start3A_188 = arith.constant 0 : i32
        %dma_start3A_189 = tpu.memref_slice %arg11[%dma_start3A_188] : memref<100352xf32, #tpu.memory_space<vmem_shared>> -> memref<100352xf32, #tpu.memory_space<vmem_shared>>
        tpu.enqueue_indirect_dma source(%arg16 : memref<128xf32, #tpu.memory_space<vmem>>) target(%dma_start3A_189 : memref<100352xf32, #tpu.memory_space<vmem_shared>>) offsets(%dma_start3A_187 : memref<128xi32, #tpu.memory_space<vmem>>) semaphore(%run_scoped3A_185 : memref<!tpu.dma_semaphore, #tpu.memory_space<semaphore_mem>>) {add = true}
        %dma_wait3A = arith.constant 0 : i32
        %dma_wait3A_190 = tpu.memref_slice %arg13[%run_scoped3A_180, %dma_wait3A] : memref<4x128xi32, #tpu.memory_space<vmem>> -> memref<1x128xi32, #tpu.memory_space<vmem>>
        %dma_wait3A_191 = tpu.memref_squeeze %dma_wait3A_190 : memref<1x128xi32, #tpu.memory_space<vmem>> -> memref<128xi32, #tpu.memory_space<vmem>>
        %dma_wait3A_192 = arith.constant 0 : i32
        %dma_wait3A_193 = tpu.memref_slice %arg11[%dma_wait3A_192] : memref<100352xf32, #tpu.memory_space<vmem_shared>> -> memref<100352xf32, #tpu.memory_space<vmem_shared>>
        tpu.wait_indirect_dma semaphore(%run_scoped3A_185 : memref<!tpu.dma_semaphore, #tpu.memory_space<semaphore_mem>>) src(%arg16 : memref<128xf32, #tpu.memory_space<vmem>>) dst(%dma_wait3A_193 : memref<100352xf32, #tpu.memory_space<vmem_shared>>)
        tpu.yield
      }) : () -> ()
      %run_scoped3A_181 = arith.constant 2 : i32
      "tpu.region"() ({
        %run_scoped3A_185 = tpu.sem_alloc : memref<!tpu.dma_semaphore, #tpu.memory_space<semaphore_mem>>
        %dma_start3A = arith.constant 0 : i32
        %dma_start3A_186 = tpu.memref_slice %arg14[%run_scoped3A_181, %dma_start3A] : memref<4x128xi32, #tpu.memory_space<vmem>> -> memref<1x128xi32, #tpu.memory_space<vmem>>
        %dma_start3A_187 = tpu.memref_squeeze %dma_start3A_186 : memref<1x128xi32, #tpu.memory_space<vmem>> -> memref<128xi32, #tpu.memory_space<vmem>>
        %dma_start3A_188 = arith.constant 0 : i32
        %dma_start3A_189 = tpu.memref_slice %arg12[%dma_start3A_188] : memref<100352xf32, #tpu.memory_space<vmem_shared>> -> memref<100352xf32, #tpu.memory_space<vmem_shared>>
        tpu.enqueue_indirect_dma source(%arg16 : memref<128xf32, #tpu.memory_space<vmem>>) target(%dma_start3A_189 : memref<100352xf32, #tpu.memory_space<vmem_shared>>) offsets(%dma_start3A_187 : memref<128xi32, #tpu.memory_space<vmem>>) semaphore(%run_scoped3A_185 : memref<!tpu.dma_semaphore, #tpu.memory_space<semaphore_mem>>) {add = true}
        %dma_wait3A = arith.constant 0 : i32
        %dma_wait3A_190 = tpu.memref_slice %arg14[%run_scoped3A_181, %dma_wait3A] : memref<4x128xi32, #tpu.memory_space<vmem>> -> memref<1x128xi32, #tpu.memory_space<vmem>>
        %dma_wait3A_191 = tpu.memref_squeeze %dma_wait3A_190 : memref<1x128xi32, #tpu.memory_space<vmem>> -> memref<128xi32, #tpu.memory_space<vmem>>
        %dma_wait3A_192 = arith.constant 0 : i32
        %dma_wait3A_193 = tpu.memref_slice %arg12[%dma_wait3A_192] : memref<100352xf32, #tpu.memory_space<vmem_shared>> -> memref<100352xf32, #tpu.memory_space<vmem_shared>>
        tpu.wait_indirect_dma semaphore(%run_scoped3A_185 : memref<!tpu.dma_semaphore, #tpu.memory_space<semaphore_mem>>) src(%arg16 : memref<128xf32, #tpu.memory_space<vmem>>) dst(%dma_wait3A_193 : memref<100352xf32, #tpu.memory_space<vmem_shared>>)
        tpu.yield
      }) : () -> ()
      %run_scoped3A_182 = arith.constant 3 : i32
      "tpu.region"() ({
        %run_scoped3A_185 = tpu.sem_alloc : memref<!tpu.dma_semaphore, #tpu.memory_space<semaphore_mem>>
        %dma_start3A = arith.constant 0 : i32
        %dma_start3A_186 = tpu.memref_slice %arg13[%run_scoped3A_182, %dma_start3A] : memref<4x128xi32, #tpu.memory_space<vmem>> -> memref<1x128xi32, #tpu.memory_space<vmem>>
        %dma_start3A_187 = tpu.memref_squeeze %dma_start3A_186 : memref<1x128xi32, #tpu.memory_space<vmem>> -> memref<128xi32, #tpu.memory_space<vmem>>
        %dma_start3A_188 = arith.constant 0 : i32
        %dma_start3A_189 = tpu.memref_slice %arg11[%dma_start3A_188] : memref<100352xf32, #tpu.memory_space<vmem_shared>> -> memref<100352xf32, #tpu.memory_space<vmem_shared>>
        tpu.enqueue_indirect_dma source(%arg16 : memref<128xf32, #tpu.memory_space<vmem>>) target(%dma_start3A_189 : memref<100352xf32, #tpu.memory_space<vmem_shared>>) offsets(%dma_start3A_187 : memref<128xi32, #tpu.memory_space<vmem>>) semaphore(%run_scoped3A_185 : memref<!tpu.dma_semaphore, #tpu.memory_space<semaphore_mem>>) {add = true}
        %dma_wait3A = arith.constant 0 : i32
        %dma_wait3A_190 = tpu.memref_slice %arg13[%run_scoped3A_182, %dma_wait3A] : memref<4x128xi32, #tpu.memory_space<vmem>> -> memref<1x128xi32, #tpu.memory_space<vmem>>
        %dma_wait3A_191 = tpu.memref_squeeze %dma_wait3A_190 : memref<1x128xi32, #tpu.memory_space<vmem>> -> memref<128xi32, #tpu.memory_space<vmem>>
        %dma_wait3A_192 = arith.constant 0 : i32
        %dma_wait3A_193 = tpu.memref_slice %arg11[%dma_wait3A_192] : memref<100352xf32, #tpu.memory_space<vmem_shared>> -> memref<100352xf32, #tpu.memory_space<vmem_shared>>
        tpu.wait_indirect_dma semaphore(%run_scoped3A_185 : memref<!tpu.dma_semaphore, #tpu.memory_space<semaphore_mem>>) src(%arg16 : memref<128xf32, #tpu.memory_space<vmem>>) dst(%dma_wait3A_193 : memref<100352xf32, #tpu.memory_space<vmem_shared>>)
        tpu.yield
      }) : () -> ()
      %run_scoped3A_183 = arith.constant 3 : i32
      "tpu.region"() ({
        %run_scoped3A_185 = tpu.sem_alloc : memref<!tpu.dma_semaphore, #tpu.memory_space<semaphore_mem>>
        %dma_start3A = arith.constant 0 : i32
        %dma_start3A_186 = tpu.memref_slice %arg14[%run_scoped3A_183, %dma_start3A] : memref<4x128xi32, #tpu.memory_space<vmem>> -> memref<1x128xi32, #tpu.memory_space<vmem>>
        %dma_start3A_187 = tpu.memref_squeeze %dma_start3A_186 : memref<1x128xi32, #tpu.memory_space<vmem>> -> memref<128xi32, #tpu.memory_space<vmem>>
        %dma_start3A_188 = arith.constant 0 : i32
        %dma_start3A_189 = tpu.memref_slice %arg12[%dma_start3A_188] : memref<100352xf32, #tpu.memory_space<vmem_shared>> -> memref<100352xf32, #tpu.memory_space<vmem_shared>>
        tpu.enqueue_indirect_dma source(%arg16 : memref<128xf32, #tpu.memory_space<vmem>>) target(%dma_start3A_189 : memref<100352xf32, #tpu.memory_space<vmem_shared>>) offsets(%dma_start3A_187 : memref<128xi32, #tpu.memory_space<vmem>>) semaphore(%run_scoped3A_185 : memref<!tpu.dma_semaphore, #tpu.memory_space<semaphore_mem>>) {add = true}
        %dma_wait3A = arith.constant 0 : i32
        %dma_wait3A_190 = tpu.memref_slice %arg14[%run_scoped3A_183, %dma_wait3A] : memref<4x128xi32, #tpu.memory_space<vmem>> -> memref<1x128xi32, #tpu.memory_space<vmem>>
        %dma_wait3A_191 = tpu.memref_squeeze %dma_wait3A_190 : memref<1x128xi32, #tpu.memory_space<vmem>> -> memref<128xi32, #tpu.memory_space<vmem>>
        %dma_wait3A_192 = arith.constant 0 : i32
        %dma_wait3A_193 = tpu.memref_slice %arg12[%dma_wait3A_192] : memref<100352xf32, #tpu.memory_space<vmem_shared>> -> memref<100352xf32, #tpu.memory_space<vmem_shared>>
        tpu.wait_indirect_dma semaphore(%run_scoped3A_185 : memref<!tpu.dma_semaphore, #tpu.memory_space<semaphore_mem>>) src(%arg16 : memref<128xf32, #tpu.memory_space<vmem>>) dst(%dma_wait3A_193 : memref<100352xf32, #tpu.memory_space<vmem_shared>>)
        tpu.yield
      }) : () -> ()
      %while3A_184 = arith.constant 0 : i32
      scf.yield %while3A_184 : i32
    }
    %barrier3A_44 = arith.constant 0 : index
    tpu.barrier barrier_id(%barrier3A_44)
    %scan3A_45 = arith.constant 0 : i32
    %scan3A_46 = arith.constant 0 : i32
    %scan3A_47 = arith.constant 56 : i32
    %scan3A_48 = arith.addi %scan3A_46, %scan3A_47 : i32
    %scan3A_49 = arith.constant 1 : i32
    %scan3A_50 = scf.for %scan3A_169 = %scan3A_46 to %scan3A_48 step %scan3A_49 iter_args(%scan3A_170 = %scan3A_45) -> (i32)  : i32 {
      %mul3A_171 = arith.constant 112 : i32
      %mul3A_172 = arith.muli %scan3A_169, %mul3A_171 : i32
      %add3A_173 = arith.addi %mul3A_0, %mul3A_172 : i32
      "tpu.region"() ({
        %run_scoped3A = tpu.sem_alloc : memref<!tpu.dma_semaphore, #tpu.memory_space<semaphore_mem>>
        %dma_start3A = tpu.memref_slice %arg11[%add3A_173] : memref<100352xf32, #tpu.memory_space<vmem_shared>> -> memref<112xf32, #tpu.memory_space<vmem_shared>>
        %dma_start3A_182 = tpu.memref_slice %arg11[%add3A_173] : memref<100352xf32, #tpu.memory_space<vmem_shared>> -> memref<112xf32, #tpu.memory_space<vmem_shared>>
        tpu.enqueue_dma source(%dma_start3A_182 : memref<112xf32, #tpu.memory_space<vmem_shared>>) target(%arg22 : memref<112xf32, #tpu.memory_space<vmem>>) target_semaphore(%run_scoped3A : memref<!tpu.dma_semaphore, #tpu.memory_space<semaphore_mem>>)
        %dma_wait3A = tpu.memref_slice %arg11[%add3A_173] : memref<100352xf32, #tpu.memory_space<vmem_shared>> -> memref<112xf32, #tpu.memory_space<vmem_shared>>
        %dma_wait3A_183 = tpu.memref_slice %arg11[%add3A_173] : memref<100352xf32, #tpu.memory_space<vmem_shared>> -> memref<112xf32, #tpu.memory_space<vmem_shared>>
        tpu.wait_dma2 semaphore(%run_scoped3A : memref<!tpu.dma_semaphore, #tpu.memory_space<semaphore_mem>>) src(%dma_wait3A_183 : memref<112xf32, #tpu.memory_space<vmem_shared>>) dst(%arg22 : memref<112xf32, #tpu.memory_space<vmem>>)
        tpu.yield
      }) : () -> ()
      %scan3A_174 = arith.constant 0 : i32
      %scan3A_175 = arith.constant 0 : i32
      %scan3A_176 = arith.constant 7 : i32
      %scan3A_177 = arith.addi %scan3A_175, %scan3A_176 : i32
      %scan3A_178 = arith.constant 1 : i32
      %scan3A_179 = scf.for %scan3A_182 = %scan3A_175 to %scan3A_177 step %scan3A_178 iter_args(%scan3A_183 = %scan3A_174) -> (i32)  : i32 {
        %mul3A_184 = arith.constant 16 : i32
        %mul3A_185 = arith.muli %scan3A_182, %mul3A_184 : i32
        %get3A = arith.index_cast %mul3A_185 : i32 to index
        %get3A_186 = tpu.vector_load %arg22[%get3A] {strides = array<i32>} : memref<112xf32, #tpu.memory_space<vmem>>, vector<16xf32>,
        %bitcast_convert_type3A = tpu.bitcast %get3A_186 : vector<16xf32> -> vector<16xi32>
        %shift_right_arithmetic3A = arith.constant 1 : i32
        %shift_right_arithmetic3A_187 = vector.broadcast %shift_right_arithmetic3A : i32 to vector<16xi32>
        %shift_right_arithmetic3A_188 = arith.shrsi %bitcast_convert_type3A, %shift_right_arithmetic3A_187 : vector<16xi32>
        %sub3A = arith.constant 1597463007 : i32
        %sub3A_189 = vector.broadcast %sub3A : i32 to vector<16xi32>
        %sub3A_190 = arith.subi %sub3A_189, %shift_right_arithmetic3A_188 : vector<16xi32>
        %bitcast_convert_type3A_191 = tpu.bitcast %sub3A_190 : vector<16xi32> -> vector<16xf32>
        %mul3A_192 = arith.constant -5.000000e-01 : f32
        %mul3A_193 = vector.broadcast %mul3A_192 : f32 to vector<16xf32>
        %mul3A_194 = arith.mulf %mul3A_193, %get3A_186 : vector<16xf32>
        %mul3A_195 = arith.mulf %mul3A_194, %bitcast_convert_type3A_191 : vector<16xf32>
        %mul3A_196 = arith.mulf %mul3A_195, %bitcast_convert_type3A_191 : vector<16xf32>
        %add3A_197 = arith.constant 1.500000e+00 : f32
        %add3A_198 = vector.broadcast %add3A_197 : f32 to vector<16xf32>
        %add3A_199 = arith.addf %add3A_198, %mul3A_196 : vector<16xf32>
        %mul3A_200 = arith.mulf %bitcast_convert_type3A_191, %add3A_199 : vector<16xf32>
        %mul3A_201 = arith.mulf %mul3A_194, %mul3A_200 : vector<16xf32>
        %mul3A_202 = arith.mulf %mul3A_201, %mul3A_200 : vector<16xf32>
        %add3A_203 = arith.constant 1.500000e+00 : f32
        %add3A_204 = vector.broadcast %add3A_203 : f32 to vector<16xf32>
        %add3A_205 = arith.addf %add3A_204, %mul3A_202 : vector<16xf32>
        %mul3A_206 = arith.mulf %mul3A_200, %add3A_205 : vector<16xf32>
        %mul3A_207 = arith.mulf %mul3A_194, %mul3A_206 : vector<16xf32>
        %mul3A_208 = arith.mulf %mul3A_207, %mul3A_206 : vector<16xf32>
        %add3A_209 = arith.constant 1.500000e+00 : f32
        %add3A_210 = vector.broadcast %add3A_209 : f32 to vector<16xf32>
        %add3A_211 = arith.addf %add3A_210, %mul3A_208 : vector<16xf32>
        %mul3A_212 = arith.mulf %mul3A_206, %add3A_211 : vector<16xf32>
        %gt3A = arith.constant 0.000000e+00 : f32
        %gt3A_213 = vector.broadcast %gt3A : f32 to vector<16xf32>
        %gt3A_214 = arith.cmpf ogt, %get3A_186, %gt3A_213 : vector<16xf32>
        %jit3A_215 = arith.constant 0.000000e+00 : f32
        %broadcast_in_dim3A = vector.broadcast %jit3A_215 : f32 to vector<16xf32>
        %select_n3A_216 = arith.select %gt3A_214, %mul3A_212, %broadcast_in_dim3A : vector<16xi1>, vector<16xf32>
        %mul3A_217 = arith.constant 16 : i32
        %mul3A_218 = arith.muli %scan3A_182, %mul3A_217 : i32
        %swap3A = arith.index_cast %mul3A_218 : i32 to index
        %swap3A_219 = tpu.vector_load %arg22[%swap3A] {strides = array<i32>} : memref<112xf32, #tpu.memory_space<vmem>>, vector<16xf32>,
        tpu.vector_store %arg22[%swap3A], %select_n3A_216 {strides = array<i32>} : memref<112xf32, #tpu.memory_space<vmem>>, vector<16xf32>,
        %scan3A_220 = arith.constant 0 : i32
        scf.yield %scan3A_220 : i32
      }
      %scan3A_180 = arith.constant 7 : i32
      "tpu.region"() ({
        %run_scoped3A = tpu.sem_alloc : memref<!tpu.dma_semaphore, #tpu.memory_space<semaphore_mem>>
        %dma_start3A = tpu.memref_slice %arg11[%add3A_173] : memref<100352xf32, #tpu.memory_space<vmem_shared>> -> memref<112xf32, #tpu.memory_space<vmem_shared>>
        %dma_start3A_182 = tpu.memref_slice %arg11[%add3A_173] : memref<100352xf32, #tpu.memory_space<vmem_shared>> -> memref<112xf32, #tpu.memory_space<vmem_shared>>
        tpu.enqueue_dma source(%arg22 : memref<112xf32, #tpu.memory_space<vmem>>) target(%dma_start3A_182 : memref<112xf32, #tpu.memory_space<vmem_shared>>) target_semaphore(%run_scoped3A : memref<!tpu.dma_semaphore, #tpu.memory_space<semaphore_mem>>)
        %dma_wait3A = tpu.memref_slice %arg11[%add3A_173] : memref<100352xf32, #tpu.memory_space<vmem_shared>> -> memref<112xf32, #tpu.memory_space<vmem_shared>>
        %dma_wait3A_183 = tpu.memref_slice %arg11[%add3A_173] : memref<100352xf32, #tpu.memory_space<vmem_shared>> -> memref<112xf32, #tpu.memory_space<vmem_shared>>
        tpu.wait_dma2 semaphore(%run_scoped3A : memref<!tpu.dma_semaphore, #tpu.memory_space<semaphore_mem>>) src(%arg22 : memref<112xf32, #tpu.memory_space<vmem>>) dst(%dma_wait3A_183 : memref<112xf32, #tpu.memory_space<vmem_shared>>)
        tpu.yield
      }) : () -> ()
      %scan3A_181 = arith.constant 0 : i32
      scf.yield %scan3A_181 : i32
    }
    %scan3A_51 = arith.constant 56 : i32
    %scan3A_52 = arith.constant 0 : i32
    %scan3A_53 = arith.constant 0 : i32
    %scan3A_54 = arith.constant 56 : i32
    %scan3A_55 = arith.addi %scan3A_53, %scan3A_54 : i32
    %scan3A_56 = arith.constant 1 : i32
    %scan3A_57 = scf.for %scan3A_169 = %scan3A_53 to %scan3A_55 step %scan3A_56 iter_args(%scan3A_170 = %scan3A_52) -> (i32)  : i32 {
      %mul3A_171 = arith.constant 112 : i32
      %mul3A_172 = arith.muli %scan3A_169, %mul3A_171 : i32
      %add3A_173 = arith.addi %mul3A_0, %mul3A_172 : i32
      "tpu.region"() ({
        %run_scoped3A = tpu.sem_alloc : memref<!tpu.dma_semaphore, #tpu.memory_space<semaphore_mem>>
        %dma_start3A = tpu.memref_slice %arg12[%add3A_173] : memref<100352xf32, #tpu.memory_space<vmem_shared>> -> memref<112xf32, #tpu.memory_space<vmem_shared>>
        %dma_start3A_182 = tpu.memref_slice %arg12[%add3A_173] : memref<100352xf32, #tpu.memory_space<vmem_shared>> -> memref<112xf32, #tpu.memory_space<vmem_shared>>
        tpu.enqueue_dma source(%dma_start3A_182 : memref<112xf32, #tpu.memory_space<vmem_shared>>) target(%arg22 : memref<112xf32, #tpu.memory_space<vmem>>) target_semaphore(%run_scoped3A : memref<!tpu.dma_semaphore, #tpu.memory_space<semaphore_mem>>)
        %dma_wait3A = tpu.memref_slice %arg12[%add3A_173] : memref<100352xf32, #tpu.memory_space<vmem_shared>> -> memref<112xf32, #tpu.memory_space<vmem_shared>>
        %dma_wait3A_183 = tpu.memref_slice %arg12[%add3A_173] : memref<100352xf32, #tpu.memory_space<vmem_shared>> -> memref<112xf32, #tpu.memory_space<vmem_shared>>
        tpu.wait_dma2 semaphore(%run_scoped3A : memref<!tpu.dma_semaphore, #tpu.memory_space<semaphore_mem>>) src(%dma_wait3A_183 : memref<112xf32, #tpu.memory_space<vmem_shared>>) dst(%arg22 : memref<112xf32, #tpu.memory_space<vmem>>)
        tpu.yield
      }) : () -> ()
      %scan3A_174 = arith.constant 0 : i32
      %scan3A_175 = arith.constant 0 : i32
      %scan3A_176 = arith.constant 7 : i32
      %scan3A_177 = arith.addi %scan3A_175, %scan3A_176 : i32
      %scan3A_178 = arith.constant 1 : i32
      %scan3A_179 = scf.for %scan3A_182 = %scan3A_175 to %scan3A_177 step %scan3A_178 iter_args(%scan3A_183 = %scan3A_174) -> (i32)  : i32 {
        %mul3A_184 = arith.constant 16 : i32
        %mul3A_185 = arith.muli %scan3A_182, %mul3A_184 : i32
        %get3A = arith.index_cast %mul3A_185 : i32 to index
        %get3A_186 = tpu.vector_load %arg22[%get3A] {strides = array<i32>} : memref<112xf32, #tpu.memory_space<vmem>>, vector<16xf32>,
        %bitcast_convert_type3A = tpu.bitcast %get3A_186 : vector<16xf32> -> vector<16xi32>
        %shift_right_arithmetic3A = arith.constant 1 : i32
        %shift_right_arithmetic3A_187 = vector.broadcast %shift_right_arithmetic3A : i32 to vector<16xi32>
        %shift_right_arithmetic3A_188 = arith.shrsi %bitcast_convert_type3A, %shift_right_arithmetic3A_187 : vector<16xi32>
        %sub3A = arith.constant 1597463007 : i32
        %sub3A_189 = vector.broadcast %sub3A : i32 to vector<16xi32>
        %sub3A_190 = arith.subi %sub3A_189, %shift_right_arithmetic3A_188 : vector<16xi32>
        %bitcast_convert_type3A_191 = tpu.bitcast %sub3A_190 : vector<16xi32> -> vector<16xf32>
        %mul3A_192 = arith.constant -5.000000e-01 : f32
        %mul3A_193 = vector.broadcast %mul3A_192 : f32 to vector<16xf32>
        %mul3A_194 = arith.mulf %mul3A_193, %get3A_186 : vector<16xf32>
        %mul3A_195 = arith.mulf %mul3A_194, %bitcast_convert_type3A_191 : vector<16xf32>
        %mul3A_196 = arith.mulf %mul3A_195, %bitcast_convert_type3A_191 : vector<16xf32>
        %add3A_197 = arith.constant 1.500000e+00 : f32
        %add3A_198 = vector.broadcast %add3A_197 : f32 to vector<16xf32>
        %add3A_199 = arith.addf %add3A_198, %mul3A_196 : vector<16xf32>
        %mul3A_200 = arith.mulf %bitcast_convert_type3A_191, %add3A_199 : vector<16xf32>
        %mul3A_201 = arith.mulf %mul3A_194, %mul3A_200 : vector<16xf32>
        %mul3A_202 = arith.mulf %mul3A_201, %mul3A_200 : vector<16xf32>
        %add3A_203 = arith.constant 1.500000e+00 : f32
        %add3A_204 = vector.broadcast %add3A_203 : f32 to vector<16xf32>
        %add3A_205 = arith.addf %add3A_204, %mul3A_202 : vector<16xf32>
        %mul3A_206 = arith.mulf %mul3A_200, %add3A_205 : vector<16xf32>
        %mul3A_207 = arith.mulf %mul3A_194, %mul3A_206 : vector<16xf32>
        %mul3A_208 = arith.mulf %mul3A_207, %mul3A_206 : vector<16xf32>
        %add3A_209 = arith.constant 1.500000e+00 : f32
        %add3A_210 = vector.broadcast %add3A_209 : f32 to vector<16xf32>
        %add3A_211 = arith.addf %add3A_210, %mul3A_208 : vector<16xf32>
        %mul3A_212 = arith.mulf %mul3A_206, %add3A_211 : vector<16xf32>
        %gt3A = arith.constant 0.000000e+00 : f32
        %gt3A_213 = vector.broadcast %gt3A : f32 to vector<16xf32>
        %gt3A_214 = arith.cmpf ogt, %get3A_186, %gt3A_213 : vector<16xf32>
        %jit3A_215 = arith.constant 0.000000e+00 : f32
        %broadcast_in_dim3A = vector.broadcast %jit3A_215 : f32 to vector<16xf32>
        %select_n3A_216 = arith.select %gt3A_214, %mul3A_212, %broadcast_in_dim3A : vector<16xi1>, vector<16xf32>
        %mul3A_217 = arith.constant 16 : i32
        %mul3A_218 = arith.muli %scan3A_182, %mul3A_217 : i32
        %swap3A = arith.index_cast %mul3A_218 : i32 to index
        %swap3A_219 = tpu.vector_load %arg22[%swap3A] {strides = array<i32>} : memref<112xf32, #tpu.memory_space<vmem>>, vector<16xf32>,
        tpu.vector_store %arg22[%swap3A], %select_n3A_216 {strides = array<i32>} : memref<112xf32, #tpu.memory_space<vmem>>, vector<16xf32>,
        %scan3A_220 = arith.constant 0 : i32
        scf.yield %scan3A_220 : i32
      }
      %scan3A_180 = arith.constant 7 : i32
      "tpu.region"() ({
        %run_scoped3A = tpu.sem_alloc : memref<!tpu.dma_semaphore, #tpu.memory_space<semaphore_mem>>
        %dma_start3A = tpu.memref_slice %arg12[%add3A_173] : memref<100352xf32, #tpu.memory_space<vmem_shared>> -> memref<112xf32, #tpu.memory_space<vmem_shared>>
        %dma_start3A_182 = tpu.memref_slice %arg12[%add3A_173] : memref<100352xf32, #tpu.memory_space<vmem_shared>> -> memref<112xf32, #tpu.memory_space<vmem_shared>>
        tpu.enqueue_dma source(%arg22 : memref<112xf32, #tpu.memory_space<vmem>>) target(%dma_start3A_182 : memref<112xf32, #tpu.memory_space<vmem_shared>>) target_semaphore(%run_scoped3A : memref<!tpu.dma_semaphore, #tpu.memory_space<semaphore_mem>>)
        %dma_wait3A = tpu.memref_slice %arg12[%add3A_173] : memref<100352xf32, #tpu.memory_space<vmem_shared>> -> memref<112xf32, #tpu.memory_space<vmem_shared>>
        %dma_wait3A_183 = tpu.memref_slice %arg12[%add3A_173] : memref<100352xf32, #tpu.memory_space<vmem_shared>> -> memref<112xf32, #tpu.memory_space<vmem_shared>>
        tpu.wait_dma2 semaphore(%run_scoped3A : memref<!tpu.dma_semaphore, #tpu.memory_space<semaphore_mem>>) src(%arg22 : memref<112xf32, #tpu.memory_space<vmem>>) dst(%dma_wait3A_183 : memref<112xf32, #tpu.memory_space<vmem_shared>>)
        tpu.yield
      }) : () -> ()
      %scan3A_181 = arith.constant 0 : i32
      scf.yield %scan3A_181 : i32
    }
    %scan3A_58 = arith.constant 56 : i32
    %barrier3A_59 = arith.constant 0 : index
    tpu.barrier barrier_id(%barrier3A_59)
    %scan3A_60 = arith.constant 0 : i32
    %scan3A_61 = arith.constant 0 : i32
    %scan3A_62 = arith.constant 56 : i32
    %scan3A_63 = arith.addi %scan3A_61, %scan3A_62 : i32
    %scan3A_64 = arith.constant 1 : i32
    %scan3A_65 = scf.for %scan3A_169 = %scan3A_61 to %scan3A_63 step %scan3A_64 iter_args(%scan3A_170 = %scan3A_60) -> (i32)  : i32 {
      %mul3A_171 = arith.constant 112 : i32
      %mul3A_172 = arith.muli %scan3A_169, %mul3A_171 : i32
      %add3A_173 = arith.addi %mul3A_0, %mul3A_172 : i32
      "tpu.region"() ({
        %run_scoped3A = tpu.sem_alloc : memref<!tpu.dma_semaphore, #tpu.memory_space<semaphore_mem>>
        %dma_start3A = arith.constant 0 : i32
        %dma_start3A_185 = tpu.memref_slice %arg4[%arg0, %add3A_173, %dma_start3A] : memref<2x100352x16xf32, #tpu.memory_space<hbm>> -> memref<1x112x16xf32, #tpu.memory_space<hbm>>
        %dma_start3A_186 = tpu.memref_squeeze %dma_start3A_185 : memref<1x112x16xf32, #tpu.memory_space<hbm>> -> memref<112x16xf32, #tpu.memory_space<hbm>>
        %dma_start3A_187 = arith.constant 0 : i32
        %dma_start3A_188 = tpu.memref_slice %arg4[%arg0, %add3A_173, %dma_start3A_187] : memref<2x100352x16xf32, #tpu.memory_space<hbm>> -> memref<1x112x16xf32, #tpu.memory_space<hbm>>
        %dma_start3A_189 = tpu.memref_squeeze %dma_start3A_188 : memref<1x112x16xf32, #tpu.memory_space<hbm>> -> memref<112x16xf32, #tpu.memory_space<hbm>>
        tpu.enqueue_dma source(%dma_start3A_189 : memref<112x16xf32, #tpu.memory_space<hbm>>) target(%arg17 : memref<112x16xf32, #tpu.memory_space<vmem>>) target_semaphore(%run_scoped3A : memref<!tpu.dma_semaphore, #tpu.memory_space<semaphore_mem>>)
        %dma_wait3A = arith.constant 0 : i32
        %dma_wait3A_190 = tpu.memref_slice %arg4[%arg0, %add3A_173, %dma_wait3A] : memref<2x100352x16xf32, #tpu.memory_space<hbm>> -> memref<1x112x16xf32, #tpu.memory_space<hbm>>
        %dma_wait3A_191 = tpu.memref_squeeze %dma_wait3A_190 : memref<1x112x16xf32, #tpu.memory_space<hbm>> -> memref<112x16xf32, #tpu.memory_space<hbm>>
        %dma_wait3A_192 = arith.constant 0 : i32
        %dma_wait3A_193 = tpu.memref_slice %arg4[%arg0, %add3A_173, %dma_wait3A_192] : memref<2x100352x16xf32, #tpu.memory_space<hbm>> -> memref<1x112x16xf32, #tpu.memory_space<hbm>>
        %dma_wait3A_194 = tpu.memref_squeeze %dma_wait3A_193 : memref<1x112x16xf32, #tpu.memory_space<hbm>> -> memref<112x16xf32, #tpu.memory_space<hbm>>
        tpu.wait_dma2 semaphore(%run_scoped3A : memref<!tpu.dma_semaphore, #tpu.memory_space<semaphore_mem>>) src(%dma_wait3A_194 : memref<112x16xf32, #tpu.memory_space<hbm>>) dst(%arg17 : memref<112x16xf32, #tpu.memory_space<vmem>>)
        tpu.yield
      }) : () -> ()
      "tpu.region"() ({
        %run_scoped3A = tpu.sem_alloc : memref<!tpu.dma_semaphore, #tpu.memory_space<semaphore_mem>>
        %dma_start3A = tpu.memref_slice %arg12[%add3A_173] : memref<100352xf32, #tpu.memory_space<vmem_shared>> -> memref<112xf32, #tpu.memory_space<vmem_shared>>
        %dma_start3A_185 = tpu.memref_slice %arg12[%add3A_173] : memref<100352xf32, #tpu.memory_space<vmem_shared>> -> memref<112xf32, #tpu.memory_space<vmem_shared>>
        tpu.enqueue_dma source(%dma_start3A_185 : memref<112xf32, #tpu.memory_space<vmem_shared>>) target(%arg23 : memref<112xf32, #tpu.memory_space<vmem>>) target_semaphore(%run_scoped3A : memref<!tpu.dma_semaphore, #tpu.memory_space<semaphore_mem>>)
        %dma_wait3A = tpu.memref_slice %arg12[%add3A_173] : memref<100352xf32, #tpu.memory_space<vmem_shared>> -> memref<112xf32, #tpu.memory_space<vmem_shared>>
        %dma_wait3A_186 = tpu.memref_slice %arg12[%add3A_173] : memref<100352xf32, #tpu.memory_space<vmem_shared>> -> memref<112xf32, #tpu.memory_space<vmem_shared>>
        tpu.wait_dma2 semaphore(%run_scoped3A : memref<!tpu.dma_semaphore, #tpu.memory_space<semaphore_mem>>) src(%dma_wait3A_186 : memref<112xf32, #tpu.memory_space<vmem_shared>>) dst(%arg23 : memref<112xf32, #tpu.memory_space<vmem>>)
        tpu.yield
      }) : () -> ()
      %scan3A_174 = arith.constant 0 : i32
      %scan3A_175 = arith.constant 0 : i32
      %scan3A_176 = arith.constant 112 : i32
      %scan3A_177 = arith.addi %scan3A_175, %scan3A_176 : i32
      %scan3A_178 = arith.constant 1 : i32
      %scan3A_179 = scf.for %scan3A_185 = %scan3A_175 to %scan3A_177 step %scan3A_178 iter_args(%scan3A_186 = %scan3A_174) -> (i32)  : i32 {
        %broadcast_in_dim3A = arith.constant 0 : i32
        %broadcast_in_dim3A_187 = vector.broadcast %broadcast_in_dim3A : i32 to vector<16xi32>
        %add3A_188 = vector.broadcast %scan3A_185 : i32 to vector<16xi32>
        %add3A_189 = arith.addi %broadcast_in_dim3A_187, %add3A_188 : vector<16xi32>
        %gather3A = tpu.vector_load_idx %arg23[%add3A_189] : memref<112xf32, #tpu.memory_space<vmem>>[vector<16xi32>], vector<16xf32>,
        %get3A = arith.index_cast %scan3A_185 : i32 to index
        %get3A_190 = arith.constant 0 : index
        %get3A_191 = tpu.vector_load %arg17[%get3A, %get3A_190] {strides = array<i32>} : memref<112x16xf32, #tpu.memory_space<vmem>>, vector<16xf32>,
        %mul3A_192 = arith.mulf %get3A_191, %gather3A : vector<16xf32>
        %swap3A = arith.index_cast %scan3A_185 : i32 to index
        %swap3A_193 = arith.constant 0 : index
        %swap3A_194 = tpu.vector_load %arg19[%swap3A, %swap3A_193] {strides = array<i32>} : memref<112x16xf32, #tpu.memory_space<vmem>>, vector<16xf32>,
        tpu.vector_store %arg19[%swap3A, %swap3A_193], %mul3A_192 {strides = array<i32>} : memref<112x16xf32, #tpu.memory_space<vmem>>, vector<16xf32>,
        %scan3A_195 = arith.constant 0 : i32
        scf.yield %scan3A_195 : i32
      }
      %scan3A_180 = arith.constant 112 : i32
      %mul3A_181 = arith.constant 100352 : i32
      %mul3A_182 = arith.muli %arg0, %mul3A_181 : i32
      %add3A_183 = arith.addi %mul3A_182, %add3A_173 : i32
      "tpu.region"() ({
        %run_scoped3A = tpu.sem_alloc : memref<!tpu.dma_semaphore, #tpu.memory_space<semaphore_mem>>
        %dma_start3A = arith.constant 0 : i32
        %dma_start3A_185 = tpu.memref_slice %arg6[%add3A_183, %dma_start3A] : memref<200704x16xf32, #tpu.memory_space<hbm>> -> memref<112x16xf32, #tpu.memory_space<hbm>>
        %dma_start3A_186 = arith.constant 0 : i32
        %dma_start3A_187 = tpu.memref_slice %arg6[%add3A_183, %dma_start3A_186] : memref<200704x16xf32, #tpu.memory_space<hbm>> -> memref<112x16xf32, #tpu.memory_space<hbm>>
        tpu.enqueue_dma source(%arg19 : memref<112x16xf32, #tpu.memory_space<vmem>>) target(%dma_start3A_187 : memref<112x16xf32, #tpu.memory_space<hbm>>) target_semaphore(%run_scoped3A : memref<!tpu.dma_semaphore, #tpu.memory_space<semaphore_mem>>)
        %dma_wait3A = arith.constant 0 : i32
        %dma_wait3A_188 = tpu.memref_slice %arg6[%add3A_183, %dma_wait3A] : memref<200704x16xf32, #tpu.memory_space<hbm>> -> memref<112x16xf32, #tpu.memory_space<hbm>>
        %dma_wait3A_189 = arith.constant 0 : i32
        %dma_wait3A_190 = tpu.memref_slice %arg6[%add3A_183, %dma_wait3A_189] : memref<200704x16xf32, #tpu.memory_space<hbm>> -> memref<112x16xf32, #tpu.memory_space<hbm>>
        tpu.wait_dma2 semaphore(%run_scoped3A : memref<!tpu.dma_semaphore, #tpu.memory_space<semaphore_mem>>) src(%arg19 : memref<112x16xf32, #tpu.memory_space<vmem>>) dst(%dma_wait3A_190 : memref<112x16xf32, #tpu.memory_space<hbm>>)
        tpu.yield
      }) : () -> ()
      %scan3A_184 = arith.constant 0 : i32
      scf.yield %scan3A_184 : i32
    }
    %scan3A_66 = arith.constant 56 : i32
    %barrier3A_67 = arith.constant 0 : index
    tpu.barrier barrier_id(%barrier3A_67)
    %scan3A_68 = arith.constant 0 : i32
    %scan3A_69 = arith.constant 0 : i32
    %scan3A_70 = arith.constant 56 : i32
    %scan3A_71 = arith.addi %scan3A_69, %scan3A_70 : i32
    %scan3A_72 = arith.constant 1 : i32
    %scan3A_73 = scf.for %scan3A_169 = %scan3A_69 to %scan3A_71 step %scan3A_72 iter_args(%scan3A_170 = %scan3A_68) -> (i32)  : i32 {
      %mul3A_171 = arith.constant 112 : i32
      %mul3A_172 = arith.muli %scan3A_169, %mul3A_171 : i32
      %add3A_173 = arith.addi %mul3A_0, %mul3A_172 : i32
      "tpu.region"() ({
        %run_scoped3A = tpu.sem_alloc : memref<!tpu.dma_semaphore, #tpu.memory_space<semaphore_mem>>
        %dma_start3A = arith.constant 0 : i32
        %dma_start3A_175 = tpu.memref_slice %arg10[%add3A_173, %dma_start3A] : memref<100352x16xf32, #tpu.memory_space<vmem_shared>> -> memref<112x16xf32, #tpu.memory_space<vmem_shared>>
        %dma_start3A_176 = arith.constant 0 : i32
        %dma_start3A_177 = tpu.memref_slice %arg10[%add3A_173, %dma_start3A_176] : memref<100352x16xf32, #tpu.memory_space<vmem_shared>> -> memref<112x16xf32, #tpu.memory_space<vmem_shared>>
        tpu.enqueue_dma source(%arg18 : memref<112x16xf32, #tpu.memory_space<vmem>>) target(%dma_start3A_177 : memref<112x16xf32, #tpu.memory_space<vmem_shared>>) target_semaphore(%run_scoped3A : memref<!tpu.dma_semaphore, #tpu.memory_space<semaphore_mem>>)
        %dma_wait3A = arith.constant 0 : i32
        %dma_wait3A_178 = tpu.memref_slice %arg10[%add3A_173, %dma_wait3A] : memref<100352x16xf32, #tpu.memory_space<vmem_shared>> -> memref<112x16xf32, #tpu.memory_space<vmem_shared>>
        %dma_wait3A_179 = arith.constant 0 : i32
        %dma_wait3A_180 = tpu.memref_slice %arg10[%add3A_173, %dma_wait3A_179] : memref<100352x16xf32, #tpu.memory_space<vmem_shared>> -> memref<112x16xf32, #tpu.memory_space<vmem_shared>>
        tpu.wait_dma2 semaphore(%run_scoped3A : memref<!tpu.dma_semaphore, #tpu.memory_space<semaphore_mem>>) src(%arg18 : memref<112x16xf32, #tpu.memory_space<vmem>>) dst(%dma_wait3A_180 : memref<112x16xf32, #tpu.memory_space<vmem_shared>>)
        tpu.yield
      }) : () -> ()
      %scan3A_174 = arith.constant 0 : i32
      scf.yield %scan3A_174 : i32
    }
    %scan3A_74 = arith.constant 56 : i32
    %barrier3A_75 = arith.constant 0 : index
    tpu.barrier barrier_id(%barrier3A_75)
    %while3A_76 = arith.constant 0 : i32
    %while3A_77 = arith.constant 0 : i32
    %while3A_78 = arith.subi %select_n3A, %while3A_76 : i32
    %while3A_79 = arith.addi %while3A_76, %while3A_78 : i32
    %while3A_80 = arith.constant 1 : i32
    %while3A_81 = arith.divsi %while3A_78, %while3A_80 : i32
    %while3A_82 = arith.muli %while3A_81, %while3A_80 : i32
    %while3A_83 = arith.addi %while3A_76, %while3A_82 : i32
    %while3A_84 = arith.constant 1 : i32
    %while3A_85 = scf.for %while3A_169 = %while3A_76 to %while3A_83 step %while3A_84 iter_args(%while3A_170 = %while3A_77) -> (i32)  : i32 {
      %add3A_171 = arith.addi %add3A, %while3A_169 : i32
      %mul3A_172 = arith.constant 4 : i32
      %mul3A_173 = arith.muli %add3A_171, %mul3A_172 : i32
      "tpu.region"() ({
        %run_scoped3A_234 = tpu.sem_alloc : memref<!tpu.dma_semaphore, #tpu.memory_space<semaphore_mem>>
        %dma_start3A_235 = arith.constant 0 : i32
        %dma_start3A_236 = tpu.memref_slice %arg3[%mul3A_173, %dma_start3A_235] : memref<12500x128xi32, #tpu.memory_space<hbm>> -> memref<4x128xi32, #tpu.memory_space<hbm>>
        %dma_start3A_237 = arith.constant 0 : i32
        %dma_start3A_238 = tpu.memref_slice %arg3[%mul3A_173, %dma_start3A_237] : memref<12500x128xi32, #tpu.memory_space<hbm>> -> memref<4x128xi32, #tpu.memory_space<hbm>>
        tpu.enqueue_dma source(%dma_start3A_238 : memref<4x128xi32, #tpu.memory_space<hbm>>) target(%arg13 : memref<4x128xi32, #tpu.memory_space<vmem>>) target_semaphore(%run_scoped3A_234 : memref<!tpu.dma_semaphore, #tpu.memory_space<semaphore_mem>>)
        %dma_wait3A_239 = arith.constant 0 : i32
        %dma_wait3A_240 = tpu.memref_slice %arg3[%mul3A_173, %dma_wait3A_239] : memref<12500x128xi32, #tpu.memory_space<hbm>> -> memref<4x128xi32, #tpu.memory_space<hbm>>
        %dma_wait3A_241 = arith.constant 0 : i32
        %dma_wait3A_242 = tpu.memref_slice %arg3[%mul3A_173, %dma_wait3A_241] : memref<12500x128xi32, #tpu.memory_space<hbm>> -> memref<4x128xi32, #tpu.memory_space<hbm>>
        tpu.wait_dma2 semaphore(%run_scoped3A_234 : memref<!tpu.dma_semaphore, #tpu.memory_space<semaphore_mem>>) src(%dma_wait3A_242 : memref<4x128xi32, #tpu.memory_space<hbm>>) dst(%arg13 : memref<4x128xi32, #tpu.memory_space<vmem>>)
        tpu.yield
      }) : () -> ()
      %mul3A_174 = arith.constant 4 : i32
      %mul3A_175 = arith.muli %add3A_171, %mul3A_174 : i32
      "tpu.region"() ({
        %run_scoped3A_234 = tpu.sem_alloc : memref<!tpu.dma_semaphore, #tpu.memory_space<semaphore_mem>>
        %dma_start3A_235 = arith.constant 0 : i32
        %dma_start3A_236 = tpu.memref_slice %arg2[%arg0, %mul3A_175, %dma_start3A_235] : memref<2x12500x128xi32, #tpu.memory_space<hbm>> -> memref<1x4x128xi32, #tpu.memory_space<hbm>>
        %dma_start3A_237 = tpu.memref_squeeze %dma_start3A_236 : memref<1x4x128xi32, #tpu.memory_space<hbm>> -> memref<4x128xi32, #tpu.memory_space<hbm>>
        %dma_start3A_238 = arith.constant 0 : i32
        %dma_start3A_239 = tpu.memref_slice %arg2[%arg0, %mul3A_175, %dma_start3A_238] : memref<2x12500x128xi32, #tpu.memory_space<hbm>> -> memref<1x4x128xi32, #tpu.memory_space<hbm>>
        %dma_start3A_240 = tpu.memref_squeeze %dma_start3A_239 : memref<1x4x128xi32, #tpu.memory_space<hbm>> -> memref<4x128xi32, #tpu.memory_space<hbm>>
        tpu.enqueue_dma source(%dma_start3A_240 : memref<4x128xi32, #tpu.memory_space<hbm>>) target(%arg14 : memref<4x128xi32, #tpu.memory_space<vmem>>) target_semaphore(%run_scoped3A_234 : memref<!tpu.dma_semaphore, #tpu.memory_space<semaphore_mem>>)
        %dma_wait3A_241 = arith.constant 0 : i32
        %dma_wait3A_242 = tpu.memref_slice %arg2[%arg0, %mul3A_175, %dma_wait3A_241] : memref<2x12500x128xi32, #tpu.memory_space<hbm>> -> memref<1x4x128xi32, #tpu.memory_space<hbm>>
        %dma_wait3A_243 = tpu.memref_squeeze %dma_wait3A_242 : memref<1x4x128xi32, #tpu.memory_space<hbm>> -> memref<4x128xi32, #tpu.memory_space<hbm>>
        %dma_wait3A_244 = arith.constant 0 : i32
        %dma_wait3A_245 = tpu.memref_slice %arg2[%arg0, %mul3A_175, %dma_wait3A_244] : memref<2x12500x128xi32, #tpu.memory_space<hbm>> -> memref<1x4x128xi32, #tpu.memory_space<hbm>>
        %dma_wait3A_246 = tpu.memref_squeeze %dma_wait3A_245 : memref<1x4x128xi32, #tpu.memory_space<hbm>> -> memref<4x128xi32, #tpu.memory_space<hbm>>
        tpu.wait_dma2 semaphore(%run_scoped3A_234 : memref<!tpu.dma_semaphore, #tpu.memory_space<semaphore_mem>>) src(%dma_wait3A_246 : memref<4x128xi32, #tpu.memory_space<hbm>>) dst(%arg14 : memref<4x128xi32, #tpu.memory_space<vmem>>)
        tpu.yield
      }) : () -> ()
      %dma_start3A = arith.constant 0 : i32
      %dma_start3A_176 = arith.constant 0 : i32
      %dma_start3A_177 = tpu.memref_slice %arg14[%dma_start3A, %dma_start3A_176] : memref<4x128xi32, #tpu.memory_space<vmem>> -> memref<1x128xi32, #tpu.memory_space<vmem>>
      %dma_start3A_178 = tpu.memref_squeeze %dma_start3A_177 : memref<1x128xi32, #tpu.memory_space<vmem>> -> memref<128xi32, #tpu.memory_space<vmem>>
      %dma_start3A_179 = arith.constant 0 : i32
      %dma_start3A_180 = arith.constant 0 : i32
      %dma_start3A_181 = tpu.memref_slice %arg6[%dma_start3A_179, %dma_start3A_180] : memref<200704x16xf32, #tpu.memory_space<hbm>> -> memref<200704x16xf32, #tpu.memory_space<hbm>>
      tpu.enqueue_indirect_dma source(%dma_start3A_181 : memref<200704x16xf32, #tpu.memory_space<hbm>>) target(%arg15 : memref<128x16xf32, #tpu.memory_space<vmem>>) offsets(%dma_start3A_178 : memref<128xi32, #tpu.memory_space<vmem>>) semaphore(%arg24 : memref<!tpu.dma_semaphore, #tpu.memory_space<semaphore_mem>>)
      %dma_wait3A = arith.constant 0 : i32
      %dma_wait3A_182 = arith.constant 0 : i32
      %dma_wait3A_183 = tpu.memref_slice %arg14[%dma_wait3A, %dma_wait3A_182] : memref<4x128xi32, #tpu.memory_space<vmem>> -> memref<1x128xi32, #tpu.memory_space<vmem>>
      %dma_wait3A_184 = tpu.memref_squeeze %dma_wait3A_183 : memref<1x128xi32, #tpu.memory_space<vmem>> -> memref<128xi32, #tpu.memory_space<vmem>>
      %dma_wait3A_185 = arith.constant 0 : i32
      %dma_wait3A_186 = arith.constant 0 : i32
      %dma_wait3A_187 = tpu.memref_slice %arg6[%dma_wait3A_185, %dma_wait3A_186] : memref<200704x16xf32, #tpu.memory_space<hbm>> -> memref<200704x16xf32, #tpu.memory_space<hbm>>
      tpu.wait_indirect_dma semaphore(%arg24 : memref<!tpu.dma_semaphore, #tpu.memory_space<semaphore_mem>>) src(%dma_wait3A_187 : memref<200704x16xf32, #tpu.memory_space<hbm>>) dst(%arg15 : memref<128x16xf32, #tpu.memory_space<vmem>>)
      %run_scoped3A = arith.constant 0 : i32
      "tpu.region"() ({
        %run_scoped3A_234 = tpu.sem_alloc : memref<!tpu.dma_semaphore, #tpu.memory_space<semaphore_mem>>
        %dma_start3A_235 = arith.constant 0 : i32
        %dma_start3A_236 = tpu.memref_slice %arg13[%run_scoped3A, %dma_start3A_235] : memref<4x128xi32, #tpu.memory_space<vmem>> -> memref<1x128xi32, #tpu.memory_space<vmem>>
        %dma_start3A_237 = tpu.memref_squeeze %dma_start3A_236 : memref<1x128xi32, #tpu.memory_space<vmem>> -> memref<128xi32, #tpu.memory_space<vmem>>
        %dma_start3A_238 = arith.constant 0 : i32
        %dma_start3A_239 = arith.constant 0 : i32
        %dma_start3A_240 = tpu.memref_slice %arg10[%dma_start3A_238, %dma_start3A_239] : memref<100352x16xf32, #tpu.memory_space<vmem_shared>> -> memref<100352x16xf32, #tpu.memory_space<vmem_shared>>
        tpu.enqueue_indirect_dma source(%arg15 : memref<128x16xf32, #tpu.memory_space<vmem>>) target(%dma_start3A_240 : memref<100352x16xf32, #tpu.memory_space<vmem_shared>>) offsets(%dma_start3A_237 : memref<128xi32, #tpu.memory_space<vmem>>) semaphore(%run_scoped3A_234 : memref<!tpu.dma_semaphore, #tpu.memory_space<semaphore_mem>>) {add = true}
        %dma_wait3A_241 = arith.constant 0 : i32
        %dma_wait3A_242 = tpu.memref_slice %arg13[%run_scoped3A, %dma_wait3A_241] : memref<4x128xi32, #tpu.memory_space<vmem>> -> memref<1x128xi32, #tpu.memory_space<vmem>>
        %dma_wait3A_243 = tpu.memref_squeeze %dma_wait3A_242 : memref<1x128xi32, #tpu.memory_space<vmem>> -> memref<128xi32, #tpu.memory_space<vmem>>
        %dma_wait3A_244 = arith.constant 0 : i32
        %dma_wait3A_245 = arith.constant 0 : i32
        %dma_wait3A_246 = tpu.memref_slice %arg10[%dma_wait3A_244, %dma_wait3A_245] : memref<100352x16xf32, #tpu.memory_space<vmem_shared>> -> memref<100352x16xf32, #tpu.memory_space<vmem_shared>>
        tpu.wait_indirect_dma semaphore(%run_scoped3A_234 : memref<!tpu.dma_semaphore, #tpu.memory_space<semaphore_mem>>) src(%arg15 : memref<128x16xf32, #tpu.memory_space<vmem>>) dst(%dma_wait3A_246 : memref<100352x16xf32, #tpu.memory_space<vmem_shared>>)
        tpu.yield
      }) : () -> ()
      %dma_start3A_188 = arith.constant 1 : i32
      %dma_start3A_189 = arith.constant 0 : i32
      %dma_start3A_190 = tpu.memref_slice %arg14[%dma_start3A_188, %dma_start3A_189] : memref<4x128xi32, #tpu.memory_space<vmem>> -> memref<1x128xi32, #tpu.memory_space<vmem>>
      %dma_start3A_191 = tpu.memref_squeeze %dma_start3A_190 : memref<1x128xi32, #tpu.memory_space<vmem>> -> memref<128xi32, #tpu.memory_space<vmem>>
      %dma_start3A_192 = arith.constant 0 : i32
      %dma_start3A_193 = arith.constant 0 : i32
      %dma_start3A_194 = tpu.memref_slice %arg6[%dma_start3A_192, %dma_start3A_193] : memref<200704x16xf32, #tpu.memory_space<hbm>> -> memref<200704x16xf32, #tpu.memory_space<hbm>>
      tpu.enqueue_indirect_dma source(%dma_start3A_194 : memref<200704x16xf32, #tpu.memory_space<hbm>>) target(%arg15 : memref<128x16xf32, #tpu.memory_space<vmem>>) offsets(%dma_start3A_191 : memref<128xi32, #tpu.memory_space<vmem>>) semaphore(%arg24 : memref<!tpu.dma_semaphore, #tpu.memory_space<semaphore_mem>>)
      %dma_wait3A_195 = arith.constant 1 : i32
      %dma_wait3A_196 = arith.constant 0 : i32
      %dma_wait3A_197 = tpu.memref_slice %arg14[%dma_wait3A_195, %dma_wait3A_196] : memref<4x128xi32, #tpu.memory_space<vmem>> -> memref<1x128xi32, #tpu.memory_space<vmem>>
      %dma_wait3A_198 = tpu.memref_squeeze %dma_wait3A_197 : memref<1x128xi32, #tpu.memory_space<vmem>> -> memref<128xi32, #tpu.memory_space<vmem>>
      %dma_wait3A_199 = arith.constant 0 : i32
      %dma_wait3A_200 = arith.constant 0 : i32
      %dma_wait3A_201 = tpu.memref_slice %arg6[%dma_wait3A_199, %dma_wait3A_200] : memref<200704x16xf32, #tpu.memory_space<hbm>> -> memref<200704x16xf32, #tpu.memory_space<hbm>>
      tpu.wait_indirect_dma semaphore(%arg24 : memref<!tpu.dma_semaphore, #tpu.memory_space<semaphore_mem>>) src(%dma_wait3A_201 : memref<200704x16xf32, #tpu.memory_space<hbm>>) dst(%arg15 : memref<128x16xf32, #tpu.memory_space<vmem>>)
      %run_scoped3A_202 = arith.constant 1 : i32
      "tpu.region"() ({
        %run_scoped3A_234 = tpu.sem_alloc : memref<!tpu.dma_semaphore, #tpu.memory_space<semaphore_mem>>
        %dma_start3A_235 = arith.constant 0 : i32
        %dma_start3A_236 = tpu.memref_slice %arg13[%run_scoped3A_202, %dma_start3A_235] : memref<4x128xi32, #tpu.memory_space<vmem>> -> memref<1x128xi32, #tpu.memory_space<vmem>>
        %dma_start3A_237 = tpu.memref_squeeze %dma_start3A_236 : memref<1x128xi32, #tpu.memory_space<vmem>> -> memref<128xi32, #tpu.memory_space<vmem>>
        %dma_start3A_238 = arith.constant 0 : i32
        %dma_start3A_239 = arith.constant 0 : i32
        %dma_start3A_240 = tpu.memref_slice %arg10[%dma_start3A_238, %dma_start3A_239] : memref<100352x16xf32, #tpu.memory_space<vmem_shared>> -> memref<100352x16xf32, #tpu.memory_space<vmem_shared>>
        tpu.enqueue_indirect_dma source(%arg15 : memref<128x16xf32, #tpu.memory_space<vmem>>) target(%dma_start3A_240 : memref<100352x16xf32, #tpu.memory_space<vmem_shared>>) offsets(%dma_start3A_237 : memref<128xi32, #tpu.memory_space<vmem>>) semaphore(%run_scoped3A_234 : memref<!tpu.dma_semaphore, #tpu.memory_space<semaphore_mem>>) {add = true}
        %dma_wait3A_241 = arith.constant 0 : i32
        %dma_wait3A_242 = tpu.memref_slice %arg13[%run_scoped3A_202, %dma_wait3A_241] : memref<4x128xi32, #tpu.memory_space<vmem>> -> memref<1x128xi32, #tpu.memory_space<vmem>>
        %dma_wait3A_243 = tpu.memref_squeeze %dma_wait3A_242 : memref<1x128xi32, #tpu.memory_space<vmem>> -> memref<128xi32, #tpu.memory_space<vmem>>
        %dma_wait3A_244 = arith.constant 0 : i32
        %dma_wait3A_245 = arith.constant 0 : i32
        %dma_wait3A_246 = tpu.memref_slice %arg10[%dma_wait3A_244, %dma_wait3A_245] : memref<100352x16xf32, #tpu.memory_space<vmem_shared>> -> memref<100352x16xf32, #tpu.memory_space<vmem_shared>>
        tpu.wait_indirect_dma semaphore(%run_scoped3A_234 : memref<!tpu.dma_semaphore, #tpu.memory_space<semaphore_mem>>) src(%arg15 : memref<128x16xf32, #tpu.memory_space<vmem>>) dst(%dma_wait3A_246 : memref<100352x16xf32, #tpu.memory_space<vmem_shared>>)
        tpu.yield
      }) : () -> ()
      %dma_start3A_203 = arith.constant 2 : i32
      %dma_start3A_204 = arith.constant 0 : i32
      %dma_start3A_205 = tpu.memref_slice %arg14[%dma_start3A_203, %dma_start3A_204] : memref<4x128xi32, #tpu.memory_space<vmem>> -> memref<1x128xi32, #tpu.memory_space<vmem>>
      %dma_start3A_206 = tpu.memref_squeeze %dma_start3A_205 : memref<1x128xi32, #tpu.memory_space<vmem>> -> memref<128xi32, #tpu.memory_space<vmem>>
      %dma_start3A_207 = arith.constant 0 : i32
      %dma_start3A_208 = arith.constant 0 : i32
      %dma_start3A_209 = tpu.memref_slice %arg6[%dma_start3A_207, %dma_start3A_208] : memref<200704x16xf32, #tpu.memory_space<hbm>> -> memref<200704x16xf32, #tpu.memory_space<hbm>>
      tpu.enqueue_indirect_dma source(%dma_start3A_209 : memref<200704x16xf32, #tpu.memory_space<hbm>>) target(%arg15 : memref<128x16xf32, #tpu.memory_space<vmem>>) offsets(%dma_start3A_206 : memref<128xi32, #tpu.memory_space<vmem>>) semaphore(%arg24 : memref<!tpu.dma_semaphore, #tpu.memory_space<semaphore_mem>>)
      %dma_wait3A_210 = arith.constant 2 : i32
      %dma_wait3A_211 = arith.constant 0 : i32
      %dma_wait3A_212 = tpu.memref_slice %arg14[%dma_wait3A_210, %dma_wait3A_211] : memref<4x128xi32, #tpu.memory_space<vmem>> -> memref<1x128xi32, #tpu.memory_space<vmem>>
      %dma_wait3A_213 = tpu.memref_squeeze %dma_wait3A_212 : memref<1x128xi32, #tpu.memory_space<vmem>> -> memref<128xi32, #tpu.memory_space<vmem>>
      %dma_wait3A_214 = arith.constant 0 : i32
      %dma_wait3A_215 = arith.constant 0 : i32
      %dma_wait3A_216 = tpu.memref_slice %arg6[%dma_wait3A_214, %dma_wait3A_215] : memref<200704x16xf32, #tpu.memory_space<hbm>> -> memref<200704x16xf32, #tpu.memory_space<hbm>>
      tpu.wait_indirect_dma semaphore(%arg24 : memref<!tpu.dma_semaphore, #tpu.memory_space<semaphore_mem>>) src(%dma_wait3A_216 : memref<200704x16xf32, #tpu.memory_space<hbm>>) dst(%arg15 : memref<128x16xf32, #tpu.memory_space<vmem>>)
      %run_scoped3A_217 = arith.constant 2 : i32
      "tpu.region"() ({
        %run_scoped3A_234 = tpu.sem_alloc : memref<!tpu.dma_semaphore, #tpu.memory_space<semaphore_mem>>
        %dma_start3A_235 = arith.constant 0 : i32
        %dma_start3A_236 = tpu.memref_slice %arg13[%run_scoped3A_217, %dma_start3A_235] : memref<4x128xi32, #tpu.memory_space<vmem>> -> memref<1x128xi32, #tpu.memory_space<vmem>>
        %dma_start3A_237 = tpu.memref_squeeze %dma_start3A_236 : memref<1x128xi32, #tpu.memory_space<vmem>> -> memref<128xi32, #tpu.memory_space<vmem>>
        %dma_start3A_238 = arith.constant 0 : i32
        %dma_start3A_239 = arith.constant 0 : i32
        %dma_start3A_240 = tpu.memref_slice %arg10[%dma_start3A_238, %dma_start3A_239] : memref<100352x16xf32, #tpu.memory_space<vmem_shared>> -> memref<100352x16xf32, #tpu.memory_space<vmem_shared>>
        tpu.enqueue_indirect_dma source(%arg15 : memref<128x16xf32, #tpu.memory_space<vmem>>) target(%dma_start3A_240 : memref<100352x16xf32, #tpu.memory_space<vmem_shared>>) offsets(%dma_start3A_237 : memref<128xi32, #tpu.memory_space<vmem>>) semaphore(%run_scoped3A_234 : memref<!tpu.dma_semaphore, #tpu.memory_space<semaphore_mem>>) {add = true}
        %dma_wait3A_241 = arith.constant 0 : i32
        %dma_wait3A_242 = tpu.memref_slice %arg13[%run_scoped3A_217, %dma_wait3A_241] : memref<4x128xi32, #tpu.memory_space<vmem>> -> memref<1x128xi32, #tpu.memory_space<vmem>>
        %dma_wait3A_243 = tpu.memref_squeeze %dma_wait3A_242 : memref<1x128xi32, #tpu.memory_space<vmem>> -> memref<128xi32, #tpu.memory_space<vmem>>
        %dma_wait3A_244 = arith.constant 0 : i32
        %dma_wait3A_245 = arith.constant 0 : i32
        %dma_wait3A_246 = tpu.memref_slice %arg10[%dma_wait3A_244, %dma_wait3A_245] : memref<100352x16xf32, #tpu.memory_space<vmem_shared>> -> memref<100352x16xf32, #tpu.memory_space<vmem_shared>>
        tpu.wait_indirect_dma semaphore(%run_scoped3A_234 : memref<!tpu.dma_semaphore, #tpu.memory_space<semaphore_mem>>) src(%arg15 : memref<128x16xf32, #tpu.memory_space<vmem>>) dst(%dma_wait3A_246 : memref<100352x16xf32, #tpu.memory_space<vmem_shared>>)
        tpu.yield
      }) : () -> ()
      %dma_start3A_218 = arith.constant 3 : i32
      %dma_start3A_219 = arith.constant 0 : i32
      %dma_start3A_220 = tpu.memref_slice %arg14[%dma_start3A_218, %dma_start3A_219] : memref<4x128xi32, #tpu.memory_space<vmem>> -> memref<1x128xi32, #tpu.memory_space<vmem>>
      %dma_start3A_221 = tpu.memref_squeeze %dma_start3A_220 : memref<1x128xi32, #tpu.memory_space<vmem>> -> memref<128xi32, #tpu.memory_space<vmem>>
      %dma_start3A_222 = arith.constant 0 : i32
      %dma_start3A_223 = arith.constant 0 : i32
      %dma_start3A_224 = tpu.memref_slice %arg6[%dma_start3A_222, %dma_start3A_223] : memref<200704x16xf32, #tpu.memory_space<hbm>> -> memref<200704x16xf32, #tpu.memory_space<hbm>>
      tpu.enqueue_indirect_dma source(%dma_start3A_224 : memref<200704x16xf32, #tpu.memory_space<hbm>>) target(%arg15 : memref<128x16xf32, #tpu.memory_space<vmem>>) offsets(%dma_start3A_221 : memref<128xi32, #tpu.memory_space<vmem>>) semaphore(%arg24 : memref<!tpu.dma_semaphore, #tpu.memory_space<semaphore_mem>>)
      %dma_wait3A_225 = arith.constant 3 : i32
      %dma_wait3A_226 = arith.constant 0 : i32
      %dma_wait3A_227 = tpu.memref_slice %arg14[%dma_wait3A_225, %dma_wait3A_226] : memref<4x128xi32, #tpu.memory_space<vmem>> -> memref<1x128xi32, #tpu.memory_space<vmem>>
      %dma_wait3A_228 = tpu.memref_squeeze %dma_wait3A_227 : memref<1x128xi32, #tpu.memory_space<vmem>> -> memref<128xi32, #tpu.memory_space<vmem>>
      %dma_wait3A_229 = arith.constant 0 : i32
      %dma_wait3A_230 = arith.constant 0 : i32
      %dma_wait3A_231 = tpu.memref_slice %arg6[%dma_wait3A_229, %dma_wait3A_230] : memref<200704x16xf32, #tpu.memory_space<hbm>> -> memref<200704x16xf32, #tpu.memory_space<hbm>>
      tpu.wait_indirect_dma semaphore(%arg24 : memref<!tpu.dma_semaphore, #tpu.memory_space<semaphore_mem>>) src(%dma_wait3A_231 : memref<200704x16xf32, #tpu.memory_space<hbm>>) dst(%arg15 : memref<128x16xf32, #tpu.memory_space<vmem>>)
      %run_scoped3A_232 = arith.constant 3 : i32
      "tpu.region"() ({
        %run_scoped3A_234 = tpu.sem_alloc : memref<!tpu.dma_semaphore, #tpu.memory_space<semaphore_mem>>
        %dma_start3A_235 = arith.constant 0 : i32
        %dma_start3A_236 = tpu.memref_slice %arg13[%run_scoped3A_232, %dma_start3A_235] : memref<4x128xi32, #tpu.memory_space<vmem>> -> memref<1x128xi32, #tpu.memory_space<vmem>>
        %dma_start3A_237 = tpu.memref_squeeze %dma_start3A_236 : memref<1x128xi32, #tpu.memory_space<vmem>> -> memref<128xi32, #tpu.memory_space<vmem>>
        %dma_start3A_238 = arith.constant 0 : i32
        %dma_start3A_239 = arith.constant 0 : i32
        %dma_start3A_240 = tpu.memref_slice %arg10[%dma_start3A_238, %dma_start3A_239] : memref<100352x16xf32, #tpu.memory_space<vmem_shared>> -> memref<100352x16xf32, #tpu.memory_space<vmem_shared>>
        tpu.enqueue_indirect_dma source(%arg15 : memref<128x16xf32, #tpu.memory_space<vmem>>) target(%dma_start3A_240 : memref<100352x16xf32, #tpu.memory_space<vmem_shared>>) offsets(%dma_start3A_237 : memref<128xi32, #tpu.memory_space<vmem>>) semaphore(%run_scoped3A_234 : memref<!tpu.dma_semaphore, #tpu.memory_space<semaphore_mem>>) {add = true}
        %dma_wait3A_241 = arith.constant 0 : i32
        %dma_wait3A_242 = tpu.memref_slice %arg13[%run_scoped3A_232, %dma_wait3A_241] : memref<4x128xi32, #tpu.memory_space<vmem>> -> memref<1x128xi32, #tpu.memory_space<vmem>>
        %dma_wait3A_243 = tpu.memref_squeeze %dma_wait3A_242 : memref<1x128xi32, #tpu.memory_space<vmem>> -> memref<128xi32, #tpu.memory_space<vmem>>
        %dma_wait3A_244 = arith.constant 0 : i32
        %dma_wait3A_245 = arith.constant 0 : i32
        %dma_wait3A_246 = tpu.memref_slice %arg10[%dma_wait3A_244, %dma_wait3A_245] : memref<100352x16xf32, #tpu.memory_space<vmem_shared>> -> memref<100352x16xf32, #tpu.memory_space<vmem_shared>>
        tpu.wait_indirect_dma semaphore(%run_scoped3A_234 : memref<!tpu.dma_semaphore, #tpu.memory_space<semaphore_mem>>) src(%arg15 : memref<128x16xf32, #tpu.memory_space<vmem>>) dst(%dma_wait3A_246 : memref<100352x16xf32, #tpu.memory_space<vmem_shared>>)
        tpu.yield
      }) : () -> ()
      %while3A_233 = arith.constant 0 : i32
      scf.yield %while3A_233 : i32
    }
    %while3A_86 = arith.constant 1 : i32
    %while3A_87 = scf.for %while3A_169 = %while3A_83 to %while3A_79 step %while3A_86 iter_args(%while3A_170 = %while3A_85) -> (i32)  : i32 {
      %add3A_171 = arith.addi %add3A, %while3A_169 : i32
      %mul3A_172 = arith.constant 4 : i32
      %mul3A_173 = arith.muli %add3A_171, %mul3A_172 : i32
      "tpu.region"() ({
        %run_scoped3A_234 = tpu.sem_alloc : memref<!tpu.dma_semaphore, #tpu.memory_space<semaphore_mem>>
        %dma_start3A_235 = arith.constant 0 : i32
        %dma_start3A_236 = tpu.memref_slice %arg3[%mul3A_173, %dma_start3A_235] : memref<12500x128xi32, #tpu.memory_space<hbm>> -> memref<4x128xi32, #tpu.memory_space<hbm>>
        %dma_start3A_237 = arith.constant 0 : i32
        %dma_start3A_238 = tpu.memref_slice %arg3[%mul3A_173, %dma_start3A_237] : memref<12500x128xi32, #tpu.memory_space<hbm>> -> memref<4x128xi32, #tpu.memory_space<hbm>>
        tpu.enqueue_dma source(%dma_start3A_238 : memref<4x128xi32, #tpu.memory_space<hbm>>) target(%arg13 : memref<4x128xi32, #tpu.memory_space<vmem>>) target_semaphore(%run_scoped3A_234 : memref<!tpu.dma_semaphore, #tpu.memory_space<semaphore_mem>>)
        %dma_wait3A_239 = arith.constant 0 : i32
        %dma_wait3A_240 = tpu.memref_slice %arg3[%mul3A_173, %dma_wait3A_239] : memref<12500x128xi32, #tpu.memory_space<hbm>> -> memref<4x128xi32, #tpu.memory_space<hbm>>
        %dma_wait3A_241 = arith.constant 0 : i32
        %dma_wait3A_242 = tpu.memref_slice %arg3[%mul3A_173, %dma_wait3A_241] : memref<12500x128xi32, #tpu.memory_space<hbm>> -> memref<4x128xi32, #tpu.memory_space<hbm>>
        tpu.wait_dma2 semaphore(%run_scoped3A_234 : memref<!tpu.dma_semaphore, #tpu.memory_space<semaphore_mem>>) src(%dma_wait3A_242 : memref<4x128xi32, #tpu.memory_space<hbm>>) dst(%arg13 : memref<4x128xi32, #tpu.memory_space<vmem>>)
        tpu.yield
      }) : () -> ()
      %mul3A_174 = arith.constant 4 : i32
      %mul3A_175 = arith.muli %add3A_171, %mul3A_174 : i32
      "tpu.region"() ({
        %run_scoped3A_234 = tpu.sem_alloc : memref<!tpu.dma_semaphore, #tpu.memory_space<semaphore_mem>>
        %dma_start3A_235 = arith.constant 0 : i32
        %dma_start3A_236 = tpu.memref_slice %arg2[%arg0, %mul3A_175, %dma_start3A_235] : memref<2x12500x128xi32, #tpu.memory_space<hbm>> -> memref<1x4x128xi32, #tpu.memory_space<hbm>>
        %dma_start3A_237 = tpu.memref_squeeze %dma_start3A_236 : memref<1x4x128xi32, #tpu.memory_space<hbm>> -> memref<4x128xi32, #tpu.memory_space<hbm>>
        %dma_start3A_238 = arith.constant 0 : i32
        %dma_start3A_239 = tpu.memref_slice %arg2[%arg0, %mul3A_175, %dma_start3A_238] : memref<2x12500x128xi32, #tpu.memory_space<hbm>> -> memref<1x4x128xi32, #tpu.memory_space<hbm>>
        %dma_start3A_240 = tpu.memref_squeeze %dma_start3A_239 : memref<1x4x128xi32, #tpu.memory_space<hbm>> -> memref<4x128xi32, #tpu.memory_space<hbm>>
        tpu.enqueue_dma source(%dma_start3A_240 : memref<4x128xi32, #tpu.memory_space<hbm>>) target(%arg14 : memref<4x128xi32, #tpu.memory_space<vmem>>) target_semaphore(%run_scoped3A_234 : memref<!tpu.dma_semaphore, #tpu.memory_space<semaphore_mem>>)
        %dma_wait3A_241 = arith.constant 0 : i32
        %dma_wait3A_242 = tpu.memref_slice %arg2[%arg0, %mul3A_175, %dma_wait3A_241] : memref<2x12500x128xi32, #tpu.memory_space<hbm>> -> memref<1x4x128xi32, #tpu.memory_space<hbm>>
        %dma_wait3A_243 = tpu.memref_squeeze %dma_wait3A_242 : memref<1x4x128xi32, #tpu.memory_space<hbm>> -> memref<4x128xi32, #tpu.memory_space<hbm>>
        %dma_wait3A_244 = arith.constant 0 : i32
        %dma_wait3A_245 = tpu.memref_slice %arg2[%arg0, %mul3A_175, %dma_wait3A_244] : memref<2x12500x128xi32, #tpu.memory_space<hbm>> -> memref<1x4x128xi32, #tpu.memory_space<hbm>>
        %dma_wait3A_246 = tpu.memref_squeeze %dma_wait3A_245 : memref<1x4x128xi32, #tpu.memory_space<hbm>> -> memref<4x128xi32, #tpu.memory_space<hbm>>
        tpu.wait_dma2 semaphore(%run_scoped3A_234 : memref<!tpu.dma_semaphore, #tpu.memory_space<semaphore_mem>>) src(%dma_wait3A_246 : memref<4x128xi32, #tpu.memory_space<hbm>>) dst(%arg14 : memref<4x128xi32, #tpu.memory_space<vmem>>)
        tpu.yield
      }) : () -> ()
      %dma_start3A = arith.constant 0 : i32
      %dma_start3A_176 = arith.constant 0 : i32
      %dma_start3A_177 = tpu.memref_slice %arg14[%dma_start3A, %dma_start3A_176] : memref<4x128xi32, #tpu.memory_space<vmem>> -> memref<1x128xi32, #tpu.memory_space<vmem>>
      %dma_start3A_178 = tpu.memref_squeeze %dma_start3A_177 : memref<1x128xi32, #tpu.memory_space<vmem>> -> memref<128xi32, #tpu.memory_space<vmem>>
      %dma_start3A_179 = arith.constant 0 : i32
      %dma_start3A_180 = arith.constant 0 : i32
      %dma_start3A_181 = tpu.memref_slice %arg6[%dma_start3A_179, %dma_start3A_180] : memref<200704x16xf32, #tpu.memory_space<hbm>> -> memref<200704x16xf32, #tpu.memory_space<hbm>>
      tpu.enqueue_indirect_dma source(%dma_start3A_181 : memref<200704x16xf32, #tpu.memory_space<hbm>>) target(%arg15 : memref<128x16xf32, #tpu.memory_space<vmem>>) offsets(%dma_start3A_178 : memref<128xi32, #tpu.memory_space<vmem>>) semaphore(%arg24 : memref<!tpu.dma_semaphore, #tpu.memory_space<semaphore_mem>>)
      %dma_wait3A = arith.constant 0 : i32
      %dma_wait3A_182 = arith.constant 0 : i32
      %dma_wait3A_183 = tpu.memref_slice %arg14[%dma_wait3A, %dma_wait3A_182] : memref<4x128xi32, #tpu.memory_space<vmem>> -> memref<1x128xi32, #tpu.memory_space<vmem>>
      %dma_wait3A_184 = tpu.memref_squeeze %dma_wait3A_183 : memref<1x128xi32, #tpu.memory_space<vmem>> -> memref<128xi32, #tpu.memory_space<vmem>>
      %dma_wait3A_185 = arith.constant 0 : i32
      %dma_wait3A_186 = arith.constant 0 : i32
      %dma_wait3A_187 = tpu.memref_slice %arg6[%dma_wait3A_185, %dma_wait3A_186] : memref<200704x16xf32, #tpu.memory_space<hbm>> -> memref<200704x16xf32, #tpu.memory_space<hbm>>
      tpu.wait_indirect_dma semaphore(%arg24 : memref<!tpu.dma_semaphore, #tpu.memory_space<semaphore_mem>>) src(%dma_wait3A_187 : memref<200704x16xf32, #tpu.memory_space<hbm>>) dst(%arg15 : memref<128x16xf32, #tpu.memory_space<vmem>>)
      %run_scoped3A = arith.constant 0 : i32
      "tpu.region"() ({
        %run_scoped3A_234 = tpu.sem_alloc : memref<!tpu.dma_semaphore, #tpu.memory_space<semaphore_mem>>
        %dma_start3A_235 = arith.constant 0 : i32
        %dma_start3A_236 = tpu.memref_slice %arg13[%run_scoped3A, %dma_start3A_235] : memref<4x128xi32, #tpu.memory_space<vmem>> -> memref<1x128xi32, #tpu.memory_space<vmem>>
        %dma_start3A_237 = tpu.memref_squeeze %dma_start3A_236 : memref<1x128xi32, #tpu.memory_space<vmem>> -> memref<128xi32, #tpu.memory_space<vmem>>
        %dma_start3A_238 = arith.constant 0 : i32
        %dma_start3A_239 = arith.constant 0 : i32
        %dma_start3A_240 = tpu.memref_slice %arg10[%dma_start3A_238, %dma_start3A_239] : memref<100352x16xf32, #tpu.memory_space<vmem_shared>> -> memref<100352x16xf32, #tpu.memory_space<vmem_shared>>
        tpu.enqueue_indirect_dma source(%arg15 : memref<128x16xf32, #tpu.memory_space<vmem>>) target(%dma_start3A_240 : memref<100352x16xf32, #tpu.memory_space<vmem_shared>>) offsets(%dma_start3A_237 : memref<128xi32, #tpu.memory_space<vmem>>) semaphore(%run_scoped3A_234 : memref<!tpu.dma_semaphore, #tpu.memory_space<semaphore_mem>>) {add = true}
        %dma_wait3A_241 = arith.constant 0 : i32
        %dma_wait3A_242 = tpu.memref_slice %arg13[%run_scoped3A, %dma_wait3A_241] : memref<4x128xi32, #tpu.memory_space<vmem>> -> memref<1x128xi32, #tpu.memory_space<vmem>>
        %dma_wait3A_243 = tpu.memref_squeeze %dma_wait3A_242 : memref<1x128xi32, #tpu.memory_space<vmem>> -> memref<128xi32, #tpu.memory_space<vmem>>
        %dma_wait3A_244 = arith.constant 0 : i32
        %dma_wait3A_245 = arith.constant 0 : i32
        %dma_wait3A_246 = tpu.memref_slice %arg10[%dma_wait3A_244, %dma_wait3A_245] : memref<100352x16xf32, #tpu.memory_space<vmem_shared>> -> memref<100352x16xf32, #tpu.memory_space<vmem_shared>>
        tpu.wait_indirect_dma semaphore(%run_scoped3A_234 : memref<!tpu.dma_semaphore, #tpu.memory_space<semaphore_mem>>) src(%arg15 : memref<128x16xf32, #tpu.memory_space<vmem>>) dst(%dma_wait3A_246 : memref<100352x16xf32, #tpu.memory_space<vmem_shared>>)
        tpu.yield
      }) : () -> ()
      %dma_start3A_188 = arith.constant 1 : i32
      %dma_start3A_189 = arith.constant 0 : i32
      %dma_start3A_190 = tpu.memref_slice %arg14[%dma_start3A_188, %dma_start3A_189] : memref<4x128xi32, #tpu.memory_space<vmem>> -> memref<1x128xi32, #tpu.memory_space<vmem>>
      %dma_start3A_191 = tpu.memref_squeeze %dma_start3A_190 : memref<1x128xi32, #tpu.memory_space<vmem>> -> memref<128xi32, #tpu.memory_space<vmem>>
      %dma_start3A_192 = arith.constant 0 : i32
      %dma_start3A_193 = arith.constant 0 : i32
      %dma_start3A_194 = tpu.memref_slice %arg6[%dma_start3A_192, %dma_start3A_193] : memref<200704x16xf32, #tpu.memory_space<hbm>> -> memref<200704x16xf32, #tpu.memory_space<hbm>>
      tpu.enqueue_indirect_dma source(%dma_start3A_194 : memref<200704x16xf32, #tpu.memory_space<hbm>>) target(%arg15 : memref<128x16xf32, #tpu.memory_space<vmem>>) offsets(%dma_start3A_191 : memref<128xi32, #tpu.memory_space<vmem>>) semaphore(%arg24 : memref<!tpu.dma_semaphore, #tpu.memory_space<semaphore_mem>>)
      %dma_wait3A_195 = arith.constant 1 : i32
      %dma_wait3A_196 = arith.constant 0 : i32
      %dma_wait3A_197 = tpu.memref_slice %arg14[%dma_wait3A_195, %dma_wait3A_196] : memref<4x128xi32, #tpu.memory_space<vmem>> -> memref<1x128xi32, #tpu.memory_space<vmem>>
      %dma_wait3A_198 = tpu.memref_squeeze %dma_wait3A_197 : memref<1x128xi32, #tpu.memory_space<vmem>> -> memref<128xi32, #tpu.memory_space<vmem>>
      %dma_wait3A_199 = arith.constant 0 : i32
      %dma_wait3A_200 = arith.constant 0 : i32
      %dma_wait3A_201 = tpu.memref_slice %arg6[%dma_wait3A_199, %dma_wait3A_200] : memref<200704x16xf32, #tpu.memory_space<hbm>> -> memref<200704x16xf32, #tpu.memory_space<hbm>>
      tpu.wait_indirect_dma semaphore(%arg24 : memref<!tpu.dma_semaphore, #tpu.memory_space<semaphore_mem>>) src(%dma_wait3A_201 : memref<200704x16xf32, #tpu.memory_space<hbm>>) dst(%arg15 : memref<128x16xf32, #tpu.memory_space<vmem>>)
      %run_scoped3A_202 = arith.constant 1 : i32
      "tpu.region"() ({
        %run_scoped3A_234 = tpu.sem_alloc : memref<!tpu.dma_semaphore, #tpu.memory_space<semaphore_mem>>
        %dma_start3A_235 = arith.constant 0 : i32
        %dma_start3A_236 = tpu.memref_slice %arg13[%run_scoped3A_202, %dma_start3A_235] : memref<4x128xi32, #tpu.memory_space<vmem>> -> memref<1x128xi32, #tpu.memory_space<vmem>>
        %dma_start3A_237 = tpu.memref_squeeze %dma_start3A_236 : memref<1x128xi32, #tpu.memory_space<vmem>> -> memref<128xi32, #tpu.memory_space<vmem>>
        %dma_start3A_238 = arith.constant 0 : i32
        %dma_start3A_239 = arith.constant 0 : i32
        %dma_start3A_240 = tpu.memref_slice %arg10[%dma_start3A_238, %dma_start3A_239] : memref<100352x16xf32, #tpu.memory_space<vmem_shared>> -> memref<100352x16xf32, #tpu.memory_space<vmem_shared>>
        tpu.enqueue_indirect_dma source(%arg15 : memref<128x16xf32, #tpu.memory_space<vmem>>) target(%dma_start3A_240 : memref<100352x16xf32, #tpu.memory_space<vmem_shared>>) offsets(%dma_start3A_237 : memref<128xi32, #tpu.memory_space<vmem>>) semaphore(%run_scoped3A_234 : memref<!tpu.dma_semaphore, #tpu.memory_space<semaphore_mem>>) {add = true}
        %dma_wait3A_241 = arith.constant 0 : i32
        %dma_wait3A_242 = tpu.memref_slice %arg13[%run_scoped3A_202, %dma_wait3A_241] : memref<4x128xi32, #tpu.memory_space<vmem>> -> memref<1x128xi32, #tpu.memory_space<vmem>>
        %dma_wait3A_243 = tpu.memref_squeeze %dma_wait3A_242 : memref<1x128xi32, #tpu.memory_space<vmem>> -> memref<128xi32, #tpu.memory_space<vmem>>
        %dma_wait3A_244 = arith.constant 0 : i32
        %dma_wait3A_245 = arith.constant 0 : i32
        %dma_wait3A_246 = tpu.memref_slice %arg10[%dma_wait3A_244, %dma_wait3A_245] : memref<100352x16xf32, #tpu.memory_space<vmem_shared>> -> memref<100352x16xf32, #tpu.memory_space<vmem_shared>>
        tpu.wait_indirect_dma semaphore(%run_scoped3A_234 : memref<!tpu.dma_semaphore, #tpu.memory_space<semaphore_mem>>) src(%arg15 : memref<128x16xf32, #tpu.memory_space<vmem>>) dst(%dma_wait3A_246 : memref<100352x16xf32, #tpu.memory_space<vmem_shared>>)
        tpu.yield
      }) : () -> ()
      %dma_start3A_203 = arith.constant 2 : i32
      %dma_start3A_204 = arith.constant 0 : i32
      %dma_start3A_205 = tpu.memref_slice %arg14[%dma_start3A_203, %dma_start3A_204] : memref<4x128xi32, #tpu.memory_space<vmem>> -> memref<1x128xi32, #tpu.memory_space<vmem>>
      %dma_start3A_206 = tpu.memref_squeeze %dma_start3A_205 : memref<1x128xi32, #tpu.memory_space<vmem>> -> memref<128xi32, #tpu.memory_space<vmem>>
      %dma_start3A_207 = arith.constant 0 : i32
      %dma_start3A_208 = arith.constant 0 : i32
      %dma_start3A_209 = tpu.memref_slice %arg6[%dma_start3A_207, %dma_start3A_208] : memref<200704x16xf32, #tpu.memory_space<hbm>> -> memref<200704x16xf32, #tpu.memory_space<hbm>>
      tpu.enqueue_indirect_dma source(%dma_start3A_209 : memref<200704x16xf32, #tpu.memory_space<hbm>>) target(%arg15 : memref<128x16xf32, #tpu.memory_space<vmem>>) offsets(%dma_start3A_206 : memref<128xi32, #tpu.memory_space<vmem>>) semaphore(%arg24 : memref<!tpu.dma_semaphore, #tpu.memory_space<semaphore_mem>>)
      %dma_wait3A_210 = arith.constant 2 : i32
      %dma_wait3A_211 = arith.constant 0 : i32
      %dma_wait3A_212 = tpu.memref_slice %arg14[%dma_wait3A_210, %dma_wait3A_211] : memref<4x128xi32, #tpu.memory_space<vmem>> -> memref<1x128xi32, #tpu.memory_space<vmem>>
      %dma_wait3A_213 = tpu.memref_squeeze %dma_wait3A_212 : memref<1x128xi32, #tpu.memory_space<vmem>> -> memref<128xi32, #tpu.memory_space<vmem>>
      %dma_wait3A_214 = arith.constant 0 : i32
      %dma_wait3A_215 = arith.constant 0 : i32
      %dma_wait3A_216 = tpu.memref_slice %arg6[%dma_wait3A_214, %dma_wait3A_215] : memref<200704x16xf32, #tpu.memory_space<hbm>> -> memref<200704x16xf32, #tpu.memory_space<hbm>>
      tpu.wait_indirect_dma semaphore(%arg24 : memref<!tpu.dma_semaphore, #tpu.memory_space<semaphore_mem>>) src(%dma_wait3A_216 : memref<200704x16xf32, #tpu.memory_space<hbm>>) dst(%arg15 : memref<128x16xf32, #tpu.memory_space<vmem>>)
      %run_scoped3A_217 = arith.constant 2 : i32
      "tpu.region"() ({
        %run_scoped3A_234 = tpu.sem_alloc : memref<!tpu.dma_semaphore, #tpu.memory_space<semaphore_mem>>
        %dma_start3A_235 = arith.constant 0 : i32
        %dma_start3A_236 = tpu.memref_slice %arg13[%run_scoped3A_217, %dma_start3A_235] : memref<4x128xi32, #tpu.memory_space<vmem>> -> memref<1x128xi32, #tpu.memory_space<vmem>>
        %dma_start3A_237 = tpu.memref_squeeze %dma_start3A_236 : memref<1x128xi32, #tpu.memory_space<vmem>> -> memref<128xi32, #tpu.memory_space<vmem>>
        %dma_start3A_238 = arith.constant 0 : i32
        %dma_start3A_239 = arith.constant 0 : i32
        %dma_start3A_240 = tpu.memref_slice %arg10[%dma_start3A_238, %dma_start3A_239] : memref<100352x16xf32, #tpu.memory_space<vmem_shared>> -> memref<100352x16xf32, #tpu.memory_space<vmem_shared>>
        tpu.enqueue_indirect_dma source(%arg15 : memref<128x16xf32, #tpu.memory_space<vmem>>) target(%dma_start3A_240 : memref<100352x16xf32, #tpu.memory_space<vmem_shared>>) offsets(%dma_start3A_237 : memref<128xi32, #tpu.memory_space<vmem>>) semaphore(%run_scoped3A_234 : memref<!tpu.dma_semaphore, #tpu.memory_space<semaphore_mem>>) {add = true}
        %dma_wait3A_241 = arith.constant 0 : i32
        %dma_wait3A_242 = tpu.memref_slice %arg13[%run_scoped3A_217, %dma_wait3A_241] : memref<4x128xi32, #tpu.memory_space<vmem>> -> memref<1x128xi32, #tpu.memory_space<vmem>>
        %dma_wait3A_243 = tpu.memref_squeeze %dma_wait3A_242 : memref<1x128xi32, #tpu.memory_space<vmem>> -> memref<128xi32, #tpu.memory_space<vmem>>
        %dma_wait3A_244 = arith.constant 0 : i32
        %dma_wait3A_245 = arith.constant 0 : i32
        %dma_wait3A_246 = tpu.memref_slice %arg10[%dma_wait3A_244, %dma_wait3A_245] : memref<100352x16xf32, #tpu.memory_space<vmem_shared>> -> memref<100352x16xf32, #tpu.memory_space<vmem_shared>>
        tpu.wait_indirect_dma semaphore(%run_scoped3A_234 : memref<!tpu.dma_semaphore, #tpu.memory_space<semaphore_mem>>) src(%arg15 : memref<128x16xf32, #tpu.memory_space<vmem>>) dst(%dma_wait3A_246 : memref<100352x16xf32, #tpu.memory_space<vmem_shared>>)
        tpu.yield
      }) : () -> ()
      %dma_start3A_218 = arith.constant 3 : i32
      %dma_start3A_219 = arith.constant 0 : i32
      %dma_start3A_220 = tpu.memref_slice %arg14[%dma_start3A_218, %dma_start3A_219] : memref<4x128xi32, #tpu.memory_space<vmem>> -> memref<1x128xi32, #tpu.memory_space<vmem>>
      %dma_start3A_221 = tpu.memref_squeeze %dma_start3A_220 : memref<1x128xi32, #tpu.memory_space<vmem>> -> memref<128xi32, #tpu.memory_space<vmem>>
      %dma_start3A_222 = arith.constant 0 : i32
      %dma_start3A_223 = arith.constant 0 : i32
      %dma_start3A_224 = tpu.memref_slice %arg6[%dma_start3A_222, %dma_start3A_223] : memref<200704x16xf32, #tpu.memory_space<hbm>> -> memref<200704x16xf32, #tpu.memory_space<hbm>>
      tpu.enqueue_indirect_dma source(%dma_start3A_224 : memref<200704x16xf32, #tpu.memory_space<hbm>>) target(%arg15 : memref<128x16xf32, #tpu.memory_space<vmem>>) offsets(%dma_start3A_221 : memref<128xi32, #tpu.memory_space<vmem>>) semaphore(%arg24 : memref<!tpu.dma_semaphore, #tpu.memory_space<semaphore_mem>>)
      %dma_wait3A_225 = arith.constant 3 : i32
      %dma_wait3A_226 = arith.constant 0 : i32
      %dma_wait3A_227 = tpu.memref_slice %arg14[%dma_wait3A_225, %dma_wait3A_226] : memref<4x128xi32, #tpu.memory_space<vmem>> -> memref<1x128xi32, #tpu.memory_space<vmem>>
      %dma_wait3A_228 = tpu.memref_squeeze %dma_wait3A_227 : memref<1x128xi32, #tpu.memory_space<vmem>> -> memref<128xi32, #tpu.memory_space<vmem>>
      %dma_wait3A_229 = arith.constant 0 : i32
      %dma_wait3A_230 = arith.constant 0 : i32
      %dma_wait3A_231 = tpu.memref_slice %arg6[%dma_wait3A_229, %dma_wait3A_230] : memref<200704x16xf32, #tpu.memory_space<hbm>> -> memref<200704x16xf32, #tpu.memory_space<hbm>>
      tpu.wait_indirect_dma semaphore(%arg24 : memref<!tpu.dma_semaphore, #tpu.memory_space<semaphore_mem>>) src(%dma_wait3A_231 : memref<200704x16xf32, #tpu.memory_space<hbm>>) dst(%arg15 : memref<128x16xf32, #tpu.memory_space<vmem>>)
      %run_scoped3A_232 = arith.constant 3 : i32
      "tpu.region"() ({
        %run_scoped3A_234 = tpu.sem_alloc : memref<!tpu.dma_semaphore, #tpu.memory_space<semaphore_mem>>
        %dma_start3A_235 = arith.constant 0 : i32
        %dma_start3A_236 = tpu.memref_slice %arg13[%run_scoped3A_232, %dma_start3A_235] : memref<4x128xi32, #tpu.memory_space<vmem>> -> memref<1x128xi32, #tpu.memory_space<vmem>>
        %dma_start3A_237 = tpu.memref_squeeze %dma_start3A_236 : memref<1x128xi32, #tpu.memory_space<vmem>> -> memref<128xi32, #tpu.memory_space<vmem>>
        %dma_start3A_238 = arith.constant 0 : i32
        %dma_start3A_239 = arith.constant 0 : i32
        %dma_start3A_240 = tpu.memref_slice %arg10[%dma_start3A_238, %dma_start3A_239] : memref<100352x16xf32, #tpu.memory_space<vmem_shared>> -> memref<100352x16xf32, #tpu.memory_space<vmem_shared>>
        tpu.enqueue_indirect_dma source(%arg15 : memref<128x16xf32, #tpu.memory_space<vmem>>) target(%dma_start3A_240 : memref<100352x16xf32, #tpu.memory_space<vmem_shared>>) offsets(%dma_start3A_237 : memref<128xi32, #tpu.memory_space<vmem>>) semaphore(%run_scoped3A_234 : memref<!tpu.dma_semaphore, #tpu.memory_space<semaphore_mem>>) {add = true}
        %dma_wait3A_241 = arith.constant 0 : i32
        %dma_wait3A_242 = tpu.memref_slice %arg13[%run_scoped3A_232, %dma_wait3A_241] : memref<4x128xi32, #tpu.memory_space<vmem>> -> memref<1x128xi32, #tpu.memory_space<vmem>>
        %dma_wait3A_243 = tpu.memref_squeeze %dma_wait3A_242 : memref<1x128xi32, #tpu.memory_space<vmem>> -> memref<128xi32, #tpu.memory_space<vmem>>
        %dma_wait3A_244 = arith.constant 0 : i32
        %dma_wait3A_245 = arith.constant 0 : i32
        %dma_wait3A_246 = tpu.memref_slice %arg10[%dma_wait3A_244, %dma_wait3A_245] : memref<100352x16xf32, #tpu.memory_space<vmem_shared>> -> memref<100352x16xf32, #tpu.memory_space<vmem_shared>>
        tpu.wait_indirect_dma semaphore(%run_scoped3A_234 : memref<!tpu.dma_semaphore, #tpu.memory_space<semaphore_mem>>) src(%arg15 : memref<128x16xf32, #tpu.memory_space<vmem>>) dst(%dma_wait3A_246 : memref<100352x16xf32, #tpu.memory_space<vmem_shared>>)
        tpu.yield
      }) : () -> ()
      %while3A_233 = arith.constant 0 : i32
      scf.yield %while3A_233 : i32
    }
    %barrier3A_88 = arith.constant 0 : index
    tpu.barrier barrier_id(%barrier3A_88)
    %scan3A_89 = arith.constant 0 : i32
    %scan3A_90 = arith.constant 0 : i32
    %scan3A_91 = arith.constant 56 : i32
    %scan3A_92 = arith.addi %scan3A_90, %scan3A_91 : i32
    %scan3A_93 = arith.constant 1 : i32
    %scan3A_94 = scf.for %scan3A_169 = %scan3A_90 to %scan3A_92 step %scan3A_93 iter_args(%scan3A_170 = %scan3A_89) -> (i32)  : i32 {
      %mul3A_171 = arith.constant 112 : i32
      %mul3A_172 = arith.muli %scan3A_169, %mul3A_171 : i32
      %add3A_173 = arith.addi %mul3A_0, %mul3A_172 : i32
      "tpu.region"() ({
        %run_scoped3A = tpu.sem_alloc : memref<!tpu.dma_semaphore, #tpu.memory_space<semaphore_mem>>
        %dma_start3A = arith.constant 0 : i32
        %dma_start3A_185 = tpu.memref_slice %arg10[%add3A_173, %dma_start3A] : memref<100352x16xf32, #tpu.memory_space<vmem_shared>> -> memref<112x16xf32, #tpu.memory_space<vmem_shared>>
        %dma_start3A_186 = arith.constant 0 : i32
        %dma_start3A_187 = tpu.memref_slice %arg10[%add3A_173, %dma_start3A_186] : memref<100352x16xf32, #tpu.memory_space<vmem_shared>> -> memref<112x16xf32, #tpu.memory_space<vmem_shared>>
        tpu.enqueue_dma source(%dma_start3A_187 : memref<112x16xf32, #tpu.memory_space<vmem_shared>>) target(%arg18 : memref<112x16xf32, #tpu.memory_space<vmem>>) target_semaphore(%run_scoped3A : memref<!tpu.dma_semaphore, #tpu.memory_space<semaphore_mem>>)
        %dma_wait3A = arith.constant 0 : i32
        %dma_wait3A_188 = tpu.memref_slice %arg10[%add3A_173, %dma_wait3A] : memref<100352x16xf32, #tpu.memory_space<vmem_shared>> -> memref<112x16xf32, #tpu.memory_space<vmem_shared>>
        %dma_wait3A_189 = arith.constant 0 : i32
        %dma_wait3A_190 = tpu.memref_slice %arg10[%add3A_173, %dma_wait3A_189] : memref<100352x16xf32, #tpu.memory_space<vmem_shared>> -> memref<112x16xf32, #tpu.memory_space<vmem_shared>>
        tpu.wait_dma2 semaphore(%run_scoped3A : memref<!tpu.dma_semaphore, #tpu.memory_space<semaphore_mem>>) src(%dma_wait3A_190 : memref<112x16xf32, #tpu.memory_space<vmem_shared>>) dst(%arg18 : memref<112x16xf32, #tpu.memory_space<vmem>>)
        tpu.yield
      }) : () -> ()
      "tpu.region"() ({
        %run_scoped3A = tpu.sem_alloc : memref<!tpu.dma_semaphore, #tpu.memory_space<semaphore_mem>>
        %dma_start3A = tpu.memref_slice %arg11[%add3A_173] : memref<100352xf32, #tpu.memory_space<vmem_shared>> -> memref<112xf32, #tpu.memory_space<vmem_shared>>
        %dma_start3A_185 = tpu.memref_slice %arg11[%add3A_173] : memref<100352xf32, #tpu.memory_space<vmem_shared>> -> memref<112xf32, #tpu.memory_space<vmem_shared>>
        tpu.enqueue_dma source(%dma_start3A_185 : memref<112xf32, #tpu.memory_space<vmem_shared>>) target(%arg22 : memref<112xf32, #tpu.memory_space<vmem>>) target_semaphore(%run_scoped3A : memref<!tpu.dma_semaphore, #tpu.memory_space<semaphore_mem>>)
        %dma_wait3A = tpu.memref_slice %arg11[%add3A_173] : memref<100352xf32, #tpu.memory_space<vmem_shared>> -> memref<112xf32, #tpu.memory_space<vmem_shared>>
        %dma_wait3A_186 = tpu.memref_slice %arg11[%add3A_173] : memref<100352xf32, #tpu.memory_space<vmem_shared>> -> memref<112xf32, #tpu.memory_space<vmem_shared>>
        tpu.wait_dma2 semaphore(%run_scoped3A : memref<!tpu.dma_semaphore, #tpu.memory_space<semaphore_mem>>) src(%dma_wait3A_186 : memref<112xf32, #tpu.memory_space<vmem_shared>>) dst(%arg22 : memref<112xf32, #tpu.memory_space<vmem>>)
        tpu.yield
      }) : () -> ()
      "tpu.region"() ({
        %run_scoped3A = tpu.sem_alloc : memref<!tpu.dma_semaphore, #tpu.memory_space<semaphore_mem>>
        %dma_start3A = tpu.memref_slice %arg12[%add3A_173] : memref<100352xf32, #tpu.memory_space<vmem_shared>> -> memref<112xf32, #tpu.memory_space<vmem_shared>>
        %dma_start3A_185 = tpu.memref_slice %arg12[%add3A_173] : memref<100352xf32, #tpu.memory_space<vmem_shared>> -> memref<112xf32, #tpu.memory_space<vmem_shared>>
        tpu.enqueue_dma source(%dma_start3A_185 : memref<112xf32, #tpu.memory_space<vmem_shared>>) target(%arg23 : memref<112xf32, #tpu.memory_space<vmem>>) target_semaphore(%run_scoped3A : memref<!tpu.dma_semaphore, #tpu.memory_space<semaphore_mem>>)
        %dma_wait3A = tpu.memref_slice %arg12[%add3A_173] : memref<100352xf32, #tpu.memory_space<vmem_shared>> -> memref<112xf32, #tpu.memory_space<vmem_shared>>
        %dma_wait3A_186 = tpu.memref_slice %arg12[%add3A_173] : memref<100352xf32, #tpu.memory_space<vmem_shared>> -> memref<112xf32, #tpu.memory_space<vmem_shared>>
        tpu.wait_dma2 semaphore(%run_scoped3A : memref<!tpu.dma_semaphore, #tpu.memory_space<semaphore_mem>>) src(%dma_wait3A_186 : memref<112xf32, #tpu.memory_space<vmem_shared>>) dst(%arg23 : memref<112xf32, #tpu.memory_space<vmem>>)
        tpu.yield
      }) : () -> ()
      %scan3A_174 = arith.constant 0 : i32
      %scan3A_175 = arith.constant 0 : i32
      %scan3A_176 = arith.constant 112 : i32
      %scan3A_177 = arith.addi %scan3A_175, %scan3A_176 : i32
      %scan3A_178 = arith.constant 1 : i32
      %scan3A_179 = scf.for %scan3A_185 = %scan3A_175 to %scan3A_177 step %scan3A_178 iter_args(%scan3A_186 = %scan3A_174) -> (i32)  : i32 {
        %broadcast_in_dim3A = arith.constant 0 : i32
        %broadcast_in_dim3A_187 = vector.broadcast %broadcast_in_dim3A : i32 to vector<16xi32>
        %add3A_188 = vector.broadcast %scan3A_185 : i32 to vector<16xi32>
        %add3A_189 = arith.addi %broadcast_in_dim3A_187, %add3A_188 : vector<16xi32>
        %gather3A = tpu.vector_load_idx %arg22[%add3A_189] : memref<112xf32, #tpu.memory_space<vmem>>[vector<16xi32>], vector<16xf32>,
        %gather3A_190 = tpu.vector_load_idx %arg23[%add3A_189] : memref<112xf32, #tpu.memory_space<vmem>>[vector<16xi32>], vector<16xf32>,
        %get3A = arith.index_cast %scan3A_185 : i32 to index
        %get3A_191 = arith.constant 0 : index
        %get3A_192 = tpu.vector_load %arg18[%get3A, %get3A_191] {strides = array<i32>} : memref<112x16xf32, #tpu.memory_space<vmem>>, vector<16xf32>,
        %mul3A_193 = arith.mulf %get3A_192, %gather3A : vector<16xf32>
        %swap3A = arith.index_cast %scan3A_185 : i32 to index
        %swap3A_194 = arith.constant 0 : index
        %swap3A_195 = tpu.vector_load %arg18[%swap3A, %swap3A_194] {strides = array<i32>} : memref<112x16xf32, #tpu.memory_space<vmem>>, vector<16xf32>,
        tpu.vector_store %arg18[%swap3A, %swap3A_194], %mul3A_193 {strides = array<i32>} : memref<112x16xf32, #tpu.memory_space<vmem>>, vector<16xf32>,
        %mul3A_196 = arith.mulf %mul3A_193, %gather3A_190 : vector<16xf32>
        %swap3A_197 = arith.index_cast %scan3A_185 : i32 to index
        %swap3A_198 = arith.constant 0 : index
        %swap3A_199 = tpu.vector_load %arg19[%swap3A_197, %swap3A_198] {strides = array<i32>} : memref<112x16xf32, #tpu.memory_space<vmem>>, vector<16xf32>,
        tpu.vector_store %arg19[%swap3A_197, %swap3A_198], %mul3A_196 {strides = array<i32>} : memref<112x16xf32, #tpu.memory_space<vmem>>, vector<16xf32>,
        %scan3A_200 = arith.constant 0 : i32
        scf.yield %scan3A_200 : i32
      }
      %scan3A_180 = arith.constant 112 : i32
      "tpu.region"() ({
        %run_scoped3A = tpu.sem_alloc : memref<!tpu.dma_semaphore, #tpu.memory_space<semaphore_mem>>
        %dma_start3A = arith.constant 0 : i32
        %dma_start3A_185 = tpu.memref_slice %arg8[%arg0, %add3A_173, %dma_start3A] : memref<2x100352x16xf32, #tpu.memory_space<hbm>> -> memref<1x112x16xf32, #tpu.memory_space<hbm>>
        %dma_start3A_186 = tpu.memref_squeeze %dma_start3A_185 : memref<1x112x16xf32, #tpu.memory_space<hbm>> -> memref<112x16xf32, #tpu.memory_space<hbm>>
        %dma_start3A_187 = arith.constant 0 : i32
        %dma_start3A_188 = tpu.memref_slice %arg8[%arg0, %add3A_173, %dma_start3A_187] : memref<2x100352x16xf32, #tpu.memory_space<hbm>> -> memref<1x112x16xf32, #tpu.memory_space<hbm>>
        %dma_start3A_189 = tpu.memref_squeeze %dma_start3A_188 : memref<1x112x16xf32, #tpu.memory_space<hbm>> -> memref<112x16xf32, #tpu.memory_space<hbm>>
        tpu.enqueue_dma source(%arg18 : memref<112x16xf32, #tpu.memory_space<vmem>>) target(%dma_start3A_189 : memref<112x16xf32, #tpu.memory_space<hbm>>) target_semaphore(%run_scoped3A : memref<!tpu.dma_semaphore, #tpu.memory_space<semaphore_mem>>)
        %dma_wait3A = arith.constant 0 : i32
        %dma_wait3A_190 = tpu.memref_slice %arg8[%arg0, %add3A_173, %dma_wait3A] : memref<2x100352x16xf32, #tpu.memory_space<hbm>> -> memref<1x112x16xf32, #tpu.memory_space<hbm>>
        %dma_wait3A_191 = tpu.memref_squeeze %dma_wait3A_190 : memref<1x112x16xf32, #tpu.memory_space<hbm>> -> memref<112x16xf32, #tpu.memory_space<hbm>>
        %dma_wait3A_192 = arith.constant 0 : i32
        %dma_wait3A_193 = tpu.memref_slice %arg8[%arg0, %add3A_173, %dma_wait3A_192] : memref<2x100352x16xf32, #tpu.memory_space<hbm>> -> memref<1x112x16xf32, #tpu.memory_space<hbm>>
        %dma_wait3A_194 = tpu.memref_squeeze %dma_wait3A_193 : memref<1x112x16xf32, #tpu.memory_space<hbm>> -> memref<112x16xf32, #tpu.memory_space<hbm>>
        tpu.wait_dma2 semaphore(%run_scoped3A : memref<!tpu.dma_semaphore, #tpu.memory_space<semaphore_mem>>) src(%arg18 : memref<112x16xf32, #tpu.memory_space<vmem>>) dst(%dma_wait3A_194 : memref<112x16xf32, #tpu.memory_space<hbm>>)
        tpu.yield
      }) : () -> ()
      %mul3A_181 = arith.constant 100352 : i32
      %mul3A_182 = arith.muli %arg0, %mul3A_181 : i32
      %add3A_183 = arith.addi %mul3A_182, %add3A_173 : i32
      "tpu.region"() ({
        %run_scoped3A = tpu.sem_alloc : memref<!tpu.dma_semaphore, #tpu.memory_space<semaphore_mem>>
        %dma_start3A = arith.constant 0 : i32
        %dma_start3A_185 = tpu.memref_slice %arg7[%add3A_183, %dma_start3A] : memref<200704x16xf32, #tpu.memory_space<hbm>> -> memref<112x16xf32, #tpu.memory_space<hbm>>
        %dma_start3A_186 = arith.constant 0 : i32
        %dma_start3A_187 = tpu.memref_slice %arg7[%add3A_183, %dma_start3A_186] : memref<200704x16xf32, #tpu.memory_space<hbm>> -> memref<112x16xf32, #tpu.memory_space<hbm>>
        tpu.enqueue_dma source(%arg19 : memref<112x16xf32, #tpu.memory_space<vmem>>) target(%dma_start3A_187 : memref<112x16xf32, #tpu.memory_space<hbm>>) target_semaphore(%run_scoped3A : memref<!tpu.dma_semaphore, #tpu.memory_space<semaphore_mem>>)
        %dma_wait3A = arith.constant 0 : i32
        %dma_wait3A_188 = tpu.memref_slice %arg7[%add3A_183, %dma_wait3A] : memref<200704x16xf32, #tpu.memory_space<hbm>> -> memref<112x16xf32, #tpu.memory_space<hbm>>
        %dma_wait3A_189 = arith.constant 0 : i32
        %dma_wait3A_190 = tpu.memref_slice %arg7[%add3A_183, %dma_wait3A_189] : memref<200704x16xf32, #tpu.memory_space<hbm>> -> memref<112x16xf32, #tpu.memory_space<hbm>>
        tpu.wait_dma2 semaphore(%run_scoped3A : memref<!tpu.dma_semaphore, #tpu.memory_space<semaphore_mem>>) src(%arg19 : memref<112x16xf32, #tpu.memory_space<vmem>>) dst(%dma_wait3A_190 : memref<112x16xf32, #tpu.memory_space<hbm>>)
        tpu.yield
      }) : () -> ()
      %scan3A_184 = arith.constant 0 : i32
      scf.yield %scan3A_184 : i32
    }
    %scan3A_95 = arith.constant 56 : i32
    %barrier3A_96 = arith.constant 0 : index
    tpu.barrier barrier_id(%barrier3A_96)
    %scan3A_97 = arith.constant 0 : i32
    %scan3A_98 = arith.constant 0 : i32
    %scan3A_99 = arith.constant 112 : i32
    %scan3A_100 = arith.addi %scan3A_98, %scan3A_99 : i32
    %scan3A_101 = arith.constant 1 : i32
    %scan3A_102 = scf.for %scan3A_169 = %scan3A_98 to %scan3A_100 step %scan3A_101 iter_args(%scan3A_170 = %scan3A_97) -> (i32)  : i32 {
      %broadcast_in_dim3A = arith.constant 0.000000e+00 : f32
      %broadcast_in_dim3A_171 = vector.broadcast %broadcast_in_dim3A : f32 to vector<16xf32>
      %swap3A = arith.index_cast %scan3A_169 : i32 to index
      %swap3A_172 = arith.constant 0 : index
      %swap3A_173 = tpu.vector_load %arg18[%swap3A, %swap3A_172] {strides = array<i32>} : memref<112x16xf32, #tpu.memory_space<vmem>>, vector<16xf32>,
      tpu.vector_store %arg18[%swap3A, %swap3A_172], %broadcast_in_dim3A_171 {strides = array<i32>} : memref<112x16xf32, #tpu.memory_space<vmem>>, vector<16xf32>,
      %scan3A_174 = arith.constant 0 : i32
      scf.yield %scan3A_174 : i32
    }
    %scan3A_103 = arith.constant 112 : i32
    %scan3A_104 = arith.constant 0 : i32
    %scan3A_105 = arith.constant 0 : i32
    %scan3A_106 = arith.constant 56 : i32
    %scan3A_107 = arith.addi %scan3A_105, %scan3A_106 : i32
    %scan3A_108 = arith.constant 1 : i32
    %scan3A_109 = scf.for %scan3A_169 = %scan3A_105 to %scan3A_107 step %scan3A_108 iter_args(%scan3A_170 = %scan3A_104) -> (i32)  : i32 {
      %mul3A_171 = arith.constant 112 : i32
      %mul3A_172 = arith.muli %scan3A_169, %mul3A_171 : i32
      %add3A_173 = arith.addi %mul3A_0, %mul3A_172 : i32
      "tpu.region"() ({
        %run_scoped3A = tpu.sem_alloc : memref<!tpu.dma_semaphore, #tpu.memory_space<semaphore_mem>>
        %dma_start3A = arith.constant 0 : i32
        %dma_start3A_175 = tpu.memref_slice %arg10[%add3A_173, %dma_start3A] : memref<100352x16xf32, #tpu.memory_space<vmem_shared>> -> memref<112x16xf32, #tpu.memory_space<vmem_shared>>
        %dma_start3A_176 = arith.constant 0 : i32
        %dma_start3A_177 = tpu.memref_slice %arg10[%add3A_173, %dma_start3A_176] : memref<100352x16xf32, #tpu.memory_space<vmem_shared>> -> memref<112x16xf32, #tpu.memory_space<vmem_shared>>
        tpu.enqueue_dma source(%arg18 : memref<112x16xf32, #tpu.memory_space<vmem>>) target(%dma_start3A_177 : memref<112x16xf32, #tpu.memory_space<vmem_shared>>) target_semaphore(%run_scoped3A : memref<!tpu.dma_semaphore, #tpu.memory_space<semaphore_mem>>)
        %dma_wait3A = arith.constant 0 : i32
        %dma_wait3A_178 = tpu.memref_slice %arg10[%add3A_173, %dma_wait3A] : memref<100352x16xf32, #tpu.memory_space<vmem_shared>> -> memref<112x16xf32, #tpu.memory_space<vmem_shared>>
        %dma_wait3A_179 = arith.constant 0 : i32
        %dma_wait3A_180 = tpu.memref_slice %arg10[%add3A_173, %dma_wait3A_179] : memref<100352x16xf32, #tpu.memory_space<vmem_shared>> -> memref<112x16xf32, #tpu.memory_space<vmem_shared>>
        tpu.wait_dma2 semaphore(%run_scoped3A : memref<!tpu.dma_semaphore, #tpu.memory_space<semaphore_mem>>) src(%arg18 : memref<112x16xf32, #tpu.memory_space<vmem>>) dst(%dma_wait3A_180 : memref<112x16xf32, #tpu.memory_space<vmem_shared>>)
        tpu.yield
      }) : () -> ()
      %scan3A_174 = arith.constant 0 : i32
      scf.yield %scan3A_174 : i32
    }
    %scan3A_110 = arith.constant 56 : i32
    %barrier3A_111 = arith.constant 0 : index
    tpu.barrier barrier_id(%barrier3A_111)
    %while3A_112 = arith.constant 0 : i32
    %while3A_113 = arith.constant 0 : i32
    %while3A_114 = arith.subi %select_n3A, %while3A_112 : i32
    %while3A_115 = arith.addi %while3A_112, %while3A_114 : i32
    %while3A_116 = arith.constant 1 : i32
    %while3A_117 = arith.divsi %while3A_114, %while3A_116 : i32
    %while3A_118 = arith.muli %while3A_117, %while3A_116 : i32
    %while3A_119 = arith.addi %while3A_112, %while3A_118 : i32
    %while3A_120 = arith.constant 1 : i32
    %while3A_121 = scf.for %while3A_169 = %while3A_112 to %while3A_119 step %while3A_120 iter_args(%while3A_170 = %while3A_113) -> (i32)  : i32 {
      %add3A_171 = arith.addi %add3A, %while3A_169 : i32
      %mul3A_172 = arith.constant 4 : i32
      %mul3A_173 = arith.muli %add3A_171, %mul3A_172 : i32
      "tpu.region"() ({
        %run_scoped3A_234 = tpu.sem_alloc : memref<!tpu.dma_semaphore, #tpu.memory_space<semaphore_mem>>
        %dma_start3A_235 = arith.constant 0 : i32
        %dma_start3A_236 = tpu.memref_slice %arg3[%mul3A_173, %dma_start3A_235] : memref<12500x128xi32, #tpu.memory_space<hbm>> -> memref<4x128xi32, #tpu.memory_space<hbm>>
        %dma_start3A_237 = arith.constant 0 : i32
        %dma_start3A_238 = tpu.memref_slice %arg3[%mul3A_173, %dma_start3A_237] : memref<12500x128xi32, #tpu.memory_space<hbm>> -> memref<4x128xi32, #tpu.memory_space<hbm>>
        tpu.enqueue_dma source(%dma_start3A_238 : memref<4x128xi32, #tpu.memory_space<hbm>>) target(%arg13 : memref<4x128xi32, #tpu.memory_space<vmem>>) target_semaphore(%run_scoped3A_234 : memref<!tpu.dma_semaphore, #tpu.memory_space<semaphore_mem>>)
        %dma_wait3A_239 = arith.constant 0 : i32
        %dma_wait3A_240 = tpu.memref_slice %arg3[%mul3A_173, %dma_wait3A_239] : memref<12500x128xi32, #tpu.memory_space<hbm>> -> memref<4x128xi32, #tpu.memory_space<hbm>>
        %dma_wait3A_241 = arith.constant 0 : i32
        %dma_wait3A_242 = tpu.memref_slice %arg3[%mul3A_173, %dma_wait3A_241] : memref<12500x128xi32, #tpu.memory_space<hbm>> -> memref<4x128xi32, #tpu.memory_space<hbm>>
        tpu.wait_dma2 semaphore(%run_scoped3A_234 : memref<!tpu.dma_semaphore, #tpu.memory_space<semaphore_mem>>) src(%dma_wait3A_242 : memref<4x128xi32, #tpu.memory_space<hbm>>) dst(%arg13 : memref<4x128xi32, #tpu.memory_space<vmem>>)
        tpu.yield
      }) : () -> ()
      %mul3A_174 = arith.constant 4 : i32
      %mul3A_175 = arith.muli %add3A_171, %mul3A_174 : i32
      "tpu.region"() ({
        %run_scoped3A_234 = tpu.sem_alloc : memref<!tpu.dma_semaphore, #tpu.memory_space<semaphore_mem>>
        %dma_start3A_235 = arith.constant 0 : i32
        %dma_start3A_236 = tpu.memref_slice %arg2[%arg0, %mul3A_175, %dma_start3A_235] : memref<2x12500x128xi32, #tpu.memory_space<hbm>> -> memref<1x4x128xi32, #tpu.memory_space<hbm>>
        %dma_start3A_237 = tpu.memref_squeeze %dma_start3A_236 : memref<1x4x128xi32, #tpu.memory_space<hbm>> -> memref<4x128xi32, #tpu.memory_space<hbm>>
        %dma_start3A_238 = arith.constant 0 : i32
        %dma_start3A_239 = tpu.memref_slice %arg2[%arg0, %mul3A_175, %dma_start3A_238] : memref<2x12500x128xi32, #tpu.memory_space<hbm>> -> memref<1x4x128xi32, #tpu.memory_space<hbm>>
        %dma_start3A_240 = tpu.memref_squeeze %dma_start3A_239 : memref<1x4x128xi32, #tpu.memory_space<hbm>> -> memref<4x128xi32, #tpu.memory_space<hbm>>
        tpu.enqueue_dma source(%dma_start3A_240 : memref<4x128xi32, #tpu.memory_space<hbm>>) target(%arg14 : memref<4x128xi32, #tpu.memory_space<vmem>>) target_semaphore(%run_scoped3A_234 : memref<!tpu.dma_semaphore, #tpu.memory_space<semaphore_mem>>)
        %dma_wait3A_241 = arith.constant 0 : i32
        %dma_wait3A_242 = tpu.memref_slice %arg2[%arg0, %mul3A_175, %dma_wait3A_241] : memref<2x12500x128xi32, #tpu.memory_space<hbm>> -> memref<1x4x128xi32, #tpu.memory_space<hbm>>
        %dma_wait3A_243 = tpu.memref_squeeze %dma_wait3A_242 : memref<1x4x128xi32, #tpu.memory_space<hbm>> -> memref<4x128xi32, #tpu.memory_space<hbm>>
        %dma_wait3A_244 = arith.constant 0 : i32
        %dma_wait3A_245 = tpu.memref_slice %arg2[%arg0, %mul3A_175, %dma_wait3A_244] : memref<2x12500x128xi32, #tpu.memory_space<hbm>> -> memref<1x4x128xi32, #tpu.memory_space<hbm>>
        %dma_wait3A_246 = tpu.memref_squeeze %dma_wait3A_245 : memref<1x4x128xi32, #tpu.memory_space<hbm>> -> memref<4x128xi32, #tpu.memory_space<hbm>>
        tpu.wait_dma2 semaphore(%run_scoped3A_234 : memref<!tpu.dma_semaphore, #tpu.memory_space<semaphore_mem>>) src(%dma_wait3A_246 : memref<4x128xi32, #tpu.memory_space<hbm>>) dst(%arg14 : memref<4x128xi32, #tpu.memory_space<vmem>>)
        tpu.yield
      }) : () -> ()
      %dma_start3A = arith.constant 0 : i32
      %dma_start3A_176 = arith.constant 0 : i32
      %dma_start3A_177 = tpu.memref_slice %arg14[%dma_start3A, %dma_start3A_176] : memref<4x128xi32, #tpu.memory_space<vmem>> -> memref<1x128xi32, #tpu.memory_space<vmem>>
      %dma_start3A_178 = tpu.memref_squeeze %dma_start3A_177 : memref<1x128xi32, #tpu.memory_space<vmem>> -> memref<128xi32, #tpu.memory_space<vmem>>
      %dma_start3A_179 = arith.constant 0 : i32
      %dma_start3A_180 = arith.constant 0 : i32
      %dma_start3A_181 = tpu.memref_slice %arg7[%dma_start3A_179, %dma_start3A_180] : memref<200704x16xf32, #tpu.memory_space<hbm>> -> memref<200704x16xf32, #tpu.memory_space<hbm>>
      tpu.enqueue_indirect_dma source(%dma_start3A_181 : memref<200704x16xf32, #tpu.memory_space<hbm>>) target(%arg15 : memref<128x16xf32, #tpu.memory_space<vmem>>) offsets(%dma_start3A_178 : memref<128xi32, #tpu.memory_space<vmem>>) semaphore(%arg24 : memref<!tpu.dma_semaphore, #tpu.memory_space<semaphore_mem>>)
      %dma_wait3A = arith.constant 0 : i32
      %dma_wait3A_182 = arith.constant 0 : i32
      %dma_wait3A_183 = tpu.memref_slice %arg14[%dma_wait3A, %dma_wait3A_182] : memref<4x128xi32, #tpu.memory_space<vmem>> -> memref<1x128xi32, #tpu.memory_space<vmem>>
      %dma_wait3A_184 = tpu.memref_squeeze %dma_wait3A_183 : memref<1x128xi32, #tpu.memory_space<vmem>> -> memref<128xi32, #tpu.memory_space<vmem>>
      %dma_wait3A_185 = arith.constant 0 : i32
      %dma_wait3A_186 = arith.constant 0 : i32
      %dma_wait3A_187 = tpu.memref_slice %arg7[%dma_wait3A_185, %dma_wait3A_186] : memref<200704x16xf32, #tpu.memory_space<hbm>> -> memref<200704x16xf32, #tpu.memory_space<hbm>>
      tpu.wait_indirect_dma semaphore(%arg24 : memref<!tpu.dma_semaphore, #tpu.memory_space<semaphore_mem>>) src(%dma_wait3A_187 : memref<200704x16xf32, #tpu.memory_space<hbm>>) dst(%arg15 : memref<128x16xf32, #tpu.memory_space<vmem>>)
      %run_scoped3A = arith.constant 0 : i32
      "tpu.region"() ({
        %run_scoped3A_234 = tpu.sem_alloc : memref<!tpu.dma_semaphore, #tpu.memory_space<semaphore_mem>>
        %dma_start3A_235 = arith.constant 0 : i32
        %dma_start3A_236 = tpu.memref_slice %arg13[%run_scoped3A, %dma_start3A_235] : memref<4x128xi32, #tpu.memory_space<vmem>> -> memref<1x128xi32, #tpu.memory_space<vmem>>
        %dma_start3A_237 = tpu.memref_squeeze %dma_start3A_236 : memref<1x128xi32, #tpu.memory_space<vmem>> -> memref<128xi32, #tpu.memory_space<vmem>>
        %dma_start3A_238 = arith.constant 0 : i32
        %dma_start3A_239 = arith.constant 0 : i32
        %dma_start3A_240 = tpu.memref_slice %arg10[%dma_start3A_238, %dma_start3A_239] : memref<100352x16xf32, #tpu.memory_space<vmem_shared>> -> memref<100352x16xf32, #tpu.memory_space<vmem_shared>>
        tpu.enqueue_indirect_dma source(%arg15 : memref<128x16xf32, #tpu.memory_space<vmem>>) target(%dma_start3A_240 : memref<100352x16xf32, #tpu.memory_space<vmem_shared>>) offsets(%dma_start3A_237 : memref<128xi32, #tpu.memory_space<vmem>>) semaphore(%run_scoped3A_234 : memref<!tpu.dma_semaphore, #tpu.memory_space<semaphore_mem>>) {add = true}
        %dma_wait3A_241 = arith.constant 0 : i32
        %dma_wait3A_242 = tpu.memref_slice %arg13[%run_scoped3A, %dma_wait3A_241] : memref<4x128xi32, #tpu.memory_space<vmem>> -> memref<1x128xi32, #tpu.memory_space<vmem>>
        %dma_wait3A_243 = tpu.memref_squeeze %dma_wait3A_242 : memref<1x128xi32, #tpu.memory_space<vmem>> -> memref<128xi32, #tpu.memory_space<vmem>>
        %dma_wait3A_244 = arith.constant 0 : i32
        %dma_wait3A_245 = arith.constant 0 : i32
        %dma_wait3A_246 = tpu.memref_slice %arg10[%dma_wait3A_244, %dma_wait3A_245] : memref<100352x16xf32, #tpu.memory_space<vmem_shared>> -> memref<100352x16xf32, #tpu.memory_space<vmem_shared>>
        tpu.wait_indirect_dma semaphore(%run_scoped3A_234 : memref<!tpu.dma_semaphore, #tpu.memory_space<semaphore_mem>>) src(%arg15 : memref<128x16xf32, #tpu.memory_space<vmem>>) dst(%dma_wait3A_246 : memref<100352x16xf32, #tpu.memory_space<vmem_shared>>)
        tpu.yield
      }) : () -> ()
      %dma_start3A_188 = arith.constant 1 : i32
      %dma_start3A_189 = arith.constant 0 : i32
      %dma_start3A_190 = tpu.memref_slice %arg14[%dma_start3A_188, %dma_start3A_189] : memref<4x128xi32, #tpu.memory_space<vmem>> -> memref<1x128xi32, #tpu.memory_space<vmem>>
      %dma_start3A_191 = tpu.memref_squeeze %dma_start3A_190 : memref<1x128xi32, #tpu.memory_space<vmem>> -> memref<128xi32, #tpu.memory_space<vmem>>
      %dma_start3A_192 = arith.constant 0 : i32
      %dma_start3A_193 = arith.constant 0 : i32
      %dma_start3A_194 = tpu.memref_slice %arg7[%dma_start3A_192, %dma_start3A_193] : memref<200704x16xf32, #tpu.memory_space<hbm>> -> memref<200704x16xf32, #tpu.memory_space<hbm>>
      tpu.enqueue_indirect_dma source(%dma_start3A_194 : memref<200704x16xf32, #tpu.memory_space<hbm>>) target(%arg15 : memref<128x16xf32, #tpu.memory_space<vmem>>) offsets(%dma_start3A_191 : memref<128xi32, #tpu.memory_space<vmem>>) semaphore(%arg24 : memref<!tpu.dma_semaphore, #tpu.memory_space<semaphore_mem>>)
      %dma_wait3A_195 = arith.constant 1 : i32
      %dma_wait3A_196 = arith.constant 0 : i32
      %dma_wait3A_197 = tpu.memref_slice %arg14[%dma_wait3A_195, %dma_wait3A_196] : memref<4x128xi32, #tpu.memory_space<vmem>> -> memref<1x128xi32, #tpu.memory_space<vmem>>
      %dma_wait3A_198 = tpu.memref_squeeze %dma_wait3A_197 : memref<1x128xi32, #tpu.memory_space<vmem>> -> memref<128xi32, #tpu.memory_space<vmem>>
      %dma_wait3A_199 = arith.constant 0 : i32
      %dma_wait3A_200 = arith.constant 0 : i32
      %dma_wait3A_201 = tpu.memref_slice %arg7[%dma_wait3A_199, %dma_wait3A_200] : memref<200704x16xf32, #tpu.memory_space<hbm>> -> memref<200704x16xf32, #tpu.memory_space<hbm>>
      tpu.wait_indirect_dma semaphore(%arg24 : memref<!tpu.dma_semaphore, #tpu.memory_space<semaphore_mem>>) src(%dma_wait3A_201 : memref<200704x16xf32, #tpu.memory_space<hbm>>) dst(%arg15 : memref<128x16xf32, #tpu.memory_space<vmem>>)
      %run_scoped3A_202 = arith.constant 1 : i32
      "tpu.region"() ({
        %run_scoped3A_234 = tpu.sem_alloc : memref<!tpu.dma_semaphore, #tpu.memory_space<semaphore_mem>>
        %dma_start3A_235 = arith.constant 0 : i32
        %dma_start3A_236 = tpu.memref_slice %arg13[%run_scoped3A_202, %dma_start3A_235] : memref<4x128xi32, #tpu.memory_space<vmem>> -> memref<1x128xi32, #tpu.memory_space<vmem>>
        %dma_start3A_237 = tpu.memref_squeeze %dma_start3A_236 : memref<1x128xi32, #tpu.memory_space<vmem>> -> memref<128xi32, #tpu.memory_space<vmem>>
        %dma_start3A_238 = arith.constant 0 : i32
        %dma_start3A_239 = arith.constant 0 : i32
        %dma_start3A_240 = tpu.memref_slice %arg10[%dma_start3A_238, %dma_start3A_239] : memref<100352x16xf32, #tpu.memory_space<vmem_shared>> -> memref<100352x16xf32, #tpu.memory_space<vmem_shared>>
        tpu.enqueue_indirect_dma source(%arg15 : memref<128x16xf32, #tpu.memory_space<vmem>>) target(%dma_start3A_240 : memref<100352x16xf32, #tpu.memory_space<vmem_shared>>) offsets(%dma_start3A_237 : memref<128xi32, #tpu.memory_space<vmem>>) semaphore(%run_scoped3A_234 : memref<!tpu.dma_semaphore, #tpu.memory_space<semaphore_mem>>) {add = true}
        %dma_wait3A_241 = arith.constant 0 : i32
        %dma_wait3A_242 = tpu.memref_slice %arg13[%run_scoped3A_202, %dma_wait3A_241] : memref<4x128xi32, #tpu.memory_space<vmem>> -> memref<1x128xi32, #tpu.memory_space<vmem>>
        %dma_wait3A_243 = tpu.memref_squeeze %dma_wait3A_242 : memref<1x128xi32, #tpu.memory_space<vmem>> -> memref<128xi32, #tpu.memory_space<vmem>>
        %dma_wait3A_244 = arith.constant 0 : i32
        %dma_wait3A_245 = arith.constant 0 : i32
        %dma_wait3A_246 = tpu.memref_slice %arg10[%dma_wait3A_244, %dma_wait3A_245] : memref<100352x16xf32, #tpu.memory_space<vmem_shared>> -> memref<100352x16xf32, #tpu.memory_space<vmem_shared>>
        tpu.wait_indirect_dma semaphore(%run_scoped3A_234 : memref<!tpu.dma_semaphore, #tpu.memory_space<semaphore_mem>>) src(%arg15 : memref<128x16xf32, #tpu.memory_space<vmem>>) dst(%dma_wait3A_246 : memref<100352x16xf32, #tpu.memory_space<vmem_shared>>)
        tpu.yield
      }) : () -> ()
      %dma_start3A_203 = arith.constant 2 : i32
      %dma_start3A_204 = arith.constant 0 : i32
      %dma_start3A_205 = tpu.memref_slice %arg14[%dma_start3A_203, %dma_start3A_204] : memref<4x128xi32, #tpu.memory_space<vmem>> -> memref<1x128xi32, #tpu.memory_space<vmem>>
      %dma_start3A_206 = tpu.memref_squeeze %dma_start3A_205 : memref<1x128xi32, #tpu.memory_space<vmem>> -> memref<128xi32, #tpu.memory_space<vmem>>
      %dma_start3A_207 = arith.constant 0 : i32
      %dma_start3A_208 = arith.constant 0 : i32
      %dma_start3A_209 = tpu.memref_slice %arg7[%dma_start3A_207, %dma_start3A_208] : memref<200704x16xf32, #tpu.memory_space<hbm>> -> memref<200704x16xf32, #tpu.memory_space<hbm>>
      tpu.enqueue_indirect_dma source(%dma_start3A_209 : memref<200704x16xf32, #tpu.memory_space<hbm>>) target(%arg15 : memref<128x16xf32, #tpu.memory_space<vmem>>) offsets(%dma_start3A_206 : memref<128xi32, #tpu.memory_space<vmem>>) semaphore(%arg24 : memref<!tpu.dma_semaphore, #tpu.memory_space<semaphore_mem>>)
      %dma_wait3A_210 = arith.constant 2 : i32
      %dma_wait3A_211 = arith.constant 0 : i32
      %dma_wait3A_212 = tpu.memref_slice %arg14[%dma_wait3A_210, %dma_wait3A_211] : memref<4x128xi32, #tpu.memory_space<vmem>> -> memref<1x128xi32, #tpu.memory_space<vmem>>
      %dma_wait3A_213 = tpu.memref_squeeze %dma_wait3A_212 : memref<1x128xi32, #tpu.memory_space<vmem>> -> memref<128xi32, #tpu.memory_space<vmem>>
      %dma_wait3A_214 = arith.constant 0 : i32
      %dma_wait3A_215 = arith.constant 0 : i32
      %dma_wait3A_216 = tpu.memref_slice %arg7[%dma_wait3A_214, %dma_wait3A_215] : memref<200704x16xf32, #tpu.memory_space<hbm>> -> memref<200704x16xf32, #tpu.memory_space<hbm>>
      tpu.wait_indirect_dma semaphore(%arg24 : memref<!tpu.dma_semaphore, #tpu.memory_space<semaphore_mem>>) src(%dma_wait3A_216 : memref<200704x16xf32, #tpu.memory_space<hbm>>) dst(%arg15 : memref<128x16xf32, #tpu.memory_space<vmem>>)
      %run_scoped3A_217 = arith.constant 2 : i32
      "tpu.region"() ({
        %run_scoped3A_234 = tpu.sem_alloc : memref<!tpu.dma_semaphore, #tpu.memory_space<semaphore_mem>>
        %dma_start3A_235 = arith.constant 0 : i32
        %dma_start3A_236 = tpu.memref_slice %arg13[%run_scoped3A_217, %dma_start3A_235] : memref<4x128xi32, #tpu.memory_space<vmem>> -> memref<1x128xi32, #tpu.memory_space<vmem>>
        %dma_start3A_237 = tpu.memref_squeeze %dma_start3A_236 : memref<1x128xi32, #tpu.memory_space<vmem>> -> memref<128xi32, #tpu.memory_space<vmem>>
        %dma_start3A_238 = arith.constant 0 : i32
        %dma_start3A_239 = arith.constant 0 : i32
        %dma_start3A_240 = tpu.memref_slice %arg10[%dma_start3A_238, %dma_start3A_239] : memref<100352x16xf32, #tpu.memory_space<vmem_shared>> -> memref<100352x16xf32, #tpu.memory_space<vmem_shared>>
        tpu.enqueue_indirect_dma source(%arg15 : memref<128x16xf32, #tpu.memory_space<vmem>>) target(%dma_start3A_240 : memref<100352x16xf32, #tpu.memory_space<vmem_shared>>) offsets(%dma_start3A_237 : memref<128xi32, #tpu.memory_space<vmem>>) semaphore(%run_scoped3A_234 : memref<!tpu.dma_semaphore, #tpu.memory_space<semaphore_mem>>) {add = true}
        %dma_wait3A_241 = arith.constant 0 : i32
        %dma_wait3A_242 = tpu.memref_slice %arg13[%run_scoped3A_217, %dma_wait3A_241] : memref<4x128xi32, #tpu.memory_space<vmem>> -> memref<1x128xi32, #tpu.memory_space<vmem>>
        %dma_wait3A_243 = tpu.memref_squeeze %dma_wait3A_242 : memref<1x128xi32, #tpu.memory_space<vmem>> -> memref<128xi32, #tpu.memory_space<vmem>>
        %dma_wait3A_244 = arith.constant 0 : i32
        %dma_wait3A_245 = arith.constant 0 : i32
        %dma_wait3A_246 = tpu.memref_slice %arg10[%dma_wait3A_244, %dma_wait3A_245] : memref<100352x16xf32, #tpu.memory_space<vmem_shared>> -> memref<100352x16xf32, #tpu.memory_space<vmem_shared>>
        tpu.wait_indirect_dma semaphore(%run_scoped3A_234 : memref<!tpu.dma_semaphore, #tpu.memory_space<semaphore_mem>>) src(%arg15 : memref<128x16xf32, #tpu.memory_space<vmem>>) dst(%dma_wait3A_246 : memref<100352x16xf32, #tpu.memory_space<vmem_shared>>)
        tpu.yield
      }) : () -> ()
      %dma_start3A_218 = arith.constant 3 : i32
      %dma_start3A_219 = arith.constant 0 : i32
      %dma_start3A_220 = tpu.memref_slice %arg14[%dma_start3A_218, %dma_start3A_219] : memref<4x128xi32, #tpu.memory_space<vmem>> -> memref<1x128xi32, #tpu.memory_space<vmem>>
      %dma_start3A_221 = tpu.memref_squeeze %dma_start3A_220 : memref<1x128xi32, #tpu.memory_space<vmem>> -> memref<128xi32, #tpu.memory_space<vmem>>
      %dma_start3A_222 = arith.constant 0 : i32
      %dma_start3A_223 = arith.constant 0 : i32
      %dma_start3A_224 = tpu.memref_slice %arg7[%dma_start3A_222, %dma_start3A_223] : memref<200704x16xf32, #tpu.memory_space<hbm>> -> memref<200704x16xf32, #tpu.memory_space<hbm>>
      tpu.enqueue_indirect_dma source(%dma_start3A_224 : memref<200704x16xf32, #tpu.memory_space<hbm>>) target(%arg15 : memref<128x16xf32, #tpu.memory_space<vmem>>) offsets(%dma_start3A_221 : memref<128xi32, #tpu.memory_space<vmem>>) semaphore(%arg24 : memref<!tpu.dma_semaphore, #tpu.memory_space<semaphore_mem>>)
      %dma_wait3A_225 = arith.constant 3 : i32
      %dma_wait3A_226 = arith.constant 0 : i32
      %dma_wait3A_227 = tpu.memref_slice %arg14[%dma_wait3A_225, %dma_wait3A_226] : memref<4x128xi32, #tpu.memory_space<vmem>> -> memref<1x128xi32, #tpu.memory_space<vmem>>
      %dma_wait3A_228 = tpu.memref_squeeze %dma_wait3A_227 : memref<1x128xi32, #tpu.memory_space<vmem>> -> memref<128xi32, #tpu.memory_space<vmem>>
      %dma_wait3A_229 = arith.constant 0 : i32
      %dma_wait3A_230 = arith.constant 0 : i32
      %dma_wait3A_231 = tpu.memref_slice %arg7[%dma_wait3A_229, %dma_wait3A_230] : memref<200704x16xf32, #tpu.memory_space<hbm>> -> memref<200704x16xf32, #tpu.memory_space<hbm>>
      tpu.wait_indirect_dma semaphore(%arg24 : memref<!tpu.dma_semaphore, #tpu.memory_space<semaphore_mem>>) src(%dma_wait3A_231 : memref<200704x16xf32, #tpu.memory_space<hbm>>) dst(%arg15 : memref<128x16xf32, #tpu.memory_space<vmem>>)
      %run_scoped3A_232 = arith.constant 3 : i32
      "tpu.region"() ({
        %run_scoped3A_234 = tpu.sem_alloc : memref<!tpu.dma_semaphore, #tpu.memory_space<semaphore_mem>>
        %dma_start3A_235 = arith.constant 0 : i32
        %dma_start3A_236 = tpu.memref_slice %arg13[%run_scoped3A_232, %dma_start3A_235] : memref<4x128xi32, #tpu.memory_space<vmem>> -> memref<1x128xi32, #tpu.memory_space<vmem>>
        %dma_start3A_237 = tpu.memref_squeeze %dma_start3A_236 : memref<1x128xi32, #tpu.memory_space<vmem>> -> memref<128xi32, #tpu.memory_space<vmem>>
        %dma_start3A_238 = arith.constant 0 : i32
        %dma_start3A_239 = arith.constant 0 : i32
        %dma_start3A_240 = tpu.memref_slice %arg10[%dma_start3A_238, %dma_start3A_239] : memref<100352x16xf32, #tpu.memory_space<vmem_shared>> -> memref<100352x16xf32, #tpu.memory_space<vmem_shared>>
        tpu.enqueue_indirect_dma source(%arg15 : memref<128x16xf32, #tpu.memory_space<vmem>>) target(%dma_start3A_240 : memref<100352x16xf32, #tpu.memory_space<vmem_shared>>) offsets(%dma_start3A_237 : memref<128xi32, #tpu.memory_space<vmem>>) semaphore(%run_scoped3A_234 : memref<!tpu.dma_semaphore, #tpu.memory_space<semaphore_mem>>) {add = true}
        %dma_wait3A_241 = arith.constant 0 : i32
        %dma_wait3A_242 = tpu.memref_slice %arg13[%run_scoped3A_232, %dma_wait3A_241] : memref<4x128xi32, #tpu.memory_space<vmem>> -> memref<1x128xi32, #tpu.memory_space<vmem>>
        %dma_wait3A_243 = tpu.memref_squeeze %dma_wait3A_242 : memref<1x128xi32, #tpu.memory_space<vmem>> -> memref<128xi32, #tpu.memory_space<vmem>>
        %dma_wait3A_244 = arith.constant 0 : i32
        %dma_wait3A_245 = arith.constant 0 : i32
        %dma_wait3A_246 = tpu.memref_slice %arg10[%dma_wait3A_244, %dma_wait3A_245] : memref<100352x16xf32, #tpu.memory_space<vmem_shared>> -> memref<100352x16xf32, #tpu.memory_space<vmem_shared>>
        tpu.wait_indirect_dma semaphore(%run_scoped3A_234 : memref<!tpu.dma_semaphore, #tpu.memory_space<semaphore_mem>>) src(%arg15 : memref<128x16xf32, #tpu.memory_space<vmem>>) dst(%dma_wait3A_246 : memref<100352x16xf32, #tpu.memory_space<vmem_shared>>)
        tpu.yield
      }) : () -> ()
      %while3A_233 = arith.constant 0 : i32
      scf.yield %while3A_233 : i32
    }
    %while3A_122 = arith.constant 1 : i32
    %while3A_123 = scf.for %while3A_169 = %while3A_119 to %while3A_115 step %while3A_122 iter_args(%while3A_170 = %while3A_121) -> (i32)  : i32 {
      %add3A_171 = arith.addi %add3A, %while3A_169 : i32
      %mul3A_172 = arith.constant 4 : i32
      %mul3A_173 = arith.muli %add3A_171, %mul3A_172 : i32
      "tpu.region"() ({
        %run_scoped3A_234 = tpu.sem_alloc : memref<!tpu.dma_semaphore, #tpu.memory_space<semaphore_mem>>
        %dma_start3A_235 = arith.constant 0 : i32
        %dma_start3A_236 = tpu.memref_slice %arg3[%mul3A_173, %dma_start3A_235] : memref<12500x128xi32, #tpu.memory_space<hbm>> -> memref<4x128xi32, #tpu.memory_space<hbm>>
        %dma_start3A_237 = arith.constant 0 : i32
        %dma_start3A_238 = tpu.memref_slice %arg3[%mul3A_173, %dma_start3A_237] : memref<12500x128xi32, #tpu.memory_space<hbm>> -> memref<4x128xi32, #tpu.memory_space<hbm>>
        tpu.enqueue_dma source(%dma_start3A_238 : memref<4x128xi32, #tpu.memory_space<hbm>>) target(%arg13 : memref<4x128xi32, #tpu.memory_space<vmem>>) target_semaphore(%run_scoped3A_234 : memref<!tpu.dma_semaphore, #tpu.memory_space<semaphore_mem>>)
        %dma_wait3A_239 = arith.constant 0 : i32
        %dma_wait3A_240 = tpu.memref_slice %arg3[%mul3A_173, %dma_wait3A_239] : memref<12500x128xi32, #tpu.memory_space<hbm>> -> memref<4x128xi32, #tpu.memory_space<hbm>>
        %dma_wait3A_241 = arith.constant 0 : i32
        %dma_wait3A_242 = tpu.memref_slice %arg3[%mul3A_173, %dma_wait3A_241] : memref<12500x128xi32, #tpu.memory_space<hbm>> -> memref<4x128xi32, #tpu.memory_space<hbm>>
        tpu.wait_dma2 semaphore(%run_scoped3A_234 : memref<!tpu.dma_semaphore, #tpu.memory_space<semaphore_mem>>) src(%dma_wait3A_242 : memref<4x128xi32, #tpu.memory_space<hbm>>) dst(%arg13 : memref<4x128xi32, #tpu.memory_space<vmem>>)
        tpu.yield
      }) : () -> ()
      %mul3A_174 = arith.constant 4 : i32
      %mul3A_175 = arith.muli %add3A_171, %mul3A_174 : i32
      "tpu.region"() ({
        %run_scoped3A_234 = tpu.sem_alloc : memref<!tpu.dma_semaphore, #tpu.memory_space<semaphore_mem>>
        %dma_start3A_235 = arith.constant 0 : i32
        %dma_start3A_236 = tpu.memref_slice %arg2[%arg0, %mul3A_175, %dma_start3A_235] : memref<2x12500x128xi32, #tpu.memory_space<hbm>> -> memref<1x4x128xi32, #tpu.memory_space<hbm>>
        %dma_start3A_237 = tpu.memref_squeeze %dma_start3A_236 : memref<1x4x128xi32, #tpu.memory_space<hbm>> -> memref<4x128xi32, #tpu.memory_space<hbm>>
        %dma_start3A_238 = arith.constant 0 : i32
        %dma_start3A_239 = tpu.memref_slice %arg2[%arg0, %mul3A_175, %dma_start3A_238] : memref<2x12500x128xi32, #tpu.memory_space<hbm>> -> memref<1x4x128xi32, #tpu.memory_space<hbm>>
        %dma_start3A_240 = tpu.memref_squeeze %dma_start3A_239 : memref<1x4x128xi32, #tpu.memory_space<hbm>> -> memref<4x128xi32, #tpu.memory_space<hbm>>
        tpu.enqueue_dma source(%dma_start3A_240 : memref<4x128xi32, #tpu.memory_space<hbm>>) target(%arg14 : memref<4x128xi32, #tpu.memory_space<vmem>>) target_semaphore(%run_scoped3A_234 : memref<!tpu.dma_semaphore, #tpu.memory_space<semaphore_mem>>)
        %dma_wait3A_241 = arith.constant 0 : i32
        %dma_wait3A_242 = tpu.memref_slice %arg2[%arg0, %mul3A_175, %dma_wait3A_241] : memref<2x12500x128xi32, #tpu.memory_space<hbm>> -> memref<1x4x128xi32, #tpu.memory_space<hbm>>
        %dma_wait3A_243 = tpu.memref_squeeze %dma_wait3A_242 : memref<1x4x128xi32, #tpu.memory_space<hbm>> -> memref<4x128xi32, #tpu.memory_space<hbm>>
        %dma_wait3A_244 = arith.constant 0 : i32
        %dma_wait3A_245 = tpu.memref_slice %arg2[%arg0, %mul3A_175, %dma_wait3A_244] : memref<2x12500x128xi32, #tpu.memory_space<hbm>> -> memref<1x4x128xi32, #tpu.memory_space<hbm>>
        %dma_wait3A_246 = tpu.memref_squeeze %dma_wait3A_245 : memref<1x4x128xi32, #tpu.memory_space<hbm>> -> memref<4x128xi32, #tpu.memory_space<hbm>>
        tpu.wait_dma2 semaphore(%run_scoped3A_234 : memref<!tpu.dma_semaphore, #tpu.memory_space<semaphore_mem>>) src(%dma_wait3A_246 : memref<4x128xi32, #tpu.memory_space<hbm>>) dst(%arg14 : memref<4x128xi32, #tpu.memory_space<vmem>>)
        tpu.yield
      }) : () -> ()
      %dma_start3A = arith.constant 0 : i32
      %dma_start3A_176 = arith.constant 0 : i32
      %dma_start3A_177 = tpu.memref_slice %arg14[%dma_start3A, %dma_start3A_176] : memref<4x128xi32, #tpu.memory_space<vmem>> -> memref<1x128xi32, #tpu.memory_space<vmem>>
      %dma_start3A_178 = tpu.memref_squeeze %dma_start3A_177 : memref<1x128xi32, #tpu.memory_space<vmem>> -> memref<128xi32, #tpu.memory_space<vmem>>
      %dma_start3A_179 = arith.constant 0 : i32
      %dma_start3A_180 = arith.constant 0 : i32
      %dma_start3A_181 = tpu.memref_slice %arg7[%dma_start3A_179, %dma_start3A_180] : memref<200704x16xf32, #tpu.memory_space<hbm>> -> memref<200704x16xf32, #tpu.memory_space<hbm>>
      tpu.enqueue_indirect_dma source(%dma_start3A_181 : memref<200704x16xf32, #tpu.memory_space<hbm>>) target(%arg15 : memref<128x16xf32, #tpu.memory_space<vmem>>) offsets(%dma_start3A_178 : memref<128xi32, #tpu.memory_space<vmem>>) semaphore(%arg24 : memref<!tpu.dma_semaphore, #tpu.memory_space<semaphore_mem>>)
      %dma_wait3A = arith.constant 0 : i32
      %dma_wait3A_182 = arith.constant 0 : i32
      %dma_wait3A_183 = tpu.memref_slice %arg14[%dma_wait3A, %dma_wait3A_182] : memref<4x128xi32, #tpu.memory_space<vmem>> -> memref<1x128xi32, #tpu.memory_space<vmem>>
      %dma_wait3A_184 = tpu.memref_squeeze %dma_wait3A_183 : memref<1x128xi32, #tpu.memory_space<vmem>> -> memref<128xi32, #tpu.memory_space<vmem>>
      %dma_wait3A_185 = arith.constant 0 : i32
      %dma_wait3A_186 = arith.constant 0 : i32
      %dma_wait3A_187 = tpu.memref_slice %arg7[%dma_wait3A_185, %dma_wait3A_186] : memref<200704x16xf32, #tpu.memory_space<hbm>> -> memref<200704x16xf32, #tpu.memory_space<hbm>>
      tpu.wait_indirect_dma semaphore(%arg24 : memref<!tpu.dma_semaphore, #tpu.memory_space<semaphore_mem>>) src(%dma_wait3A_187 : memref<200704x16xf32, #tpu.memory_space<hbm>>) dst(%arg15 : memref<128x16xf32, #tpu.memory_space<vmem>>)
      %run_scoped3A = arith.constant 0 : i32
      "tpu.region"() ({
        %run_scoped3A_234 = tpu.sem_alloc : memref<!tpu.dma_semaphore, #tpu.memory_space<semaphore_mem>>
        %dma_start3A_235 = arith.constant 0 : i32
        %dma_start3A_236 = tpu.memref_slice %arg13[%run_scoped3A, %dma_start3A_235] : memref<4x128xi32, #tpu.memory_space<vmem>> -> memref<1x128xi32, #tpu.memory_space<vmem>>
        %dma_start3A_237 = tpu.memref_squeeze %dma_start3A_236 : memref<1x128xi32, #tpu.memory_space<vmem>> -> memref<128xi32, #tpu.memory_space<vmem>>
        %dma_start3A_238 = arith.constant 0 : i32
        %dma_start3A_239 = arith.constant 0 : i32
        %dma_start3A_240 = tpu.memref_slice %arg10[%dma_start3A_238, %dma_start3A_239] : memref<100352x16xf32, #tpu.memory_space<vmem_shared>> -> memref<100352x16xf32, #tpu.memory_space<vmem_shared>>
        tpu.enqueue_indirect_dma source(%arg15 : memref<128x16xf32, #tpu.memory_space<vmem>>) target(%dma_start3A_240 : memref<100352x16xf32, #tpu.memory_space<vmem_shared>>) offsets(%dma_start3A_237 : memref<128xi32, #tpu.memory_space<vmem>>) semaphore(%run_scoped3A_234 : memref<!tpu.dma_semaphore, #tpu.memory_space<semaphore_mem>>) {add = true}
        %dma_wait3A_241 = arith.constant 0 : i32
        %dma_wait3A_242 = tpu.memref_slice %arg13[%run_scoped3A, %dma_wait3A_241] : memref<4x128xi32, #tpu.memory_space<vmem>> -> memref<1x128xi32, #tpu.memory_space<vmem>>
        %dma_wait3A_243 = tpu.memref_squeeze %dma_wait3A_242 : memref<1x128xi32, #tpu.memory_space<vmem>> -> memref<128xi32, #tpu.memory_space<vmem>>
        %dma_wait3A_244 = arith.constant 0 : i32
        %dma_wait3A_245 = arith.constant 0 : i32
        %dma_wait3A_246 = tpu.memref_slice %arg10[%dma_wait3A_244, %dma_wait3A_245] : memref<100352x16xf32, #tpu.memory_space<vmem_shared>> -> memref<100352x16xf32, #tpu.memory_space<vmem_shared>>
        tpu.wait_indirect_dma semaphore(%run_scoped3A_234 : memref<!tpu.dma_semaphore, #tpu.memory_space<semaphore_mem>>) src(%arg15 : memref<128x16xf32, #tpu.memory_space<vmem>>) dst(%dma_wait3A_246 : memref<100352x16xf32, #tpu.memory_space<vmem_shared>>)
        tpu.yield
      }) : () -> ()
      %dma_start3A_188 = arith.constant 1 : i32
      %dma_start3A_189 = arith.constant 0 : i32
      %dma_start3A_190 = tpu.memref_slice %arg14[%dma_start3A_188, %dma_start3A_189] : memref<4x128xi32, #tpu.memory_space<vmem>> -> memref<1x128xi32, #tpu.memory_space<vmem>>
      %dma_start3A_191 = tpu.memref_squeeze %dma_start3A_190 : memref<1x128xi32, #tpu.memory_space<vmem>> -> memref<128xi32, #tpu.memory_space<vmem>>
      %dma_start3A_192 = arith.constant 0 : i32
      %dma_start3A_193 = arith.constant 0 : i32
      %dma_start3A_194 = tpu.memref_slice %arg7[%dma_start3A_192, %dma_start3A_193] : memref<200704x16xf32, #tpu.memory_space<hbm>> -> memref<200704x16xf32, #tpu.memory_space<hbm>>
      tpu.enqueue_indirect_dma source(%dma_start3A_194 : memref<200704x16xf32, #tpu.memory_space<hbm>>) target(%arg15 : memref<128x16xf32, #tpu.memory_space<vmem>>) offsets(%dma_start3A_191 : memref<128xi32, #tpu.memory_space<vmem>>) semaphore(%arg24 : memref<!tpu.dma_semaphore, #tpu.memory_space<semaphore_mem>>)
      %dma_wait3A_195 = arith.constant 1 : i32
      %dma_wait3A_196 = arith.constant 0 : i32
      %dma_wait3A_197 = tpu.memref_slice %arg14[%dma_wait3A_195, %dma_wait3A_196] : memref<4x128xi32, #tpu.memory_space<vmem>> -> memref<1x128xi32, #tpu.memory_space<vmem>>
      %dma_wait3A_198 = tpu.memref_squeeze %dma_wait3A_197 : memref<1x128xi32, #tpu.memory_space<vmem>> -> memref<128xi32, #tpu.memory_space<vmem>>
      %dma_wait3A_199 = arith.constant 0 : i32
      %dma_wait3A_200 = arith.constant 0 : i32
      %dma_wait3A_201 = tpu.memref_slice %arg7[%dma_wait3A_199, %dma_wait3A_200] : memref<200704x16xf32, #tpu.memory_space<hbm>> -> memref<200704x16xf32, #tpu.memory_space<hbm>>
      tpu.wait_indirect_dma semaphore(%arg24 : memref<!tpu.dma_semaphore, #tpu.memory_space<semaphore_mem>>) src(%dma_wait3A_201 : memref<200704x16xf32, #tpu.memory_space<hbm>>) dst(%arg15 : memref<128x16xf32, #tpu.memory_space<vmem>>)
      %run_scoped3A_202 = arith.constant 1 : i32
      "tpu.region"() ({
        %run_scoped3A_234 = tpu.sem_alloc : memref<!tpu.dma_semaphore, #tpu.memory_space<semaphore_mem>>
        %dma_start3A_235 = arith.constant 0 : i32
        %dma_start3A_236 = tpu.memref_slice %arg13[%run_scoped3A_202, %dma_start3A_235] : memref<4x128xi32, #tpu.memory_space<vmem>> -> memref<1x128xi32, #tpu.memory_space<vmem>>
        %dma_start3A_237 = tpu.memref_squeeze %dma_start3A_236 : memref<1x128xi32, #tpu.memory_space<vmem>> -> memref<128xi32, #tpu.memory_space<vmem>>
        %dma_start3A_238 = arith.constant 0 : i32
        %dma_start3A_239 = arith.constant 0 : i32
        %dma_start3A_240 = tpu.memref_slice %arg10[%dma_start3A_238, %dma_start3A_239] : memref<100352x16xf32, #tpu.memory_space<vmem_shared>> -> memref<100352x16xf32, #tpu.memory_space<vmem_shared>>
        tpu.enqueue_indirect_dma source(%arg15 : memref<128x16xf32, #tpu.memory_space<vmem>>) target(%dma_start3A_240 : memref<100352x16xf32, #tpu.memory_space<vmem_shared>>) offsets(%dma_start3A_237 : memref<128xi32, #tpu.memory_space<vmem>>) semaphore(%run_scoped3A_234 : memref<!tpu.dma_semaphore, #tpu.memory_space<semaphore_mem>>) {add = true}
        %dma_wait3A_241 = arith.constant 0 : i32
        %dma_wait3A_242 = tpu.memref_slice %arg13[%run_scoped3A_202, %dma_wait3A_241] : memref<4x128xi32, #tpu.memory_space<vmem>> -> memref<1x128xi32, #tpu.memory_space<vmem>>
        %dma_wait3A_243 = tpu.memref_squeeze %dma_wait3A_242 : memref<1x128xi32, #tpu.memory_space<vmem>> -> memref<128xi32, #tpu.memory_space<vmem>>
        %dma_wait3A_244 = arith.constant 0 : i32
        %dma_wait3A_245 = arith.constant 0 : i32
        %dma_wait3A_246 = tpu.memref_slice %arg10[%dma_wait3A_244, %dma_wait3A_245] : memref<100352x16xf32, #tpu.memory_space<vmem_shared>> -> memref<100352x16xf32, #tpu.memory_space<vmem_shared>>
        tpu.wait_indirect_dma semaphore(%run_scoped3A_234 : memref<!tpu.dma_semaphore, #tpu.memory_space<semaphore_mem>>) src(%arg15 : memref<128x16xf32, #tpu.memory_space<vmem>>) dst(%dma_wait3A_246 : memref<100352x16xf32, #tpu.memory_space<vmem_shared>>)
        tpu.yield
      }) : () -> ()
      %dma_start3A_203 = arith.constant 2 : i32
      %dma_start3A_204 = arith.constant 0 : i32
      %dma_start3A_205 = tpu.memref_slice %arg14[%dma_start3A_203, %dma_start3A_204] : memref<4x128xi32, #tpu.memory_space<vmem>> -> memref<1x128xi32, #tpu.memory_space<vmem>>
      %dma_start3A_206 = tpu.memref_squeeze %dma_start3A_205 : memref<1x128xi32, #tpu.memory_space<vmem>> -> memref<128xi32, #tpu.memory_space<vmem>>
      %dma_start3A_207 = arith.constant 0 : i32
      %dma_start3A_208 = arith.constant 0 : i32
      %dma_start3A_209 = tpu.memref_slice %arg7[%dma_start3A_207, %dma_start3A_208] : memref<200704x16xf32, #tpu.memory_space<hbm>> -> memref<200704x16xf32, #tpu.memory_space<hbm>>
      tpu.enqueue_indirect_dma source(%dma_start3A_209 : memref<200704x16xf32, #tpu.memory_space<hbm>>) target(%arg15 : memref<128x16xf32, #tpu.memory_space<vmem>>) offsets(%dma_start3A_206 : memref<128xi32, #tpu.memory_space<vmem>>) semaphore(%arg24 : memref<!tpu.dma_semaphore, #tpu.memory_space<semaphore_mem>>)
      %dma_wait3A_210 = arith.constant 2 : i32
      %dma_wait3A_211 = arith.constant 0 : i32
      %dma_wait3A_212 = tpu.memref_slice %arg14[%dma_wait3A_210, %dma_wait3A_211] : memref<4x128xi32, #tpu.memory_space<vmem>> -> memref<1x128xi32, #tpu.memory_space<vmem>>
      %dma_wait3A_213 = tpu.memref_squeeze %dma_wait3A_212 : memref<1x128xi32, #tpu.memory_space<vmem>> -> memref<128xi32, #tpu.memory_space<vmem>>
      %dma_wait3A_214 = arith.constant 0 : i32
      %dma_wait3A_215 = arith.constant 0 : i32
      %dma_wait3A_216 = tpu.memref_slice %arg7[%dma_wait3A_214, %dma_wait3A_215] : memref<200704x16xf32, #tpu.memory_space<hbm>> -> memref<200704x16xf32, #tpu.memory_space<hbm>>
      tpu.wait_indirect_dma semaphore(%arg24 : memref<!tpu.dma_semaphore, #tpu.memory_space<semaphore_mem>>) src(%dma_wait3A_216 : memref<200704x16xf32, #tpu.memory_space<hbm>>) dst(%arg15 : memref<128x16xf32, #tpu.memory_space<vmem>>)
      %run_scoped3A_217 = arith.constant 2 : i32
      "tpu.region"() ({
        %run_scoped3A_234 = tpu.sem_alloc : memref<!tpu.dma_semaphore, #tpu.memory_space<semaphore_mem>>
        %dma_start3A_235 = arith.constant 0 : i32
        %dma_start3A_236 = tpu.memref_slice %arg13[%run_scoped3A_217, %dma_start3A_235] : memref<4x128xi32, #tpu.memory_space<vmem>> -> memref<1x128xi32, #tpu.memory_space<vmem>>
        %dma_start3A_237 = tpu.memref_squeeze %dma_start3A_236 : memref<1x128xi32, #tpu.memory_space<vmem>> -> memref<128xi32, #tpu.memory_space<vmem>>
        %dma_start3A_238 = arith.constant 0 : i32
        %dma_start3A_239 = arith.constant 0 : i32
        %dma_start3A_240 = tpu.memref_slice %arg10[%dma_start3A_238, %dma_start3A_239] : memref<100352x16xf32, #tpu.memory_space<vmem_shared>> -> memref<100352x16xf32, #tpu.memory_space<vmem_shared>>
        tpu.enqueue_indirect_dma source(%arg15 : memref<128x16xf32, #tpu.memory_space<vmem>>) target(%dma_start3A_240 : memref<100352x16xf32, #tpu.memory_space<vmem_shared>>) offsets(%dma_start3A_237 : memref<128xi32, #tpu.memory_space<vmem>>) semaphore(%run_scoped3A_234 : memref<!tpu.dma_semaphore, #tpu.memory_space<semaphore_mem>>) {add = true}
        %dma_wait3A_241 = arith.constant 0 : i32
        %dma_wait3A_242 = tpu.memref_slice %arg13[%run_scoped3A_217, %dma_wait3A_241] : memref<4x128xi32, #tpu.memory_space<vmem>> -> memref<1x128xi32, #tpu.memory_space<vmem>>
        %dma_wait3A_243 = tpu.memref_squeeze %dma_wait3A_242 : memref<1x128xi32, #tpu.memory_space<vmem>> -> memref<128xi32, #tpu.memory_space<vmem>>
        %dma_wait3A_244 = arith.constant 0 : i32
        %dma_wait3A_245 = arith.constant 0 : i32
        %dma_wait3A_246 = tpu.memref_slice %arg10[%dma_wait3A_244, %dma_wait3A_245] : memref<100352x16xf32, #tpu.memory_space<vmem_shared>> -> memref<100352x16xf32, #tpu.memory_space<vmem_shared>>
        tpu.wait_indirect_dma semaphore(%run_scoped3A_234 : memref<!tpu.dma_semaphore, #tpu.memory_space<semaphore_mem>>) src(%arg15 : memref<128x16xf32, #tpu.memory_space<vmem>>) dst(%dma_wait3A_246 : memref<100352x16xf32, #tpu.memory_space<vmem_shared>>)
        tpu.yield
      }) : () -> ()
      %dma_start3A_218 = arith.constant 3 : i32
      %dma_start3A_219 = arith.constant 0 : i32
      %dma_start3A_220 = tpu.memref_slice %arg14[%dma_start3A_218, %dma_start3A_219] : memref<4x128xi32, #tpu.memory_space<vmem>> -> memref<1x128xi32, #tpu.memory_space<vmem>>
      %dma_start3A_221 = tpu.memref_squeeze %dma_start3A_220 : memref<1x128xi32, #tpu.memory_space<vmem>> -> memref<128xi32, #tpu.memory_space<vmem>>
      %dma_start3A_222 = arith.constant 0 : i32
      %dma_start3A_223 = arith.constant 0 : i32
      %dma_start3A_224 = tpu.memref_slice %arg7[%dma_start3A_222, %dma_start3A_223] : memref<200704x16xf32, #tpu.memory_space<hbm>> -> memref<200704x16xf32, #tpu.memory_space<hbm>>
      tpu.enqueue_indirect_dma source(%dma_start3A_224 : memref<200704x16xf32, #tpu.memory_space<hbm>>) target(%arg15 : memref<128x16xf32, #tpu.memory_space<vmem>>) offsets(%dma_start3A_221 : memref<128xi32, #tpu.memory_space<vmem>>) semaphore(%arg24 : memref<!tpu.dma_semaphore, #tpu.memory_space<semaphore_mem>>)
      %dma_wait3A_225 = arith.constant 3 : i32
      %dma_wait3A_226 = arith.constant 0 : i32
      %dma_wait3A_227 = tpu.memref_slice %arg14[%dma_wait3A_225, %dma_wait3A_226] : memref<4x128xi32, #tpu.memory_space<vmem>> -> memref<1x128xi32, #tpu.memory_space<vmem>>
      %dma_wait3A_228 = tpu.memref_squeeze %dma_wait3A_227 : memref<1x128xi32, #tpu.memory_space<vmem>> -> memref<128xi32, #tpu.memory_space<vmem>>
      %dma_wait3A_229 = arith.constant 0 : i32
      %dma_wait3A_230 = arith.constant 0 : i32
      %dma_wait3A_231 = tpu.memref_slice %arg7[%dma_wait3A_229, %dma_wait3A_230] : memref<200704x16xf32, #tpu.memory_space<hbm>> -> memref<200704x16xf32, #tpu.memory_space<hbm>>
      tpu.wait_indirect_dma semaphore(%arg24 : memref<!tpu.dma_semaphore, #tpu.memory_space<semaphore_mem>>) src(%dma_wait3A_231 : memref<200704x16xf32, #tpu.memory_space<hbm>>) dst(%arg15 : memref<128x16xf32, #tpu.memory_space<vmem>>)
      %run_scoped3A_232 = arith.constant 3 : i32
      "tpu.region"() ({
        %run_scoped3A_234 = tpu.sem_alloc : memref<!tpu.dma_semaphore, #tpu.memory_space<semaphore_mem>>
        %dma_start3A_235 = arith.constant 0 : i32
        %dma_start3A_236 = tpu.memref_slice %arg13[%run_scoped3A_232, %dma_start3A_235] : memref<4x128xi32, #tpu.memory_space<vmem>> -> memref<1x128xi32, #tpu.memory_space<vmem>>
        %dma_start3A_237 = tpu.memref_squeeze %dma_start3A_236 : memref<1x128xi32, #tpu.memory_space<vmem>> -> memref<128xi32, #tpu.memory_space<vmem>>
        %dma_start3A_238 = arith.constant 0 : i32
        %dma_start3A_239 = arith.constant 0 : i32
        %dma_start3A_240 = tpu.memref_slice %arg10[%dma_start3A_238, %dma_start3A_239] : memref<100352x16xf32, #tpu.memory_space<vmem_shared>> -> memref<100352x16xf32, #tpu.memory_space<vmem_shared>>
        tpu.enqueue_indirect_dma source(%arg15 : memref<128x16xf32, #tpu.memory_space<vmem>>) target(%dma_start3A_240 : memref<100352x16xf32, #tpu.memory_space<vmem_shared>>) offsets(%dma_start3A_237 : memref<128xi32, #tpu.memory_space<vmem>>) semaphore(%run_scoped3A_234 : memref<!tpu.dma_semaphore, #tpu.memory_space<semaphore_mem>>) {add = true}
        %dma_wait3A_241 = arith.constant 0 : i32
        %dma_wait3A_242 = tpu.memref_slice %arg13[%run_scoped3A_232, %dma_wait3A_241] : memref<4x128xi32, #tpu.memory_space<vmem>> -> memref<1x128xi32, #tpu.memory_space<vmem>>
        %dma_wait3A_243 = tpu.memref_squeeze %dma_wait3A_242 : memref<1x128xi32, #tpu.memory_space<vmem>> -> memref<128xi32, #tpu.memory_space<vmem>>
        %dma_wait3A_244 = arith.constant 0 : i32
        %dma_wait3A_245 = arith.constant 0 : i32
        %dma_wait3A_246 = tpu.memref_slice %arg10[%dma_wait3A_244, %dma_wait3A_245] : memref<100352x16xf32, #tpu.memory_space<vmem_shared>> -> memref<100352x16xf32, #tpu.memory_space<vmem_shared>>
        tpu.wait_indirect_dma semaphore(%run_scoped3A_234 : memref<!tpu.dma_semaphore, #tpu.memory_space<semaphore_mem>>) src(%arg15 : memref<128x16xf32, #tpu.memory_space<vmem>>) dst(%dma_wait3A_246 : memref<100352x16xf32, #tpu.memory_space<vmem_shared>>)
        tpu.yield
      }) : () -> ()
      %while3A_233 = arith.constant 0 : i32
      scf.yield %while3A_233 : i32
    }
    %barrier3A_124 = arith.constant 0 : index
    tpu.barrier barrier_id(%barrier3A_124)
    %scan3A_125 = arith.constant 0 : i32
    %scan3A_126 = arith.constant 0 : i32
    %scan3A_127 = arith.constant 56 : i32
    %scan3A_128 = arith.addi %scan3A_126, %scan3A_127 : i32
    %scan3A_129 = arith.constant 1 : i32
    %scan3A_130 = scf.for %scan3A_169 = %scan3A_126 to %scan3A_128 step %scan3A_129 iter_args(%scan3A_170 = %scan3A_125) -> (i32)  : i32 {
      %mul3A_171 = arith.constant 112 : i32
      %mul3A_172 = arith.muli %scan3A_169, %mul3A_171 : i32
      %add3A_173 = arith.addi %mul3A_0, %mul3A_172 : i32
      "tpu.region"() ({
        %run_scoped3A = tpu.sem_alloc : memref<!tpu.dma_semaphore, #tpu.memory_space<semaphore_mem>>
        %dma_start3A = arith.constant 0 : i32
        %dma_start3A_185 = tpu.memref_slice %arg10[%add3A_173, %dma_start3A] : memref<100352x16xf32, #tpu.memory_space<vmem_shared>> -> memref<112x16xf32, #tpu.memory_space<vmem_shared>>
        %dma_start3A_186 = arith.constant 0 : i32
        %dma_start3A_187 = tpu.memref_slice %arg10[%add3A_173, %dma_start3A_186] : memref<100352x16xf32, #tpu.memory_space<vmem_shared>> -> memref<112x16xf32, #tpu.memory_space<vmem_shared>>
        tpu.enqueue_dma source(%dma_start3A_187 : memref<112x16xf32, #tpu.memory_space<vmem_shared>>) target(%arg18 : memref<112x16xf32, #tpu.memory_space<vmem>>) target_semaphore(%run_scoped3A : memref<!tpu.dma_semaphore, #tpu.memory_space<semaphore_mem>>)
        %dma_wait3A = arith.constant 0 : i32
        %dma_wait3A_188 = tpu.memref_slice %arg10[%add3A_173, %dma_wait3A] : memref<100352x16xf32, #tpu.memory_space<vmem_shared>> -> memref<112x16xf32, #tpu.memory_space<vmem_shared>>
        %dma_wait3A_189 = arith.constant 0 : i32
        %dma_wait3A_190 = tpu.memref_slice %arg10[%add3A_173, %dma_wait3A_189] : memref<100352x16xf32, #tpu.memory_space<vmem_shared>> -> memref<112x16xf32, #tpu.memory_space<vmem_shared>>
        tpu.wait_dma2 semaphore(%run_scoped3A : memref<!tpu.dma_semaphore, #tpu.memory_space<semaphore_mem>>) src(%dma_wait3A_190 : memref<112x16xf32, #tpu.memory_space<vmem_shared>>) dst(%arg18 : memref<112x16xf32, #tpu.memory_space<vmem>>)
        tpu.yield
      }) : () -> ()
      "tpu.region"() ({
        %run_scoped3A = tpu.sem_alloc : memref<!tpu.dma_semaphore, #tpu.memory_space<semaphore_mem>>
        %dma_start3A = tpu.memref_slice %arg11[%add3A_173] : memref<100352xf32, #tpu.memory_space<vmem_shared>> -> memref<112xf32, #tpu.memory_space<vmem_shared>>
        %dma_start3A_185 = tpu.memref_slice %arg11[%add3A_173] : memref<100352xf32, #tpu.memory_space<vmem_shared>> -> memref<112xf32, #tpu.memory_space<vmem_shared>>
        tpu.enqueue_dma source(%dma_start3A_185 : memref<112xf32, #tpu.memory_space<vmem_shared>>) target(%arg22 : memref<112xf32, #tpu.memory_space<vmem>>) target_semaphore(%run_scoped3A : memref<!tpu.dma_semaphore, #tpu.memory_space<semaphore_mem>>)
        %dma_wait3A = tpu.memref_slice %arg11[%add3A_173] : memref<100352xf32, #tpu.memory_space<vmem_shared>> -> memref<112xf32, #tpu.memory_space<vmem_shared>>
        %dma_wait3A_186 = tpu.memref_slice %arg11[%add3A_173] : memref<100352xf32, #tpu.memory_space<vmem_shared>> -> memref<112xf32, #tpu.memory_space<vmem_shared>>
        tpu.wait_dma2 semaphore(%run_scoped3A : memref<!tpu.dma_semaphore, #tpu.memory_space<semaphore_mem>>) src(%dma_wait3A_186 : memref<112xf32, #tpu.memory_space<vmem_shared>>) dst(%arg22 : memref<112xf32, #tpu.memory_space<vmem>>)
        tpu.yield
      }) : () -> ()
      "tpu.region"() ({
        %run_scoped3A = tpu.sem_alloc : memref<!tpu.dma_semaphore, #tpu.memory_space<semaphore_mem>>
        %dma_start3A = tpu.memref_slice %arg12[%add3A_173] : memref<100352xf32, #tpu.memory_space<vmem_shared>> -> memref<112xf32, #tpu.memory_space<vmem_shared>>
        %dma_start3A_185 = tpu.memref_slice %arg12[%add3A_173] : memref<100352xf32, #tpu.memory_space<vmem_shared>> -> memref<112xf32, #tpu.memory_space<vmem_shared>>
        tpu.enqueue_dma source(%dma_start3A_185 : memref<112xf32, #tpu.memory_space<vmem_shared>>) target(%arg23 : memref<112xf32, #tpu.memory_space<vmem>>) target_semaphore(%run_scoped3A : memref<!tpu.dma_semaphore, #tpu.memory_space<semaphore_mem>>)
        %dma_wait3A = tpu.memref_slice %arg12[%add3A_173] : memref<100352xf32, #tpu.memory_space<vmem_shared>> -> memref<112xf32, #tpu.memory_space<vmem_shared>>
        %dma_wait3A_186 = tpu.memref_slice %arg12[%add3A_173] : memref<100352xf32, #tpu.memory_space<vmem_shared>> -> memref<112xf32, #tpu.memory_space<vmem_shared>>
        tpu.wait_dma2 semaphore(%run_scoped3A : memref<!tpu.dma_semaphore, #tpu.memory_space<semaphore_mem>>) src(%dma_wait3A_186 : memref<112xf32, #tpu.memory_space<vmem_shared>>) dst(%arg23 : memref<112xf32, #tpu.memory_space<vmem>>)
        tpu.yield
      }) : () -> ()
      %scan3A_174 = arith.constant 0 : i32
      %scan3A_175 = arith.constant 0 : i32
      %scan3A_176 = arith.constant 112 : i32
      %scan3A_177 = arith.addi %scan3A_175, %scan3A_176 : i32
      %scan3A_178 = arith.constant 1 : i32
      %scan3A_179 = scf.for %scan3A_185 = %scan3A_175 to %scan3A_177 step %scan3A_178 iter_args(%scan3A_186 = %scan3A_174) -> (i32)  : i32 {
        %broadcast_in_dim3A = arith.constant 0 : i32
        %broadcast_in_dim3A_187 = vector.broadcast %broadcast_in_dim3A : i32 to vector<16xi32>
        %add3A_188 = vector.broadcast %scan3A_185 : i32 to vector<16xi32>
        %add3A_189 = arith.addi %broadcast_in_dim3A_187, %add3A_188 : vector<16xi32>
        %gather3A = tpu.vector_load_idx %arg22[%add3A_189] : memref<112xf32, #tpu.memory_space<vmem>>[vector<16xi32>], vector<16xf32>,
        %gather3A_190 = tpu.vector_load_idx %arg23[%add3A_189] : memref<112xf32, #tpu.memory_space<vmem>>[vector<16xi32>], vector<16xf32>,
        %get3A = arith.index_cast %scan3A_185 : i32 to index
        %get3A_191 = arith.constant 0 : index
        %get3A_192 = tpu.vector_load %arg18[%get3A, %get3A_191] {strides = array<i32>} : memref<112x16xf32, #tpu.memory_space<vmem>>, vector<16xf32>,
        %mul3A_193 = arith.mulf %get3A_192, %gather3A : vector<16xf32>
        %swap3A = arith.index_cast %scan3A_185 : i32 to index
        %swap3A_194 = arith.constant 0 : index
        %swap3A_195 = tpu.vector_load %arg18[%swap3A, %swap3A_194] {strides = array<i32>} : memref<112x16xf32, #tpu.memory_space<vmem>>, vector<16xf32>,
        tpu.vector_store %arg18[%swap3A, %swap3A_194], %mul3A_193 {strides = array<i32>} : memref<112x16xf32, #tpu.memory_space<vmem>>, vector<16xf32>,
        %mul3A_196 = arith.mulf %mul3A_193, %gather3A_190 : vector<16xf32>
        %swap3A_197 = arith.index_cast %scan3A_185 : i32 to index
        %swap3A_198 = arith.constant 0 : index
        %swap3A_199 = tpu.vector_load %arg19[%swap3A_197, %swap3A_198] {strides = array<i32>} : memref<112x16xf32, #tpu.memory_space<vmem>>, vector<16xf32>,
        tpu.vector_store %arg19[%swap3A_197, %swap3A_198], %mul3A_196 {strides = array<i32>} : memref<112x16xf32, #tpu.memory_space<vmem>>, vector<16xf32>,
        %scan3A_200 = arith.constant 0 : i32
        scf.yield %scan3A_200 : i32
      }
      %scan3A_180 = arith.constant 112 : i32
      "tpu.region"() ({
        %run_scoped3A = tpu.sem_alloc : memref<!tpu.dma_semaphore, #tpu.memory_space<semaphore_mem>>
        %dma_start3A = arith.constant 0 : i32
        %dma_start3A_185 = tpu.memref_slice %arg9[%arg0, %add3A_173, %dma_start3A] : memref<2x100352x16xf32, #tpu.memory_space<hbm>> -> memref<1x112x16xf32, #tpu.memory_space<hbm>>
        %dma_start3A_186 = tpu.memref_squeeze %dma_start3A_185 : memref<1x112x16xf32, #tpu.memory_space<hbm>> -> memref<112x16xf32, #tpu.memory_space<hbm>>
        %dma_start3A_187 = arith.constant 0 : i32
        %dma_start3A_188 = tpu.memref_slice %arg9[%arg0, %add3A_173, %dma_start3A_187] : memref<2x100352x16xf32, #tpu.memory_space<hbm>> -> memref<1x112x16xf32, #tpu.memory_space<hbm>>
        %dma_start3A_189 = tpu.memref_squeeze %dma_start3A_188 : memref<1x112x16xf32, #tpu.memory_space<hbm>> -> memref<112x16xf32, #tpu.memory_space<hbm>>
        tpu.enqueue_dma source(%arg18 : memref<112x16xf32, #tpu.memory_space<vmem>>) target(%dma_start3A_189 : memref<112x16xf32, #tpu.memory_space<hbm>>) target_semaphore(%run_scoped3A : memref<!tpu.dma_semaphore, #tpu.memory_space<semaphore_mem>>)
        %dma_wait3A = arith.constant 0 : i32
        %dma_wait3A_190 = tpu.memref_slice %arg9[%arg0, %add3A_173, %dma_wait3A] : memref<2x100352x16xf32, #tpu.memory_space<hbm>> -> memref<1x112x16xf32, #tpu.memory_space<hbm>>
        %dma_wait3A_191 = tpu.memref_squeeze %dma_wait3A_190 : memref<1x112x16xf32, #tpu.memory_space<hbm>> -> memref<112x16xf32, #tpu.memory_space<hbm>>
        %dma_wait3A_192 = arith.constant 0 : i32
        %dma_wait3A_193 = tpu.memref_slice %arg9[%arg0, %add3A_173, %dma_wait3A_192] : memref<2x100352x16xf32, #tpu.memory_space<hbm>> -> memref<1x112x16xf32, #tpu.memory_space<hbm>>
        %dma_wait3A_194 = tpu.memref_squeeze %dma_wait3A_193 : memref<1x112x16xf32, #tpu.memory_space<hbm>> -> memref<112x16xf32, #tpu.memory_space<hbm>>
        tpu.wait_dma2 semaphore(%run_scoped3A : memref<!tpu.dma_semaphore, #tpu.memory_space<semaphore_mem>>) src(%arg18 : memref<112x16xf32, #tpu.memory_space<vmem>>) dst(%dma_wait3A_194 : memref<112x16xf32, #tpu.memory_space<hbm>>)
        tpu.yield
      }) : () -> ()
      %mul3A_181 = arith.constant 100352 : i32
      %mul3A_182 = arith.muli %arg0, %mul3A_181 : i32
      %add3A_183 = arith.addi %mul3A_182, %add3A_173 : i32
      "tpu.region"() ({
        %run_scoped3A = tpu.sem_alloc : memref<!tpu.dma_semaphore, #tpu.memory_space<semaphore_mem>>
        %dma_start3A = arith.constant 0 : i32
        %dma_start3A_185 = tpu.memref_slice %arg6[%add3A_183, %dma_start3A] : memref<200704x16xf32, #tpu.memory_space<hbm>> -> memref<112x16xf32, #tpu.memory_space<hbm>>
        %dma_start3A_186 = arith.constant 0 : i32
        %dma_start3A_187 = tpu.memref_slice %arg6[%add3A_183, %dma_start3A_186] : memref<200704x16xf32, #tpu.memory_space<hbm>> -> memref<112x16xf32, #tpu.memory_space<hbm>>
        tpu.enqueue_dma source(%arg19 : memref<112x16xf32, #tpu.memory_space<vmem>>) target(%dma_start3A_187 : memref<112x16xf32, #tpu.memory_space<hbm>>) target_semaphore(%run_scoped3A : memref<!tpu.dma_semaphore, #tpu.memory_space<semaphore_mem>>)
        %dma_wait3A = arith.constant 0 : i32
        %dma_wait3A_188 = tpu.memref_slice %arg6[%add3A_183, %dma_wait3A] : memref<200704x16xf32, #tpu.memory_space<hbm>> -> memref<112x16xf32, #tpu.memory_space<hbm>>
        %dma_wait3A_189 = arith.constant 0 : i32
        %dma_wait3A_190 = tpu.memref_slice %arg6[%add3A_183, %dma_wait3A_189] : memref<200704x16xf32, #tpu.memory_space<hbm>> -> memref<112x16xf32, #tpu.memory_space<hbm>>
        tpu.wait_dma2 semaphore(%run_scoped3A : memref<!tpu.dma_semaphore, #tpu.memory_space<semaphore_mem>>) src(%arg19 : memref<112x16xf32, #tpu.memory_space<vmem>>) dst(%dma_wait3A_190 : memref<112x16xf32, #tpu.memory_space<hbm>>)
        tpu.yield
      }) : () -> ()
      %scan3A_184 = arith.constant 0 : i32
      scf.yield %scan3A_184 : i32
    }
    %scan3A_131 = arith.constant 56 : i32
    %barrier3A_132 = arith.constant 0 : index
    tpu.barrier barrier_id(%barrier3A_132)
    %scan3A_133 = arith.constant 0 : i32
    %scan3A_134 = arith.constant 0 : i32
    %scan3A_135 = arith.constant 112 : i32
    %scan3A_136 = arith.addi %scan3A_134, %scan3A_135 : i32
    %scan3A_137 = arith.constant 1 : i32
    %scan3A_138 = scf.for %scan3A_169 = %scan3A_134 to %scan3A_136 step %scan3A_137 iter_args(%scan3A_170 = %scan3A_133) -> (i32)  : i32 {
      %broadcast_in_dim3A = arith.constant 0.000000e+00 : f32
      %broadcast_in_dim3A_171 = vector.broadcast %broadcast_in_dim3A : f32 to vector<16xf32>
      %swap3A = arith.index_cast %scan3A_169 : i32 to index
      %swap3A_172 = arith.constant 0 : index
      %swap3A_173 = tpu.vector_load %arg18[%swap3A, %swap3A_172] {strides = array<i32>} : memref<112x16xf32, #tpu.memory_space<vmem>>, vector<16xf32>,
      tpu.vector_store %arg18[%swap3A, %swap3A_172], %broadcast_in_dim3A_171 {strides = array<i32>} : memref<112x16xf32, #tpu.memory_space<vmem>>, vector<16xf32>,
      %scan3A_174 = arith.constant 0 : i32
      scf.yield %scan3A_174 : i32
    }
    %scan3A_139 = arith.constant 112 : i32
    %scan3A_140 = arith.constant 0 : i32
    %scan3A_141 = arith.constant 0 : i32
    %scan3A_142 = arith.constant 56 : i32
    %scan3A_143 = arith.addi %scan3A_141, %scan3A_142 : i32
    %scan3A_144 = arith.constant 1 : i32
    %scan3A_145 = scf.for %scan3A_169 = %scan3A_141 to %scan3A_143 step %scan3A_144 iter_args(%scan3A_170 = %scan3A_140) -> (i32)  : i32 {
      %mul3A_171 = arith.constant 112 : i32
      %mul3A_172 = arith.muli %scan3A_169, %mul3A_171 : i32
      %add3A_173 = arith.addi %mul3A_0, %mul3A_172 : i32
      "tpu.region"() ({
        %run_scoped3A = tpu.sem_alloc : memref<!tpu.dma_semaphore, #tpu.memory_space<semaphore_mem>>
        %dma_start3A = arith.constant 0 : i32
        %dma_start3A_175 = tpu.memref_slice %arg10[%add3A_173, %dma_start3A] : memref<100352x16xf32, #tpu.memory_space<vmem_shared>> -> memref<112x16xf32, #tpu.memory_space<vmem_shared>>
        %dma_start3A_176 = arith.constant 0 : i32
        %dma_start3A_177 = tpu.memref_slice %arg10[%add3A_173, %dma_start3A_176] : memref<100352x16xf32, #tpu.memory_space<vmem_shared>> -> memref<112x16xf32, #tpu.memory_space<vmem_shared>>
        tpu.enqueue_dma source(%arg18 : memref<112x16xf32, #tpu.memory_space<vmem>>) target(%dma_start3A_177 : memref<112x16xf32, #tpu.memory_space<vmem_shared>>) target_semaphore(%run_scoped3A : memref<!tpu.dma_semaphore, #tpu.memory_space<semaphore_mem>>)
        %dma_wait3A = arith.constant 0 : i32
        %dma_wait3A_178 = tpu.memref_slice %arg10[%add3A_173, %dma_wait3A] : memref<100352x16xf32, #tpu.memory_space<vmem_shared>> -> memref<112x16xf32, #tpu.memory_space<vmem_shared>>
        %dma_wait3A_179 = arith.constant 0 : i32
        %dma_wait3A_180 = tpu.memref_slice %arg10[%add3A_173, %dma_wait3A_179] : memref<100352x16xf32, #tpu.memory_space<vmem_shared>> -> memref<112x16xf32, #tpu.memory_space<vmem_shared>>
        tpu.wait_dma2 semaphore(%run_scoped3A : memref<!tpu.dma_semaphore, #tpu.memory_space<semaphore_mem>>) src(%arg18 : memref<112x16xf32, #tpu.memory_space<vmem>>) dst(%dma_wait3A_180 : memref<112x16xf32, #tpu.memory_space<vmem_shared>>)
        tpu.yield
      }) : () -> ()
      %scan3A_174 = arith.constant 0 : i32
      scf.yield %scan3A_174 : i32
    }
    %scan3A_146 = arith.constant 56 : i32
    %barrier3A_147 = arith.constant 0 : index
    tpu.barrier barrier_id(%barrier3A_147)
    %while3A_148 = arith.constant 0 : i32
    %while3A_149 = arith.constant 0 : i32
    %while3A_150 = arith.subi %select_n3A, %while3A_148 : i32
    %while3A_151 = arith.addi %while3A_148, %while3A_150 : i32
    %while3A_152 = arith.constant 1 : i32
    %while3A_153 = arith.divsi %while3A_150, %while3A_152 : i32
    %while3A_154 = arith.muli %while3A_153, %while3A_152 : i32
    %while3A_155 = arith.addi %while3A_148, %while3A_154 : i32
    %while3A_156 = arith.constant 1 : i32
    %while3A_157 = scf.for %while3A_169 = %while3A_148 to %while3A_155 step %while3A_156 iter_args(%while3A_170 = %while3A_149) -> (i32)  : i32 {
      %add3A_171 = arith.addi %add3A, %while3A_169 : i32
      %mul3A_172 = arith.constant 4 : i32
      %mul3A_173 = arith.muli %add3A_171, %mul3A_172 : i32
      "tpu.region"() ({
        %run_scoped3A_234 = tpu.sem_alloc : memref<!tpu.dma_semaphore, #tpu.memory_space<semaphore_mem>>
        %dma_start3A_235 = arith.constant 0 : i32
        %dma_start3A_236 = tpu.memref_slice %arg3[%mul3A_173, %dma_start3A_235] : memref<12500x128xi32, #tpu.memory_space<hbm>> -> memref<4x128xi32, #tpu.memory_space<hbm>>
        %dma_start3A_237 = arith.constant 0 : i32
        %dma_start3A_238 = tpu.memref_slice %arg3[%mul3A_173, %dma_start3A_237] : memref<12500x128xi32, #tpu.memory_space<hbm>> -> memref<4x128xi32, #tpu.memory_space<hbm>>
        tpu.enqueue_dma source(%dma_start3A_238 : memref<4x128xi32, #tpu.memory_space<hbm>>) target(%arg13 : memref<4x128xi32, #tpu.memory_space<vmem>>) target_semaphore(%run_scoped3A_234 : memref<!tpu.dma_semaphore, #tpu.memory_space<semaphore_mem>>)
        %dma_wait3A_239 = arith.constant 0 : i32
        %dma_wait3A_240 = tpu.memref_slice %arg3[%mul3A_173, %dma_wait3A_239] : memref<12500x128xi32, #tpu.memory_space<hbm>> -> memref<4x128xi32, #tpu.memory_space<hbm>>
        %dma_wait3A_241 = arith.constant 0 : i32
        %dma_wait3A_242 = tpu.memref_slice %arg3[%mul3A_173, %dma_wait3A_241] : memref<12500x128xi32, #tpu.memory_space<hbm>> -> memref<4x128xi32, #tpu.memory_space<hbm>>
        tpu.wait_dma2 semaphore(%run_scoped3A_234 : memref<!tpu.dma_semaphore, #tpu.memory_space<semaphore_mem>>) src(%dma_wait3A_242 : memref<4x128xi32, #tpu.memory_space<hbm>>) dst(%arg13 : memref<4x128xi32, #tpu.memory_space<vmem>>)
        tpu.yield
      }) : () -> ()
      %mul3A_174 = arith.constant 4 : i32
      %mul3A_175 = arith.muli %add3A_171, %mul3A_174 : i32
      "tpu.region"() ({
        %run_scoped3A_234 = tpu.sem_alloc : memref<!tpu.dma_semaphore, #tpu.memory_space<semaphore_mem>>
        %dma_start3A_235 = arith.constant 0 : i32
        %dma_start3A_236 = tpu.memref_slice %arg2[%arg0, %mul3A_175, %dma_start3A_235] : memref<2x12500x128xi32, #tpu.memory_space<hbm>> -> memref<1x4x128xi32, #tpu.memory_space<hbm>>
        %dma_start3A_237 = tpu.memref_squeeze %dma_start3A_236 : memref<1x4x128xi32, #tpu.memory_space<hbm>> -> memref<4x128xi32, #tpu.memory_space<hbm>>
        %dma_start3A_238 = arith.constant 0 : i32
        %dma_start3A_239 = tpu.memref_slice %arg2[%arg0, %mul3A_175, %dma_start3A_238] : memref<2x12500x128xi32, #tpu.memory_space<hbm>> -> memref<1x4x128xi32, #tpu.memory_space<hbm>>
        %dma_start3A_240 = tpu.memref_squeeze %dma_start3A_239 : memref<1x4x128xi32, #tpu.memory_space<hbm>> -> memref<4x128xi32, #tpu.memory_space<hbm>>
        tpu.enqueue_dma source(%dma_start3A_240 : memref<4x128xi32, #tpu.memory_space<hbm>>) target(%arg14 : memref<4x128xi32, #tpu.memory_space<vmem>>) target_semaphore(%run_scoped3A_234 : memref<!tpu.dma_semaphore, #tpu.memory_space<semaphore_mem>>)
        %dma_wait3A_241 = arith.constant 0 : i32
        %dma_wait3A_242 = tpu.memref_slice %arg2[%arg0, %mul3A_175, %dma_wait3A_241] : memref<2x12500x128xi32, #tpu.memory_space<hbm>> -> memref<1x4x128xi32, #tpu.memory_space<hbm>>
        %dma_wait3A_243 = tpu.memref_squeeze %dma_wait3A_242 : memref<1x4x128xi32, #tpu.memory_space<hbm>> -> memref<4x128xi32, #tpu.memory_space<hbm>>
        %dma_wait3A_244 = arith.constant 0 : i32
        %dma_wait3A_245 = tpu.memref_slice %arg2[%arg0, %mul3A_175, %dma_wait3A_244] : memref<2x12500x128xi32, #tpu.memory_space<hbm>> -> memref<1x4x128xi32, #tpu.memory_space<hbm>>
        %dma_wait3A_246 = tpu.memref_squeeze %dma_wait3A_245 : memref<1x4x128xi32, #tpu.memory_space<hbm>> -> memref<4x128xi32, #tpu.memory_space<hbm>>
        tpu.wait_dma2 semaphore(%run_scoped3A_234 : memref<!tpu.dma_semaphore, #tpu.memory_space<semaphore_mem>>) src(%dma_wait3A_246 : memref<4x128xi32, #tpu.memory_space<hbm>>) dst(%arg14 : memref<4x128xi32, #tpu.memory_space<vmem>>)
        tpu.yield
      }) : () -> ()
      %dma_start3A = arith.constant 0 : i32
      %dma_start3A_176 = arith.constant 0 : i32
      %dma_start3A_177 = tpu.memref_slice %arg14[%dma_start3A, %dma_start3A_176] : memref<4x128xi32, #tpu.memory_space<vmem>> -> memref<1x128xi32, #tpu.memory_space<vmem>>
      %dma_start3A_178 = tpu.memref_squeeze %dma_start3A_177 : memref<1x128xi32, #tpu.memory_space<vmem>> -> memref<128xi32, #tpu.memory_space<vmem>>
      %dma_start3A_179 = arith.constant 0 : i32
      %dma_start3A_180 = arith.constant 0 : i32
      %dma_start3A_181 = tpu.memref_slice %arg6[%dma_start3A_179, %dma_start3A_180] : memref<200704x16xf32, #tpu.memory_space<hbm>> -> memref<200704x16xf32, #tpu.memory_space<hbm>>
      tpu.enqueue_indirect_dma source(%dma_start3A_181 : memref<200704x16xf32, #tpu.memory_space<hbm>>) target(%arg15 : memref<128x16xf32, #tpu.memory_space<vmem>>) offsets(%dma_start3A_178 : memref<128xi32, #tpu.memory_space<vmem>>) semaphore(%arg24 : memref<!tpu.dma_semaphore, #tpu.memory_space<semaphore_mem>>)
      %dma_wait3A = arith.constant 0 : i32
      %dma_wait3A_182 = arith.constant 0 : i32
      %dma_wait3A_183 = tpu.memref_slice %arg14[%dma_wait3A, %dma_wait3A_182] : memref<4x128xi32, #tpu.memory_space<vmem>> -> memref<1x128xi32, #tpu.memory_space<vmem>>
      %dma_wait3A_184 = tpu.memref_squeeze %dma_wait3A_183 : memref<1x128xi32, #tpu.memory_space<vmem>> -> memref<128xi32, #tpu.memory_space<vmem>>
      %dma_wait3A_185 = arith.constant 0 : i32
      %dma_wait3A_186 = arith.constant 0 : i32
      %dma_wait3A_187 = tpu.memref_slice %arg6[%dma_wait3A_185, %dma_wait3A_186] : memref<200704x16xf32, #tpu.memory_space<hbm>> -> memref<200704x16xf32, #tpu.memory_space<hbm>>
      tpu.wait_indirect_dma semaphore(%arg24 : memref<!tpu.dma_semaphore, #tpu.memory_space<semaphore_mem>>) src(%dma_wait3A_187 : memref<200704x16xf32, #tpu.memory_space<hbm>>) dst(%arg15 : memref<128x16xf32, #tpu.memory_space<vmem>>)
      %run_scoped3A = arith.constant 0 : i32
      "tpu.region"() ({
        %run_scoped3A_234 = tpu.sem_alloc : memref<!tpu.dma_semaphore, #tpu.memory_space<semaphore_mem>>
        %dma_start3A_235 = arith.constant 0 : i32
        %dma_start3A_236 = tpu.memref_slice %arg13[%run_scoped3A, %dma_start3A_235] : memref<4x128xi32, #tpu.memory_space<vmem>> -> memref<1x128xi32, #tpu.memory_space<vmem>>
        %dma_start3A_237 = tpu.memref_squeeze %dma_start3A_236 : memref<1x128xi32, #tpu.memory_space<vmem>> -> memref<128xi32, #tpu.memory_space<vmem>>
        %dma_start3A_238 = arith.constant 0 : i32
        %dma_start3A_239 = arith.constant 0 : i32
        %dma_start3A_240 = tpu.memref_slice %arg10[%dma_start3A_238, %dma_start3A_239] : memref<100352x16xf32, #tpu.memory_space<vmem_shared>> -> memref<100352x16xf32, #tpu.memory_space<vmem_shared>>
        tpu.enqueue_indirect_dma source(%arg15 : memref<128x16xf32, #tpu.memory_space<vmem>>) target(%dma_start3A_240 : memref<100352x16xf32, #tpu.memory_space<vmem_shared>>) offsets(%dma_start3A_237 : memref<128xi32, #tpu.memory_space<vmem>>) semaphore(%run_scoped3A_234 : memref<!tpu.dma_semaphore, #tpu.memory_space<semaphore_mem>>) {add = true}
        %dma_wait3A_241 = arith.constant 0 : i32
        %dma_wait3A_242 = tpu.memref_slice %arg13[%run_scoped3A, %dma_wait3A_241] : memref<4x128xi32, #tpu.memory_space<vmem>> -> memref<1x128xi32, #tpu.memory_space<vmem>>
        %dma_wait3A_243 = tpu.memref_squeeze %dma_wait3A_242 : memref<1x128xi32, #tpu.memory_space<vmem>> -> memref<128xi32, #tpu.memory_space<vmem>>
        %dma_wait3A_244 = arith.constant 0 : i32
        %dma_wait3A_245 = arith.constant 0 : i32
        %dma_wait3A_246 = tpu.memref_slice %arg10[%dma_wait3A_244, %dma_wait3A_245] : memref<100352x16xf32, #tpu.memory_space<vmem_shared>> -> memref<100352x16xf32, #tpu.memory_space<vmem_shared>>
        tpu.wait_indirect_dma semaphore(%run_scoped3A_234 : memref<!tpu.dma_semaphore, #tpu.memory_space<semaphore_mem>>) src(%arg15 : memref<128x16xf32, #tpu.memory_space<vmem>>) dst(%dma_wait3A_246 : memref<100352x16xf32, #tpu.memory_space<vmem_shared>>)
        tpu.yield
      }) : () -> ()
      %dma_start3A_188 = arith.constant 1 : i32
      %dma_start3A_189 = arith.constant 0 : i32
      %dma_start3A_190 = tpu.memref_slice %arg14[%dma_start3A_188, %dma_start3A_189] : memref<4x128xi32, #tpu.memory_space<vmem>> -> memref<1x128xi32, #tpu.memory_space<vmem>>
      %dma_start3A_191 = tpu.memref_squeeze %dma_start3A_190 : memref<1x128xi32, #tpu.memory_space<vmem>> -> memref<128xi32, #tpu.memory_space<vmem>>
      %dma_start3A_192 = arith.constant 0 : i32
      %dma_start3A_193 = arith.constant 0 : i32
      %dma_start3A_194 = tpu.memref_slice %arg6[%dma_start3A_192, %dma_start3A_193] : memref<200704x16xf32, #tpu.memory_space<hbm>> -> memref<200704x16xf32, #tpu.memory_space<hbm>>
      tpu.enqueue_indirect_dma source(%dma_start3A_194 : memref<200704x16xf32, #tpu.memory_space<hbm>>) target(%arg15 : memref<128x16xf32, #tpu.memory_space<vmem>>) offsets(%dma_start3A_191 : memref<128xi32, #tpu.memory_space<vmem>>) semaphore(%arg24 : memref<!tpu.dma_semaphore, #tpu.memory_space<semaphore_mem>>)
      %dma_wait3A_195 = arith.constant 1 : i32
      %dma_wait3A_196 = arith.constant 0 : i32
      %dma_wait3A_197 = tpu.memref_slice %arg14[%dma_wait3A_195, %dma_wait3A_196] : memref<4x128xi32, #tpu.memory_space<vmem>> -> memref<1x128xi32, #tpu.memory_space<vmem>>
      %dma_wait3A_198 = tpu.memref_squeeze %dma_wait3A_197 : memref<1x128xi32, #tpu.memory_space<vmem>> -> memref<128xi32, #tpu.memory_space<vmem>>
      %dma_wait3A_199 = arith.constant 0 : i32
      %dma_wait3A_200 = arith.constant 0 : i32
      %dma_wait3A_201 = tpu.memref_slice %arg6[%dma_wait3A_199, %dma_wait3A_200] : memref<200704x16xf32, #tpu.memory_space<hbm>> -> memref<200704x16xf32, #tpu.memory_space<hbm>>
      tpu.wait_indirect_dma semaphore(%arg24 : memref<!tpu.dma_semaphore, #tpu.memory_space<semaphore_mem>>) src(%dma_wait3A_201 : memref<200704x16xf32, #tpu.memory_space<hbm>>) dst(%arg15 : memref<128x16xf32, #tpu.memory_space<vmem>>)
      %run_scoped3A_202 = arith.constant 1 : i32
      "tpu.region"() ({
        %run_scoped3A_234 = tpu.sem_alloc : memref<!tpu.dma_semaphore, #tpu.memory_space<semaphore_mem>>
        %dma_start3A_235 = arith.constant 0 : i32
        %dma_start3A_236 = tpu.memref_slice %arg13[%run_scoped3A_202, %dma_start3A_235] : memref<4x128xi32, #tpu.memory_space<vmem>> -> memref<1x128xi32, #tpu.memory_space<vmem>>
        %dma_start3A_237 = tpu.memref_squeeze %dma_start3A_236 : memref<1x128xi32, #tpu.memory_space<vmem>> -> memref<128xi32, #tpu.memory_space<vmem>>
        %dma_start3A_238 = arith.constant 0 : i32
        %dma_start3A_239 = arith.constant 0 : i32
        %dma_start3A_240 = tpu.memref_slice %arg10[%dma_start3A_238, %dma_start3A_239] : memref<100352x16xf32, #tpu.memory_space<vmem_shared>> -> memref<100352x16xf32, #tpu.memory_space<vmem_shared>>
        tpu.enqueue_indirect_dma source(%arg15 : memref<128x16xf32, #tpu.memory_space<vmem>>) target(%dma_start3A_240 : memref<100352x16xf32, #tpu.memory_space<vmem_shared>>) offsets(%dma_start3A_237 : memref<128xi32, #tpu.memory_space<vmem>>) semaphore(%run_scoped3A_234 : memref<!tpu.dma_semaphore, #tpu.memory_space<semaphore_mem>>) {add = true}
        %dma_wait3A_241 = arith.constant 0 : i32
        %dma_wait3A_242 = tpu.memref_slice %arg13[%run_scoped3A_202, %dma_wait3A_241] : memref<4x128xi32, #tpu.memory_space<vmem>> -> memref<1x128xi32, #tpu.memory_space<vmem>>
        %dma_wait3A_243 = tpu.memref_squeeze %dma_wait3A_242 : memref<1x128xi32, #tpu.memory_space<vmem>> -> memref<128xi32, #tpu.memory_space<vmem>>
        %dma_wait3A_244 = arith.constant 0 : i32
        %dma_wait3A_245 = arith.constant 0 : i32
        %dma_wait3A_246 = tpu.memref_slice %arg10[%dma_wait3A_244, %dma_wait3A_245] : memref<100352x16xf32, #tpu.memory_space<vmem_shared>> -> memref<100352x16xf32, #tpu.memory_space<vmem_shared>>
        tpu.wait_indirect_dma semaphore(%run_scoped3A_234 : memref<!tpu.dma_semaphore, #tpu.memory_space<semaphore_mem>>) src(%arg15 : memref<128x16xf32, #tpu.memory_space<vmem>>) dst(%dma_wait3A_246 : memref<100352x16xf32, #tpu.memory_space<vmem_shared>>)
        tpu.yield
      }) : () -> ()
      %dma_start3A_203 = arith.constant 2 : i32
      %dma_start3A_204 = arith.constant 0 : i32
      %dma_start3A_205 = tpu.memref_slice %arg14[%dma_start3A_203, %dma_start3A_204] : memref<4x128xi32, #tpu.memory_space<vmem>> -> memref<1x128xi32, #tpu.memory_space<vmem>>
      %dma_start3A_206 = tpu.memref_squeeze %dma_start3A_205 : memref<1x128xi32, #tpu.memory_space<vmem>> -> memref<128xi32, #tpu.memory_space<vmem>>
      %dma_start3A_207 = arith.constant 0 : i32
      %dma_start3A_208 = arith.constant 0 : i32
      %dma_start3A_209 = tpu.memref_slice %arg6[%dma_start3A_207, %dma_start3A_208] : memref<200704x16xf32, #tpu.memory_space<hbm>> -> memref<200704x16xf32, #tpu.memory_space<hbm>>
      tpu.enqueue_indirect_dma source(%dma_start3A_209 : memref<200704x16xf32, #tpu.memory_space<hbm>>) target(%arg15 : memref<128x16xf32, #tpu.memory_space<vmem>>) offsets(%dma_start3A_206 : memref<128xi32, #tpu.memory_space<vmem>>) semaphore(%arg24 : memref<!tpu.dma_semaphore, #tpu.memory_space<semaphore_mem>>)
      %dma_wait3A_210 = arith.constant 2 : i32
      %dma_wait3A_211 = arith.constant 0 : i32
      %dma_wait3A_212 = tpu.memref_slice %arg14[%dma_wait3A_210, %dma_wait3A_211] : memref<4x128xi32, #tpu.memory_space<vmem>> -> memref<1x128xi32, #tpu.memory_space<vmem>>
      %dma_wait3A_213 = tpu.memref_squeeze %dma_wait3A_212 : memref<1x128xi32, #tpu.memory_space<vmem>> -> memref<128xi32, #tpu.memory_space<vmem>>
      %dma_wait3A_214 = arith.constant 0 : i32
      %dma_wait3A_215 = arith.constant 0 : i32
      %dma_wait3A_216 = tpu.memref_slice %arg6[%dma_wait3A_214, %dma_wait3A_215] : memref<200704x16xf32, #tpu.memory_space<hbm>> -> memref<200704x16xf32, #tpu.memory_space<hbm>>
      tpu.wait_indirect_dma semaphore(%arg24 : memref<!tpu.dma_semaphore, #tpu.memory_space<semaphore_mem>>) src(%dma_wait3A_216 : memref<200704x16xf32, #tpu.memory_space<hbm>>) dst(%arg15 : memref<128x16xf32, #tpu.memory_space<vmem>>)
      %run_scoped3A_217 = arith.constant 2 : i32
      "tpu.region"() ({
        %run_scoped3A_234 = tpu.sem_alloc : memref<!tpu.dma_semaphore, #tpu.memory_space<semaphore_mem>>
        %dma_start3A_235 = arith.constant 0 : i32
        %dma_start3A_236 = tpu.memref_slice %arg13[%run_scoped3A_217, %dma_start3A_235] : memref<4x128xi32, #tpu.memory_space<vmem>> -> memref<1x128xi32, #tpu.memory_space<vmem>>
        %dma_start3A_237 = tpu.memref_squeeze %dma_start3A_236 : memref<1x128xi32, #tpu.memory_space<vmem>> -> memref<128xi32, #tpu.memory_space<vmem>>
        %dma_start3A_238 = arith.constant 0 : i32
        %dma_start3A_239 = arith.constant 0 : i32
        %dma_start3A_240 = tpu.memref_slice %arg10[%dma_start3A_238, %dma_start3A_239] : memref<100352x16xf32, #tpu.memory_space<vmem_shared>> -> memref<100352x16xf32, #tpu.memory_space<vmem_shared>>
        tpu.enqueue_indirect_dma source(%arg15 : memref<128x16xf32, #tpu.memory_space<vmem>>) target(%dma_start3A_240 : memref<100352x16xf32, #tpu.memory_space<vmem_shared>>) offsets(%dma_start3A_237 : memref<128xi32, #tpu.memory_space<vmem>>) semaphore(%run_scoped3A_234 : memref<!tpu.dma_semaphore, #tpu.memory_space<semaphore_mem>>) {add = true}
        %dma_wait3A_241 = arith.constant 0 : i32
        %dma_wait3A_242 = tpu.memref_slice %arg13[%run_scoped3A_217, %dma_wait3A_241] : memref<4x128xi32, #tpu.memory_space<vmem>> -> memref<1x128xi32, #tpu.memory_space<vmem>>
        %dma_wait3A_243 = tpu.memref_squeeze %dma_wait3A_242 : memref<1x128xi32, #tpu.memory_space<vmem>> -> memref<128xi32, #tpu.memory_space<vmem>>
        %dma_wait3A_244 = arith.constant 0 : i32
        %dma_wait3A_245 = arith.constant 0 : i32
        %dma_wait3A_246 = tpu.memref_slice %arg10[%dma_wait3A_244, %dma_wait3A_245] : memref<100352x16xf32, #tpu.memory_space<vmem_shared>> -> memref<100352x16xf32, #tpu.memory_space<vmem_shared>>
        tpu.wait_indirect_dma semaphore(%run_scoped3A_234 : memref<!tpu.dma_semaphore, #tpu.memory_space<semaphore_mem>>) src(%arg15 : memref<128x16xf32, #tpu.memory_space<vmem>>) dst(%dma_wait3A_246 : memref<100352x16xf32, #tpu.memory_space<vmem_shared>>)
        tpu.yield
      }) : () -> ()
      %dma_start3A_218 = arith.constant 3 : i32
      %dma_start3A_219 = arith.constant 0 : i32
      %dma_start3A_220 = tpu.memref_slice %arg14[%dma_start3A_218, %dma_start3A_219] : memref<4x128xi32, #tpu.memory_space<vmem>> -> memref<1x128xi32, #tpu.memory_space<vmem>>
      %dma_start3A_221 = tpu.memref_squeeze %dma_start3A_220 : memref<1x128xi32, #tpu.memory_space<vmem>> -> memref<128xi32, #tpu.memory_space<vmem>>
      %dma_start3A_222 = arith.constant 0 : i32
      %dma_start3A_223 = arith.constant 0 : i32
      %dma_start3A_224 = tpu.memref_slice %arg6[%dma_start3A_222, %dma_start3A_223] : memref<200704x16xf32, #tpu.memory_space<hbm>> -> memref<200704x16xf32, #tpu.memory_space<hbm>>
      tpu.enqueue_indirect_dma source(%dma_start3A_224 : memref<200704x16xf32, #tpu.memory_space<hbm>>) target(%arg15 : memref<128x16xf32, #tpu.memory_space<vmem>>) offsets(%dma_start3A_221 : memref<128xi32, #tpu.memory_space<vmem>>) semaphore(%arg24 : memref<!tpu.dma_semaphore, #tpu.memory_space<semaphore_mem>>)
      %dma_wait3A_225 = arith.constant 3 : i32
      %dma_wait3A_226 = arith.constant 0 : i32
      %dma_wait3A_227 = tpu.memref_slice %arg14[%dma_wait3A_225, %dma_wait3A_226] : memref<4x128xi32, #tpu.memory_space<vmem>> -> memref<1x128xi32, #tpu.memory_space<vmem>>
      %dma_wait3A_228 = tpu.memref_squeeze %dma_wait3A_227 : memref<1x128xi32, #tpu.memory_space<vmem>> -> memref<128xi32, #tpu.memory_space<vmem>>
      %dma_wait3A_229 = arith.constant 0 : i32
      %dma_wait3A_230 = arith.constant 0 : i32
      %dma_wait3A_231 = tpu.memref_slice %arg6[%dma_wait3A_229, %dma_wait3A_230] : memref<200704x16xf32, #tpu.memory_space<hbm>> -> memref<200704x16xf32, #tpu.memory_space<hbm>>
      tpu.wait_indirect_dma semaphore(%arg24 : memref<!tpu.dma_semaphore, #tpu.memory_space<semaphore_mem>>) src(%dma_wait3A_231 : memref<200704x16xf32, #tpu.memory_space<hbm>>) dst(%arg15 : memref<128x16xf32, #tpu.memory_space<vmem>>)
      %run_scoped3A_232 = arith.constant 3 : i32
      "tpu.region"() ({
        %run_scoped3A_234 = tpu.sem_alloc : memref<!tpu.dma_semaphore, #tpu.memory_space<semaphore_mem>>
        %dma_start3A_235 = arith.constant 0 : i32
        %dma_start3A_236 = tpu.memref_slice %arg13[%run_scoped3A_232, %dma_start3A_235] : memref<4x128xi32, #tpu.memory_space<vmem>> -> memref<1x128xi32, #tpu.memory_space<vmem>>
        %dma_start3A_237 = tpu.memref_squeeze %dma_start3A_236 : memref<1x128xi32, #tpu.memory_space<vmem>> -> memref<128xi32, #tpu.memory_space<vmem>>
        %dma_start3A_238 = arith.constant 0 : i32
        %dma_start3A_239 = arith.constant 0 : i32
        %dma_start3A_240 = tpu.memref_slice %arg10[%dma_start3A_238, %dma_start3A_239] : memref<100352x16xf32, #tpu.memory_space<vmem_shared>> -> memref<100352x16xf32, #tpu.memory_space<vmem_shared>>
        tpu.enqueue_indirect_dma source(%arg15 : memref<128x16xf32, #tpu.memory_space<vmem>>) target(%dma_start3A_240 : memref<100352x16xf32, #tpu.memory_space<vmem_shared>>) offsets(%dma_start3A_237 : memref<128xi32, #tpu.memory_space<vmem>>) semaphore(%run_scoped3A_234 : memref<!tpu.dma_semaphore, #tpu.memory_space<semaphore_mem>>) {add = true}
        %dma_wait3A_241 = arith.constant 0 : i32
        %dma_wait3A_242 = tpu.memref_slice %arg13[%run_scoped3A_232, %dma_wait3A_241] : memref<4x128xi32, #tpu.memory_space<vmem>> -> memref<1x128xi32, #tpu.memory_space<vmem>>
        %dma_wait3A_243 = tpu.memref_squeeze %dma_wait3A_242 : memref<1x128xi32, #tpu.memory_space<vmem>> -> memref<128xi32, #tpu.memory_space<vmem>>
        %dma_wait3A_244 = arith.constant 0 : i32
        %dma_wait3A_245 = arith.constant 0 : i32
        %dma_wait3A_246 = tpu.memref_slice %arg10[%dma_wait3A_244, %dma_wait3A_245] : memref<100352x16xf32, #tpu.memory_space<vmem_shared>> -> memref<100352x16xf32, #tpu.memory_space<vmem_shared>>
        tpu.wait_indirect_dma semaphore(%run_scoped3A_234 : memref<!tpu.dma_semaphore, #tpu.memory_space<semaphore_mem>>) src(%arg15 : memref<128x16xf32, #tpu.memory_space<vmem>>) dst(%dma_wait3A_246 : memref<100352x16xf32, #tpu.memory_space<vmem_shared>>)
        tpu.yield
      }) : () -> ()
      %while3A_233 = arith.constant 0 : i32
      scf.yield %while3A_233 : i32
    }
    %while3A_158 = arith.constant 1 : i32
    %while3A_159 = scf.for %while3A_169 = %while3A_155 to %while3A_151 step %while3A_158 iter_args(%while3A_170 = %while3A_157) -> (i32)  : i32 {
      %add3A_171 = arith.addi %add3A, %while3A_169 : i32
      %mul3A_172 = arith.constant 4 : i32
      %mul3A_173 = arith.muli %add3A_171, %mul3A_172 : i32
      "tpu.region"() ({
        %run_scoped3A_234 = tpu.sem_alloc : memref<!tpu.dma_semaphore, #tpu.memory_space<semaphore_mem>>
        %dma_start3A_235 = arith.constant 0 : i32
        %dma_start3A_236 = tpu.memref_slice %arg3[%mul3A_173, %dma_start3A_235] : memref<12500x128xi32, #tpu.memory_space<hbm>> -> memref<4x128xi32, #tpu.memory_space<hbm>>
        %dma_start3A_237 = arith.constant 0 : i32
        %dma_start3A_238 = tpu.memref_slice %arg3[%mul3A_173, %dma_start3A_237] : memref<12500x128xi32, #tpu.memory_space<hbm>> -> memref<4x128xi32, #tpu.memory_space<hbm>>
        tpu.enqueue_dma source(%dma_start3A_238 : memref<4x128xi32, #tpu.memory_space<hbm>>) target(%arg13 : memref<4x128xi32, #tpu.memory_space<vmem>>) target_semaphore(%run_scoped3A_234 : memref<!tpu.dma_semaphore, #tpu.memory_space<semaphore_mem>>)
        %dma_wait3A_239 = arith.constant 0 : i32
        %dma_wait3A_240 = tpu.memref_slice %arg3[%mul3A_173, %dma_wait3A_239] : memref<12500x128xi32, #tpu.memory_space<hbm>> -> memref<4x128xi32, #tpu.memory_space<hbm>>
        %dma_wait3A_241 = arith.constant 0 : i32
        %dma_wait3A_242 = tpu.memref_slice %arg3[%mul3A_173, %dma_wait3A_241] : memref<12500x128xi32, #tpu.memory_space<hbm>> -> memref<4x128xi32, #tpu.memory_space<hbm>>
        tpu.wait_dma2 semaphore(%run_scoped3A_234 : memref<!tpu.dma_semaphore, #tpu.memory_space<semaphore_mem>>) src(%dma_wait3A_242 : memref<4x128xi32, #tpu.memory_space<hbm>>) dst(%arg13 : memref<4x128xi32, #tpu.memory_space<vmem>>)
        tpu.yield
      }) : () -> ()
      %mul3A_174 = arith.constant 4 : i32
      %mul3A_175 = arith.muli %add3A_171, %mul3A_174 : i32
      "tpu.region"() ({
        %run_scoped3A_234 = tpu.sem_alloc : memref<!tpu.dma_semaphore, #tpu.memory_space<semaphore_mem>>
        %dma_start3A_235 = arith.constant 0 : i32
        %dma_start3A_236 = tpu.memref_slice %arg2[%arg0, %mul3A_175, %dma_start3A_235] : memref<2x12500x128xi32, #tpu.memory_space<hbm>> -> memref<1x4x128xi32, #tpu.memory_space<hbm>>
        %dma_start3A_237 = tpu.memref_squeeze %dma_start3A_236 : memref<1x4x128xi32, #tpu.memory_space<hbm>> -> memref<4x128xi32, #tpu.memory_space<hbm>>
        %dma_start3A_238 = arith.constant 0 : i32
        %dma_start3A_239 = tpu.memref_slice %arg2[%arg0, %mul3A_175, %dma_start3A_238] : memref<2x12500x128xi32, #tpu.memory_space<hbm>> -> memref<1x4x128xi32, #tpu.memory_space<hbm>>
        %dma_start3A_240 = tpu.memref_squeeze %dma_start3A_239 : memref<1x4x128xi32, #tpu.memory_space<hbm>> -> memref<4x128xi32, #tpu.memory_space<hbm>>
        tpu.enqueue_dma source(%dma_start3A_240 : memref<4x128xi32, #tpu.memory_space<hbm>>) target(%arg14 : memref<4x128xi32, #tpu.memory_space<vmem>>) target_semaphore(%run_scoped3A_234 : memref<!tpu.dma_semaphore, #tpu.memory_space<semaphore_mem>>)
        %dma_wait3A_241 = arith.constant 0 : i32
        %dma_wait3A_242 = tpu.memref_slice %arg2[%arg0, %mul3A_175, %dma_wait3A_241] : memref<2x12500x128xi32, #tpu.memory_space<hbm>> -> memref<1x4x128xi32, #tpu.memory_space<hbm>>
        %dma_wait3A_243 = tpu.memref_squeeze %dma_wait3A_242 : memref<1x4x128xi32, #tpu.memory_space<hbm>> -> memref<4x128xi32, #tpu.memory_space<hbm>>
        %dma_wait3A_244 = arith.constant 0 : i32
        %dma_wait3A_245 = tpu.memref_slice %arg2[%arg0, %mul3A_175, %dma_wait3A_244] : memref<2x12500x128xi32, #tpu.memory_space<hbm>> -> memref<1x4x128xi32, #tpu.memory_space<hbm>>
        %dma_wait3A_246 = tpu.memref_squeeze %dma_wait3A_245 : memref<1x4x128xi32, #tpu.memory_space<hbm>> -> memref<4x128xi32, #tpu.memory_space<hbm>>
        tpu.wait_dma2 semaphore(%run_scoped3A_234 : memref<!tpu.dma_semaphore, #tpu.memory_space<semaphore_mem>>) src(%dma_wait3A_246 : memref<4x128xi32, #tpu.memory_space<hbm>>) dst(%arg14 : memref<4x128xi32, #tpu.memory_space<vmem>>)
        tpu.yield
      }) : () -> ()
      %dma_start3A = arith.constant 0 : i32
      %dma_start3A_176 = arith.constant 0 : i32
      %dma_start3A_177 = tpu.memref_slice %arg14[%dma_start3A, %dma_start3A_176] : memref<4x128xi32, #tpu.memory_space<vmem>> -> memref<1x128xi32, #tpu.memory_space<vmem>>
      %dma_start3A_178 = tpu.memref_squeeze %dma_start3A_177 : memref<1x128xi32, #tpu.memory_space<vmem>> -> memref<128xi32, #tpu.memory_space<vmem>>
      %dma_start3A_179 = arith.constant 0 : i32
      %dma_start3A_180 = arith.constant 0 : i32
      %dma_start3A_181 = tpu.memref_slice %arg6[%dma_start3A_179, %dma_start3A_180] : memref<200704x16xf32, #tpu.memory_space<hbm>> -> memref<200704x16xf32, #tpu.memory_space<hbm>>
      tpu.enqueue_indirect_dma source(%dma_start3A_181 : memref<200704x16xf32, #tpu.memory_space<hbm>>) target(%arg15 : memref<128x16xf32, #tpu.memory_space<vmem>>) offsets(%dma_start3A_178 : memref<128xi32, #tpu.memory_space<vmem>>) semaphore(%arg24 : memref<!tpu.dma_semaphore, #tpu.memory_space<semaphore_mem>>)
      %dma_wait3A = arith.constant 0 : i32
      %dma_wait3A_182 = arith.constant 0 : i32
      %dma_wait3A_183 = tpu.memref_slice %arg14[%dma_wait3A, %dma_wait3A_182] : memref<4x128xi32, #tpu.memory_space<vmem>> -> memref<1x128xi32, #tpu.memory_space<vmem>>
      %dma_wait3A_184 = tpu.memref_squeeze %dma_wait3A_183 : memref<1x128xi32, #tpu.memory_space<vmem>> -> memref<128xi32, #tpu.memory_space<vmem>>
      %dma_wait3A_185 = arith.constant 0 : i32
      %dma_wait3A_186 = arith.constant 0 : i32
      %dma_wait3A_187 = tpu.memref_slice %arg6[%dma_wait3A_185, %dma_wait3A_186] : memref<200704x16xf32, #tpu.memory_space<hbm>> -> memref<200704x16xf32, #tpu.memory_space<hbm>>
      tpu.wait_indirect_dma semaphore(%arg24 : memref<!tpu.dma_semaphore, #tpu.memory_space<semaphore_mem>>) src(%dma_wait3A_187 : memref<200704x16xf32, #tpu.memory_space<hbm>>) dst(%arg15 : memref<128x16xf32, #tpu.memory_space<vmem>>)
      %run_scoped3A = arith.constant 0 : i32
      "tpu.region"() ({
        %run_scoped3A_234 = tpu.sem_alloc : memref<!tpu.dma_semaphore, #tpu.memory_space<semaphore_mem>>
        %dma_start3A_235 = arith.constant 0 : i32
        %dma_start3A_236 = tpu.memref_slice %arg13[%run_scoped3A, %dma_start3A_235] : memref<4x128xi32, #tpu.memory_space<vmem>> -> memref<1x128xi32, #tpu.memory_space<vmem>>
        %dma_start3A_237 = tpu.memref_squeeze %dma_start3A_236 : memref<1x128xi32, #tpu.memory_space<vmem>> -> memref<128xi32, #tpu.memory_space<vmem>>
        %dma_start3A_238 = arith.constant 0 : i32
        %dma_start3A_239 = arith.constant 0 : i32
        %dma_start3A_240 = tpu.memref_slice %arg10[%dma_start3A_238, %dma_start3A_239] : memref<100352x16xf32, #tpu.memory_space<vmem_shared>> -> memref<100352x16xf32, #tpu.memory_space<vmem_shared>>
        tpu.enqueue_indirect_dma source(%arg15 : memref<128x16xf32, #tpu.memory_space<vmem>>) target(%dma_start3A_240 : memref<100352x16xf32, #tpu.memory_space<vmem_shared>>) offsets(%dma_start3A_237 : memref<128xi32, #tpu.memory_space<vmem>>) semaphore(%run_scoped3A_234 : memref<!tpu.dma_semaphore, #tpu.memory_space<semaphore_mem>>) {add = true}
        %dma_wait3A_241 = arith.constant 0 : i32
        %dma_wait3A_242 = tpu.memref_slice %arg13[%run_scoped3A, %dma_wait3A_241] : memref<4x128xi32, #tpu.memory_space<vmem>> -> memref<1x128xi32, #tpu.memory_space<vmem>>
        %dma_wait3A_243 = tpu.memref_squeeze %dma_wait3A_242 : memref<1x128xi32, #tpu.memory_space<vmem>> -> memref<128xi32, #tpu.memory_space<vmem>>
        %dma_wait3A_244 = arith.constant 0 : i32
        %dma_wait3A_245 = arith.constant 0 : i32
        %dma_wait3A_246 = tpu.memref_slice %arg10[%dma_wait3A_244, %dma_wait3A_245] : memref<100352x16xf32, #tpu.memory_space<vmem_shared>> -> memref<100352x16xf32, #tpu.memory_space<vmem_shared>>
        tpu.wait_indirect_dma semaphore(%run_scoped3A_234 : memref<!tpu.dma_semaphore, #tpu.memory_space<semaphore_mem>>) src(%arg15 : memref<128x16xf32, #tpu.memory_space<vmem>>) dst(%dma_wait3A_246 : memref<100352x16xf32, #tpu.memory_space<vmem_shared>>)
        tpu.yield
      }) : () -> ()
      %dma_start3A_188 = arith.constant 1 : i32
      %dma_start3A_189 = arith.constant 0 : i32
      %dma_start3A_190 = tpu.memref_slice %arg14[%dma_start3A_188, %dma_start3A_189] : memref<4x128xi32, #tpu.memory_space<vmem>> -> memref<1x128xi32, #tpu.memory_space<vmem>>
      %dma_start3A_191 = tpu.memref_squeeze %dma_start3A_190 : memref<1x128xi32, #tpu.memory_space<vmem>> -> memref<128xi32, #tpu.memory_space<vmem>>
      %dma_start3A_192 = arith.constant 0 : i32
      %dma_start3A_193 = arith.constant 0 : i32
      %dma_start3A_194 = tpu.memref_slice %arg6[%dma_start3A_192, %dma_start3A_193] : memref<200704x16xf32, #tpu.memory_space<hbm>> -> memref<200704x16xf32, #tpu.memory_space<hbm>>
      tpu.enqueue_indirect_dma source(%dma_start3A_194 : memref<200704x16xf32, #tpu.memory_space<hbm>>) target(%arg15 : memref<128x16xf32, #tpu.memory_space<vmem>>) offsets(%dma_start3A_191 : memref<128xi32, #tpu.memory_space<vmem>>) semaphore(%arg24 : memref<!tpu.dma_semaphore, #tpu.memory_space<semaphore_mem>>)
      %dma_wait3A_195 = arith.constant 1 : i32
      %dma_wait3A_196 = arith.constant 0 : i32
      %dma_wait3A_197 = tpu.memref_slice %arg14[%dma_wait3A_195, %dma_wait3A_196] : memref<4x128xi32, #tpu.memory_space<vmem>> -> memref<1x128xi32, #tpu.memory_space<vmem>>
      %dma_wait3A_198 = tpu.memref_squeeze %dma_wait3A_197 : memref<1x128xi32, #tpu.memory_space<vmem>> -> memref<128xi32, #tpu.memory_space<vmem>>
      %dma_wait3A_199 = arith.constant 0 : i32
      %dma_wait3A_200 = arith.constant 0 : i32
      %dma_wait3A_201 = tpu.memref_slice %arg6[%dma_wait3A_199, %dma_wait3A_200] : memref<200704x16xf32, #tpu.memory_space<hbm>> -> memref<200704x16xf32, #tpu.memory_space<hbm>>
      tpu.wait_indirect_dma semaphore(%arg24 : memref<!tpu.dma_semaphore, #tpu.memory_space<semaphore_mem>>) src(%dma_wait3A_201 : memref<200704x16xf32, #tpu.memory_space<hbm>>) dst(%arg15 : memref<128x16xf32, #tpu.memory_space<vmem>>)
      %run_scoped3A_202 = arith.constant 1 : i32
      "tpu.region"() ({
        %run_scoped3A_234 = tpu.sem_alloc : memref<!tpu.dma_semaphore, #tpu.memory_space<semaphore_mem>>
        %dma_start3A_235 = arith.constant 0 : i32
        %dma_start3A_236 = tpu.memref_slice %arg13[%run_scoped3A_202, %dma_start3A_235] : memref<4x128xi32, #tpu.memory_space<vmem>> -> memref<1x128xi32, #tpu.memory_space<vmem>>
        %dma_start3A_237 = tpu.memref_squeeze %dma_start3A_236 : memref<1x128xi32, #tpu.memory_space<vmem>> -> memref<128xi32, #tpu.memory_space<vmem>>
        %dma_start3A_238 = arith.constant 0 : i32
        %dma_start3A_239 = arith.constant 0 : i32
        %dma_start3A_240 = tpu.memref_slice %arg10[%dma_start3A_238, %dma_start3A_239] : memref<100352x16xf32, #tpu.memory_space<vmem_shared>> -> memref<100352x16xf32, #tpu.memory_space<vmem_shared>>
        tpu.enqueue_indirect_dma source(%arg15 : memref<128x16xf32, #tpu.memory_space<vmem>>) target(%dma_start3A_240 : memref<100352x16xf32, #tpu.memory_space<vmem_shared>>) offsets(%dma_start3A_237 : memref<128xi32, #tpu.memory_space<vmem>>) semaphore(%run_scoped3A_234 : memref<!tpu.dma_semaphore, #tpu.memory_space<semaphore_mem>>) {add = true}
        %dma_wait3A_241 = arith.constant 0 : i32
        %dma_wait3A_242 = tpu.memref_slice %arg13[%run_scoped3A_202, %dma_wait3A_241] : memref<4x128xi32, #tpu.memory_space<vmem>> -> memref<1x128xi32, #tpu.memory_space<vmem>>
        %dma_wait3A_243 = tpu.memref_squeeze %dma_wait3A_242 : memref<1x128xi32, #tpu.memory_space<vmem>> -> memref<128xi32, #tpu.memory_space<vmem>>
        %dma_wait3A_244 = arith.constant 0 : i32
        %dma_wait3A_245 = arith.constant 0 : i32
        %dma_wait3A_246 = tpu.memref_slice %arg10[%dma_wait3A_244, %dma_wait3A_245] : memref<100352x16xf32, #tpu.memory_space<vmem_shared>> -> memref<100352x16xf32, #tpu.memory_space<vmem_shared>>
        tpu.wait_indirect_dma semaphore(%run_scoped3A_234 : memref<!tpu.dma_semaphore, #tpu.memory_space<semaphore_mem>>) src(%arg15 : memref<128x16xf32, #tpu.memory_space<vmem>>) dst(%dma_wait3A_246 : memref<100352x16xf32, #tpu.memory_space<vmem_shared>>)
        tpu.yield
      }) : () -> ()
      %dma_start3A_203 = arith.constant 2 : i32
      %dma_start3A_204 = arith.constant 0 : i32
      %dma_start3A_205 = tpu.memref_slice %arg14[%dma_start3A_203, %dma_start3A_204] : memref<4x128xi32, #tpu.memory_space<vmem>> -> memref<1x128xi32, #tpu.memory_space<vmem>>
      %dma_start3A_206 = tpu.memref_squeeze %dma_start3A_205 : memref<1x128xi32, #tpu.memory_space<vmem>> -> memref<128xi32, #tpu.memory_space<vmem>>
      %dma_start3A_207 = arith.constant 0 : i32
      %dma_start3A_208 = arith.constant 0 : i32
      %dma_start3A_209 = tpu.memref_slice %arg6[%dma_start3A_207, %dma_start3A_208] : memref<200704x16xf32, #tpu.memory_space<hbm>> -> memref<200704x16xf32, #tpu.memory_space<hbm>>
      tpu.enqueue_indirect_dma source(%dma_start3A_209 : memref<200704x16xf32, #tpu.memory_space<hbm>>) target(%arg15 : memref<128x16xf32, #tpu.memory_space<vmem>>) offsets(%dma_start3A_206 : memref<128xi32, #tpu.memory_space<vmem>>) semaphore(%arg24 : memref<!tpu.dma_semaphore, #tpu.memory_space<semaphore_mem>>)
      %dma_wait3A_210 = arith.constant 2 : i32
      %dma_wait3A_211 = arith.constant 0 : i32
      %dma_wait3A_212 = tpu.memref_slice %arg14[%dma_wait3A_210, %dma_wait3A_211] : memref<4x128xi32, #tpu.memory_space<vmem>> -> memref<1x128xi32, #tpu.memory_space<vmem>>
      %dma_wait3A_213 = tpu.memref_squeeze %dma_wait3A_212 : memref<1x128xi32, #tpu.memory_space<vmem>> -> memref<128xi32, #tpu.memory_space<vmem>>
      %dma_wait3A_214 = arith.constant 0 : i32
      %dma_wait3A_215 = arith.constant 0 : i32
      %dma_wait3A_216 = tpu.memref_slice %arg6[%dma_wait3A_214, %dma_wait3A_215] : memref<200704x16xf32, #tpu.memory_space<hbm>> -> memref<200704x16xf32, #tpu.memory_space<hbm>>
      tpu.wait_indirect_dma semaphore(%arg24 : memref<!tpu.dma_semaphore, #tpu.memory_space<semaphore_mem>>) src(%dma_wait3A_216 : memref<200704x16xf32, #tpu.memory_space<hbm>>) dst(%arg15 : memref<128x16xf32, #tpu.memory_space<vmem>>)
      %run_scoped3A_217 = arith.constant 2 : i32
      "tpu.region"() ({
        %run_scoped3A_234 = tpu.sem_alloc : memref<!tpu.dma_semaphore, #tpu.memory_space<semaphore_mem>>
        %dma_start3A_235 = arith.constant 0 : i32
        %dma_start3A_236 = tpu.memref_slice %arg13[%run_scoped3A_217, %dma_start3A_235] : memref<4x128xi32, #tpu.memory_space<vmem>> -> memref<1x128xi32, #tpu.memory_space<vmem>>
        %dma_start3A_237 = tpu.memref_squeeze %dma_start3A_236 : memref<1x128xi32, #tpu.memory_space<vmem>> -> memref<128xi32, #tpu.memory_space<vmem>>
        %dma_start3A_238 = arith.constant 0 : i32
        %dma_start3A_239 = arith.constant 0 : i32
        %dma_start3A_240 = tpu.memref_slice %arg10[%dma_start3A_238, %dma_start3A_239] : memref<100352x16xf32, #tpu.memory_space<vmem_shared>> -> memref<100352x16xf32, #tpu.memory_space<vmem_shared>>
        tpu.enqueue_indirect_dma source(%arg15 : memref<128x16xf32, #tpu.memory_space<vmem>>) target(%dma_start3A_240 : memref<100352x16xf32, #tpu.memory_space<vmem_shared>>) offsets(%dma_start3A_237 : memref<128xi32, #tpu.memory_space<vmem>>) semaphore(%run_scoped3A_234 : memref<!tpu.dma_semaphore, #tpu.memory_space<semaphore_mem>>) {add = true}
        %dma_wait3A_241 = arith.constant 0 : i32
        %dma_wait3A_242 = tpu.memref_slice %arg13[%run_scoped3A_217, %dma_wait3A_241] : memref<4x128xi32, #tpu.memory_space<vmem>> -> memref<1x128xi32, #tpu.memory_space<vmem>>
        %dma_wait3A_243 = tpu.memref_squeeze %dma_wait3A_242 : memref<1x128xi32, #tpu.memory_space<vmem>> -> memref<128xi32, #tpu.memory_space<vmem>>
        %dma_wait3A_244 = arith.constant 0 : i32
        %dma_wait3A_245 = arith.constant 0 : i32
        %dma_wait3A_246 = tpu.memref_slice %arg10[%dma_wait3A_244, %dma_wait3A_245] : memref<100352x16xf32, #tpu.memory_space<vmem_shared>> -> memref<100352x16xf32, #tpu.memory_space<vmem_shared>>
        tpu.wait_indirect_dma semaphore(%run_scoped3A_234 : memref<!tpu.dma_semaphore, #tpu.memory_space<semaphore_mem>>) src(%arg15 : memref<128x16xf32, #tpu.memory_space<vmem>>) dst(%dma_wait3A_246 : memref<100352x16xf32, #tpu.memory_space<vmem_shared>>)
        tpu.yield
      }) : () -> ()
      %dma_start3A_218 = arith.constant 3 : i32
      %dma_start3A_219 = arith.constant 0 : i32
      %dma_start3A_220 = tpu.memref_slice %arg14[%dma_start3A_218, %dma_start3A_219] : memref<4x128xi32, #tpu.memory_space<vmem>> -> memref<1x128xi32, #tpu.memory_space<vmem>>
      %dma_start3A_221 = tpu.memref_squeeze %dma_start3A_220 : memref<1x128xi32, #tpu.memory_space<vmem>> -> memref<128xi32, #tpu.memory_space<vmem>>
      %dma_start3A_222 = arith.constant 0 : i32
      %dma_start3A_223 = arith.constant 0 : i32
      %dma_start3A_224 = tpu.memref_slice %arg6[%dma_start3A_222, %dma_start3A_223] : memref<200704x16xf32, #tpu.memory_space<hbm>> -> memref<200704x16xf32, #tpu.memory_space<hbm>>
      tpu.enqueue_indirect_dma source(%dma_start3A_224 : memref<200704x16xf32, #tpu.memory_space<hbm>>) target(%arg15 : memref<128x16xf32, #tpu.memory_space<vmem>>) offsets(%dma_start3A_221 : memref<128xi32, #tpu.memory_space<vmem>>) semaphore(%arg24 : memref<!tpu.dma_semaphore, #tpu.memory_space<semaphore_mem>>)
      %dma_wait3A_225 = arith.constant 3 : i32
      %dma_wait3A_226 = arith.constant 0 : i32
      %dma_wait3A_227 = tpu.memref_slice %arg14[%dma_wait3A_225, %dma_wait3A_226] : memref<4x128xi32, #tpu.memory_space<vmem>> -> memref<1x128xi32, #tpu.memory_space<vmem>>
      %dma_wait3A_228 = tpu.memref_squeeze %dma_wait3A_227 : memref<1x128xi32, #tpu.memory_space<vmem>> -> memref<128xi32, #tpu.memory_space<vmem>>
      %dma_wait3A_229 = arith.constant 0 : i32
      %dma_wait3A_230 = arith.constant 0 : i32
      %dma_wait3A_231 = tpu.memref_slice %arg6[%dma_wait3A_229, %dma_wait3A_230] : memref<200704x16xf32, #tpu.memory_space<hbm>> -> memref<200704x16xf32, #tpu.memory_space<hbm>>
      tpu.wait_indirect_dma semaphore(%arg24 : memref<!tpu.dma_semaphore, #tpu.memory_space<semaphore_mem>>) src(%dma_wait3A_231 : memref<200704x16xf32, #tpu.memory_space<hbm>>) dst(%arg15 : memref<128x16xf32, #tpu.memory_space<vmem>>)
      %run_scoped3A_232 = arith.constant 3 : i32
      "tpu.region"() ({
        %run_scoped3A_234 = tpu.sem_alloc : memref<!tpu.dma_semaphore, #tpu.memory_space<semaphore_mem>>
        %dma_start3A_235 = arith.constant 0 : i32
        %dma_start3A_236 = tpu.memref_slice %arg13[%run_scoped3A_232, %dma_start3A_235] : memref<4x128xi32, #tpu.memory_space<vmem>> -> memref<1x128xi32, #tpu.memory_space<vmem>>
        %dma_start3A_237 = tpu.memref_squeeze %dma_start3A_236 : memref<1x128xi32, #tpu.memory_space<vmem>> -> memref<128xi32, #tpu.memory_space<vmem>>
        %dma_start3A_238 = arith.constant 0 : i32
        %dma_start3A_239 = arith.constant 0 : i32
        %dma_start3A_240 = tpu.memref_slice %arg10[%dma_start3A_238, %dma_start3A_239] : memref<100352x16xf32, #tpu.memory_space<vmem_shared>> -> memref<100352x16xf32, #tpu.memory_space<vmem_shared>>
        tpu.enqueue_indirect_dma source(%arg15 : memref<128x16xf32, #tpu.memory_space<vmem>>) target(%dma_start3A_240 : memref<100352x16xf32, #tpu.memory_space<vmem_shared>>) offsets(%dma_start3A_237 : memref<128xi32, #tpu.memory_space<vmem>>) semaphore(%run_scoped3A_234 : memref<!tpu.dma_semaphore, #tpu.memory_space<semaphore_mem>>) {add = true}
        %dma_wait3A_241 = arith.constant 0 : i32
        %dma_wait3A_242 = tpu.memref_slice %arg13[%run_scoped3A_232, %dma_wait3A_241] : memref<4x128xi32, #tpu.memory_space<vmem>> -> memref<1x128xi32, #tpu.memory_space<vmem>>
        %dma_wait3A_243 = tpu.memref_squeeze %dma_wait3A_242 : memref<1x128xi32, #tpu.memory_space<vmem>> -> memref<128xi32, #tpu.memory_space<vmem>>
        %dma_wait3A_244 = arith.constant 0 : i32
        %dma_wait3A_245 = arith.constant 0 : i32
        %dma_wait3A_246 = tpu.memref_slice %arg10[%dma_wait3A_244, %dma_wait3A_245] : memref<100352x16xf32, #tpu.memory_space<vmem_shared>> -> memref<100352x16xf32, #tpu.memory_space<vmem_shared>>
        tpu.wait_indirect_dma semaphore(%run_scoped3A_234 : memref<!tpu.dma_semaphore, #tpu.memory_space<semaphore_mem>>) src(%arg15 : memref<128x16xf32, #tpu.memory_space<vmem>>) dst(%dma_wait3A_246 : memref<100352x16xf32, #tpu.memory_space<vmem_shared>>)
        tpu.yield
      }) : () -> ()
      %while3A_233 = arith.constant 0 : i32
      scf.yield %while3A_233 : i32
    }
    %barrier3A_160 = arith.constant 0 : index
    tpu.barrier barrier_id(%barrier3A_160)
    %scan3A_161 = arith.constant 0 : i32
    %scan3A_162 = arith.constant 0 : i32
    %scan3A_163 = arith.constant 56 : i32
    %scan3A_164 = arith.addi %scan3A_162, %scan3A_163 : i32
    %scan3A_165 = arith.constant 1 : i32
    %scan3A_166 = scf.for %scan3A_169 = %scan3A_162 to %scan3A_164 step %scan3A_165 iter_args(%scan3A_170 = %scan3A_161) -> (i32)  : i32 {
      %mul3A_171 = arith.constant 112 : i32
      %mul3A_172 = arith.muli %scan3A_169, %mul3A_171 : i32
      %add3A_173 = arith.addi %mul3A_0, %mul3A_172 : i32
      "tpu.region"() ({
        %run_scoped3A = tpu.sem_alloc : memref<!tpu.dma_semaphore, #tpu.memory_space<semaphore_mem>>
        %dma_start3A = arith.constant 0 : i32
        %dma_start3A_182 = tpu.memref_slice %arg10[%add3A_173, %dma_start3A] : memref<100352x16xf32, #tpu.memory_space<vmem_shared>> -> memref<112x16xf32, #tpu.memory_space<vmem_shared>>
        %dma_start3A_183 = arith.constant 0 : i32
        %dma_start3A_184 = tpu.memref_slice %arg10[%add3A_173, %dma_start3A_183] : memref<100352x16xf32, #tpu.memory_space<vmem_shared>> -> memref<112x16xf32, #tpu.memory_space<vmem_shared>>
        tpu.enqueue_dma source(%dma_start3A_184 : memref<112x16xf32, #tpu.memory_space<vmem_shared>>) target(%arg18 : memref<112x16xf32, #tpu.memory_space<vmem>>) target_semaphore(%run_scoped3A : memref<!tpu.dma_semaphore, #tpu.memory_space<semaphore_mem>>)
        %dma_wait3A = arith.constant 0 : i32
        %dma_wait3A_185 = tpu.memref_slice %arg10[%add3A_173, %dma_wait3A] : memref<100352x16xf32, #tpu.memory_space<vmem_shared>> -> memref<112x16xf32, #tpu.memory_space<vmem_shared>>
        %dma_wait3A_186 = arith.constant 0 : i32
        %dma_wait3A_187 = tpu.memref_slice %arg10[%add3A_173, %dma_wait3A_186] : memref<100352x16xf32, #tpu.memory_space<vmem_shared>> -> memref<112x16xf32, #tpu.memory_space<vmem_shared>>
        tpu.wait_dma2 semaphore(%run_scoped3A : memref<!tpu.dma_semaphore, #tpu.memory_space<semaphore_mem>>) src(%dma_wait3A_187 : memref<112x16xf32, #tpu.memory_space<vmem_shared>>) dst(%arg18 : memref<112x16xf32, #tpu.memory_space<vmem>>)
        tpu.yield
      }) : () -> ()
      "tpu.region"() ({
        %run_scoped3A = tpu.sem_alloc : memref<!tpu.dma_semaphore, #tpu.memory_space<semaphore_mem>>
        %dma_start3A = tpu.memref_slice %arg11[%add3A_173] : memref<100352xf32, #tpu.memory_space<vmem_shared>> -> memref<112xf32, #tpu.memory_space<vmem_shared>>
        %dma_start3A_182 = tpu.memref_slice %arg11[%add3A_173] : memref<100352xf32, #tpu.memory_space<vmem_shared>> -> memref<112xf32, #tpu.memory_space<vmem_shared>>
        tpu.enqueue_dma source(%dma_start3A_182 : memref<112xf32, #tpu.memory_space<vmem_shared>>) target(%arg22 : memref<112xf32, #tpu.memory_space<vmem>>) target_semaphore(%run_scoped3A : memref<!tpu.dma_semaphore, #tpu.memory_space<semaphore_mem>>)
        %dma_wait3A = tpu.memref_slice %arg11[%add3A_173] : memref<100352xf32, #tpu.memory_space<vmem_shared>> -> memref<112xf32, #tpu.memory_space<vmem_shared>>
        %dma_wait3A_183 = tpu.memref_slice %arg11[%add3A_173] : memref<100352xf32, #tpu.memory_space<vmem_shared>> -> memref<112xf32, #tpu.memory_space<vmem_shared>>
        tpu.wait_dma2 semaphore(%run_scoped3A : memref<!tpu.dma_semaphore, #tpu.memory_space<semaphore_mem>>) src(%dma_wait3A_183 : memref<112xf32, #tpu.memory_space<vmem_shared>>) dst(%arg22 : memref<112xf32, #tpu.memory_space<vmem>>)
        tpu.yield
      }) : () -> ()
      "tpu.region"() ({
        %run_scoped3A = tpu.sem_alloc : memref<!tpu.dma_semaphore, #tpu.memory_space<semaphore_mem>>
        %dma_start3A = arith.constant 0 : i32
        %dma_start3A_182 = tpu.memref_slice %arg4[%arg0, %add3A_173, %dma_start3A] : memref<2x100352x16xf32, #tpu.memory_space<hbm>> -> memref<1x112x16xf32, #tpu.memory_space<hbm>>
        %dma_start3A_183 = tpu.memref_squeeze %dma_start3A_182 : memref<1x112x16xf32, #tpu.memory_space<hbm>> -> memref<112x16xf32, #tpu.memory_space<hbm>>
        %dma_start3A_184 = arith.constant 0 : i32
        %dma_start3A_185 = tpu.memref_slice %arg4[%arg0, %add3A_173, %dma_start3A_184] : memref<2x100352x16xf32, #tpu.memory_space<hbm>> -> memref<1x112x16xf32, #tpu.memory_space<hbm>>
        %dma_start3A_186 = tpu.memref_squeeze %dma_start3A_185 : memref<1x112x16xf32, #tpu.memory_space<hbm>> -> memref<112x16xf32, #tpu.memory_space<hbm>>
        tpu.enqueue_dma source(%dma_start3A_186 : memref<112x16xf32, #tpu.memory_space<hbm>>) target(%arg17 : memref<112x16xf32, #tpu.memory_space<vmem>>) target_semaphore(%run_scoped3A : memref<!tpu.dma_semaphore, #tpu.memory_space<semaphore_mem>>)
        %dma_wait3A = arith.constant 0 : i32
        %dma_wait3A_187 = tpu.memref_slice %arg4[%arg0, %add3A_173, %dma_wait3A] : memref<2x100352x16xf32, #tpu.memory_space<hbm>> -> memref<1x112x16xf32, #tpu.memory_space<hbm>>
        %dma_wait3A_188 = tpu.memref_squeeze %dma_wait3A_187 : memref<1x112x16xf32, #tpu.memory_space<hbm>> -> memref<112x16xf32, #tpu.memory_space<hbm>>
        %dma_wait3A_189 = arith.constant 0 : i32
        %dma_wait3A_190 = tpu.memref_slice %arg4[%arg0, %add3A_173, %dma_wait3A_189] : memref<2x100352x16xf32, #tpu.memory_space<hbm>> -> memref<1x112x16xf32, #tpu.memory_space<hbm>>
        %dma_wait3A_191 = tpu.memref_squeeze %dma_wait3A_190 : memref<1x112x16xf32, #tpu.memory_space<hbm>> -> memref<112x16xf32, #tpu.memory_space<hbm>>
        tpu.wait_dma2 semaphore(%run_scoped3A : memref<!tpu.dma_semaphore, #tpu.memory_space<semaphore_mem>>) src(%dma_wait3A_191 : memref<112x16xf32, #tpu.memory_space<hbm>>) dst(%arg17 : memref<112x16xf32, #tpu.memory_space<vmem>>)
        tpu.yield
      }) : () -> ()
      "tpu.region"() ({
        %run_scoped3A = tpu.sem_alloc : memref<!tpu.dma_semaphore, #tpu.memory_space<semaphore_mem>>
        %dma_start3A = arith.constant 0 : i32
        %dma_start3A_182 = tpu.memref_slice %arg8[%arg0, %add3A_173, %dma_start3A] : memref<2x100352x16xf32, #tpu.memory_space<hbm>> -> memref<1x112x16xf32, #tpu.memory_space<hbm>>
        %dma_start3A_183 = tpu.memref_squeeze %dma_start3A_182 : memref<1x112x16xf32, #tpu.memory_space<hbm>> -> memref<112x16xf32, #tpu.memory_space<hbm>>
        %dma_start3A_184 = arith.constant 0 : i32
        %dma_start3A_185 = tpu.memref_slice %arg8[%arg0, %add3A_173, %dma_start3A_184] : memref<2x100352x16xf32, #tpu.memory_space<hbm>> -> memref<1x112x16xf32, #tpu.memory_space<hbm>>
        %dma_start3A_186 = tpu.memref_squeeze %dma_start3A_185 : memref<1x112x16xf32, #tpu.memory_space<hbm>> -> memref<112x16xf32, #tpu.memory_space<hbm>>
        tpu.enqueue_dma source(%dma_start3A_186 : memref<112x16xf32, #tpu.memory_space<hbm>>) target(%arg20 : memref<112x16xf32, #tpu.memory_space<vmem>>) target_semaphore(%run_scoped3A : memref<!tpu.dma_semaphore, #tpu.memory_space<semaphore_mem>>)
        %dma_wait3A = arith.constant 0 : i32
        %dma_wait3A_187 = tpu.memref_slice %arg8[%arg0, %add3A_173, %dma_wait3A] : memref<2x100352x16xf32, #tpu.memory_space<hbm>> -> memref<1x112x16xf32, #tpu.memory_space<hbm>>
        %dma_wait3A_188 = tpu.memref_squeeze %dma_wait3A_187 : memref<1x112x16xf32, #tpu.memory_space<hbm>> -> memref<112x16xf32, #tpu.memory_space<hbm>>
        %dma_wait3A_189 = arith.constant 0 : i32
        %dma_wait3A_190 = tpu.memref_slice %arg8[%arg0, %add3A_173, %dma_wait3A_189] : memref<2x100352x16xf32, #tpu.memory_space<hbm>> -> memref<1x112x16xf32, #tpu.memory_space<hbm>>
        %dma_wait3A_191 = tpu.memref_squeeze %dma_wait3A_190 : memref<1x112x16xf32, #tpu.memory_space<hbm>> -> memref<112x16xf32, #tpu.memory_space<hbm>>
        tpu.wait_dma2 semaphore(%run_scoped3A : memref<!tpu.dma_semaphore, #tpu.memory_space<semaphore_mem>>) src(%dma_wait3A_191 : memref<112x16xf32, #tpu.memory_space<hbm>>) dst(%arg20 : memref<112x16xf32, #tpu.memory_space<vmem>>)
        tpu.yield
      }) : () -> ()
      "tpu.region"() ({
        %run_scoped3A = tpu.sem_alloc : memref<!tpu.dma_semaphore, #tpu.memory_space<semaphore_mem>>
        %dma_start3A = arith.constant 0 : i32
        %dma_start3A_182 = tpu.memref_slice %arg9[%arg0, %add3A_173, %dma_start3A] : memref<2x100352x16xf32, #tpu.memory_space<hbm>> -> memref<1x112x16xf32, #tpu.memory_space<hbm>>
        %dma_start3A_183 = tpu.memref_squeeze %dma_start3A_182 : memref<1x112x16xf32, #tpu.memory_space<hbm>> -> memref<112x16xf32, #tpu.memory_space<hbm>>
        %dma_start3A_184 = arith.constant 0 : i32
        %dma_start3A_185 = tpu.memref_slice %arg9[%arg0, %add3A_173, %dma_start3A_184] : memref<2x100352x16xf32, #tpu.memory_space<hbm>> -> memref<1x112x16xf32, #tpu.memory_space<hbm>>
        %dma_start3A_186 = tpu.memref_squeeze %dma_start3A_185 : memref<1x112x16xf32, #tpu.memory_space<hbm>> -> memref<112x16xf32, #tpu.memory_space<hbm>>
        tpu.enqueue_dma source(%dma_start3A_186 : memref<112x16xf32, #tpu.memory_space<hbm>>) target(%arg21 : memref<112x16xf32, #tpu.memory_space<vmem>>) target_semaphore(%run_scoped3A : memref<!tpu.dma_semaphore, #tpu.memory_space<semaphore_mem>>)
        %dma_wait3A = arith.constant 0 : i32
        %dma_wait3A_187 = tpu.memref_slice %arg9[%arg0, %add3A_173, %dma_wait3A] : memref<2x100352x16xf32, #tpu.memory_space<hbm>> -> memref<1x112x16xf32, #tpu.memory_space<hbm>>
        %dma_wait3A_188 = tpu.memref_squeeze %dma_wait3A_187 : memref<1x112x16xf32, #tpu.memory_space<hbm>> -> memref<112x16xf32, #tpu.memory_space<hbm>>
        %dma_wait3A_189 = arith.constant 0 : i32
        %dma_wait3A_190 = tpu.memref_slice %arg9[%arg0, %add3A_173, %dma_wait3A_189] : memref<2x100352x16xf32, #tpu.memory_space<hbm>> -> memref<1x112x16xf32, #tpu.memory_space<hbm>>
        %dma_wait3A_191 = tpu.memref_squeeze %dma_wait3A_190 : memref<1x112x16xf32, #tpu.memory_space<hbm>> -> memref<112x16xf32, #tpu.memory_space<hbm>>
        tpu.wait_dma2 semaphore(%run_scoped3A : memref<!tpu.dma_semaphore, #tpu.memory_space<semaphore_mem>>) src(%dma_wait3A_191 : memref<112x16xf32, #tpu.memory_space<hbm>>) dst(%arg21 : memref<112x16xf32, #tpu.memory_space<vmem>>)
        tpu.yield
      }) : () -> ()
      %scan3A_174 = arith.constant 0 : i32
      %scan3A_175 = arith.constant 0 : i32
      %scan3A_176 = arith.constant 112 : i32
      %scan3A_177 = arith.addi %scan3A_175, %scan3A_176 : i32
      %scan3A_178 = arith.constant 1 : i32
      %scan3A_179 = scf.for %scan3A_182 = %scan3A_175 to %scan3A_177 step %scan3A_178 iter_args(%scan3A_183 = %scan3A_174) -> (i32)  : i32 {
        %broadcast_in_dim3A = arith.constant 0 : i32
        %broadcast_in_dim3A_184 = vector.broadcast %broadcast_in_dim3A : i32 to vector<16xi32>
        %add3A_185 = vector.broadcast %scan3A_182 : i32 to vector<16xi32>
        %add3A_186 = arith.addi %broadcast_in_dim3A_184, %add3A_185 : vector<16xi32>
        %gather3A = tpu.vector_load_idx %arg22[%add3A_186] : memref<112xf32, #tpu.memory_space<vmem>>[vector<16xi32>], vector<16xf32>,
        %get3A = arith.index_cast %scan3A_182 : i32 to index
        %get3A_187 = arith.constant 0 : index
        %get3A_188 = tpu.vector_load %arg18[%get3A, %get3A_187] {strides = array<i32>} : memref<112x16xf32, #tpu.memory_space<vmem>>, vector<16xf32>,
        %mul3A_189 = arith.mulf %get3A_188, %gather3A : vector<16xf32>
        %get3A_190 = arith.index_cast %scan3A_182 : i32 to index
        %get3A_191 = arith.constant 0 : index
        %get3A_192 = tpu.vector_load %arg17[%get3A_190, %get3A_191] {strides = array<i32>} : memref<112x16xf32, #tpu.memory_space<vmem>>, vector<16xf32>,
        %get3A_193 = arith.index_cast %scan3A_182 : i32 to index
        %get3A_194 = arith.constant 0 : index
        %get3A_195 = tpu.vector_load %arg20[%get3A_193, %get3A_194] {strides = array<i32>} : memref<112x16xf32, #tpu.memory_space<vmem>>, vector<16xf32>,
        %add3A_196 = arith.addf %get3A_192, %get3A_195 : vector<16xf32>
        %get3A_197 = arith.index_cast %scan3A_182 : i32 to index
        %get3A_198 = arith.constant 0 : index
        %get3A_199 = tpu.vector_load %arg21[%get3A_197, %get3A_198] {strides = array<i32>} : memref<112x16xf32, #tpu.memory_space<vmem>>, vector<16xf32>,
        %add3A_200 = arith.addf %add3A_196, %get3A_199 : vector<16xf32>
        %add3A_201 = arith.addf %add3A_200, %mul3A_189 : vector<16xf32>
        %mul3A_202 = arith.constant 2.500000e-01 : f32
        %mul3A_203 = vector.broadcast %mul3A_202 : f32 to vector<16xf32>
        %mul3A_204 = arith.mulf %mul3A_203, %add3A_201 : vector<16xf32>
        %swap3A = arith.index_cast %scan3A_182 : i32 to index
        %swap3A_205 = arith.constant 0 : index
        %swap3A_206 = tpu.vector_load %arg18[%swap3A, %swap3A_205] {strides = array<i32>} : memref<112x16xf32, #tpu.memory_space<vmem>>, vector<16xf32>,
        tpu.vector_store %arg18[%swap3A, %swap3A_205], %mul3A_204 {strides = array<i32>} : memref<112x16xf32, #tpu.memory_space<vmem>>, vector<16xf32>,
        %scan3A_207 = arith.constant 0 : i32
        scf.yield %scan3A_207 : i32
      }
      %scan3A_180 = arith.constant 112 : i32
      "tpu.region"() ({
        %run_scoped3A = tpu.sem_alloc : memref<!tpu.dma_semaphore, #tpu.memory_space<semaphore_mem>>
        %dma_start3A = arith.constant 0 : i32
        %dma_start3A_182 = tpu.memref_slice %arg5[%arg0, %add3A_173, %dma_start3A] : memref<2x100352x16xf32, #tpu.memory_space<hbm>> -> memref<1x112x16xf32, #tpu.memory_space<hbm>>
        %dma_start3A_183 = tpu.memref_squeeze %dma_start3A_182 : memref<1x112x16xf32, #tpu.memory_space<hbm>> -> memref<112x16xf32, #tpu.memory_space<hbm>>
        %dma_start3A_184 = arith.constant 0 : i32
        %dma_start3A_185 = tpu.memref_slice %arg5[%arg0, %add3A_173, %dma_start3A_184] : memref<2x100352x16xf32, #tpu.memory_space<hbm>> -> memref<1x112x16xf32, #tpu.memory_space<hbm>>
        %dma_start3A_186 = tpu.memref_squeeze %dma_start3A_185 : memref<1x112x16xf32, #tpu.memory_space<hbm>> -> memref<112x16xf32, #tpu.memory_space<hbm>>
        tpu.enqueue_dma source(%arg18 : memref<112x16xf32, #tpu.memory_space<vmem>>) target(%dma_start3A_186 : memref<112x16xf32, #tpu.memory_space<hbm>>) target_semaphore(%run_scoped3A : memref<!tpu.dma_semaphore, #tpu.memory_space<semaphore_mem>>)
        %dma_wait3A = arith.constant 0 : i32
        %dma_wait3A_187 = tpu.memref_slice %arg5[%arg0, %add3A_173, %dma_wait3A] : memref<2x100352x16xf32, #tpu.memory_space<hbm>> -> memref<1x112x16xf32, #tpu.memory_space<hbm>>
        %dma_wait3A_188 = tpu.memref_squeeze %dma_wait3A_187 : memref<1x112x16xf32, #tpu.memory_space<hbm>> -> memref<112x16xf32, #tpu.memory_space<hbm>>
        %dma_wait3A_189 = arith.constant 0 : i32
        %dma_wait3A_190 = tpu.memref_slice %arg5[%arg0, %add3A_173, %dma_wait3A_189] : memref<2x100352x16xf32, #tpu.memory_space<hbm>> -> memref<1x112x16xf32, #tpu.memory_space<hbm>>
        %dma_wait3A_191 = tpu.memref_squeeze %dma_wait3A_190 : memref<1x112x16xf32, #tpu.memory_space<hbm>> -> memref<112x16xf32, #tpu.memory_space<hbm>>
        tpu.wait_dma2 semaphore(%run_scoped3A : memref<!tpu.dma_semaphore, #tpu.memory_space<semaphore_mem>>) src(%arg18 : memref<112x16xf32, #tpu.memory_space<vmem>>) dst(%dma_wait3A_191 : memref<112x16xf32, #tpu.memory_space<hbm>>)
        tpu.yield
      }) : () -> ()
      %scan3A_181 = arith.constant 0 : i32
      scf.yield %scan3A_181 : i32
    }
    %scan3A_167 = arith.constant 56 : i32
    %barrier3A_168 = arith.constant 0 : index
    tpu.barrier barrier_id(%barrier3A_168)
    return
  }
}

</mosaic_0001>

<sc_bundles>
// kernel: _run.3.cloned.1.call-start
scs
__scs_entry_jumppad:
0x0: {  	(pc) =	sbr.rel $0x88, $3  }
0x1: {  	(tag) =	ssettag $0x0;
	lr =	simm.s32 $0x1  }
0x2: {  	[smem:$0x3F9E] =	sst lr;
	_ =	strace $0xD0000000  }
0x3: {  	_ = 	snop  }
0x4: {  	_ = 	snop  }
0x5: {  	_ = 	snop  }
0x6: {  	_ = 	snop  }
0x7: {  	_ = 	snop  }
__scs_overlays_trampoline_lowered:
0x8: {  	[smem:$0x3FAD] =	sst s0  }
0x9: {  	[smem:$0x3FAE] =	sst s1  }
0xa: {  	[smem:$0x3FAF] =	sst s2  }
0xb: {  	[smem:$0x3FB0] =	sst s3  }
0xc: {  	[smem:$0x3FB1] =	sst s4  }
0xd: {  	[smem:$0x3FB2] =	sst s5  }
0xe: {  	[smem:$0x3FB3] =	sst s6  }
0xf: {  	[smem:$0x3FB4] =	sst s7  }
0x10: {  	[smem:$0x3FB5] =	sst s8  }
0x11: {  	[smem:$0x3FB6] =	sst s9;
	s0 =	simm.s32 @!p0 $0x0  }
0x12: {  	s1 =	sld [smem:$0x3F9C];
	s0 =	simm.s32 @p0 $0x1  }
0x13: {  	[smem:$0x3FB7] =	sst s0;
	s0 =	simm.s32 @!p1 $0x0  }
0x14: {  	s2 =	sld [smem:$0x3F9B];
	s0 =	simm.s32 @p1 $0x1  }
0x15: {  	[smem:$0x3FB8] =	sst s0;
	s0 =	simm.s32 @!p2 $0x0  }
0x16: {  	s3 =	sld [smem:$0x3FDB];
	s0 =	simm.s32 @p2 $0x1  }
0x17: {  	s4 =	simm.s32 $0x1BF5;
	[smem:$0x3FBA] =	sst s0  }
0x18: {  	s0 =	sld [smem:$0x3F9D];
	_ =	swait.ge [sflag:s4], $0x0  }
0x19: {  	s7 =	sld [smem:$0x3F9E]  }
0x1a: {  	s8 =	sadd.s32 $0xFFFFE003, lr  }
0x1b: {  	s9 =	sadd.s32 $0xFFFFFEF7, lr;
	s5 =	simm.s32 $0xFFFFFFFF;
	p2 =	slt.u32 s8, $0xFFFFF086  }
0x1c: {  	p1 =	slt.u32 s9, $0xF7A;
	s5 =	simm.s32 @!p2 $0x0  }
0x1d: {  	s5 =	simm.s32 @p1 $0x1;
	p0 =	seq.s32 s7, s2  }
0x1e: {  	s7 =	smul.u32 @!p0 $0xF7A, s2;
	p2 =	seq.s32 @!p0 s5, $0x0  }
0x1f: {  	s9 =	smul.u32 $0xF7A, s1;
	s8 =	simm.s32 @!p0 $0x1BF5;
	p2 =	por !p2, p0  }
0x20: {  	[sflag:s8] =	ssyncset.s32 @!p0 $0xFFFFF086;
	s6 =	sadd.s32 @!p0 s3, s7;
	s7 =	simm.s32 @!p0 $0x108  }
0x21: {  	s3 =	sadd.s32 s3, s9;
	s6 =	sadd.s32 @!p0 $0x88, s6;
	s7 =	simm.s32 @p2 $0x1082  }
0x22: {  	[simem:s7], [sflag:s8] =	dma.local @!p0 [hbm:s6], $0xF7A  }
0x23: {  	s9 =	sor.u32 $0xD0000000, s2;
	s6 =	simm.s32 $0x108;
	_ =	swait.ge @!p0 [sflag:s8], $0x0  }
0x24: {  	s3 =	sadd.s32 $0x88, s3;
	s6 =	simm.s32 @!p1 $0x1082;
	[sflag:s4] =	ssyncset.s32 $0xFFFFF086  }
0x25: {  	[simem:s6], [sflag:s4] =	dma.local [hbm:s3], $0xF7A  }
0x26: {  	[smem:$0x3F9E] =	sst s1;
	(tag) =	ssettag s2;
	_ =	strace s9  }
0x27: {  	s1 =	sld [smem:$0x3FAE]  }
0x28: {  	s2 =	sld [smem:$0x3FAF]  }
0x29: {  	s4 =	sld [smem:$0x3FB1]  }
0x2a: {  	p0 =	seq.s32 s5, $0x0;
	s5 =	sld [smem:$0x3FB2]  }
0x2b: {  	s6 =	sld [smem:$0x3FB3]  }
0x2c: {  	s7 =	sld [smem:$0x3FB4]  }
0x2d: {  	s3 =	simm.s32 $0x108;
	s8 =	sld [smem:$0x3FB5]  }
0x2e: {  	s3 =	simm.s32 @!p0 $0x1082;
	s9 =	sld [smem:$0x3FB6]  }
0x2f: {  	lr =	sadd.s32 s0, s3;
	s0 =	sld [smem:$0x3FAD]  }
0x30: {  	s3 =	sld [smem:$0x3FB0]  }
0x31: {  	[smem:$0x3FB9] =	sst s10  }
0x32: {  	s10 =	sld [smem:$0x3FB7];
	_ =	sdelay $0x3  }
0x33: {  	p0 =	seq.s32 s10, $0x1;
	s10 =	sld [smem:$0x3FB9];
	_ =	sdelay $0x3  }
0x34: {  	[smem:$0x3FB9] =	sst s10  }
0x35: {  	s10 =	sld [smem:$0x3FB8];
	_ =	sdelay $0x3  }
0x36: {  	p1 =	seq.s32 s10, $0x1;
	s10 =	sld [smem:$0x3FB9];
	_ =	sdelay $0x3  }
0x37: {  	[smem:$0x3FB9] =	sst s10  }
0x38: {  	s10 =	sld [smem:$0x3FBA]  }
0x39: {  	_ = 	snop;
	(pc) =	sbr.ind lr, $3  }
0x3a: {  	_ = 	snop  }
0x3b: {  	_ = 	snop  }
0x3c: {  	p2 =	seq.s32 s10, $0x1;
	s10 =	sld [smem:$0x3FB9]  }
0x3d: {  	_ =	shalt  }
0x3e: {  	_ =	shalt  }
0x3f: {  	_ =	shalt  }
0x40: {  	_ =	shalt  }
0x41: {  	_ =	shalt  }
0x42: {  	_ =	shalt  }
0x43: {  	_ =	shalt  }
0x44: {  	_ =	shalt  }
0x45: {  	_ =	shalt  }
0x46: {  	_ =	shalt  }
0x47: {  	_ =	shalt  }
0x48: {  	_ =	shalt  }
0x49: {  	_ =	shalt  }
0x4a: {  	_ =	shalt  }
0x4b: {  	_ =	shalt  }
0x4c: {  	_ =	shalt  }
0x4d: {  	_ =	shalt  }
0x4e: {  	_ =	shalt  }
0x4f: {  	_ =	shalt  }
0x50: {  	_ =	shalt  }
0x51: {  	_ =	shalt  }
0x52: {  	_ =	shalt  }
0x53: {  	_ =	shalt  }
0x54: {  	_ =	shalt  }
0x55: {  	_ =	shalt  }
0x56: {  	_ =	shalt  }
0x57: {  	_ =	shalt  }
0x58: {  	_ =	shalt  }
0x59: {  	_ =	shalt  }
0x5a: {  	_ =	shalt  }
0x5b: {  	_ =	shalt  }
0x5c: {  	_ =	shalt  }
0x5d: {  	_ =	shalt  }
0x5e: {  	_ =	shalt  }
0x5f: {  	_ =	shalt  }
0x60: {  	_ =	shalt  }
0x61: {  	_ =	shalt  }
0x62: {  	_ =	shalt  }
0x63: {  	_ =	shalt  }
0x64: {  	_ =	shalt  }
0x65: {  	_ =	shalt  }
0x66: {  	_ =	shalt  }
0x67: {  	_ =	shalt  }
0x68: {  	_ =	shalt  }
0x69: {  	_ =	shalt  }
0x6a: {  	_ =	shalt  }
0x6b: {  	_ =	shalt  }
0x6c: {  	_ =	shalt  }
0x6d: {  	_ =	shalt  }
0x6e: {  	_ =	shalt  }
0x6f: {  	_ =	shalt  }
0x70: {  	_ =	shalt  }
0x71: {  	_ =	shalt  }
0x72: {  	_ =	shalt  }
0x73: {  	_ =	shalt  }
0x74: {  	_ =	shalt  }
0x75: {  	_ =	shalt  }
0x76: {  	_ =	shalt  }
0x77: {  	_ =	shalt  }
0x78: {  	_ =	shalt  }
0x79: {  	_ =	shalt  }
0x7a: {  	_ =	shalt  }
0x7b: {  	_ =	shalt  }
0x7c: {  	_ =	shalt  }
0x7d: {  	_ =	shalt  }
0x7e: {  	_ =	shalt  }
0x7f: {  	_ =	shalt  }
0x80: {  	_ =	shalt  }
0x81: {  	_ =	shalt  }
0x82: {  	_ =	shalt  }
0x83: {  	_ =	shalt  }
0x84: {  	_ =	shalt  }
0x85: {  	_ =	shalt  }
0x86: {  	_ =	shalt  }
0x87: {  	_ =	shalt  }
.Lfunc_end0:
.L_simem_size_0:
called_computation_lowered:
.L_overlay_start_0:
0x88: {  	s2 =	sld [smem:$0x3FD9]  }
0x89: {  	s3 =	sld [smem:$0x3FFE];
	_ =	sdelay $0x1  }
0x8a: {  	s1 =	srdreg.scid  }
0x8b: {  	s0 =	sand.u32 $0x1, s1  }
0x8c: {  	s14 =	sshll.u32 s0, $0xA;
	s2 =	sadd.s32 s3, s2  }
0x8d: {  	s2 =	sadd.s32 s2, s14  }
0x8e: {  	[smem:$0x3FC5] =	sst s2  }
0x8f: {  	_ = 	snop  }
0x90: {  	s2 =	sld [smem:$0x3FD0];
	_ =	sdelay $0x2  }
0x91: {  	s4 =	simm.s32 $0xA;
	s5 =	simm.s32 $0x10;
	s15 =	sld [smem:$0x3FC8]  }
0x92: {  	[smem:s5], [sflag:s4] =	dma.local [hbm:s2], $0x1  }
0x93: {  	_ =	swait.eq [sflag:s4], $0x1  }
0x94: {  	s16 =	sld [smem:$0x11]  }
0x95: {  	s17 =	sld [smem:$0x12];
	[sflag:s4] =	ssyncset.done $0x0  }
0x96: {  	s6 =	sld [smem:$0x13];
	[sflag:s4] =	ssyncadd.s32 $0xFFFFFFFF  }
0x97: {  	s18 =	sld [smem:$0x14];
	(tm) =	ssettm $0x1  }
0x98: {  	s7 =	sld [smem:$0x3FFB];
	_ =	sdelay $0x3  }
0x99: {  	_ =	strace s7  }
0x9a: {  	s7 =	sld [smem:$0x3FFC];
	_ =	sdelay $0x3  }
0x9b: {  	_ =	strace s7  }
0x9c: {  	s7 =	sld [smem:$0x3FFD];
	_ =	sdelay $0x3  }
0x9d: {  	_ =	strace s7  }
0x9e: {  	_ =	strace $0x8FFFFFFF  }
0x9f: {  	s19 =	sld [smem:$0x3FDB];
	_ =	sdelay $0x1  }
0xa0: {  	s8 =	simm.s32 $_scs_section_size  }
0xa1: {  	s9 =	simm.s32 $_size__tile_overlayer_lowered;
	s10 =	simm.s32 $_tile_overlayer_lowered  }
0xa2: {  	s22 =	simm.s32 $0x1BFF;
	s21 =	sshll.u32 s10, $0x1;
	s7 =	sadd.s32 s8, s19  }
0xa3: {  	s11 =	simm.s32 $0x0;
	s20 =	sshll.u32 s9, $0x1;
	s9 =	sadd.s32 s21, s7  }
0xa4: {  	[timem:s11], [sflag:s22] =	dma.local [hbm:s9], s20  }
0xa5: {  	_ =	swait.ge [sflag:s22], s20  }
0xa6: {  	s8 =	ssub.s32 $0x0, s20;
	[sflag:s22] =	ssyncset.done $0x0  }
0xa7: {  	[sflag:s22] =	ssyncadd.s32 s8;
	_ =	sdelay $0x1  }
0xa8: {  	s23 =	simm.s32 $0x1B8B  }
0xa9: {  	_ =	swait.ge [sflag:s23], $0x1  }
0xaa: {  	[sflag:s23] =	ssyncset.done $0x0  }
0xab: {  	s25 =	simm.s32 $0x1B8E;
	s24 =	sld [smem:$0x3FFE];
	[sflag:s23] =	ssyncadd.s32 $0xFFFFFFFF  }
0xac: {  	s26 =	simm.s32 $execute0_lowered;
	[smem:$0x3FD2] =	sst s25  }
0xad: {  	s9 =	sshll.u32 s26, $0x1;
	_ =	strace $0x80000046;
	[dreg:$0x1] =	wrdreg $0xFFFFFFFF  }
0xae: {  	s28 =	simm.s32 $_size_execute0_lowered;
	s7 =	sadd.s32 s7, s9;
	[dreg:$0x0] =	wrdreg $0x0  }
0xaf: {  	s9 =	sshll.u32 s28, $0x1;
	[dreg:$0x2] =	wrdreg s7  }
0xb0: {  	[dreg:$0x3] =	wrdreg s9  }
0xb1: {  	[dreg:$0x4] =	wrdreg $0xC0  }
0xb2: {  	_ =	task [dreg:s11], $0x5FFFF  }
0xb3: {  	[dreg:$0x1] =	wrdreg $0xFFFFFFFF  }
0xb4: {  	[dreg:$0x0] =	wrdreg $0x60  }
0xb5: {  	[dreg:$0x2] =	wrdreg s16  }
0xb6: {  	[dreg:$0x3] =	wrdreg s15  }
0xb7: {  	[dreg:$0x4] =	wrdreg s18  }
0xb8: {  	[dreg:$0x5] =	wrdreg s6  }
0xb9: {  	[dreg:$0x6] =	wrdreg s17  }
0xba: {  	[dreg:$0x7] =	wrdreg s24  }
0xbb: {  	[dreg:$0x8] =	wrdreg $0x188000  }
0xbc: {  	[dreg:$0x9] =	wrdreg $0x1A0800  }
0xbd: {  	[dreg:$0xa] =	wrdreg $0x0  }
0xbe: {  	[dreg:$0xb] =	wrdreg $0x9  }
0xbf: {  	_ =	task.clear_ibuf [dreg:s11], $0xCFFFF;
	_ =	strace $0x90000046  }
0xc0: {  	s29 =	simm.s32 $0x9;
	_ =	strace $0x80000048  }
0xc1: {  	_ =	swait.ge [sflag:s29], $0x1  }
0xc2: {  	[sflag:s29] =	ssyncadd.s32 $0xFFFFFFFF  }
0xc3: {  	_ =	strace $0x90000048  }
0xc4: {  	_ =	sfence  }
0xc5: {  	s30 =	sld [smem:$0x0];
	_ =	sdelay $0x2  }
0xc6: {  	s31 =	sshll.u32 s1, $0xD;
	s1 =	sshrl.u32 s1, $0x2  }
0xc7: {  	s3 =	sand.u32 $0x4000, s31;
	s1 =	sadd.s32 s1, s30  }
0xc8: {  	s0 =	sor.u32 s3, s0;
	s1 =	sshll.u32 s1, $0x11  }
0xc9: {  	s0 =	sor.u32 s1, s0  }
0xca: {  	s0 =	sadd.s32 $0x8F2B, s0  }
0xcb: {  	[sflag:s0] =	ssyncadd.remote.s32 $0x1  }
0xcc: {  	_ =	sfence.sel $0xFFFF  }
0xcd: {  	[dreg:$0x0] =	wrdreg $0xFFFFFFFF;
	(pc) =	sbr.abs _section_cstart, $3  }
0xce: {  	[dreg:$0x1] =	wrdreg $0xFFFFFFFF  }
0xcf: {  	_ =	task.clear_ibuf [dreg:s11], $0x2FFFF;
	_ =	strace $0x9FFFFFFF  }
0xd0: {  	(tm) =	ssettm $0x7FFFFFFF  }
0xd1: {  	_ =	shalt  }
tec
execute0_lowered:
.L_overlay_start_1:
0x0: {  	(tag) =	ssettag $0x1  }
0x1: {  	s0 =	rddreg [dreg:$0x0]  }
0x2: {  	s1 =	rddreg [dreg:$0x1]  }
0x3: {  	s3 =	rddreg [dreg:$0x4]  }
0x4: {  	s2 =	rddreg [dreg:$0x5]  }
0x5: {  	s4 =	rddreg [dreg:$0x6]  }
0x6: {  	s5 =	rddreg [dreg:$0x7]  }
0x7: {  	s6 =	rddreg [dreg:$0x8];
	s7 =	simm.s32 $0x0  }
0x8: {  	s8 =	srdreg.scid;
	s16 =	stileid.u32;
	s28 =	simm.s32 $0x2  }
0x9: {  	s29 =	simm.s32 $0x1B900;
	s30 =	simm.s32 $0x1BB00;
	s31 =	simm.s32 $0x80  }
0xa: {  	[smem:$0x7FF] =	sst s7;
	s8 =	sand.u32 $0x1, s8;
	s17 =	smul.u32 $0x1880, s16  }
0xb: {  	s9 =	sadd.s32 $0x2000, s2;
	s11 =	sadd.s32 $0x64000, s2;
	s18 =	smul.u32 $0x30C0, s16  }
0xc: {  	s2 =	sadd.s32 $0xC6000, s2;
	p0 =	slt.u32 s16, $0x5;
	s12 =	smul.u32 $0x18600, s16  }
0xd: {  	s19 =	smin.u32 s16, $0x5;
	s24 =	smul.u32 $0x62000, s16;
	_ =	strace $0x80000047  }
0xe: {  	s10 =	ssub.s32 $0x2, s8;
	[dreg:$0xa] =	wrdreg s11;
	s15 =	smul.u32 $0x188000, s8  }
0xf: {  	[dreg:$0xc] =	wrdreg s2;
	s11 =	simm.s32 $0xC4;
	s13 =	smul.u32 $0x186A00, s8  }
0x10: {  	s14 =	sshll.u32 s19, $0x9;
	s8 =	smul.u32 $0x18800, s8;
	s25 =	sshrl.u32 s10, $0x1  }
0x11: {  	s11 =	simm.s32 @!p0 $0xC3;
	s23 =	sadd.s32 s17, s4;
	s12 =	sadd.s32 s14, s12  }
0x12: {  	s20 =	sadd.s32 s18, s0;
	[dreg:$0xb] =	wrdreg s17;
	s22 =	sadd.s32 s17, s5  }
0x13: {  	s17 =	simm.s32 $0x1BC00;
	s26 =	ssub.s32 s10, s25;
	[dreg:$0xd] =	wrdreg s15  }
0x14: {  	[dreg:$0xe] =	wrdreg s11;
	s15 =	smul.u32 $0x6200, s16;
	s11 =	sshll.u32 s19, $0x6  }
0x15: {  	s10 =	sadd.s32 s18, s1;
	s13 =	sadd.s32 s13, s12;
	[dreg:$0x12] =	wrdreg s22  }
0x16: {  	[dreg:$0x14] =	wrdreg s8;
	s25 =	sshrl.u32 s12, $0x3;
	s8 =	simm.s32 $0x1B980  }
0x17: {  	s16 =	simm.s32 $0x1BA00;
	s19 =	simm.s32 $0x1BC80;
	s22 =	simm.s32 $0x1E8F0  }
0x18: {  	s12 =	simm.s32 $0x0;
	[dreg:$0xf] =	wrdreg s23;
	s14 =	sadd.s32 s11, s20  }
0x19: {  	s10 =	sadd.s32 s11, s10;
	s21 =	sshrl.u32 s13, $0x3;
	[dreg:$0x10] =	wrdreg s14  }
0x1a: {  	s2 =	smax.u32 s26, $0x1;
	s1 =	sadd.s32 s25, s1;
	[dreg:$0x11] =	wrdreg s10  }
0x1b: {  	s0 =	sadd.s32 s21, s0;
	[dreg:$0x15] =	wrdreg s2;
	s26 =	sshrl.u32 s15, $0x2  }
0x1c: {  	[dreg:$0x16] =	wrdreg s1;
	s1 =	simm.s32 $0x1C500;
	s21 =	simm.s32 $0x1BB80  }
0x1d: {  	s14 =	simm.s32 $0x1BA80;
	s2 =	simm.s32 $0x1BD00;
	s10 =	simm.s32 $0x1  }
0x1e: {  	[dreg:$0x13] =	wrdreg s0;
	s0 =	sshrl.u32 s24, $0x2;
	s20 =	sadd.s32 s26, s4  }
0x1f: {  	s24 =	sadd.s32 s26, s5;
	s26 =	simm.s32 $0x1E880;
	[dreg:$0x17] =	wrdreg s20  }
0x20: {  	v0 =	vimm.f32 $1.000000000e+00;
	v1 =	vimm.f32 $0.0e+00;
	s25 =	sadd.s32 s0, s6;
	s0 =	simm.s32 $0x1CC80;
	[dreg:$0x19] =	wrdreg s24  }
.LBB2_1:
0x21: {  	[tilespmem:$0x1C500] =	vst v0  }
0x22: {  	[tilespmem:$0x1C510] =	vst v0  }
0x23: {  	[tilespmem:$0x1C520] =	vst v0  }
0x24: {  	[tilespmem:$0x1C530] =	vst v0  }
0x25: {  	[tilespmem:$0x1C540] =	vst v0  }
0x26: {  	[tilespmem:$0x1C550] =	vst v0  }
0x27: {  	[tilespmem:$0x1C560] =	vst v0  }
0x28: {  	[dreg:$0x18] =	wrdreg s12;
	[tilespmem:$0x1C570] =	vst v0;
	s11 =	simm.s32 $0x40;
	s12 =	simm.s32 $0x0  }
.LBB2_2:
0x29: {  	p0 =	sne.s32 s11, $0x1BC0;
	[tilespmem:s12+$0x1CC80] =	vst v1;
	s12 =	smov.u32 s11;
	s11 =	sadd.s32 $0x40, s11  }
.Ltmp0:
0x2a: {  	(pc) =	sbr.rel @p0 .LBB2_2-.Ltmp0, $2  }
0x2b: {  	_ =	sdelay $0x2  }
0x2c: {  	s12 =	sshra.s32 s12, $0x2  }
0x2d: {  	[tilespmem:s12+$0x1CC80] =	vst v1  }
0x2e: {  	[tilespmem:$0x1E880] =	vst v1  }
0x2f: {  	[tilespmem:$0x1E890] =	vst v1  }
0x30: {  	[tilespmem:$0x1E8A0] =	vst v1  }
0x31: {  	[tilespmem:$0x1E8B0] =	vst v1  }
0x32: {  	[tilespmem:$0x1E8C0] =	vst v1  }
0x33: {  	[tilespmem:$0x1E8D0] =	vst v1  }
0x34: {  	s11 =	sadd.s32 $0x0, s20;
	[tilespmem:$0x1E8E0] =	vst v1  }
0x35: {  	[spmem:s11] =	stream.linear.scatter [tilespmem:s26], [sflag:$0x2], $0x70, $0x38;
	[tilespmem:$0x1E960] =	vst v63  }
0x36: {  	_ =	swait.ge [sflag:s28], $0x70  }
0x37: {  	[sflag:s28] =	ssyncset.done $0x0  }
0x38: {  	s18 =	sadd.s32 $0x0, s24;
	[sflag:s28] =	ssyncadd.s32 $0xFFFFFF90  }
0x39: {  	[spmem:s18] =	stream.linear.scatter [tilespmem:s26], [sflag:$0x2], $0x70, $0x38;
	[tilespmem:$0x1E960] =	vst v63  }
0x3a: {  	_ =	swait.ge [sflag:s28], $0x70  }
0x3b: {  	s12 =	simm.s32 $0x380;
	s11 =	simm.s32 $0x70;
	[sflag:s28] =	ssyncset.done $0x0  }
.LBB2_4:
0x3c: {  	s13 =	sadd.s32 s11, s20  }
0x3d: {  	[sflag:s28] =	ssyncadd.s32 $0xFFFFFF90;
	s15 =	smov.u32 s12;
	s18 =	sadd.s32 $0x1C0, s12  }
0x3e: {  	[spmem:s13] =	stream.linear.scatter [tilespmem:s26], [sflag:$0x2], $0x70, $0x38;
	[tilespmem:$0x1E960] =	vst v63  }
0x3f: {  	p0 =	sne.s32 s12, $0x6040;
	_ =	swait.ge [sflag:s28], $0x70  }
.Ltmp1:
0x40: {  	[sflag:s28] =	ssyncset.done $0x0;
	(pc) =	sbr.rel @p0 .LBB2_4-.Ltmp1, $4  }
0x41: {  	s11 =	sadd.s32 s11, s24;
	[sflag:s28] =	ssyncadd.s32 $0xFFFFFF90  }
0x42: {  	[spmem:s11] =	stream.linear.scatter [tilespmem:s26], [sflag:$0x2], $0x70, $0x38;
	[tilespmem:$0x1E960] =	vst v63  }
0x43: {  	_ =	swait.ge [sflag:s28], $0x70  }
0x44: {  	s12 =	smov.u32 s18;
	s11 =	sshra.s32 s15, $0x2;
	[sflag:s28] =	ssyncset.done $0x0  }
0x45: {  	s12 =	sadd.s32 s11, s20;
	[sflag:s28] =	ssyncadd.s32 $0xFFFFFF90  }
0x46: {  	[spmem:s12] =	stream.linear.scatter [tilespmem:s26], [sflag:$0x2], $0x70, $0x38;
	[tilespmem:$0x1E960] =	vst v63  }
0x47: {  	_ =	swait.ge [sflag:s28], $0x70  }
0x48: {  	[sflag:s28] =	ssyncset.done $0x0  }
0x49: {  	s20 =	sadd.s32 s11, s24;
	[sflag:s28] =	ssyncadd.s32 $0xFFFFFF90  }
0x4a: {  	[spmem:s20] =	stream.linear.scatter [tilespmem:s26], [sflag:$0x2], $0x70, $0x38;
	[tilespmem:$0x1E960] =	vst v63  }
0x4b: {  	_ =	swait.ge [sflag:s28], $0x70  }
0x4c: {  	[sflag:s28] =	ssyncset.done $0x0  }
0x4d: {  	[sflag:s28] =	ssyncadd.s32 $0xFFFFFF90  }
0x4e: {  	[bflag:$0x0] =	sbarrier.arrive $0xFFFF  }
0x4f: {  	s13 =	rddreg [dreg:$0x11]  }
0x50: {  	[tilespmem:s29], [sflag:$0x2] =	stream.linear.gather [hbm4b:s13+s7], $0x200, $0x38;
	[tilespmem:$0x1E960] =	vst v63  }
0x51: {  	_ =	swait.ge [sflag:s28], $0x200  }
0x52: {  	[sflag:s28] =	ssyncset.done $0x0  }
0x53: {  	s20 =	rddreg [dreg:$0x10];
	[sflag:s28] =	ssyncadd.s32 $0xFFFFFE00  }
0x54: {  	[tilespmem:s30], [sflag:$0x2] =	stream.linear.gather [hbm4b:s20+s7], $0x200, $0x38;
	[tilespmem:$0x1E960] =	vst v63  }
0x55: {  	_ =	swait.ge [sflag:s28], $0x200  }
0x56: {  	[sflag:s28] =	ssyncset.done $0x0  }
0x57: {  	[sflag:s28] =	ssyncadd.s32 $0xFFFFFE00  }
0x58: {  	[spmem:s4] =	stream.indirect.scatter.add.f32 [tilespmem:s1], [sflag:$0x2], $0x1, s29, s31, $0xb8;
	[tilespmem:$0x1E960] =	vst v63  }
0x59: {  	_ =	swait.ge [sflag:s28], $0x80  }
0x5a: {  	[sflag:s28] =	ssyncset.done $0x0  }
0x5b: {  	[sflag:s28] =	ssyncadd.s32 $0xFFFFFF80  }
0x5c: {  	[spmem:s5] =	stream.indirect.scatter.add.f32 [tilespmem:s1], [sflag:$0x2], $0x1, s30, s31, $0xb8;
	[tilespmem:$0x1E960] =	vst v63  }
0x5d: {  	_ =	swait.ge [sflag:s28], $0x80  }
0x5e: {  	[sflag:s28] =	ssyncset.done $0x0  }
0x5f: {  	[sflag:s28] =	ssyncadd.s32 $0xFFFFFF80  }
0x60: {  	[spmem:s4] =	stream.indirect.scatter.add.f32 [tilespmem:s1], [sflag:$0x2], $0x1, s8, s31, $0xb8;
	[tilespmem:$0x1E960] =	vst v63  }
0x61: {  	_ =	swait.ge [sflag:s28], $0x80  }
0x62: {  	[sflag:s28] =	ssyncset.done $0x0  }
0x63: {  	[sflag:s28] =	ssyncadd.s32 $0xFFFFFF80  }
0x64: {  	[spmem:s5] =	stream.indirect.scatter.add.f32 [tilespmem:s1], [sflag:$0x2], $0x1, s21, s31, $0xb8;
	[tilespmem:$0x1E960] =	vst v63  }
0x65: {  	_ =	swait.ge [sflag:s28], $0x80  }
0x66: {  	[sflag:s28] =	ssyncset.done $0x0  }
0x67: {  	[sflag:s28] =	ssyncadd.s32 $0xFFFFFF80  }
0x68: {  	[spmem:s4] =	stream.indirect.scatter.add.f32 [tilespmem:s1], [sflag:$0x2], $0x1, s16, s31, $0xb8;
	[tilespmem:$0x1E960] =	vst v63  }
0x69: {  	_ =	swait.ge [sflag:s28], $0x80  }
0x6a: {  	[sflag:s28] =	ssyncset.done $0x0  }
0x6b: {  	[sflag:s28] =	ssyncadd.s32 $0xFFFFFF80  }
0x6c: {  	[spmem:s5] =	stream.indirect.scatter.add.f32 [tilespmem:s1], [sflag:$0x2], $0x1, s17, s31, $0xb8;
	[tilespmem:$0x1E960] =	vst v63  }
0x6d: {  	_ =	swait.ge [sflag:s28], $0x80  }
0x6e: {  	[sflag:s28] =	ssyncset.done $0x0  }
0x6f: {  	[sflag:s28] =	ssyncadd.s32 $0xFFFFFF80  }
0x70: {  	[spmem:s4] =	stream.indirect.scatter.add.f32 [tilespmem:s1], [sflag:$0x2], $0x1, s14, s31, $0xb8;
	[tilespmem:$0x1E960] =	vst v63  }
0x71: {  	_ =	swait.ge [sflag:s28], $0x80  }
0x72: {  	s24 =	rddreg [dreg:$0xe]  }
0x73: {  	p0 =	sne.s32 s24, $0x1  }
.Ltmp2:
0x74: {  	[sflag:s28] =	ssyncset.done $0x0;
	(pc) =	sbr.rel @!p0 .LBB2_7-.Ltmp2, $4  }
0x75: {  	[sflag:s28] =	ssyncadd.s32 $0xFFFFFF80  }
0x76: {  	[spmem:s5] =	stream.indirect.scatter.add.f32 [tilespmem:s1], [sflag:$0x2], $0x1, s19, s31, $0xb8;
	[tilespmem:$0x1E960] =	vst v63  }
0x77: {  	_ =	swait.ge [sflag:s28], $0x80  }
0x78: {  	s11 =	smov.u32 s13;
	s12 =	sadd.s32 $0xFFFFFFFF, s24;
	[sflag:s28] =	ssyncset.done $0x0  }
.LBB2_6:
0x79: {  	[sflag:s28] =	ssyncadd.s32 $0xFFFFFF80;
	s20 =	sadd.s32 $0x40, s20;
	s11 =	sadd.s32 $0x40, s11  }
0x7a: {  	[tilespmem:s29], [sflag:$0x2] =	stream.linear.gather [hbm4b:s11+s7], $0x200, $0x38;
	[tilespmem:$0x1E960] =	vst v63  }
0x7b: {  	p1 =	sne.s32 s12, $0x1;
	s12 =	sadd.s32 $0xFFFFFFFF, s12;
	_ =	swait.ge [sflag:s28], $0x200  }
0x7c: {  	[sflag:s28] =	ssyncset.done $0x0  }
0x7d: {  	[sflag:s28] =	ssyncadd.s32 $0xFFFFFE00  }
0x7e: {  	[tilespmem:s30], [sflag:$0x2] =	stream.linear.gather [hbm4b:s20+s7], $0x200, $0x38;
	[tilespmem:$0x1E960] =	vst v63  }
0x7f: {  	_ =	swait.ge [sflag:s28], $0x200  }
0x80: {  	[sflag:s28] =	ssyncset.done $0x0  }
0x81: {  	[sflag:s28] =	ssyncadd.s32 $0xFFFFFE00  }
0x82: {  	[spmem:s4] =	stream.indirect.scatter.add.f32 [tilespmem:s1], [sflag:$0x2], $0x1, s29, s31, $0xb8;
	[tilespmem:$0x1E960] =	vst v63  }
0x83: {  	_ =	swait.ge [sflag:s28], $0x80  }
0x84: {  	[sflag:s28] =	ssyncset.done $0x0  }
0x85: {  	[sflag:s28] =	ssyncadd.s32 $0xFFFFFF80  }
0x86: {  	[spmem:s5] =	stream.indirect.scatter.add.f32 [tilespmem:s1], [sflag:$0x2], $0x1, s30, s31, $0xb8;
	[tilespmem:$0x1E960] =	vst v63  }
0x87: {  	_ =	swait.ge [sflag:s28], $0x80  }
0x88: {  	[sflag:s28] =	ssyncset.done $0x0  }
0x89: {  	[sflag:s28] =	ssyncadd.s32 $0xFFFFFF80  }
0x8a: {  	[spmem:s4] =	stream.indirect.scatter.add.f32 [tilespmem:s1], [sflag:$0x2], $0x1, s8, s31, $0xb8;
	[tilespmem:$0x1E960] =	vst v63  }
0x8b: {  	_ =	swait.ge [sflag:s28], $0x80  }
0x8c: {  	[sflag:s28] =	ssyncset.done $0x0  }
0x8d: {  	[sflag:s28] =	ssyncadd.s32 $0xFFFFFF80  }
0x8e: {  	[spmem:s5] =	stream.indirect.scatter.add.f32 [tilespmem:s1], [sflag:$0x2], $0x1, s21, s31, $0xb8;
	[tilespmem:$0x1E960] =	vst v63  }
0x8f: {  	_ =	swait.ge [sflag:s28], $0x80  }
0x90: {  	[sflag:s28] =	ssyncset.done $0x0  }
0x91: {  	[sflag:s28] =	ssyncadd.s32 $0xFFFFFF80  }
0x92: {  	[spmem:s4] =	stream.indirect.scatter.add.f32 [tilespmem:s1], [sflag:$0x2], $0x1, s16, s31, $0xb8;
	[tilespmem:$0x1E960] =	vst v63  }
0x93: {  	_ =	swait.ge [sflag:s28], $0x80  }
0x94: {  	[sflag:s28] =	ssyncset.done $0x0  }
0x95: {  	[sflag:s28] =	ssyncadd.s32 $0xFFFFFF80  }
0x96: {  	[spmem:s5] =	stream.indirect.scatter.add.f32 [tilespmem:s1], [sflag:$0x2], $0x1, s17, s31, $0xb8;
	[tilespmem:$0x1E960] =	vst v63  }
0x97: {  	_ =	swait.ge [sflag:s28], $0x80  }
0x98: {  	[sflag:s28] =	ssyncset.done $0x0  }
0x99: {  	[sflag:s28] =	ssyncadd.s32 $0xFFFFFF80  }
0x9a: {  	[spmem:s4] =	stream.indirect.scatter.add.f32 [tilespmem:s1], [sflag:$0x2], $0x1, s14, s31, $0xb8;
	[tilespmem:$0x1E960] =	vst v63  }
0x9b: {  	_ =	swait.ge [sflag:s28], $0x80  }
.Ltmp3:
0x9c: {  	[sflag:s28] =	ssyncset.done $0x0;
	(pc) =	sbr.rel @p1 .LBB2_6-.Ltmp3, $4  }
0x9d: {  	[sflag:s28] =	ssyncadd.s32 $0xFFFFFF80  }
0x9e: {  	[spmem:s5] =	stream.indirect.scatter.add.f32 [tilespmem:s1], [sflag:$0x2], $0x1, s19, s31, $0xb8;
	[tilespmem:$0x1E960] =	vst v63  }
0x9f: {  	_ =	swait.ge [sflag:s28], $0x80  }
0xa0: {  	[sflag:s28] =	ssyncset.done $0x0  }
.LBB2_7:
0xa1: {  	[sflag:s28] =	ssyncadd.s32 $0xFFFFFF80  }
0xa2: {  	s12 =	sadd.s32 $0x0, s23;
	[bflag:$0x0] =	sbarrier.arrive $0xFFFF  }
0xa3: {  	[tilespmem:s26], [sflag:$0x2] =	stream.linear.gather [spmem:s12], $0x70, $0x38;
	[tilespmem:$0x1E960] =	vst v63  }
0xa4: {  	_ =	swait.ge [sflag:s28], $0x70  }
0xa5: {  	[sflag:s28] =	ssyncset.done $0x0  }
0xa6: {  	[sflag:s28] =	ssyncadd.s32 $0xFFFFFF90  }
0xa7: {  	v2 =	vld [tilespmem:$0x1E8E0]  }
0xa8: {  	v6 =	vld [tilespmem:$0x1E8D0]  }
0xa9: {  	v10 =	vld [tilespmem:$0x1E8A0]  }
0xaa: {  	v5 =	vld [tilespmem:$0x1E880]  }
0xab: {  	v11 =	vld [tilespmem:$0x1E890];
	_ =	sdelay $0x1  }
0xac: {  	v3 =	vshra.s32 v2, $0x1  }
0xad: {  	v13 =	vmul.f32 $-5.000000000e-01, v2;
	v4 =	vshra.s32 v6, $0x1;
	v8 =	vmul.f32 $-5.000000000e-01, v6  }
0xae: {  	v16 =	vmul.f32 $-5.000000000e-01, v10;
	v14 =	vmul.f32 $-5.000000000e-01, v5;
	v17 =	vshra.s32 v10, $0x1  }
0xaf: {  	v18 =	vshra.s32 v11, $0x1;
	v22 =	vmul.f32 $-5.000000000e-01, v11;
	v9 =	vsub.s32 $0x5F3759DF, v3;
	v3 =	vld [tilespmem:$0x1E8C0]  }
0xb0: {  	v12 =	vsub.s32 $0x5F3759DF, v4;
	v4 =	vld [tilespmem:$0x1E8B0];
	v17 =	vsub.s32 $0x5F3759DF, v17;
	v7 =	vmul.f32 v9, v13  }
0xb1: {  	v18 =	vsub.s32 $0x5F3759DF, v18;
	v15 =	vmul.f32 v12, v8;
	v20 =	vmul.f32 v17, v16  }
0xb2: {  	v19 =	vshra.s32 v5, $0x1;
	v24 =	vmul.f32 v18, v22;
	v7 =	vmul.f32 v9, v7  }
0xb3: {  	v19 =	vsub.s32 $0x5F3759DF, v19;
	v15 =	vmul.f32 v12, v15;
	v20 =	vmul.f32 v17, v20  }
0xb4: {  	v24 =	vmul.f32 v18, v24;
	v21 =	vadd.f32 $1.500000000e+00, v7;
	v7 =	vmul.f32 $-5.000000000e-01, v3  }
0xb5: {  	v15 =	vadd.f32 $1.500000000e+00, v15;
	v23 =	vmul.f32 $-5.000000000e-01, v4;
	v26 =	vshra.s32 v3, $0x1  }
0xb6: {  	v26 =	vsub.s32 $0x5F3759DF, v26;
	v21 =	vmul.f32 v9, v21;
	v9 =	vshra.s32 v4, $0x1  }
0xb7: {  	v12 =	vmul.f32 v12, v15;
	v15 =	vsub.s32 $0x5F3759DF, v9;
	v9 =	vmul.f32 v19, v14  }
0xb8: {  	v20 =	vadd.f32 $1.500000000e+00, v20;
	v24 =	vadd.f32 $1.500000000e+00, v24;
	v29 =	vmul.f32 v26, v7  }
0xb9: {  	v27 =	vmul.f32 v12, v8;
	v9 =	vmul.f32 v19, v9  }
0xba: {  	v17 =	vmul.f32 v17, v20;
	v18 =	vmul.f32 v18, v24  }
0xbb: {  	v28 =	vmul.f32 v15, v23;
	v27 =	vmul.f32 v27, v12;
	v9 =	vadd.f32 $1.500000000e+00, v9  }
0xbc: {  	v25 =	vmul.f32 v21, v13;
	v56 =	vmul.f32 v26, v29  }
0xbd: {  	v20 =	vmul.f32 v15, v28;
	v27 =	vadd.f32 $1.500000000e+00, v27;
	v19 =	vmul.f32 v19, v9  }
0xbe: {  	v57 =	vmul.f32 v17, v16;
	v61 =	vmul.f32 v18, v22;
	v58 =	vadd.f32 $1.500000000e+00, v56  }
0xbf: {  	v20 =	vadd.f32 $1.500000000e+00, v20;
	v9 =	vmul.f32 v27, v12;
	v12 =	vmul.f32 v19, v14  }
0xc0: {  	v25 =	vmul.f32 v25, v21;
	v24 =	vmul.f32 v26, v58  }
0xc1: {  	v20 =	vmul.f32 v15, v20;
	v12 =	vmul.f32 v12, v19  }
0xc2: {  	v59 =	vmul.f32 v57, v17;
	v15 =	vadd.f32 $1.500000000e+00, v25;
	v63 =	vmul.f32 v24, v7  }
0xc3: {  	v60 =	vmul.f32 v9, v8;
	v62 =	vmul.f32 v20, v23;
	v12 =	vadd.f32 $1.500000000e+00, v12  }
0xc4: {  	v8 =	vmul.f32 v15, v21;
	v15 =	vadd.f32 $1.500000000e+00, v59;
	v21 =	vmul.f32 v61, v18  }
0xc5: {  	vm0 =	vgt.f32 v10, $0.0e+00;
	v12 =	vmul.f32 v12, v19;
	v19 =	vmul.f32 v62, v20  }
0xc6: {  	v21 =	vadd.f32 $1.500000000e+00, v21;
	v10 =	vmul.f32 v15, v17;
	v15 =	vmul.f32 v63, v24  }
0xc7: {  	v25 =	vmul.f32 v60, v9;
	v17 =	vmul.f32 v12, v14;
	v19 =	vadd.f32 $1.500000000e+00, v19  }
0xc8: {  	v14 =	vmul.f32 v21, v18;
	v21 =	vadd.f32 $1.500000000e+00, v15;
	v15 =	vmul.f32 v8, v13  }
0xc9: {  	vm1 =	vgt.f32 v11, $0.0e+00;
	v17 =	vmul.f32 v17, v12;
	v13 =	vmul.f32 v19, v20  }
0xca: {  	v16 =	vmul.f32 v10, v16;
	v18 =	vadd.f32 $1.500000000e+00, v25;
	v19 =	vmul.f32 v14, v22  }
0xcb: {  	s20 =	simm.s32 $0x1C0;
	s13 =	rddreg [dreg:$0x12];
	v11 =	vmul.f32 v21, v24;
	v17 =	vadd.f32 $1.500000000e+00, v17;
	v20 =	vmul.f32 v13, v23  }
.LBB2_8:
0xcc: {  	p1 =	sne.s32 s20, $0x6040;
	v19 =	vmul.f32 v19, v14;
	v9 =	vmul.f32 v18, v9;
	vm2 =	vgt.f32 v6, $0.0e+00;
	s11 =	smov.u32 s20;
	s20 =	sadd.s32 $0x1C0, s20  }
0xcd: {  	vm3 =	vgt.f32 v5, $0.0e+00;
	v6 =	vmul.f32 v15, v8;
	v5 =	vmul.f32 v20, v13  }
0xce: {  	v12 =	vmul.f32 v17, v12;
	v16 =	vmul.f32 v16, v10;
	v15 =	vadd.f32 $1.500000000e+00, v19  }
0xcf: {  	v7 =	vmul.f32 v11, v7;
	v9 =	vnsel vm2, $0x0, v9;
	v5 =	vadd.f32 $1.500000000e+00, v5  }
0xd0: {  	v12 =	vnsel vm3, $0x0, v12;
	v14 =	vmul.f32 v15, v14;
	v15 =	vadd.f32 $1.500000000e+00, v16;
	[tilespmem:$0x1E8D0] =	vst v9  }
0xd1: {  	v7 =	vmul.f32 v7, v11;
	v6 =	vadd.f32 $1.500000000e+00, v6;
	[tilespmem:$0x1E880] =	vst v12;
	v5 =	vmul.f32 v5, v13  }
0xd2: {  	v9 =	vnsel vm1, $0x0, v14;
	v10 =	vmul.f32 v15, v10;
	vm1 =	vgt.f32 v4, $0.0e+00  }
0xd3: {  	v6 =	vmul.f32 v6, v8;
	[tilespmem:$0x1E890] =	vst v9;
	v4 =	vnsel vm1, $0x0, v5;
	v5 =	vadd.f32 $1.500000000e+00, v7  }
0xd4: {  	v7 =	vnsel vm0, $0x0, v10;
	[tilespmem:$0x1E8B0] =	vst v4;
	vm0 =	vgt.f32 v2, $0.0e+00  }
0xd5: {  	[tilespmem:$0x1E8A0] =	vst v7;
	v2 =	vmul.f32 v5, v11;
	v4 =	vnsel vm0, $0x0, v6  }
0xd6: {  	vm0 =	vgt.f32 v3, $0.0e+00;
	[tilespmem:$0x1E8E0] =	vst v4  }
0xd7: {  	v2 =	vnsel vm0, $0x0, v2  }
0xd8: {  	[tilespmem:$0x1E8C0] =	vst v2  }
0xd9: {  	[spmem:s12] =	stream.linear.scatter [tilespmem:s26], [sflag:$0x2], $0x70, $0x38;
	[tilespmem:$0x1E960] =	vst v63  }
0xda: {  	_ =	swait.ge [sflag:s28], $0x70  }
0xdb: {  	[sflag:s28] =	ssyncset.done $0x0  }
0xdc: {  	s11 =	sshra.s32 s11, $0x2;
	[sflag:s28] =	ssyncadd.s32 $0xFFFFFF90  }
0xdd: {  	s12 =	sadd.s32 s11, s23  }
0xde: {  	[tilespmem:s26], [sflag:$0x2] =	stream.linear.gather [spmem:s12], $0x70, $0x38;
	[tilespmem:$0x1E960] =	vst v63  }
0xdf: {  	_ =	swait.ge [sflag:s28], $0x70  }
0xe0: {  	[sflag:s28] =	ssyncset.done $0x0  }
0xe1: {  	[sflag:s28] =	ssyncadd.s32 $0xFFFFFF90  }
0xe2: {  	v2 =	vld [tilespmem:$0x1E8E0]  }
0xe3: {  	v6 =	vld [tilespmem:$0x1E8D0]  }
0xe4: {  	v10 =	vld [tilespmem:$0x1E8A0]  }
0xe5: {  	v5 =	vld [tilespmem:$0x1E880]  }
0xe6: {  	v11 =	vld [tilespmem:$0x1E890]  }
0xe7: {  	v4 =	vld [tilespmem:$0x1E8B0];
	v7 =	vshra.s32 v2, $0x1;
	v13 =	vmul.f32 $-5.000000000e-01, v2  }
0xe8: {  	v3 =	vld [tilespmem:$0x1E8C0];
	v8 =	vshra.s32 v6, $0x1;
	v12 =	vmul.f32 $-5.000000000e-01, v6;
	v9 =	vsub.s32 $0x5F3759DF, v7  }
0xe9: {  	v16 =	vmul.f32 $-5.000000000e-01, v10;
	v8 =	vsub.s32 $0x5F3759DF, v8;
	v7 =	vmul.f32 v9, v13  }
0xea: {  	v15 =	vshra.s32 v10, $0x1;
	v14 =	vmul.f32 $-5.000000000e-01, v5;
	v17 =	vmul.f32 v8, v12  }
0xeb: {  	v15 =	vsub.s32 $0x5F3759DF, v15;
	v18 =	vshra.s32 v11, $0x1;
	v19 =	vmul.f32 v9, v7  }
0xec: {  	v20 =	vshra.s32 v5, $0x1;
	v18 =	vsub.s32 $0x5F3759DF, v18;
	v17 =	vmul.f32 v8, v17  }
0xed: {  	v21 =	vmul.f32 v15, v16;
	v7 =	vmul.f32 $-5.000000000e-01, v3;
	v19 =	vadd.f32 $1.500000000e+00, v19  }
0xee: {  	v20 =	vsub.s32 $0x5F3759DF, v20;
	v22 =	vmul.f32 $-5.000000000e-01, v11;
	v17 =	vadd.f32 $1.500000000e+00, v17  }
0xef: {  	v23 =	vshra.s32 v4, $0x1;
	v24 =	vmul.f32 $-5.000000000e-01, v4;
	v19 =	vmul.f32 v9, v19  }
0xf0: {  	v23 =	vsub.s32 $0x5F3759DF, v23;
	v9 =	vmul.f32 v18, v22;
	v8 =	vmul.f32 v8, v17  }
0xf1: {  	v25 =	vshra.s32 v3, $0x1;
	v17 =	vmul.f32 v20, v14;
	v26 =	vmul.f32 v19, v13  }
0xf2: {  	v21 =	vmul.f32 v15, v21;
	v25 =	vsub.s32 $0x5F3759DF, v25;
	v27 =	vmul.f32 v8, v12  }
0xf3: {  	v28 =	vmul.f32 v23, v24;
	v17 =	vmul.f32 v20, v17  }
0xf4: {  	v21 =	vadd.f32 $1.500000000e+00, v21;
	v26 =	vmul.f32 v26, v19;
	v27 =	vmul.f32 v27, v8  }
0xf5: {  	v29 =	vmul.f32 v25, v7;
	v9 =	vmul.f32 v18, v9;
	v17 =	vadd.f32 $1.500000000e+00, v17  }
0xf6: {  	v15 =	vmul.f32 v15, v21;
	v21 =	vmul.f32 v23, v28;
	v27 =	vadd.f32 $1.500000000e+00, v27  }
0xf7: {  	v28 =	vmul.f32 v25, v29;
	v17 =	vmul.f32 v20, v17;
	v20 =	vadd.f32 $1.500000000e+00, v9  }
0xf8: {  	v29 =	vmul.f32 v15, v16;
	v21 =	vadd.f32 $1.500000000e+00, v21;
	v9 =	vmul.f32 v27, v8  }
0xf9: {  	v8 =	vmul.f32 v17, v14;
	v18 =	vmul.f32 v18, v20;
	v20 =	vadd.f32 $1.500000000e+00, v28  }
0xfa: {  	v21 =	vmul.f32 v23, v21;
	v23 =	vadd.f32 $1.500000000e+00, v26;
	v27 =	vmul.f32 v29, v15  }
0xfb: {  	v8 =	vmul.f32 v8, v17;
	v26 =	vmul.f32 v9, v12  }
0xfc: {  	v12 =	vmul.f32 v18, v22;
	v27 =	vadd.f32 $1.500000000e+00, v27;
	v20 =	vmul.f32 v25, v20  }
0xfd: {  	v28 =	vmul.f32 v21, v24;
	v25 =	vadd.f32 $1.500000000e+00, v8;
	v8 =	vmul.f32 v23, v19  }
0xfe: {  	v19 =	vmul.f32 v12, v18;
	v23 =	vmul.f32 v20, v7  }
0xff: {  	vm0 =	vgt.f32 v10, $0.0e+00;
	v12 =	vmul.f32 v25, v17;
	v17 =	vmul.f32 v28, v21  }
0x100: {  	v10 =	vmul.f32 v27, v15;
	v19 =	vadd.f32 $1.500000000e+00, v19;
	v15 =	vmul.f32 v23, v20  }
.Ltmp4:
0x101: {  	v25 =	vmul.f32 v26, v9;
	v23 =	vmul.f32 v12, v14;
	v17 =	vadd.f32 $1.500000000e+00, v17;
	(pc) =	sbr.rel @p1 .LBB2_8-.Ltmp4, $4  }
0x102: {  	v14 =	vmul.f32 v19, v18;
	v26 =	vadd.f32 $1.500000000e+00, v15;
	v15 =	vmul.f32 v8, v13  }
0x103: {  	v18 =	vadd.f32 $1.500000000e+00, v25;
	v23 =	vmul.f32 v23, v12;
	v13 =	vmul.f32 v17, v21  }
0x104: {  	vm1 =	vgt.f32 v11, $0.0e+00;
	v19 =	vmul.f32 v14, v22;
	v11 =	vmul.f32 v26, v20  }
0x105: {  	v16 =	vmul.f32 v10, v16;
	v17 =	vadd.f32 $1.500000000e+00, v23;
	v20 =	vmul.f32 v13, v24  }
0x106: {  	v19 =	vmul.f32 v19, v14  }
0x107: {  	v9 =	vmul.f32 v18, v9;
	vm2 =	vgt.f32 v6, $0.0e+00;
	v15 =	vmul.f32 v15, v8  }
0x108: {  	vm3 =	vgt.f32 v5, $0.0e+00;
	v6 =	vmul.f32 v20, v13;
	v5 =	vmul.f32 v16, v10  }
0x109: {  	v7 =	vmul.f32 v11, v7;
	v12 =	vmul.f32 v17, v12;
	v17 =	vadd.f32 $1.500000000e+00, v19  }
0x10a: {  	v9 =	vnsel vm2, $0x0, v9;
	v6 =	vadd.f32 $1.500000000e+00, v6;
	v5 =	vadd.f32 $1.500000000e+00, v5  }
0x10b: {  	v7 =	vmul.f32 v7, v11;
	v12 =	vnsel vm3, $0x0, v12;
	v14 =	vmul.f32 v17, v14  }
0x10c: {  	[tilespmem:$0x1E8D0] =	vst v9;
	v9 =	vadd.f32 $1.500000000e+00, v15;
	v6 =	vmul.f32 v6, v13;
	v5 =	vmul.f32 v5, v10  }
0x10d: {  	[tilespmem:$0x1E880] =	vst v12;
	v13 =	vnsel vm1, $0x0, v14;
	vm1 =	vgt.f32 v4, $0.0e+00;
	v4 =	vadd.f32 $1.500000000e+00, v7  }
0x10e: {  	v7 =	vmul.f32 v9, v8;
	[tilespmem:$0x1E890] =	vst v13;
	v6 =	vnsel vm1, $0x0, v6  }
0x10f: {  	v5 =	vnsel vm0, $0x0, v5;
	vm0 =	vgt.f32 v2, $0.0e+00;
	[tilespmem:$0x1E8B0] =	vst v6;
	v2 =	vmul.f32 v4, v11  }
0x110: {  	[tilespmem:$0x1E8A0] =	vst v5;
	v4 =	vnsel vm0, $0x0, v7;
	vm0 =	vgt.f32 v3, $0.0e+00  }
0x111: {  	[tilespmem:$0x1E8E0] =	vst v4;
	v2 =	vnsel vm0, $0x0, v2  }
0x112: {  	[tilespmem:$0x1E8C0] =	vst v2  }
0x113: {  	[spmem:s12] =	stream.linear.scatter [tilespmem:s26], [sflag:$0x2], $0x70, $0x38;
	[tilespmem:$0x1E960] =	vst v63  }
0x114: {  	_ =	swait.ge [sflag:s28], $0x70  }
0x115: {  	[sflag:s28] =	ssyncset.done $0x0  }
0x116: {  	s12 =	sadd.s32 $0x0, s13;
	[sflag:s28] =	ssyncadd.s32 $0xFFFFFF90  }
0x117: {  	[tilespmem:s26], [sflag:$0x2] =	stream.linear.gather [spmem:s12], $0x70, $0x38;
	[tilespmem:$0x1E960] =	vst v63  }
0x118: {  	_ =	swait.ge [sflag:s28], $0x70  }
0x119: {  	[sflag:s28] =	ssyncset.done $0x0  }
0x11a: {  	[sflag:s28] =	ssyncadd.s32 $0xFFFFFF90  }
0x11b: {  	v2 =	vld [tilespmem:$0x1E8E0]  }
0x11c: {  	v6 =	vld [tilespmem:$0x1E8D0]  }
0x11d: {  	v10 =	vld [tilespmem:$0x1E8A0]  }
0x11e: {  	v5 =	vld [tilespmem:$0x1E880]  }
0x11f: {  	v11 =	vld [tilespmem:$0x1E890];
	_ =	sdelay $0x1  }
0x120: {  	v3 =	vshra.s32 v2, $0x1  }
0x121: {  	v13 =	vmul.f32 $-5.000000000e-01, v2;
	v4 =	vshra.s32 v6, $0x1;
	v8 =	vmul.f32 $-5.000000000e-01, v6  }
0x122: {  	v16 =	vmul.f32 $-5.000000000e-01, v10;
	v14 =	vmul.f32 $-5.000000000e-01, v5;
	v17 =	vshra.s32 v10, $0x1  }
0x123: {  	v18 =	vshra.s32 v11, $0x1;
	v22 =	vmul.f32 $-5.000000000e-01, v11;
	v9 =	vsub.s32 $0x5F3759DF, v3;
	v3 =	vld [tilespmem:$0x1E8C0]  }
0x124: {  	v12 =	vsub.s32 $0x5F3759DF, v4;
	v4 =	vld [tilespmem:$0x1E8B0];
	v17 =	vsub.s32 $0x5F3759DF, v17;
	v7 =	vmul.f32 v9, v13  }
0x125: {  	v18 =	vsub.s32 $0x5F3759DF, v18;
	v15 =	vmul.f32 v12, v8;
	v20 =	vmul.f32 v17, v16  }
0x126: {  	v19 =	vshra.s32 v5, $0x1;
	v24 =	vmul.f32 v18, v22;
	v7 =	vmul.f32 v9, v7  }
0x127: {  	v19 =	vsub.s32 $0x5F3759DF, v19;
	v15 =	vmul.f32 v12, v15;
	v20 =	vmul.f32 v17, v20  }
0x128: {  	v24 =	vmul.f32 v18, v24;
	v21 =	vadd.f32 $1.500000000e+00, v7;
	v7 =	vmul.f32 $-5.000000000e-01, v3  }
0x129: {  	v15 =	vadd.f32 $1.500000000e+00, v15;
	v23 =	vmul.f32 $-5.000000000e-01, v4;
	v26 =	vshra.s32 v3, $0x1  }
0x12a: {  	v26 =	vsub.s32 $0x5F3759DF, v26;
	v21 =	vmul.f32 v9, v21;
	v9 =	vshra.s32 v4, $0x1  }
0x12b: {  	v12 =	vmul.f32 v12, v15;
	v15 =	vsub.s32 $0x5F3759DF, v9;
	v9 =	vmul.f32 v19, v14  }
0x12c: {  	v20 =	vadd.f32 $1.500000000e+00, v20;
	v24 =	vadd.f32 $1.500000000e+00, v24;
	v29 =	vmul.f32 v26, v7  }
0x12d: {  	v27 =	vmul.f32 v12, v8;
	v9 =	vmul.f32 v19, v9  }
0x12e: {  	v17 =	vmul.f32 v17, v20;
	v18 =	vmul.f32 v18, v24  }
0x12f: {  	v28 =	vmul.f32 v15, v23;
	v27 =	vmul.f32 v27, v12;
	v9 =	vadd.f32 $1.500000000e+00, v9  }
0x130: {  	v25 =	vmul.f32 v21, v13;
	v56 =	vmul.f32 v26, v29  }
0x131: {  	v20 =	vmul.f32 v15, v28;
	v27 =	vadd.f32 $1.500000000e+00, v27;
	v19 =	vmul.f32 v19, v9  }
0x132: {  	v57 =	vmul.f32 v17, v16;
	v61 =	vmul.f32 v18, v22;
	v58 =	vadd.f32 $1.500000000e+00, v56  }
0x133: {  	v20 =	vadd.f32 $1.500000000e+00, v20;
	v9 =	vmul.f32 v27, v12;
	v12 =	vmul.f32 v19, v14  }
0x134: {  	v25 =	vmul.f32 v25, v21;
	v24 =	vmul.f32 v26, v58  }
0x135: {  	v20 =	vmul.f32 v15, v20;
	v12 =	vmul.f32 v12, v19  }
0x136: {  	v59 =	vmul.f32 v57, v17;
	v15 =	vadd.f32 $1.500000000e+00, v25;
	v63 =	vmul.f32 v24, v7  }
0x137: {  	v60 =	vmul.f32 v9, v8;
	v62 =	vmul.f32 v20, v23;
	v12 =	vadd.f32 $1.500000000e+00, v12  }
0x138: {  	v8 =	vmul.f32 v15, v21;
	v15 =	vadd.f32 $1.500000000e+00, v59;
	v21 =	vmul.f32 v61, v18  }
0x139: {  	vm0 =	vgt.f32 v10, $0.0e+00;
	v12 =	vmul.f32 v12, v19;
	v19 =	vmul.f32 v62, v20  }
0x13a: {  	v21 =	vadd.f32 $1.500000000e+00, v21;
	v10 =	vmul.f32 v15, v17;
	v15 =	vmul.f32 v63, v24  }
0x13b: {  	v25 =	vmul.f32 v60, v9;
	v17 =	vmul.f32 v12, v14;
	v19 =	vadd.f32 $1.500000000e+00, v19  }
0x13c: {  	v14 =	vmul.f32 v21, v18;
	v21 =	vadd.f32 $1.500000000e+00, v15;
	v15 =	vmul.f32 v8, v13  }
0x13d: {  	vm1 =	vgt.f32 v11, $0.0e+00;
	v17 =	vmul.f32 v17, v12;
	v13 =	vmul.f32 v19, v20  }
0x13e: {  	v16 =	vmul.f32 v10, v16;
	v18 =	vadd.f32 $1.500000000e+00, v25;
	v19 =	vmul.f32 v14, v22  }
0x13f: {  	s20 =	simm.s32 $0x1C0;
	v11 =	vmul.f32 v21, v24;
	v17 =	vadd.f32 $1.500000000e+00, v17;
	v20 =	vmul.f32 v13, v23  }
.LBB2_10:
0x140: {  	p1 =	sne.s32 s20, $0x6040;
	v19 =	vmul.f32 v19, v14;
	v9 =	vmul.f32 v18, v9;
	vm2 =	vgt.f32 v6, $0.0e+00;
	s11 =	smov.u32 s20;
	s20 =	sadd.s32 $0x1C0, s20  }
0x141: {  	vm3 =	vgt.f32 v5, $0.0e+00;
	v6 =	vmul.f32 v15, v8;
	v5 =	vmul.f32 v20, v13  }
0x142: {  	v12 =	vmul.f32 v17, v12;
	v16 =	vmul.f32 v16, v10;
	v15 =	vadd.f32 $1.500000000e+00, v19  }
0x143: {  	v7 =	vmul.f32 v11, v7;
	v9 =	vnsel vm2, $0x0, v9;
	v5 =	vadd.f32 $1.500000000e+00, v5  }
0x144: {  	v12 =	vnsel vm3, $0x0, v12;
	v14 =	vmul.f32 v15, v14;
	v15 =	vadd.f32 $1.500000000e+00, v16;
	[tilespmem:$0x1E8D0] =	vst v9  }
0x145: {  	v7 =	vmul.f32 v7, v11;
	v6 =	vadd.f32 $1.500000000e+00, v6;
	[tilespmem:$0x1E880] =	vst v12;
	v5 =	vmul.f32 v5, v13  }
0x146: {  	v9 =	vnsel vm1, $0x0, v14;
	v10 =	vmul.f32 v15, v10;
	vm1 =	vgt.f32 v4, $0.0e+00  }
0x147: {  	v6 =	vmul.f32 v6, v8;
	[tilespmem:$0x1E890] =	vst v9;
	v4 =	vnsel vm1, $0x0, v5;
	v5 =	vadd.f32 $1.500000000e+00, v7  }
0x148: {  	v7 =	vnsel vm0, $0x0, v10;
	[tilespmem:$0x1E8B0] =	vst v4;
	vm0 =	vgt.f32 v2, $0.0e+00  }
0x149: {  	[tilespmem:$0x1E8A0] =	vst v7;
	v2 =	vmul.f32 v5, v11;
	v4 =	vnsel vm0, $0x0, v6  }
0x14a: {  	vm0 =	vgt.f32 v3, $0.0e+00;
	[tilespmem:$0x1E8E0] =	vst v4  }
0x14b: {  	v2 =	vnsel vm0, $0x0, v2  }
0x14c: {  	[tilespmem:$0x1E8C0] =	vst v2  }
0x14d: {  	[spmem:s12] =	stream.linear.scatter [tilespmem:s26], [sflag:$0x2], $0x70, $0x38;
	[tilespmem:$0x1E960] =	vst v63  }
0x14e: {  	_ =	swait.ge [sflag:s28], $0x70  }
0x14f: {  	[sflag:s28] =	ssyncset.done $0x0  }
0x150: {  	s11 =	sshra.s32 s11, $0x2;
	[sflag:s28] =	ssyncadd.s32 $0xFFFFFF90  }
0x151: {  	s12 =	sadd.s32 s11, s13  }
0x152: {  	[tilespmem:s26], [sflag:$0x2] =	stream.linear.gather [spmem:s12], $0x70, $0x38;
	[tilespmem:$0x1E960] =	vst v63  }
0x153: {  	_ =	swait.ge [sflag:s28], $0x70  }
0x154: {  	[sflag:s28] =	ssyncset.done $0x0  }
0x155: {  	[sflag:s28] =	ssyncadd.s32 $0xFFFFFF90  }
0x156: {  	v2 =	vld [tilespmem:$0x1E8E0]  }
0x157: {  	v6 =	vld [tilespmem:$0x1E8D0]  }
0x158: {  	v10 =	vld [tilespmem:$0x1E8A0]  }
0x159: {  	v5 =	vld [tilespmem:$0x1E880]  }
0x15a: {  	v11 =	vld [tilespmem:$0x1E890]  }
0x15b: {  	v4 =	vld [tilespmem:$0x1E8B0];
	v7 =	vshra.s32 v2, $0x1;
	v13 =	vmul.f32 $-5.000000000e-01, v2  }
0x15c: {  	v3 =	vld [tilespmem:$0x1E8C0];
	v8 =	vshra.s32 v6, $0x1;
	v12 =	vmul.f32 $-5.000000000e-01, v6;
	v9 =	vsub.s32 $0x5F3759DF, v7  }
0x15d: {  	v16 =	vmul.f32 $-5.000000000e-01, v10;
	v8 =	vsub.s32 $0x5F3759DF, v8;
	v7 =	vmul.f32 v9, v13  }
0x15e: {  	v15 =	vshra.s32 v10, $0x1;
	v14 =	vmul.f32 $-5.000000000e-01, v5;
	v17 =	vmul.f32 v8, v12  }
0x15f: {  	v15 =	vsub.s32 $0x5F3759DF, v15;
	v18 =	vshra.s32 v11, $0x1;
	v19 =	vmul.f32 v9, v7  }
0x160: {  	v20 =	vshra.s32 v5, $0x1;
	v18 =	vsub.s32 $0x5F3759DF, v18;
	v17 =	vmul.f32 v8, v17  }
0x161: {  	v21 =	vmul.f32 v15, v16;
	v7 =	vmul.f32 $-5.000000000e-01, v3;
	v19 =	vadd.f32 $1.500000000e+00, v19  }
0x162: {  	v20 =	vsub.s32 $0x5F3759DF, v20;
	v22 =	vmul.f32 $-5.000000000e-01, v11;
	v17 =	vadd.f32 $1.500000000e+00, v17  }
0x163: {  	v23 =	vshra.s32 v4, $0x1;
	v24 =	vmul.f32 $-5.000000000e-01, v4;
	v19 =	vmul.f32 v9, v19  }
0x164: {  	v23 =	vsub.s32 $0x5F3759DF, v23;
	v9 =	vmul.f32 v18, v22;
	v8 =	vmul.f32 v8, v17  }
0x165: {  	v25 =	vshra.s32 v3, $0x1;
	v17 =	vmul.f32 v20, v14;
	v26 =	vmul.f32 v19, v13  }
0x166: {  	v21 =	vmul.f32 v15, v21;
	v25 =	vsub.s32 $0x5F3759DF, v25;
	v27 =	vmul.f32 v8, v12  }
0x167: {  	v28 =	vmul.f32 v23, v24;
	v17 =	vmul.f32 v20, v17  }
0x168: {  	v21 =	vadd.f32 $1.500000000e+00, v21;
	v26 =	vmul.f32 v26, v19;
	v27 =	vmul.f32 v27, v8  }
0x169: {  	v29 =	vmul.f32 v25, v7;
	v9 =	vmul.f32 v18, v9;
	v17 =	vadd.f32 $1.500000000e+00, v17  }
0x16a: {  	v15 =	vmul.f32 v15, v21;
	v21 =	vmul.f32 v23, v28;
	v27 =	vadd.f32 $1.500000000e+00, v27  }
0x16b: {  	v28 =	vmul.f32 v25, v29;
	v17 =	vmul.f32 v20, v17;
	v20 =	vadd.f32 $1.500000000e+00, v9  }
0x16c: {  	v29 =	vmul.f32 v15, v16;
	v21 =	vadd.f32 $1.500000000e+00, v21;
	v9 =	vmul.f32 v27, v8  }
0x16d: {  	v8 =	vmul.f32 v17, v14;
	v18 =	vmul.f32 v18, v20;
	v20 =	vadd.f32 $1.500000000e+00, v28  }
0x16e: {  	v21 =	vmul.f32 v23, v21;
	v23 =	vadd.f32 $1.500000000e+00, v26;
	v27 =	vmul.f32 v29, v15  }
0x16f: {  	v8 =	vmul.f32 v8, v17;
	v26 =	vmul.f32 v9, v12  }
0x170: {  	v12 =	vmul.f32 v18, v22;
	v27 =	vadd.f32 $1.500000000e+00, v27;
	v20 =	vmul.f32 v25, v20  }
0x171: {  	v28 =	vmul.f32 v21, v24;
	v25 =	vadd.f32 $1.500000000e+00, v8;
	v8 =	vmul.f32 v23, v19  }
0x172: {  	v19 =	vmul.f32 v12, v18;
	v23 =	vmul.f32 v20, v7  }
0x173: {  	vm0 =	vgt.f32 v10, $0.0e+00;
	v12 =	vmul.f32 v25, v17;
	v17 =	vmul.f32 v28, v21  }
0x174: {  	v10 =	vmul.f32 v27, v15;
	v19 =	vadd.f32 $1.500000000e+00, v19;
	v15 =	vmul.f32 v23, v20  }
.Ltmp5:
0x175: {  	v25 =	vmul.f32 v26, v9;
	v23 =	vmul.f32 v12, v14;
	v17 =	vadd.f32 $1.500000000e+00, v17;
	(pc) =	sbr.rel @p1 .LBB2_10-.Ltmp5, $4  }
0x176: {  	v14 =	vmul.f32 v19, v18;
	v26 =	vadd.f32 $1.500000000e+00, v15;
	v15 =	vmul.f32 v8, v13  }
0x177: {  	v18 =	vadd.f32 $1.500000000e+00, v25;
	v23 =	vmul.f32 v23, v12;
	v13 =	vmul.f32 v17, v21  }
0x178: {  	vm1 =	vgt.f32 v11, $0.0e+00;
	v19 =	vmul.f32 v14, v22;
	v11 =	vmul.f32 v26, v20  }
0x179: {  	v16 =	vmul.f32 v10, v16;
	v17 =	vadd.f32 $1.500000000e+00, v23;
	v20 =	vmul.f32 v13, v24  }
0x17a: {  	v19 =	vmul.f32 v19, v14  }
0x17b: {  	v9 =	vmul.f32 v18, v9;
	vm2 =	vgt.f32 v6, $0.0e+00;
	v15 =	vmul.f32 v15, v8  }
0x17c: {  	vm3 =	vgt.f32 v5, $0.0e+00;
	v7 =	vmul.f32 v11, v7;
	vm14 =	vgt.f32 v2, $0.0e+00  }
0x17d: {  	v55 =	vmul.f32 v20, v13;
	v12 =	vmul.f32 v17, v12;
	v56 =	vadd.f32 $1.500000000e+00, v19  }
0x17e: {  	v57 =	vmul.f32 v16, v10;
	v9 =	vnsel vm2, $0x0, v9;
	v59 =	vadd.f32 $1.500000000e+00, v15  }
0x17f: {  	v7 =	vmul.f32 v7, v11;
	v6 =	vadd.f32 $1.500000000e+00, v55;
	v58 =	vmul.f32 v56, v14  }
0x180: {  	v12 =	vnsel vm3, $0x0, v12;
	v5 =	vadd.f32 $1.500000000e+00, v57;
	[tilespmem:$0x1E8D0] =	vst v9;
	v62 =	vmul.f32 v59, v8  }
0x181: {  	[tilespmem:$0x1E880] =	vst v12;
	v61 =	vadd.f32 $1.500000000e+00, v7;
	v6 =	vmul.f32 v6, v13;
	v60 =	vnsel vm1, $0x0, v58  }
0x182: {  	vm13 =	vgt.f32 v4, $0.0e+00;
	v5 =	vmul.f32 v5, v10;
	v63 =	vnsel vm14, $0x0, v62;
	[tilespmem:$0x1E890] =	vst v60  }
0x183: {  	v2 =	vmul.f32 v61, v11;
	v6 =	vnsel vm13, $0x0, v6;
	[tilespmem:$0x1E8E0] =	vst v63  }
0x184: {  	vm15 =	vgt.f32 v3, $0.0e+00;
	v5 =	vnsel vm0, $0x0, v5;
	[tilespmem:$0x1E8B0] =	vst v6  }
0x185: {  	[tilespmem:$0x1E8A0] =	vst v5;
	v2 =	vnsel vm15, $0x0, v2  }
0x186: {  	[tilespmem:$0x1E8C0] =	vst v2  }
0x187: {  	[spmem:s12] =	stream.linear.scatter [tilespmem:s26], [sflag:$0x2], $0x70, $0x38;
	[tilespmem:$0x1E960] =	vst v63  }
0x188: {  	_ =	swait.ge [sflag:s28], $0x70  }
0x189: {  	[sflag:s28] =	ssyncset.done $0x0  }
0x18a: {  	[sflag:s28] =	ssyncadd.s32 $0xFFFFFF90  }
0x18b: {  	s11 =	simm.s32 $0x0;
	s12 =	simm.s32 $0x0;
	[bflag:$0x0] =	sbarrier.arrive $0xFFFF  }
.LBB2_12:
0x18c: {  	s13 =	smul.u32 $0x70, s12  }
0x18d: {  	s15 =	rddreg [dreg:$0xb]  }
0x18e: {  	s13 =	sadd.s32 s15, s13  }
0x18f: {  	s18 =	rddreg [dreg:$0xd];
	s15 =	sshll.u32 s13, $0x4  }
0x190: {  	s15 =	sadd.s32 s18, s15  }
0x191: {  	s24 =	rddreg [dreg:$0x2];
	s15 =	sshrl.u32 s15, $0x3  }
0x192: {  	s20 =	simm.s32 $0x1C580;
	s15 =	sadd.s32 s24, s15  }
0x193: {  	[tilespmem:s20], [sflag:$0x2] =	stream.linear.gather [hbm4b:s15+s11], $0x700, $0x38;
	[tilespmem:$0x1E960] =	vst v63  }
0x194: {  	_ =	swait.ge [sflag:s28], $0x700  }
0x195: {  	[sflag:s28] =	ssyncset.done $0x0  }
0x196: {  	v2 =	vmov s11;
	s23 =	sadd.s32 s13, s5;
	[sflag:s28] =	ssyncadd.s32 $0xFFFFF900  }
0x197: {  	[tilespmem:s22], [sflag:$0x2] =	stream.linear.gather [spmem:s23], $0x70, $0x38;
	[tilespmem:$0x1E960] =	vst v63  }
0x198: {  	_ =	swait.ge [sflag:s28], $0x70  }
0x199: {  	[sflag:s28] =	ssyncset.done $0x0  }
0x19a: {  	[sflag:s28] =	ssyncadd.s32 $0xFFFFFF90  }
0x19b: {  	v2 =	vld.idx.msk [tilespmem:v2+s22+$0x0], $0xffff  }
0x19c: {  	v3 =	vld [tilespmem:s20+$0x0];
	_ =	sdelay $0x1  }
0x19d: {  	s24 =	simm.s32 $0x1  }
0x19e: {  	v4 =	vmov s24;
	_ =	sdelay $0x1  }
0x19f: {  	v2 =	vmul.f32 v3, v2  }
0x1a0: {  	s15 =	simm.s32 $0x1D380  }
0x1a1: {  	[tilespmem:s15+$0x0] =	vst v2  }
0x1a2: {  	s18 =	simm.s32 $0x1C590;
	v2 =	vld.idx.msk [tilespmem:v4+s22+$0x0], $0xffff  }
0x1a3: {  	v4 =	vld [tilespmem:s18+$0x0];
	_ =	sdelay $0x1  }
0x1a4: {  	s20 =	simm.s32 $0x2  }
0x1a5: {  	v3 =	vmov s20;
	s20 =	simm.s32 $0x3  }
.LBB2_13:
0x1a6: {  	p1 =	sne.s32 s20, $0x6F  }
0x1a7: {  	v2 =	vmul.f32 v4, v2  }
0x1a8: {  	s15 =	sadd.s32 $0x10, s15  }
0x1a9: {  	[tilespmem:s15+$0x0] =	vst v2  }
.Ltmp6:
0x1aa: {  	s18 =	sadd.s32 $0x10, s18;
	v2 =	vld.idx.msk [tilespmem:v3+s22+$0x0], $0xffff;
	(pc) =	sbr.rel @p1 .LBB2_13-.Ltmp6, $2  }
0x1ab: {  	v4 =	vld [tilespmem:s18+$0x0];
	_ =	sdelay $0x2  }
0x1ac: {  	v3 =	vmov s20;
	s20 =	sadd.s32 $0x1, s20  }
0x1ad: {  	_ = 	snop  }
0x1ae: {  	v2 =	vmul.f32 v4, v2  }
0x1af: {  	s15 =	sadd.s32 $0x10, s15  }
0x1b0: {  	[tilespmem:s15+$0x0] =	vst v2  }
0x1b1: {  	s18 =	sadd.s32 $0x10, s18;
	v2 =	vld.idx.msk [tilespmem:v3+s22+$0x0], $0xffff  }
0x1b2: {  	v3 =	vld [tilespmem:s18+$0x0];
	_ =	sdelay $0x3  }
0x1b3: {  	s23 =	rddreg [dreg:$0x14]  }
0x1b4: {  	s12 =	sadd.s32 $0x1, s12;
	s13 =	sadd.s32 s23, s13;
	v2 =	vmul.f32 v3, v2  }
0x1b5: {  	p1 =	sne.s32 s12, $0x38;
	s13 =	sshll.u32 s13, $0x1;
	s15 =	sadd.s32 $0x10, s15  }
.Ltmp7:
0x1b6: {  	s24 =	simm.s32 $0x1D380;
	s13 =	sadd.s32 s3, s13;
	[tilespmem:s15+$0x0] =	vst v2;
	(pc) =	sbr.rel @p1 .LBB2_12-.Ltmp7, $4  }
0x1b7: {  	[hbm4b:s13+s7] =	stream.linear.scatter [tilespmem:s24], [sflag:$0x2], $0x700, $0x38;
	[tilespmem:$0x1E960] =	vst v63  }
0x1b8: {  	_ =	swait.ge [sflag:s28], $0x700  }
0x1b9: {  	[sflag:s28] =	ssyncset.done $0x0  }
0x1ba: {  	[sflag:s28] =	ssyncadd.s32 $0xFFFFF900  }
0x1bb: {  	[bflag:$0x0] =	sbarrier.arrive $0xFFFF;
	s11 =	sadd.s32 $0x0, s25  }
0x1bc: {  	[spmem:s11] =	stream.linear.scatter [tilespmem:s0], [sflag:$0x2], $0x700, $0x38;
	[tilespmem:$0x1E960] =	vst v63  }
0x1bd: {  	s11 =	simm.s32 $0x1C00;
	_ =	swait.ge [sflag:s28], $0x700  }
.LBB2_16:
0x1be: {  	s12 =	sshra.s32 s11, $0x2;
	[sflag:s28] =	ssyncset.done $0x0;
	p1 =	sne.s32 s11, $0x60400  }
.Ltmp8:
0x1bf: {  	s12 =	sadd.s32 s12, s25;
	[sflag:s28] =	ssyncadd.s32 $0xFFFFF900;
	(pc) =	sbr.rel @p1 .LBB2_16-.Ltmp8, $3  }
0x1c0: {  	[spmem:s12] =	stream.linear.scatter [tilespmem:s0], [sflag:$0x2], $0x700, $0x38;
	[tilespmem:$0x1E960] =	vst v63  }
0x1c1: {  	s11 =	sadd.s32 $0x1C00, s11;
	_ =	sdelay $0x1  }
0x1c2: {  	_ =	swait.ge [sflag:s28], $0x700  }
0x1c3: {  	[sflag:s28] =	ssyncset.done $0x0  }
0x1c4: {  	[sflag:s28] =	ssyncadd.s32 $0xFFFFF900  }
0x1c5: {  	[bflag:$0x0] =	sbarrier.arrive $0xFFFF  }
0x1c6: {  	s13 =	rddreg [dreg:$0x16]  }
0x1c7: {  	[tilespmem:s29], [sflag:$0x2] =	stream.linear.gather [hbm4b:s13+s7], $0x200, $0x38;
	[tilespmem:$0x1E960] =	vst v63  }
0x1c8: {  	_ =	swait.ge [sflag:s28], $0x200  }
0x1c9: {  	[sflag:s28] =	ssyncset.done $0x0  }
0x1ca: {  	s20 =	rddreg [dreg:$0x13];
	[sflag:s28] =	ssyncadd.s32 $0xFFFFFE00  }
0x1cb: {  	[tilespmem:s30], [sflag:$0x2] =	stream.linear.gather [hbm4b:s20+s7], $0x200, $0x38;
	[tilespmem:$0x1E960] =	vst v63  }
0x1cc: {  	_ =	swait.ge [sflag:s28], $0x200  }
0x1cd: {  	[sflag:s28] =	ssyncset.done $0x0  }
0x1ce: {  	[sflag:s28] =	ssyncadd.s32 $0xFFFFFE00  }
0x1cf: {  	[tilespmem:s2], [sflag:$0x1] =	stream.indirect.gather [hbm4b:s3+s31], $0x10, s30, s31, $0xb8;
	[tilespmem:$0x1E960] =	vst v63  }
0x1d0: {  	_ =	swait.ge [sflag:s10], $0x800  }
0x1d1: {  	[sflag:s10] =	ssyncset.done $0x0  }
0x1d2: {  	[sflag:s10] =	ssyncadd.s32 $0xFFFFF800  }
0x1d3: {  	[spmem:s6] =	stream.indirect.scatter.add.f32 [tilespmem:s2], [sflag:$0x2], $0x10, s29, s31, $0xb8;
	[tilespmem:$0x1E960] =	vst v63  }
0x1d4: {  	_ =	swait.ge [sflag:s28], $0x800  }
0x1d5: {  	[sflag:s28] =	ssyncset.done $0x0  }
0x1d6: {  	[sflag:s28] =	ssyncadd.s32 $0xFFFFF800  }
0x1d7: {  	[tilespmem:s2], [sflag:$0x1] =	stream.indirect.gather [hbm4b:s3+s31], $0x10, s21, s31, $0xb8;
	[tilespmem:$0x1E960] =	vst v63  }
0x1d8: {  	_ =	swait.ge [sflag:s10], $0x800  }
0x1d9: {  	[sflag:s10] =	ssyncset.done $0x0  }
0x1da: {  	[sflag:s10] =	ssyncadd.s32 $0xFFFFF800  }
0x1db: {  	[spmem:s6] =	stream.indirect.scatter.add.f32 [tilespmem:s2], [sflag:$0x2], $0x10, s8, s31, $0xb8;
	[tilespmem:$0x1E960] =	vst v63  }
0x1dc: {  	_ =	swait.ge [sflag:s28], $0x800  }
0x1dd: {  	[sflag:s28] =	ssyncset.done $0x0  }
0x1de: {  	[sflag:s28] =	ssyncadd.s32 $0xFFFFF800  }
0x1df: {  	[tilespmem:s2], [sflag:$0x1] =	stream.indirect.gather [hbm4b:s3+s31], $0x10, s17, s31, $0xb8;
	[tilespmem:$0x1E960] =	vst v63  }
0x1e0: {  	_ =	swait.ge [sflag:s10], $0x800  }
0x1e1: {  	[sflag:s10] =	ssyncset.done $0x0  }
0x1e2: {  	[sflag:s10] =	ssyncadd.s32 $0xFFFFF800  }
0x1e3: {  	[spmem:s6] =	stream.indirect.scatter.add.f32 [tilespmem:s2], [sflag:$0x2], $0x10, s16, s31, $0xb8;
	[tilespmem:$0x1E960] =	vst v63  }
0x1e4: {  	_ =	swait.ge [sflag:s28], $0x800  }
0x1e5: {  	[sflag:s28] =	ssyncset.done $0x0  }
0x1e6: {  	[sflag:s28] =	ssyncadd.s32 $0xFFFFF800  }
0x1e7: {  	[tilespmem:s2], [sflag:$0x1] =	stream.indirect.gather [hbm4b:s3+s31], $0x10, s19, s31, $0xb8;
	[tilespmem:$0x1E960] =	vst v63  }
0x1e8: {  	_ =	swait.ge [sflag:s10], $0x800  }
0x1e9: {  	[sflag:s10] =	ssyncset.done $0x0  }
.Ltmp9:
0x1ea: {  	[sflag:s10] =	ssyncadd.s32 $0xFFFFF800;
	(pc) =	sbr.rel @!p0 .LBB2_19-.Ltmp9, $4  }
0x1eb: {  	[spmem:s6] =	stream.indirect.scatter.add.f32 [tilespmem:s2], [sflag:$0x2], $0x10, s14, s31, $0xb8;
	[tilespmem:$0x1E960] =	vst v63  }
0x1ec: {  	_ =	swait.ge [sflag:s28], $0x800  }
0x1ed: {  	s11 =	rddreg [dreg:$0xe]  }
0x1ee: {  	[sflag:s28] =	ssyncset.done $0x0;
	s12 =	sadd.s32 $0xFFFFFFFF, s11;
	s11 =	smov.u32 s13  }
.LBB2_18:
0x1ef: {  	[sflag:s28] =	ssyncadd.s32 $0xFFFFF800;
	s20 =	sadd.s32 $0x40, s20;
	s11 =	sadd.s32 $0x40, s11  }
0x1f0: {  	[tilespmem:s29], [sflag:$0x2] =	stream.linear.gather [hbm4b:s11+s7], $0x200, $0x38;
	[tilespmem:$0x1E960] =	vst v63  }
0x1f1: {  	p1 =	sne.s32 s12, $0x1;
	s12 =	sadd.s32 $0xFFFFFFFF, s12;
	_ =	swait.ge [sflag:s28], $0x200  }
0x1f2: {  	[sflag:s28] =	ssyncset.done $0x0  }
0x1f3: {  	[sflag:s28] =	ssyncadd.s32 $0xFFFFFE00  }
0x1f4: {  	[tilespmem:s30], [sflag:$0x2] =	stream.linear.gather [hbm4b:s20+s7], $0x200, $0x38;
	[tilespmem:$0x1E960] =	vst v63  }
0x1f5: {  	_ =	swait.ge [sflag:s28], $0x200  }
0x1f6: {  	[sflag:s28] =	ssyncset.done $0x0  }
0x1f7: {  	[sflag:s28] =	ssyncadd.s32 $0xFFFFFE00  }
0x1f8: {  	[tilespmem:s2], [sflag:$0x1] =	stream.indirect.gather [hbm4b:s3+s31], $0x10, s30, s31, $0xb8;
	[tilespmem:$0x1E960] =	vst v63  }
0x1f9: {  	_ =	swait.ge [sflag:s10], $0x800  }
0x1fa: {  	[sflag:s10] =	ssyncset.done $0x0  }
0x1fb: {  	[sflag:s10] =	ssyncadd.s32 $0xFFFFF800  }
0x1fc: {  	[spmem:s6] =	stream.indirect.scatter.add.f32 [tilespmem:s2], [sflag:$0x2], $0x10, s29, s31, $0xb8;
	[tilespmem:$0x1E960] =	vst v63  }
0x1fd: {  	_ =	swait.ge [sflag:s28], $0x800  }
0x1fe: {  	[sflag:s28] =	ssyncset.done $0x0  }
0x1ff: {  	[sflag:s28] =	ssyncadd.s32 $0xFFFFF800  }
0x200: {  	[tilespmem:s2], [sflag:$0x1] =	stream.indirect.gather [hbm4b:s3+s31], $0x10, s21, s31, $0xb8;
	[tilespmem:$0x1E960] =	vst v63  }
0x201: {  	_ =	swait.ge [sflag:s10], $0x800  }
0x202: {  	[sflag:s10] =	ssyncset.done $0x0  }
0x203: {  	[sflag:s10] =	ssyncadd.s32 $0xFFFFF800  }
0x204: {  	[spmem:s6] =	stream.indirect.scatter.add.f32 [tilespmem:s2], [sflag:$0x2], $0x10, s8, s31, $0xb8;
	[tilespmem:$0x1E960] =	vst v63  }
0x205: {  	_ =	swait.ge [sflag:s28], $0x800  }
0x206: {  	[sflag:s28] =	ssyncset.done $0x0  }
0x207: {  	[sflag:s28] =	ssyncadd.s32 $0xFFFFF800  }
0x208: {  	[tilespmem:s2], [sflag:$0x1] =	stream.indirect.gather [hbm4b:s3+s31], $0x10, s17, s31, $0xb8;
	[tilespmem:$0x1E960] =	vst v63  }
0x209: {  	_ =	swait.ge [sflag:s10], $0x800  }
0x20a: {  	[sflag:s10] =	ssyncset.done $0x0  }
0x20b: {  	[sflag:s10] =	ssyncadd.s32 $0xFFFFF800  }
0x20c: {  	[spmem:s6] =	stream.indirect.scatter.add.f32 [tilespmem:s2], [sflag:$0x2], $0x10, s16, s31, $0xb8;
	[tilespmem:$0x1E960] =	vst v63  }
0x20d: {  	_ =	swait.ge [sflag:s28], $0x800  }
0x20e: {  	[sflag:s28] =	ssyncset.done $0x0  }
0x20f: {  	[sflag:s28] =	ssyncadd.s32 $0xFFFFF800  }
0x210: {  	[tilespmem:s2], [sflag:$0x1] =	stream.indirect.gather [hbm4b:s3+s31], $0x10, s19, s31, $0xb8;
	[tilespmem:$0x1E960] =	vst v63  }
0x211: {  	_ =	swait.ge [sflag:s10], $0x800  }
.Ltmp10:
0x212: {  	[sflag:s10] =	ssyncset.done $0x0;
	(pc) =	sbr.rel @p1 .LBB2_18-.Ltmp10, $4  }
0x213: {  	[sflag:s10] =	ssyncadd.s32 $0xFFFFF800  }
0x214: {  	[spmem:s6] =	stream.indirect.scatter.add.f32 [tilespmem:s2], [sflag:$0x2], $0x10, s14, s31, $0xb8;
	[tilespmem:$0x1E960] =	vst v63  }
0x215: {  	_ =	swait.ge [sflag:s28], $0x800  }
0x216: {  	[sflag:s28] =	ssyncset.done $0x0  }
.LBB2_19:
0x217: {  	[sflag:s28] =	ssyncadd.s32 $0xFFFFF800  }
0x218: {  	s12 =	simm.s32 $0x0;
	s20 =	simm.s32 $0x0;
	[bflag:$0x0] =	sbarrier.arrive $0xFFFF  }
.LBB2_20:
0x219: {  	s11 =	smul.u32 $0x70, s20  }
0x21a: {  	s13 =	rddreg [dreg:$0xb]  }
0x21b: {  	s11 =	sadd.s32 s13, s11  }
0x21c: {  	s13 =	sshll.u32 s11, $0x4  }
0x21d: {  	s18 =	simm.s32 $0x1CC80;
	s15 =	sadd.s32 s13, s6  }
0x21e: {  	[tilespmem:s18], [sflag:$0x2] =	stream.linear.gather [spmem:s15], $0x700, $0x38;
	[tilespmem:$0x1E960] =	vst v63  }
0x21f: {  	_ =	swait.ge [sflag:s28], $0x700  }
0x220: {  	[sflag:s28] =	ssyncset.done $0x0  }
0x221: {  	s24 =	sadd.s32 s11, s4;
	[sflag:s28] =	ssyncadd.s32 $0xFFFFF900  }
0x222: {  	[tilespmem:s26], [sflag:$0x2] =	stream.linear.gather [spmem:s24], $0x70, $0x38;
	[tilespmem:$0x1E960] =	vst v63  }
0x223: {  	_ =	swait.ge [sflag:s28], $0x70  }
0x224: {  	[sflag:s28] =	ssyncset.done $0x0  }
0x225: {  	v2 =	vmov s12;
	s23 =	sadd.s32 s11, s5;
	[sflag:s28] =	ssyncadd.s32 $0xFFFFFF90  }
0x226: {  	[tilespmem:s22], [sflag:$0x2] =	stream.linear.gather [spmem:s23], $0x70, $0x38;
	[tilespmem:$0x1E960] =	vst v63  }
0x227: {  	_ =	swait.ge [sflag:s28], $0x70  }
0x228: {  	[sflag:s28] =	ssyncset.done $0x0  }
0x229: {  	[sflag:s28] =	ssyncadd.s32 $0xFFFFFF90  }
0x22a: {  	v3 =	vld.idx.msk [tilespmem:v2+s26+$0x0], $0xffff  }
0x22b: {  	v4 =	vld [tilespmem:s18+$0x0];
	_ =	sdelay $0x1  }
0x22c: {  	v2 =	vld.idx.msk [tilespmem:v2+s22+$0x0], $0xffff;
	_ =	sdelay $0x1  }
0x22d: {  	s24 =	simm.s32 $0x1  }
0x22e: {  	v5 =	vmov s24;
	v3 =	vmul.f32 v4, v3;
	_ =	sdelay $0x1  }
0x22f: {  	v2 =	vmul.f32 v3, v2  }
0x230: {  	s15 =	simm.s32 $0x1D380;
	[tilespmem:s18+$0x0] =	vst v3  }
0x231: {  	[tilespmem:s15+$0x0] =	vst v2  }
0x232: {  	s18 =	simm.s32 $0x1CC90;
	v4 =	vld.idx.msk [tilespmem:v5+s26+$0x0], $0xffff  }
0x233: {  	v6 =	vld [tilespmem:s18+$0x0];
	_ =	sdelay $0x1  }
0x234: {  	v3 =	vld.idx.msk [tilespmem:v5+s22+$0x0], $0xffff;
	_ =	sdelay $0x1  }
0x235: {  	s23 =	simm.s32 $0x2  }
0x236: {  	v2 =	vmov s23;
	s23 =	simm.s32 $0x3;
	v4 =	vmul.f32 v6, v4  }
.LBB2_21:
0x237: {  	p1 =	sne.s32 s23, $0x6F  }
0x238: {  	v3 =	vmul.f32 v4, v3  }
0x239: {  	s15 =	sadd.s32 $0x10, s15;
	[tilespmem:s18+$0x0] =	vst v4  }
0x23a: {  	[tilespmem:s15+$0x0] =	vst v3  }
0x23b: {  	s18 =	sadd.s32 $0x10, s18;
	v4 =	vld.idx.msk [tilespmem:v2+s26+$0x0], $0xffff  }
0x23c: {  	v5 =	vld [tilespmem:s18+$0x0]  }
.Ltmp11:
0x23d: {  	v3 =	vld.idx.msk [tilespmem:v2+s22+$0x0], $0xffff;
	(pc) =	sbr.rel @p1 .LBB2_21-.Ltmp11, $2  }
0x23e: {  	_ =	sdelay $0x2  }
0x23f: {  	v2 =	vmov s23;
	s23 =	sadd.s32 $0x1, s23;
	v4 =	vmul.f32 v5, v4  }
0x240: {  	_ = 	snop  }
0x241: {  	v3 =	vmul.f32 v4, v3  }
0x242: {  	s15 =	sadd.s32 $0x10, s15;
	[tilespmem:s18+$0x0] =	vst v4  }
0x243: {  	[tilespmem:s15+$0x0] =	vst v3  }
0x244: {  	s24 =	sadd.s32 $0x10, s18;
	v3 =	vld.idx.msk [tilespmem:v2+s26+$0x0], $0xffff  }
0x245: {  	v4 =	vld [tilespmem:s24+$0x0];
	_ =	sdelay $0x1  }
0x246: {  	v2 =	vld.idx.msk [tilespmem:v2+s22+$0x0], $0xffff;
	_ =	sdelay $0x2  }
0x247: {  	v3 =	vmul.f32 v4, v3  }
0x248: {  	s23 =	rddreg [dreg:$0xd]  }
0x249: {  	s13 =	sadd.s32 s23, s13;
	v2 =	vmul.f32 v3, v2  }
0x24a: {  	s18 =	rddreg [dreg:$0xa];
	s13 =	sshrl.u32 s13, $0x3;
	s15 =	sadd.s32 $0x10, s15;
	[tilespmem:s24+$0x0] =	vst v3  }
0x24b: {  	s13 =	sadd.s32 s18, s13;
	[tilespmem:s15+$0x0] =	vst v2  }
0x24c: {  	[hbm4b:s13+s7] =	stream.linear.scatter [tilespmem:s0], [sflag:$0x2], $0x700, $0x38;
	[tilespmem:$0x1E960] =	vst v63  }
0x24d: {  	_ =	swait.ge [sflag:s28], $0x700  }
0x24e: {  	s20 =	sadd.s32 $0x1, s20;
	s23 =	rddreg [dreg:$0x14]  }
0x24f: {  	p1 =	sne.s32 s20, $0x38;
	s11 =	sadd.s32 s23, s11  }
0x250: {  	s24 =	simm.s32 $0x1D380;
	[sflag:s28] =	ssyncset.done $0x0;
	s11 =	sshll.u32 s11, $0x1  }
.Ltmp12:
0x251: {  	[sflag:s28] =	ssyncadd.s32 $0xFFFFF900;
	s11 =	sadd.s32 s9, s11;
	(pc) =	sbr.rel @p1 .LBB2_20-.Ltmp12, $4  }
0x252: {  	[hbm4b:s11+s7] =	stream.linear.scatter [tilespmem:s24], [sflag:$0x2], $0x700, $0x38;
	[tilespmem:$0x1E960] =	vst v63  }
0x253: {  	_ =	swait.ge [sflag:s28], $0x700  }
0x254: {  	[sflag:s28] =	ssyncset.done $0x0  }
0x255: {  	[sflag:s28] =	ssyncadd.s32 $0xFFFFF900  }
0x256: {  	[bflag:$0x0] =	sbarrier.arrive $0xFFFF;
	s11 =	simm.s32 $0x40;
	s12 =	simm.s32 $0x0  }
.LBB2_24:
0x257: {  	p1 =	sne.s32 s11, $0x1BC0;
	[tilespmem:s12+$0x1CC80] =	vst v1;
	s12 =	smov.u32 s11;
	s11 =	sadd.s32 $0x40, s11  }
.Ltmp13:
0x258: {  	(pc) =	sbr.rel @p1 .LBB2_24-.Ltmp13, $2  }
0x259: {  	_ =	sdelay $0x2  }
0x25a: {  	s12 =	sshra.s32 s12, $0x2  }
0x25b: {  	[tilespmem:s12+$0x1CC80] =	vst v1;
	s11 =	sadd.s32 $0x0, s25  }
0x25c: {  	[spmem:s11] =	stream.linear.scatter [tilespmem:s0], [sflag:$0x2], $0x700, $0x38;
	[tilespmem:$0x1E960] =	vst v63  }
0x25d: {  	s11 =	simm.s32 $0x1C00;
	_ =	swait.ge [sflag:s28], $0x700  }
.LBB2_26:
0x25e: {  	s12 =	sshra.s32 s11, $0x2;
	[sflag:s28] =	ssyncset.done $0x0;
	p1 =	sne.s32 s11, $0x60400  }
.Ltmp14:
0x25f: {  	s12 =	sadd.s32 s12, s25;
	[sflag:s28] =	ssyncadd.s32 $0xFFFFF900;
	(pc) =	sbr.rel @p1 .LBB2_26-.Ltmp14, $3  }
0x260: {  	[spmem:s12] =	stream.linear.scatter [tilespmem:s0], [sflag:$0x2], $0x700, $0x38;
	[tilespmem:$0x1E960] =	vst v63  }
0x261: {  	s11 =	sadd.s32 $0x1C00, s11;
	_ =	sdelay $0x1  }
0x262: {  	_ =	swait.ge [sflag:s28], $0x700  }
0x263: {  	[sflag:s28] =	ssyncset.done $0x0  }
0x264: {  	[sflag:s28] =	ssyncadd.s32 $0xFFFFF900  }
0x265: {  	[bflag:$0x0] =	sbarrier.arrive $0xFFFF  }
0x266: {  	s13 =	rddreg [dreg:$0x16]  }
0x267: {  	[tilespmem:s29], [sflag:$0x2] =	stream.linear.gather [hbm4b:s13+s7], $0x200, $0x38;
	[tilespmem:$0x1E960] =	vst v63  }
0x268: {  	_ =	swait.ge [sflag:s28], $0x200  }
0x269: {  	[sflag:s28] =	ssyncset.done $0x0  }
0x26a: {  	s20 =	rddreg [dreg:$0x13];
	[sflag:s28] =	ssyncadd.s32 $0xFFFFFE00  }
0x26b: {  	[tilespmem:s30], [sflag:$0x2] =	stream.linear.gather [hbm4b:s20+s7], $0x200, $0x38;
	[tilespmem:$0x1E960] =	vst v63  }
0x26c: {  	_ =	swait.ge [sflag:s28], $0x200  }
0x26d: {  	[sflag:s28] =	ssyncset.done $0x0  }
0x26e: {  	[sflag:s28] =	ssyncadd.s32 $0xFFFFFE00  }
0x26f: {  	[tilespmem:s2], [sflag:$0x1] =	stream.indirect.gather [hbm4b:s9+s31], $0x10, s30, s31, $0xb8;
	[tilespmem:$0x1E960] =	vst v63  }
0x270: {  	_ =	swait.ge [sflag:s10], $0x800  }
0x271: {  	[sflag:s10] =	ssyncset.done $0x0  }
0x272: {  	[sflag:s10] =	ssyncadd.s32 $0xFFFFF800  }
0x273: {  	[spmem:s6] =	stream.indirect.scatter.add.f32 [tilespmem:s2], [sflag:$0x2], $0x10, s29, s31, $0xb8;
	[tilespmem:$0x1E960] =	vst v63  }
0x274: {  	_ =	swait.ge [sflag:s28], $0x800  }
0x275: {  	[sflag:s28] =	ssyncset.done $0x0  }
0x276: {  	[sflag:s28] =	ssyncadd.s32 $0xFFFFF800  }
0x277: {  	[tilespmem:s2], [sflag:$0x1] =	stream.indirect.gather [hbm4b:s9+s31], $0x10, s21, s31, $0xb8;
	[tilespmem:$0x1E960] =	vst v63  }
0x278: {  	_ =	swait.ge [sflag:s10], $0x800  }
0x279: {  	[sflag:s10] =	ssyncset.done $0x0  }
0x27a: {  	[sflag:s10] =	ssyncadd.s32 $0xFFFFF800  }
0x27b: {  	[spmem:s6] =	stream.indirect.scatter.add.f32 [tilespmem:s2], [sflag:$0x2], $0x10, s8, s31, $0xb8;
	[tilespmem:$0x1E960] =	vst v63  }
0x27c: {  	_ =	swait.ge [sflag:s28], $0x800  }
0x27d: {  	[sflag:s28] =	ssyncset.done $0x0  }
0x27e: {  	[sflag:s28] =	ssyncadd.s32 $0xFFFFF800  }
0x27f: {  	[tilespmem:s2], [sflag:$0x1] =	stream.indirect.gather [hbm4b:s9+s31], $0x10, s17, s31, $0xb8;
	[tilespmem:$0x1E960] =	vst v63  }
0x280: {  	_ =	swait.ge [sflag:s10], $0x800  }
0x281: {  	[sflag:s10] =	ssyncset.done $0x0  }
0x282: {  	[sflag:s10] =	ssyncadd.s32 $0xFFFFF800  }
0x283: {  	[spmem:s6] =	stream.indirect.scatter.add.f32 [tilespmem:s2], [sflag:$0x2], $0x10, s16, s31, $0xb8;
	[tilespmem:$0x1E960] =	vst v63  }
0x284: {  	_ =	swait.ge [sflag:s28], $0x800  }
0x285: {  	[sflag:s28] =	ssyncset.done $0x0  }
0x286: {  	[sflag:s28] =	ssyncadd.s32 $0xFFFFF800  }
0x287: {  	[tilespmem:s2], [sflag:$0x1] =	stream.indirect.gather [hbm4b:s9+s31], $0x10, s19, s31, $0xb8;
	[tilespmem:$0x1E960] =	vst v63  }
0x288: {  	_ =	swait.ge [sflag:s10], $0x800  }
0x289: {  	[sflag:s10] =	ssyncset.done $0x0  }
.Ltmp15:
0x28a: {  	[sflag:s10] =	ssyncadd.s32 $0xFFFFF800;
	(pc) =	sbr.rel @!p0 .LBB2_29-.Ltmp15, $4  }
0x28b: {  	[spmem:s6] =	stream.indirect.scatter.add.f32 [tilespmem:s2], [sflag:$0x2], $0x10, s14, s31, $0xb8;
	[tilespmem:$0x1E960] =	vst v63  }
0x28c: {  	_ =	swait.ge [sflag:s28], $0x800  }
0x28d: {  	s11 =	rddreg [dreg:$0xe]  }
0x28e: {  	[sflag:s28] =	ssyncset.done $0x0;
	s12 =	sadd.s32 $0xFFFFFFFF, s11;
	s11 =	smov.u32 s13  }
.LBB2_28:
0x28f: {  	[sflag:s28] =	ssyncadd.s32 $0xFFFFF800;
	s20 =	sadd.s32 $0x40, s20;
	s11 =	sadd.s32 $0x40, s11  }
0x290: {  	[tilespmem:s29], [sflag:$0x2] =	stream.linear.gather [hbm4b:s11+s7], $0x200, $0x38;
	[tilespmem:$0x1E960] =	vst v63  }
0x291: {  	p1 =	sne.s32 s12, $0x1;
	s12 =	sadd.s32 $0xFFFFFFFF, s12;
	_ =	swait.ge [sflag:s28], $0x200  }
0x292: {  	[sflag:s28] =	ssyncset.done $0x0  }
0x293: {  	[sflag:s28] =	ssyncadd.s32 $0xFFFFFE00  }
0x294: {  	[tilespmem:s30], [sflag:$0x2] =	stream.linear.gather [hbm4b:s20+s7], $0x200, $0x38;
	[tilespmem:$0x1E960] =	vst v63  }
0x295: {  	_ =	swait.ge [sflag:s28], $0x200  }
0x296: {  	[sflag:s28] =	ssyncset.done $0x0  }
0x297: {  	[sflag:s28] =	ssyncadd.s32 $0xFFFFFE00  }
0x298: {  	[tilespmem:s2], [sflag:$0x1] =	stream.indirect.gather [hbm4b:s9+s31], $0x10, s30, s31, $0xb8;
	[tilespmem:$0x1E960] =	vst v63  }
0x299: {  	_ =	swait.ge [sflag:s10], $0x800  }
0x29a: {  	[sflag:s10] =	ssyncset.done $0x0  }
0x29b: {  	[sflag:s10] =	ssyncadd.s32 $0xFFFFF800  }
0x29c: {  	[spmem:s6] =	stream.indirect.scatter.add.f32 [tilespmem:s2], [sflag:$0x2], $0x10, s29, s31, $0xb8;
	[tilespmem:$0x1E960] =	vst v63  }
0x29d: {  	_ =	swait.ge [sflag:s28], $0x800  }
0x29e: {  	[sflag:s28] =	ssyncset.done $0x0  }
0x29f: {  	[sflag:s28] =	ssyncadd.s32 $0xFFFFF800  }
0x2a0: {  	[tilespmem:s2], [sflag:$0x1] =	stream.indirect.gather [hbm4b:s9+s31], $0x10, s21, s31, $0xb8;
	[tilespmem:$0x1E960] =	vst v63  }
0x2a1: {  	_ =	swait.ge [sflag:s10], $0x800  }
0x2a2: {  	[sflag:s10] =	ssyncset.done $0x0  }
0x2a3: {  	[sflag:s10] =	ssyncadd.s32 $0xFFFFF800  }
0x2a4: {  	[spmem:s6] =	stream.indirect.scatter.add.f32 [tilespmem:s2], [sflag:$0x2], $0x10, s8, s31, $0xb8;
	[tilespmem:$0x1E960] =	vst v63  }
0x2a5: {  	_ =	swait.ge [sflag:s28], $0x800  }
0x2a6: {  	[sflag:s28] =	ssyncset.done $0x0  }
0x2a7: {  	[sflag:s28] =	ssyncadd.s32 $0xFFFFF800  }
0x2a8: {  	[tilespmem:s2], [sflag:$0x1] =	stream.indirect.gather [hbm4b:s9+s31], $0x10, s17, s31, $0xb8;
	[tilespmem:$0x1E960] =	vst v63  }
0x2a9: {  	_ =	swait.ge [sflag:s10], $0x800  }
0x2aa: {  	[sflag:s10] =	ssyncset.done $0x0  }
0x2ab: {  	[sflag:s10] =	ssyncadd.s32 $0xFFFFF800  }
0x2ac: {  	[spmem:s6] =	stream.indirect.scatter.add.f32 [tilespmem:s2], [sflag:$0x2], $0x10, s16, s31, $0xb8;
	[tilespmem:$0x1E960] =	vst v63  }
0x2ad: {  	_ =	swait.ge [sflag:s28], $0x800  }
0x2ae: {  	[sflag:s28] =	ssyncset.done $0x0  }
0x2af: {  	[sflag:s28] =	ssyncadd.s32 $0xFFFFF800  }
0x2b0: {  	[tilespmem:s2], [sflag:$0x1] =	stream.indirect.gather [hbm4b:s9+s31], $0x10, s19, s31, $0xb8;
	[tilespmem:$0x1E960] =	vst v63  }
0x2b1: {  	_ =	swait.ge [sflag:s10], $0x800  }
.Ltmp16:
0x2b2: {  	[sflag:s10] =	ssyncset.done $0x0;
	(pc) =	sbr.rel @p1 .LBB2_28-.Ltmp16, $4  }
0x2b3: {  	[sflag:s10] =	ssyncadd.s32 $0xFFFFF800  }
0x2b4: {  	[spmem:s6] =	stream.indirect.scatter.add.f32 [tilespmem:s2], [sflag:$0x2], $0x10, s14, s31, $0xb8;
	[tilespmem:$0x1E960] =	vst v63  }
0x2b5: {  	_ =	swait.ge [sflag:s28], $0x800  }
0x2b6: {  	[sflag:s28] =	ssyncset.done $0x0  }
.LBB2_29:
0x2b7: {  	[sflag:s28] =	ssyncadd.s32 $0xFFFFF800  }
0x2b8: {  	s12 =	simm.s32 $0x0;
	s20 =	simm.s32 $0x0;
	[bflag:$0x0] =	sbarrier.arrive $0xFFFF  }
.LBB2_30:
0x2b9: {  	s11 =	smul.u32 $0x70, s20  }
0x2ba: {  	s13 =	rddreg [dreg:$0xb]  }
0x2bb: {  	s11 =	sadd.s32 s13, s11  }
0x2bc: {  	s13 =	sshll.u32 s11, $0x4  }
0x2bd: {  	s18 =	simm.s32 $0x1CC80;
	s15 =	sadd.s32 s13, s6  }
0x2be: {  	[tilespmem:s18], [sflag:$0x2] =	stream.linear.gather [spmem:s15], $0x700, $0x38;
	[tilespmem:$0x1E960] =	vst v63  }
0x2bf: {  	_ =	swait.ge [sflag:s28], $0x700  }
0x2c0: {  	[sflag:s28] =	ssyncset.done $0x0  }
0x2c1: {  	s24 =	sadd.s32 s11, s4;
	[sflag:s28] =	ssyncadd.s32 $0xFFFFF900  }
0x2c2: {  	[tilespmem:s26], [sflag:$0x2] =	stream.linear.gather [spmem:s24], $0x70, $0x38;
	[tilespmem:$0x1E960] =	vst v63  }
0x2c3: {  	_ =	swait.ge [sflag:s28], $0x70  }
0x2c4: {  	[sflag:s28] =	ssyncset.done $0x0  }
0x2c5: {  	v2 =	vmov s12;
	s23 =	sadd.s32 s11, s5;
	[sflag:s28] =	ssyncadd.s32 $0xFFFFFF90  }
0x2c6: {  	[tilespmem:s22], [sflag:$0x2] =	stream.linear.gather [spmem:s23], $0x70, $0x38;
	[tilespmem:$0x1E960] =	vst v63  }
0x2c7: {  	_ =	swait.ge [sflag:s28], $0x70  }
0x2c8: {  	[sflag:s28] =	ssyncset.done $0x0  }
0x2c9: {  	[sflag:s28] =	ssyncadd.s32 $0xFFFFFF90  }
0x2ca: {  	v3 =	vld.idx.msk [tilespmem:v2+s26+$0x0], $0xffff  }
0x2cb: {  	v4 =	vld [tilespmem:s18+$0x0];
	_ =	sdelay $0x1  }
0x2cc: {  	v2 =	vld.idx.msk [tilespmem:v2+s22+$0x0], $0xffff;
	_ =	sdelay $0x1  }
0x2cd: {  	s24 =	simm.s32 $0x1  }
0x2ce: {  	v5 =	vmov s24;
	v3 =	vmul.f32 v4, v3;
	_ =	sdelay $0x1  }
0x2cf: {  	v2 =	vmul.f32 v3, v2  }
0x2d0: {  	s15 =	simm.s32 $0x1D380;
	[tilespmem:s18+$0x0] =	vst v3  }
0x2d1: {  	[tilespmem:s15+$0x0] =	vst v2  }
0x2d2: {  	s18 =	simm.s32 $0x1CC90;
	v4 =	vld.idx.msk [tilespmem:v5+s26+$0x0], $0xffff  }
0x2d3: {  	v6 =	vld [tilespmem:s18+$0x0];
	_ =	sdelay $0x1  }
0x2d4: {  	v3 =	vld.idx.msk [tilespmem:v5+s22+$0x0], $0xffff;
	_ =	sdelay $0x1  }
0x2d5: {  	s23 =	simm.s32 $0x2  }
0x2d6: {  	v2 =	vmov s23;
	s23 =	simm.s32 $0x3;
	v4 =	vmul.f32 v6, v4  }
.LBB2_31:
0x2d7: {  	p1 =	sne.s32 s23, $0x6F  }
0x2d8: {  	v3 =	vmul.f32 v4, v3  }
0x2d9: {  	s15 =	sadd.s32 $0x10, s15;
	[tilespmem:s18+$0x0] =	vst v4  }
0x2da: {  	[tilespmem:s15+$0x0] =	vst v3  }
0x2db: {  	s18 =	sadd.s32 $0x10, s18;
	v4 =	vld.idx.msk [tilespmem:v2+s26+$0x0], $0xffff  }
0x2dc: {  	v5 =	vld [tilespmem:s18+$0x0]  }
.Ltmp17:
0x2dd: {  	v3 =	vld.idx.msk [tilespmem:v2+s22+$0x0], $0xffff;
	(pc) =	sbr.rel @p1 .LBB2_31-.Ltmp17, $2  }
0x2de: {  	_ =	sdelay $0x2  }
0x2df: {  	v2 =	vmov s23;
	s23 =	sadd.s32 $0x1, s23;
	v4 =	vmul.f32 v5, v4  }
0x2e0: {  	_ = 	snop  }
0x2e1: {  	v3 =	vmul.f32 v4, v3  }
0x2e2: {  	s15 =	sadd.s32 $0x10, s15;
	[tilespmem:s18+$0x0] =	vst v4  }
0x2e3: {  	[tilespmem:s15+$0x0] =	vst v3  }
0x2e4: {  	s24 =	sadd.s32 $0x10, s18;
	v3 =	vld.idx.msk [tilespmem:v2+s26+$0x0], $0xffff  }
0x2e5: {  	v4 =	vld [tilespmem:s24+$0x0];
	_ =	sdelay $0x1  }
0x2e6: {  	v2 =	vld.idx.msk [tilespmem:v2+s22+$0x0], $0xffff;
	_ =	sdelay $0x2  }
0x2e7: {  	v3 =	vmul.f32 v4, v3  }
0x2e8: {  	s23 =	rddreg [dreg:$0xd]  }
0x2e9: {  	s13 =	sadd.s32 s23, s13;
	v2 =	vmul.f32 v3, v2  }
0x2ea: {  	s18 =	rddreg [dreg:$0xc];
	s13 =	sshrl.u32 s13, $0x3;
	s15 =	sadd.s32 $0x10, s15;
	[tilespmem:s24+$0x0] =	vst v3  }
0x2eb: {  	s13 =	sadd.s32 s18, s13;
	[tilespmem:s15+$0x0] =	vst v2  }
0x2ec: {  	[hbm4b:s13+s7] =	stream.linear.scatter [tilespmem:s0], [sflag:$0x2], $0x700, $0x38;
	[tilespmem:$0x1E960] =	vst v63  }
0x2ed: {  	_ =	swait.ge [sflag:s28], $0x700  }
0x2ee: {  	s20 =	sadd.s32 $0x1, s20;
	s23 =	rddreg [dreg:$0x14]  }
0x2ef: {  	p1 =	sne.s32 s20, $0x38;
	s11 =	sadd.s32 s23, s11  }
0x2f0: {  	s24 =	simm.s32 $0x1D380;
	[sflag:s28] =	ssyncset.done $0x0;
	s11 =	sshll.u32 s11, $0x1  }
.Ltmp18:
0x2f1: {  	[sflag:s28] =	ssyncadd.s32 $0xFFFFF900;
	s11 =	sadd.s32 s3, s11;
	(pc) =	sbr.rel @p1 .LBB2_30-.Ltmp18, $4  }
0x2f2: {  	[hbm4b:s11+s7] =	stream.linear.scatter [tilespmem:s24], [sflag:$0x2], $0x700, $0x38;
	[tilespmem:$0x1E960] =	vst v63  }
0x2f3: {  	_ =	swait.ge [sflag:s28], $0x700  }
0x2f4: {  	[sflag:s28] =	ssyncset.done $0x0  }
0x2f5: {  	[sflag:s28] =	ssyncadd.s32 $0xFFFFF900  }
0x2f6: {  	[bflag:$0x0] =	sbarrier.arrive $0xFFFF;
	s11 =	simm.s32 $0x40;
	s12 =	simm.s32 $0x0  }
.LBB2_34:
0x2f7: {  	p1 =	sne.s32 s11, $0x1BC0;
	[tilespmem:s12+$0x1CC80] =	vst v1;
	s12 =	smov.u32 s11;
	s11 =	sadd.s32 $0x40, s11  }
.Ltmp19:
0x2f8: {  	(pc) =	sbr.rel @p1 .LBB2_34-.Ltmp19, $2  }
0x2f9: {  	_ =	sdelay $0x2  }
0x2fa: {  	s12 =	sshra.s32 s12, $0x2  }
0x2fb: {  	[tilespmem:s12+$0x1CC80] =	vst v1;
	s11 =	sadd.s32 $0x0, s25  }
0x2fc: {  	[spmem:s11] =	stream.linear.scatter [tilespmem:s0], [sflag:$0x2], $0x700, $0x38;
	[tilespmem:$0x1E960] =	vst v63  }
0x2fd: {  	s11 =	simm.s32 $0x1C00;
	_ =	swait.ge [sflag:s28], $0x700  }
.LBB2_36:
0x2fe: {  	s12 =	sshra.s32 s11, $0x2;
	[sflag:s28] =	ssyncset.done $0x0;
	p1 =	sne.s32 s11, $0x60400  }
.Ltmp20:
0x2ff: {  	s12 =	sadd.s32 s12, s25;
	[sflag:s28] =	ssyncadd.s32 $0xFFFFF900;
	(pc) =	sbr.rel @p1 .LBB2_36-.Ltmp20, $3  }
0x300: {  	[spmem:s12] =	stream.linear.scatter [tilespmem:s0], [sflag:$0x2], $0x700, $0x38;
	[tilespmem:$0x1E960] =	vst v63  }
0x301: {  	s11 =	sadd.s32 $0x1C00, s11;
	_ =	sdelay $0x1  }
0x302: {  	_ =	swait.ge [sflag:s28], $0x700  }
0x303: {  	[sflag:s28] =	ssyncset.done $0x0  }
0x304: {  	[sflag:s28] =	ssyncadd.s32 $0xFFFFF900  }
0x305: {  	[bflag:$0x0] =	sbarrier.arrive $0xFFFF  }
0x306: {  	s13 =	rddreg [dreg:$0x16]  }
0x307: {  	[tilespmem:s29], [sflag:$0x2] =	stream.linear.gather [hbm4b:s13+s7], $0x200, $0x38;
	[tilespmem:$0x1E960] =	vst v63  }
0x308: {  	_ =	swait.ge [sflag:s28], $0x200  }
0x309: {  	[sflag:s28] =	ssyncset.done $0x0  }
0x30a: {  	s20 =	rddreg [dreg:$0x13];
	[sflag:s28] =	ssyncadd.s32 $0xFFFFFE00  }
0x30b: {  	[tilespmem:s30], [sflag:$0x2] =	stream.linear.gather [hbm4b:s20+s7], $0x200, $0x38;
	[tilespmem:$0x1E960] =	vst v63  }
0x30c: {  	_ =	swait.ge [sflag:s28], $0x200  }
0x30d: {  	[sflag:s28] =	ssyncset.done $0x0  }
0x30e: {  	[sflag:s28] =	ssyncadd.s32 $0xFFFFFE00  }
0x30f: {  	[tilespmem:s2], [sflag:$0x1] =	stream.indirect.gather [hbm4b:s3+s31], $0x10, s30, s31, $0xb8;
	[tilespmem:$0x1E960] =	vst v63  }
0x310: {  	_ =	swait.ge [sflag:s10], $0x800  }
0x311: {  	[sflag:s10] =	ssyncset.done $0x0  }
0x312: {  	[sflag:s10] =	ssyncadd.s32 $0xFFFFF800  }
0x313: {  	[spmem:s6] =	stream.indirect.scatter.add.f32 [tilespmem:s2], [sflag:$0x2], $0x10, s29, s31, $0xb8;
	[tilespmem:$0x1E960] =	vst v63  }
0x314: {  	_ =	swait.ge [sflag:s28], $0x800  }
0x315: {  	[sflag:s28] =	ssyncset.done $0x0  }
0x316: {  	[sflag:s28] =	ssyncadd.s32 $0xFFFFF800  }
0x317: {  	[tilespmem:s2], [sflag:$0x1] =	stream.indirect.gather [hbm4b:s3+s31], $0x10, s21, s31, $0xb8;
	[tilespmem:$0x1E960] =	vst v63  }
0x318: {  	_ =	swait.ge [sflag:s10], $0x800  }
0x319: {  	[sflag:s10] =	ssyncset.done $0x0  }
0x31a: {  	[sflag:s10] =	ssyncadd.s32 $0xFFFFF800  }
0x31b: {  	[spmem:s6] =	stream.indirect.scatter.add.f32 [tilespmem:s2], [sflag:$0x2], $0x10, s8, s31, $0xb8;
	[tilespmem:$0x1E960] =	vst v63  }
0x31c: {  	_ =	swait.ge [sflag:s28], $0x800  }
0x31d: {  	[sflag:s28] =	ssyncset.done $0x0  }
0x31e: {  	[sflag:s28] =	ssyncadd.s32 $0xFFFFF800  }
0x31f: {  	[tilespmem:s2], [sflag:$0x1] =	stream.indirect.gather [hbm4b:s3+s31], $0x10, s17, s31, $0xb8;
	[tilespmem:$0x1E960] =	vst v63  }
0x320: {  	_ =	swait.ge [sflag:s10], $0x800  }
0x321: {  	[sflag:s10] =	ssyncset.done $0x0  }
0x322: {  	[sflag:s10] =	ssyncadd.s32 $0xFFFFF800  }
0x323: {  	[spmem:s6] =	stream.indirect.scatter.add.f32 [tilespmem:s2], [sflag:$0x2], $0x10, s16, s31, $0xb8;
	[tilespmem:$0x1E960] =	vst v63  }
0x324: {  	_ =	swait.ge [sflag:s28], $0x800  }
0x325: {  	[sflag:s28] =	ssyncset.done $0x0  }
0x326: {  	[sflag:s28] =	ssyncadd.s32 $0xFFFFF800  }
0x327: {  	[tilespmem:s2], [sflag:$0x1] =	stream.indirect.gather [hbm4b:s3+s31], $0x10, s19, s31, $0xb8;
	[tilespmem:$0x1E960] =	vst v63  }
0x328: {  	_ =	swait.ge [sflag:s10], $0x800  }
0x329: {  	[sflag:s10] =	ssyncset.done $0x0  }
.Ltmp21:
0x32a: {  	[sflag:s10] =	ssyncadd.s32 $0xFFFFF800;
	(pc) =	sbr.rel @!p0 .LBB2_39-.Ltmp21, $4  }
0x32b: {  	[spmem:s6] =	stream.indirect.scatter.add.f32 [tilespmem:s2], [sflag:$0x2], $0x10, s14, s31, $0xb8;
	[tilespmem:$0x1E960] =	vst v63  }
0x32c: {  	_ =	swait.ge [sflag:s28], $0x800  }
0x32d: {  	s11 =	rddreg [dreg:$0xe]  }
0x32e: {  	[sflag:s28] =	ssyncset.done $0x0;
	s12 =	sadd.s32 $0xFFFFFFFF, s11;
	s11 =	smov.u32 s13  }
.LBB2_38:
0x32f: {  	[sflag:s28] =	ssyncadd.s32 $0xFFFFF800;
	s20 =	sadd.s32 $0x40, s20;
	s11 =	sadd.s32 $0x40, s11  }
0x330: {  	[tilespmem:s29], [sflag:$0x2] =	stream.linear.gather [hbm4b:s11+s7], $0x200, $0x38;
	[tilespmem:$0x1E960] =	vst v63  }
0x331: {  	p0 =	sne.s32 s12, $0x1;
	s12 =	sadd.s32 $0xFFFFFFFF, s12;
	_ =	swait.ge [sflag:s28], $0x200  }
0x332: {  	[sflag:s28] =	ssyncset.done $0x0  }
0x333: {  	[sflag:s28] =	ssyncadd.s32 $0xFFFFFE00  }
0x334: {  	[tilespmem:s30], [sflag:$0x2] =	stream.linear.gather [hbm4b:s20+s7], $0x200, $0x38;
	[tilespmem:$0x1E960] =	vst v63  }
0x335: {  	_ =	swait.ge [sflag:s28], $0x200  }
0x336: {  	[sflag:s28] =	ssyncset.done $0x0  }
0x337: {  	[sflag:s28] =	ssyncadd.s32 $0xFFFFFE00  }
0x338: {  	[tilespmem:s2], [sflag:$0x1] =	stream.indirect.gather [hbm4b:s3+s31], $0x10, s30, s31, $0xb8;
	[tilespmem:$0x1E960] =	vst v63  }
0x339: {  	_ =	swait.ge [sflag:s10], $0x800  }
0x33a: {  	[sflag:s10] =	ssyncset.done $0x0  }
0x33b: {  	[sflag:s10] =	ssyncadd.s32 $0xFFFFF800  }
0x33c: {  	[spmem:s6] =	stream.indirect.scatter.add.f32 [tilespmem:s2], [sflag:$0x2], $0x10, s29, s31, $0xb8;
	[tilespmem:$0x1E960] =	vst v63  }
0x33d: {  	_ =	swait.ge [sflag:s28], $0x800  }
0x33e: {  	[sflag:s28] =	ssyncset.done $0x0  }
0x33f: {  	[sflag:s28] =	ssyncadd.s32 $0xFFFFF800  }
0x340: {  	[tilespmem:s2], [sflag:$0x1] =	stream.indirect.gather [hbm4b:s3+s31], $0x10, s21, s31, $0xb8;
	[tilespmem:$0x1E960] =	vst v63  }
0x341: {  	_ =	swait.ge [sflag:s10], $0x800  }
0x342: {  	[sflag:s10] =	ssyncset.done $0x0  }
0x343: {  	[sflag:s10] =	ssyncadd.s32 $0xFFFFF800  }
0x344: {  	[spmem:s6] =	stream.indirect.scatter.add.f32 [tilespmem:s2], [sflag:$0x2], $0x10, s8, s31, $0xb8;
	[tilespmem:$0x1E960] =	vst v63  }
0x345: {  	_ =	swait.ge [sflag:s28], $0x800  }
0x346: {  	[sflag:s28] =	ssyncset.done $0x0  }
0x347: {  	[sflag:s28] =	ssyncadd.s32 $0xFFFFF800  }
0x348: {  	[tilespmem:s2], [sflag:$0x1] =	stream.indirect.gather [hbm4b:s3+s31], $0x10, s17, s31, $0xb8;
	[tilespmem:$0x1E960] =	vst v63  }
0x349: {  	_ =	swait.ge [sflag:s10], $0x800  }
0x34a: {  	[sflag:s10] =	ssyncset.done $0x0  }
0x34b: {  	[sflag:s10] =	ssyncadd.s32 $0xFFFFF800  }
0x34c: {  	[spmem:s6] =	stream.indirect.scatter.add.f32 [tilespmem:s2], [sflag:$0x2], $0x10, s16, s31, $0xb8;
	[tilespmem:$0x1E960] =	vst v63  }
0x34d: {  	_ =	swait.ge [sflag:s28], $0x800  }
0x34e: {  	[sflag:s28] =	ssyncset.done $0x0  }
0x34f: {  	[sflag:s28] =	ssyncadd.s32 $0xFFFFF800  }
0x350: {  	[tilespmem:s2], [sflag:$0x1] =	stream.indirect.gather [hbm4b:s3+s31], $0x10, s19, s31, $0xb8;
	[tilespmem:$0x1E960] =	vst v63  }
0x351: {  	_ =	swait.ge [sflag:s10], $0x800  }
.Ltmp22:
0x352: {  	[sflag:s10] =	ssyncset.done $0x0;
	(pc) =	sbr.rel @p0 .LBB2_38-.Ltmp22, $4  }
0x353: {  	[sflag:s10] =	ssyncadd.s32 $0xFFFFF800  }
0x354: {  	[spmem:s6] =	stream.indirect.scatter.add.f32 [tilespmem:s2], [sflag:$0x2], $0x10, s14, s31, $0xb8;
	[tilespmem:$0x1E960] =	vst v63  }
0x355: {  	_ =	swait.ge [sflag:s28], $0x800  }
0x356: {  	[sflag:s28] =	ssyncset.done $0x0  }
.LBB2_39:
0x357: {  	[sflag:s28] =	ssyncadd.s32 $0xFFFFF800  }
0x358: {  	s20 =	simm.s32 $0x0;
	[bflag:$0x0] =	sbarrier.arrive $0xFFFF  }
.LBB2_40:
0x359: {  	s11 =	smul.u32 $0x70, s20  }
0x35a: {  	s12 =	rddreg [dreg:$0xb]  }
0x35b: {  	s11 =	sadd.s32 s12, s11  }
0x35c: {  	s12 =	sshll.u32 s11, $0x4  }
0x35d: {  	s13 =	simm.s32 $0x1CC80;
	s15 =	sadd.s32 s12, s6  }
0x35e: {  	[tilespmem:s13], [sflag:$0x2] =	stream.linear.gather [spmem:s15], $0x700, $0x38;
	[tilespmem:$0x1E960] =	vst v63  }
0x35f: {  	_ =	swait.ge [sflag:s28], $0x700  }
0x360: {  	[sflag:s28] =	ssyncset.done $0x0  }
0x361: {  	s11 =	sadd.s32 s11, s4;
	[sflag:s28] =	ssyncadd.s32 $0xFFFFF900  }
0x362: {  	[tilespmem:s26], [sflag:$0x2] =	stream.linear.gather [spmem:s11], $0x70, $0x38;
	[tilespmem:$0x1E960] =	vst v63  }
0x363: {  	_ =	swait.ge [sflag:s28], $0x70  }
0x364: {  	s15 =	rddreg [dreg:$0xd];
	[sflag:s28] =	ssyncset.done $0x0  }
0x365: {  	s11 =	sadd.s32 s15, s12;
	[sflag:s28] =	ssyncadd.s32 $0xFFFFFF90  }
0x366: {  	s11 =	sshrl.u32 s11, $0x3;
	s18 =	rddreg [dreg:$0x2]  }
0x367: {  	s24 =	simm.s32 $0x0;
	s12 =	simm.s32 $0x1C580;
	s23 =	sadd.s32 s18, s11  }
0x368: {  	[tilespmem:s12], [sflag:$0x2] =	stream.linear.gather [hbm4b:s23+s24], $0x700, $0x38;
	[tilespmem:$0x1E960] =	vst v63  }
0x369: {  	_ =	swait.ge [sflag:s28], $0x700  }
0x36a: {  	[sflag:s28] =	ssyncset.done $0x0;
	s18 =	rddreg [dreg:$0xa]  }
0x36b: {  	s15 =	simm.s32 $0x1DA80;
	[sflag:s28] =	ssyncadd.s32 $0xFFFFF900;
	s18 =	sadd.s32 s18, s11  }
0x36c: {  	[tilespmem:s15], [sflag:$0x2] =	stream.linear.gather [hbm4b:s18+s24], $0x700, $0x38;
	[tilespmem:$0x1E960] =	vst v63  }
0x36d: {  	_ =	swait.ge [sflag:s28], $0x700  }
0x36e: {  	[sflag:s28] =	ssyncset.done $0x0;
	s23 =	rddreg [dreg:$0xc]  }
0x36f: {  	s18 =	simm.s32 $0x1E180;
	[sflag:s28] =	ssyncadd.s32 $0xFFFFF900;
	s23 =	sadd.s32 s23, s11  }
0x370: {  	[tilespmem:s18], [sflag:$0x2] =	stream.linear.gather [hbm4b:s23+s24], $0x700, $0x38;
	[tilespmem:$0x1E960] =	vst v63  }
0x371: {  	_ =	swait.ge [sflag:s28], $0x700  }
0x372: {  	v2 =	vmov s24;
	[sflag:s28] =	ssyncset.done $0x0  }
0x373: {  	[sflag:s28] =	ssyncadd.s32 $0xFFFFF900  }
0x374: {  	v3 =	vld [tilespmem:s13+$0x0]  }
0x375: {  	v4 =	vld [tilespmem:s12+$0x0]  }
0x376: {  	v5 =	vld [tilespmem:s15+$0x0]  }
0x377: {  	v2 =	vld.idx.msk [tilespmem:v2+s26+$0x0], $0xffff  }
0x378: {  	v6 =	vld [tilespmem:s18+$0x0];
	_ =	sdelay $0x2  }
0x379: {  	v4 =	vadd.f32 v5, v4;
	_ =	sdelay $0x1  }
0x37a: {  	v2 =	vmul.f32 v3, v2;
	v3 =	vadd.f32 v6, v4;
	_ =	sdelay $0x1  }
0x37b: {  	v2 =	vadd.f32 v3, v2;
	_ =	sdelay $0x1  }
0x37c: {  	s24 =	simm.s32 $0x1;
	v3 =	vmul.f32 $2.500000000e-01, v2  }
0x37d: {  	s23 =	simm.s32 $0x2;
	v2 =	vmov s24  }
.LBB2_41:
0x37e: {  	p0 =	sne.s32 s23, $0x6F;
	[tilespmem:s13+$0x0] =	vst v3;
	s13 =	sadd.s32 $0x10, s13  }
0x37f: {  	s12 =	sadd.s32 $0x10, s12;
	v3 =	vld [tilespmem:s13+$0x0]  }
0x380: {  	s15 =	sadd.s32 $0x10, s15;
	v4 =	vld [tilespmem:s12+$0x0]  }
0x381: {  	v5 =	vld [tilespmem:s15+$0x0]  }
0x382: {  	s18 =	sadd.s32 $0x10, s18;
	v2 =	vld.idx.msk [tilespmem:v2+s26+$0x0], $0xffff  }
0x383: {  	v6 =	vld [tilespmem:s18+$0x0];
	_ =	sdelay $0x2  }
0x384: {  	v4 =	vadd.f32 v5, v4;
	_ =	sdelay $0x1  }
0x385: {  	v2 =	vmul.f32 v3, v2;
	v3 =	vadd.f32 v6, v4  }
.Ltmp23:
0x386: {  	(pc) =	sbr.rel @p0 .LBB2_41-.Ltmp23, $3  }
0x387: {  	v2 =	vadd.f32 v3, v2;
	_ =	sdelay $0x1  }
0x388: {  	v3 =	vmul.f32 $2.500000000e-01, v2  }
0x389: {  	v2 =	vmov s23;
	s23 =	sadd.s32 $0x1, s23  }
0x38a: {  	[tilespmem:s13+$0x0] =	vst v3;
	s24 =	sadd.s32 $0x10, s13  }
0x38b: {  	s12 =	sadd.s32 $0x10, s12;
	v3 =	vld [tilespmem:s24+$0x0]  }
0x38c: {  	s15 =	sadd.s32 $0x10, s15;
	v4 =	vld [tilespmem:s12+$0x0]  }
0x38d: {  	v5 =	vld [tilespmem:s15+$0x0]  }
0x38e: {  	s23 =	sadd.s32 $0x10, s18;
	v2 =	vld.idx.msk [tilespmem:v2+s26+$0x0], $0xffff  }
0x38f: {  	v6 =	vld [tilespmem:s23+$0x0];
	_ =	sdelay $0x2  }
0x390: {  	v4 =	vadd.f32 v5, v4;
	_ =	sdelay $0x1  }
0x391: {  	v2 =	vmul.f32 v3, v2;
	v3 =	vadd.f32 v6, v4;
	_ =	sdelay $0x1  }
0x392: {  	v2 =	vadd.f32 v3, v2;
	_ =	sdelay $0x1  }
0x393: {  	v2 =	vmul.f32 $2.500000000e-01, v2  }
0x394: {  	s20 =	sadd.s32 $0x1, s20  }
0x395: {  	p0 =	sne.s32 s20, $0x38;
	[tilespmem:s24+$0x0] =	vst v2;
	s24 =	rddreg [dreg:$0x3]  }
.Ltmp24:
0x396: {  	s11 =	sadd.s32 s24, s11;
	(pc) =	sbr.rel @p0 .LBB2_40-.Ltmp24, $4  }
0x397: {  	[hbm4b:s11+s7] =	stream.linear.scatter [tilespmem:s0], [sflag:$0x2], $0x700, $0x38;
	[tilespmem:$0x1E960] =	vst v63  }
0x398: {  	_ =	swait.ge [sflag:s28], $0x700  }
0x399: {  	[sflag:s28] =	ssyncset.done $0x0  }
0x39a: {  	[sflag:s28] =	ssyncadd.s32 $0xFFFFF900  }
0x39b: {  	s12 =	rddreg [dreg:$0x18]  }
0x39c: {  	s11 =	rddreg [dreg:$0x15];
	s12 =	sadd.s32 $0x1, s12  }
0x39d: {  	p0 =	sne.s32 s12, s11  }
.Ltmp25:
0x39e: {  	_ = 	snop;
	(pc) =	sbr.rel @p0 .LBB2_1-.Ltmp25, $4  }
0x39f: {  	[bflag:$0x0] =	sbarrier.arrive $0xFFFF  }
0x3a0: {  	s23 =	rddreg [dreg:$0xf]  }
0x3a1: {  	s20 =	rddreg [dreg:$0x17]  }
0x3a2: {  	s24 =	rddreg [dreg:$0x19]  }
0x3a3: {  	_ =	sfence.sel $0x180000  }
0x3a4: {  	[bflag:$0x0] =	sbarrier.arrive $0xFFFF  }
0x3a5: {  	_ =	strace $0x90000047  }
0x3a6: {  	s0 =	stileid.u32;
	[bflag:$0x2] =	sbarrier.arrive $0xFFFF  }
0x3a7: {  	p0 =	sne.s32 s0, $0x0;
	s0 =	rddreg [dreg:$0x9]  }
0x3a8: {  	s0 =	sadd.s32 @!p0 $0x100000, s0  }
0x3a9: {  	[sflag:s0] =	ssyncadd.tile.s32 @!p0 $0x1;
	_ =	shalt  }
.Lfunc_end2:
_tile_overlayer_lowered:
.L_overlay_start_2:
0x3aa: {  	(tag) =	ssettag $0x2  }
0x3ab: {  	s0 =	rddreg [dreg:$0x0];
	s2 =	stileid.u32  }
0x3ac: {  	s1 =	rddreg [dreg:$0x1];
	p0 =	sne.s32 s2, $0x0  }
0x3ad: {  	s3 =	rddreg [dreg:$0x2];
	[bflag:$0x3] =	sbarrier.arrive $0xFFFF;
	s2 =	simm.s32 @!p0 $0x1C02  }
0x3ae: {  	[timem:s3], [sflag:s2] =	dma.local @!p0 [hbm:s0], s1  }
0x3af: {  	s0 =	simm.s32 @!p0 $0x2  }
0x3b0: {  	_ =	swait.ge @!p0 [sflag:s0], s1  }
0x3b1: {  	s1 =	ssub.s32 @!p0 $0x0, s1;
	[sflag:s0] =	ssyncset.done @!p0 $0x0  }
0x3b2: {  	[sflag:s0] =	ssyncadd.s32 @!p0 s1  }
0x3b3: {  	[bflag:$0x3] =	sbarrier.arrive $0xFFFF  }
0x3b4: {  	_ =	shalt  }

</sc_bundles>
